<compile_context>
chip_gen: v7x
topology: tpu7x:2x2x1
jax: 0.10.2.dev20260603
libtpu: 0.0.44.dev20260713+nightly
codegen_flags: <defaults>
</compile_context>

<pallas_src>
import jax
import jax.numpy as jnp
from jax import lax
from jax.experimental import pallas as pl
from jax.experimental.pallas import tpu as pltpu
from jax.experimental.pallas import tpu_sc as plsc

NSEG = 10000
NROW = 160000
D = 256
DH = D // 2
NTEC = 16
CHUNK = 80
ROWS_PER_TEC = NROW // NTEC
NCHUNK = ROWS_PER_TEC // CHUNK
NCHUNK_PAD = 128
QBOUNDS = (0, 2504, 5008, 7512, 10000)
QSEG_PAD = 2560
TRASH = QSEG_PAD
ACC_ROWS = QSEG_PAD + 8
SEG_PER_TEC = QSEG_PAD // NTEC
LANE = 16
BIG = 1 << 30


def _seg_mean_body(feats, batch3d, jb_h, z_h, ones_h, out,
                   idx_v, idxw_v, buf, ones_v, jb_v,
                   sem_g, sem_a, sem_c, acc, cnt):
    c = lax.axis_index("c")
    s = lax.axis_index("s")
    row0 = s * ROWS_PER_TEC

    pltpu.sync_copy(batch3d.at[s], idx_v)
    pltpu.sync_copy(jb_h.at[s], jb_v)
    pltpu.sync_copy(ones_h, ones_v)
    jb = jb_v[pl.ds(0, LANE)]

    for p in range(4):
        lo, hi = QBOUNDS[p], QBOUNDS[p + 1]
        qseg = hi - lo

        pltpu.sync_copy(z_h.at[pl.ds(0, SEG_PER_TEC)],
                        acc.at[pl.ds(s * SEG_PER_TEC, SEG_PER_TEC)])
        pltpu.sync_copy(z_h.at[pl.ds(0, SEG_PER_TEC)],
                        cnt.at[pl.ds(s * SEG_PER_TEC, SEG_PER_TEC)])

        @pl.when(s == 0)
        def _trash():
            pltpu.sync_copy(z_h.at[pl.ds(0, 8)], acc.at[pl.ds(TRASH, 8)])
            pltpu.sync_copy(z_h.at[pl.ds(0, 8)], cnt.at[pl.ds(TRASH, 8)])

        plsc.subcore_barrier()

        jlo = jb[2 * p]
        jhi = jb[2 * p + 1]

        def gather(j, par):
            pltpu.async_copy(
                feats.at[pl.ds(row0 + j * CHUNK, CHUNK), pl.ds(c * DH, DH)],
                buf.at[par], sem_g.at[par])

        def chunk_body(j, carry):
            par = lax.rem(j - jlo, 2)
            oth = 1 - par
            for k in range(CHUNK // LANE):
                iv = idx_v[j, pl.ds(k * LANE, LANE)]
                in_range = jnp.logical_and(iv >= lo, iv < hi)
                idxw_v[par, pl.ds(k * LANE, LANE)] = jnp.where(
                    in_range, iv - lo, TRASH)

            @pl.when(j > jlo)
            def _drain_prev():
                pltpu.make_async_copy(
                    buf.at[oth], acc.at[idxw_v.at[oth]], sem_a.at[oth]).wait()
                pltpu.make_async_copy(
                    ones_v, cnt.at[idxw_v.at[oth]], sem_c.at[oth]).wait()

            @pl.when(j + 1 < jhi)
            def _next_gather():
                gather(j + 1, oth)

            pltpu.make_async_copy(
                feats.at[pl.ds(row0 + j * CHUNK, CHUNK), pl.ds(c * DH, DH)],
                buf.at[par], sem_g.at[par]).wait()
            pltpu.async_copy(buf.at[par], acc.at[idxw_v.at[par]],
                             sem_a.at[par], add=True)
            pltpu.async_copy(ones_v, cnt.at[idxw_v.at[par]],
                             sem_c.at[par], add=True)
            return carry

        @pl.when(jhi > jlo)
        def _prologue():
            gather(jlo, 0)

        lax.fori_loop(jlo, jhi, chunk_body, 0)

        @pl.when(jhi > jlo)
        def _epilogue():
            parl = lax.rem(jhi - 1 - jlo, 2)
            pltpu.make_async_copy(
                buf.at[parl], acc.at[idxw_v.at[parl]], sem_a.at[parl]).wait()
            pltpu.make_async_copy(
                ones_v, cnt.at[idxw_v.at[parl]], sem_c.at[parl]).wait()

        plsc.subcore_barrier()

        base = s * SEG_PER_TEC
        for q in range(SEG_PER_TEC // CHUNK):
            sub = base + q * CHUNK
            pltpu.sync_copy(acc.at[pl.ds(sub, CHUNK)], buf.at[0])
            pltpu.sync_copy(cnt.at[pl.ds(sub, CHUNK)], buf.at[1])

            def row_body(i, inner):
                scale = 1.0 / jnp.maximum(buf[1, i, pl.ds(0, LANE)], 1.0)
                for k in range(DH // LANE):
                    buf[0, i, pl.ds(k * LANE, LANE)] = (
                        buf[0, i, pl.ds(k * LANE, LANE)] * scale)
                return inner

            lax.fori_loop(0, CHUNK, row_body, 0)
            out_base = lo + sub
            tail_valid = qseg - (QSEG_PAD - CHUNK)
            if q == 0:
                pltpu.sync_copy(
                    buf.at[0],
                    out.at[pl.ds(out_base, CHUNK), pl.ds(c * DH, DH)])
            else:
                @pl.when(s < NTEC - 1)
                def _full():
                    pltpu.sync_copy(
                        buf.at[0],
                        out.at[pl.ds(out_base, CHUNK), pl.ds(c * DH, DH)])

                @pl.when(s == NTEC - 1)
                def _tail():
                    pltpu.sync_copy(
                        buf.at[0, pl.ds(0, tail_valid)],
                        out.at[pl.ds(out_base, tail_valid),
                               pl.ds(c * DH, DH)])

        plsc.subcore_barrier()


def kernel(feats, batch):
    batch32 = batch.astype(jnp.int32)
    batch3d = batch32.reshape(NTEC, NCHUNK, CHUNK)
    firsts = batch3d[:, :, 0]
    lasts = batch3d[:, :, CHUNK - 1]
    cols = []
    for p in range(4):
        lo, hi = QBOUNDS[p], QBOUNDS[p + 1]
        cols.append(jnp.sum((lasts < lo).astype(jnp.int32), axis=1))
        cols.append(jnp.sum((firsts < hi).astype(jnp.int32), axis=1))
    jb_h = jnp.stack(
        cols + [jnp.zeros((NTEC,), jnp.int32)] * (LANE - len(cols)),
        axis=1)
    z_h = jnp.zeros((SEG_PER_TEC, DH), jnp.float32)
    ones_h = jnp.ones((CHUNK, DH), jnp.float32)
    f = pl.kernel(
        _seg_mean_body,
        out_type=jax.ShapeDtypeStruct((NSEG, D), jnp.float32),
        mesh=plsc.VectorSubcoreMesh(core_axis_name="c", subcore_axis_name="s"),
        scratch_types=[
            pltpu.VMEM((NCHUNK, CHUNK), jnp.int32),
            pltpu.VMEM((2, CHUNK), jnp.int32),
            pltpu.VMEM((2, CHUNK, DH), jnp.float32),
            pltpu.VMEM((CHUNK, DH), jnp.float32),
            pltpu.VMEM((LANE,), jnp.int32),
            pltpu.SemaphoreType.DMA((2,)),
            pltpu.SemaphoreType.DMA((2,)),
            pltpu.SemaphoreType.DMA((2,)),
            pltpu.VMEM_SHARED((ACC_ROWS, DH), jnp.float32),
            pltpu.VMEM_SHARED((ACC_ROWS, DH), jnp.float32),
        ],
    )
    return f(feats, batch3d, jb_h, z_h, ones_h)

# --- scband reference (transcript-rebuilt; emitter-appended) ---
"""Pipeline reference for scband-pool-mean-6871947674132 (READ-ONLY COPY).

The authoritative reference and input builder live on the scoring server;
editing this copy changes nothing except your own understanding.
"""

import jax, jax.numpy as jnp
import numpy as np

NUM_SEGMENTS = 10000

def setup_inputs(seed: int = 0) -> dict:
    key = jax.random.key(seed)
    k1, k2 = jax.random.split(key)
    feats = jax.random.normal(k1, (160000, 256), dtype=jnp.float32)
    batch = jnp.sort(jax.random.randint(k2, (160000,), 0, NUM_SEGMENTS, dtype=jnp.int64))
    return {"feats": feats, "batch": batch}

def reference(feats, batch):
    # scatter_mean(feats, batch, dim=0): segment-wise mean over dim 0
    sums = jax.ops.segment_sum(feats, batch, num_segments=NUM_SEGMENTS)
    counts = jax.ops.segment_sum(jnp.ones((feats.shape[0],), dtype=feats.dtype), batch, num_segments=NUM_SEGMENTS)
    counts = jnp.clip(counts, 1.0, None)
    mean = sums / counts[:, None]
    return mean

if __name__ == "__main__":
    import jax
    _d = setup_inputs()
    print(jax.jit(kernel)(*tuple(_d.values())))

</pallas_src>

<mosaic_0001>
#map = affine_map<(d0, d1) -> (0, 0)>
#map1 = affine_map<(d0, d1) -> (0, 0, 0)>
module attributes {stable_mosaic.version = 14 : i64} {
  func.func @_seg_mean_body(%arg0: i32, %arg1: i32, %arg2: memref<160000x256xf32, #tpu.memory_space<hbm>>, %arg3: memref<16x125x80xi32, #tpu.memory_space<hbm>>, %arg4: memref<16x16xi32, #tpu.memory_space<hbm>>, %arg5: memref<160x128xf32, #tpu.memory_space<hbm>>, %arg6: memref<80x128xf32, #tpu.memory_space<hbm>>, %arg7: memref<10000x256xf32, #tpu.memory_space<hbm>>, %arg8: memref<125x80xi32, #tpu.memory_space<vmem>>, %arg9: memref<2x80xi32, #tpu.memory_space<vmem>>, %arg10: memref<2x80x128xf32, #tpu.memory_space<vmem>>, %arg11: memref<80x128xf32, #tpu.memory_space<vmem>>, %arg12: memref<16xi32, #tpu.memory_space<vmem>>, %arg13: memref<2x!tpu.dma_semaphore, #tpu.memory_space<semaphore_mem>>, %arg14: memref<2x!tpu.dma_semaphore, #tpu.memory_space<semaphore_mem>>, %arg15: memref<2x!tpu.dma_semaphore, #tpu.memory_space<semaphore_mem>>, %arg16: memref<2568x128xf32, #tpu.memory_space<vmem_shared>>, %arg17: memref<2568x128xf32, #tpu.memory_space<vmem_shared>>) attributes {dimension_semantics = [#tpu.dimension_semantics<core_parallel>, #tpu.dimension_semantics<subcore_parallel>], iteration_bounds = array<i64: 2, 16>, scalar_prefetch = 0 : i64, scratch_operands = 10 : i64, tpu.core_type = #tpu.core_type<sc_vector_subcore>, window_params = [{transform_indices = #map}, {transform_indices = #map1}, {transform_indices = #map}, {transform_indices = #map}, {transform_indices = #map}, {transform_indices = #map}]} {
    %mul3A = arith.constant 10000 : i32
    %mul3A_0 = arith.muli %arg1, %mul3A : i32
    "tpu.region"() ({
      %run_scoped3A_279 = tpu.sem_alloc : memref<!tpu.dma_semaphore, #tpu.memory_space<semaphore_mem>>
      %dma_start3A = arith.constant 0 : i32
      %dma_start3A_280 = arith.constant 0 : i32
      %dma_start3A_281 = tpu.memref_slice %arg3[%arg1, %dma_start3A, %dma_start3A_280] : memref<16x125x80xi32, #tpu.memory_space<hbm>> -> memref<1x125x80xi32, #tpu.memory_space<hbm>>
      %dma_start3A_282 = tpu.memref_squeeze %dma_start3A_281 : memref<1x125x80xi32, #tpu.memory_space<hbm>> -> memref<125x80xi32, #tpu.memory_space<hbm>>
      %dma_start3A_283 = arith.constant 0 : i32
      %dma_start3A_284 = arith.constant 0 : i32
      %dma_start3A_285 = tpu.memref_slice %arg3[%arg1, %dma_start3A_283, %dma_start3A_284] : memref<16x125x80xi32, #tpu.memory_space<hbm>> -> memref<1x125x80xi32, #tpu.memory_space<hbm>>
      %dma_start3A_286 = tpu.memref_squeeze %dma_start3A_285 : memref<1x125x80xi32, #tpu.memory_space<hbm>> -> memref<125x80xi32, #tpu.memory_space<hbm>>
      tpu.enqueue_dma source(%dma_start3A_286 : memref<125x80xi32, #tpu.memory_space<hbm>>) target(%arg8 : memref<125x80xi32, #tpu.memory_space<vmem>>) target_semaphore(%run_scoped3A_279 : memref<!tpu.dma_semaphore, #tpu.memory_space<semaphore_mem>>)
      %dma_wait3A = arith.constant 0 : i32
      %dma_wait3A_287 = arith.constant 0 : i32
      %dma_wait3A_288 = tpu.memref_slice %arg3[%arg1, %dma_wait3A, %dma_wait3A_287] : memref<16x125x80xi32, #tpu.memory_space<hbm>> -> memref<1x125x80xi32, #tpu.memory_space<hbm>>
      %dma_wait3A_289 = tpu.memref_squeeze %dma_wait3A_288 : memref<1x125x80xi32, #tpu.memory_space<hbm>> -> memref<125x80xi32, #tpu.memory_space<hbm>>
      %dma_wait3A_290 = arith.constant 0 : i32
      %dma_wait3A_291 = arith.constant 0 : i32
      %dma_wait3A_292 = tpu.memref_slice %arg3[%arg1, %dma_wait3A_290, %dma_wait3A_291] : memref<16x125x80xi32, #tpu.memory_space<hbm>> -> memref<1x125x80xi32, #tpu.memory_space<hbm>>
      %dma_wait3A_293 = tpu.memref_squeeze %dma_wait3A_292 : memref<1x125x80xi32, #tpu.memory_space<hbm>> -> memref<125x80xi32, #tpu.memory_space<hbm>>
      tpu.wait_dma2 semaphore(%run_scoped3A_279 : memref<!tpu.dma_semaphore, #tpu.memory_space<semaphore_mem>>) src(%dma_wait3A_293 : memref<125x80xi32, #tpu.memory_space<hbm>>) dst(%arg8 : memref<125x80xi32, #tpu.memory_space<vmem>>)
      tpu.yield
    }) : () -> ()
    "tpu.region"() ({
      %run_scoped3A_279 = tpu.sem_alloc : memref<!tpu.dma_semaphore, #tpu.memory_space<semaphore_mem>>
      %dma_start3A = arith.constant 0 : i32
      %dma_start3A_280 = tpu.memref_slice %arg4[%arg1, %dma_start3A] : memref<16x16xi32, #tpu.memory_space<hbm>> -> memref<1x16xi32, #tpu.memory_space<hbm>>
      %dma_start3A_281 = tpu.memref_squeeze %dma_start3A_280 : memref<1x16xi32, #tpu.memory_space<hbm>> -> memref<16xi32, #tpu.memory_space<hbm>>
      %dma_start3A_282 = arith.constant 0 : i32
      %dma_start3A_283 = tpu.memref_slice %arg4[%arg1, %dma_start3A_282] : memref<16x16xi32, #tpu.memory_space<hbm>> -> memref<1x16xi32, #tpu.memory_space<hbm>>
      %dma_start3A_284 = tpu.memref_squeeze %dma_start3A_283 : memref<1x16xi32, #tpu.memory_space<hbm>> -> memref<16xi32, #tpu.memory_space<hbm>>
      tpu.enqueue_dma source(%dma_start3A_284 : memref<16xi32, #tpu.memory_space<hbm>>) target(%arg12 : memref<16xi32, #tpu.memory_space<vmem>>) target_semaphore(%run_scoped3A_279 : memref<!tpu.dma_semaphore, #tpu.memory_space<semaphore_mem>>)
      %dma_wait3A = arith.constant 0 : i32
      %dma_wait3A_285 = tpu.memref_slice %arg4[%arg1, %dma_wait3A] : memref<16x16xi32, #tpu.memory_space<hbm>> -> memref<1x16xi32, #tpu.memory_space<hbm>>
      %dma_wait3A_286 = tpu.memref_squeeze %dma_wait3A_285 : memref<1x16xi32, #tpu.memory_space<hbm>> -> memref<16xi32, #tpu.memory_space<hbm>>
      %dma_wait3A_287 = arith.constant 0 : i32
      %dma_wait3A_288 = tpu.memref_slice %arg4[%arg1, %dma_wait3A_287] : memref<16x16xi32, #tpu.memory_space<hbm>> -> memref<1x16xi32, #tpu.memory_space<hbm>>
      %dma_wait3A_289 = tpu.memref_squeeze %dma_wait3A_288 : memref<1x16xi32, #tpu.memory_space<hbm>> -> memref<16xi32, #tpu.memory_space<hbm>>
      tpu.wait_dma2 semaphore(%run_scoped3A_279 : memref<!tpu.dma_semaphore, #tpu.memory_space<semaphore_mem>>) src(%dma_wait3A_289 : memref<16xi32, #tpu.memory_space<hbm>>) dst(%arg12 : memref<16xi32, #tpu.memory_space<vmem>>)
      tpu.yield
    }) : () -> ()
    "tpu.region"() ({
      %run_scoped3A_279 = tpu.sem_alloc : memref<!tpu.dma_semaphore, #tpu.memory_space<semaphore_mem>>
      tpu.enqueue_dma source(%arg6 : memref<80x128xf32, #tpu.memory_space<hbm>>) target(%arg11 : memref<80x128xf32, #tpu.memory_space<vmem>>) target_semaphore(%run_scoped3A_279 : memref<!tpu.dma_semaphore, #tpu.memory_space<semaphore_mem>>)
      tpu.wait_dma2 semaphore(%run_scoped3A_279 : memref<!tpu.dma_semaphore, #tpu.memory_space<semaphore_mem>>) src(%arg6 : memref<80x128xf32, #tpu.memory_space<hbm>>) dst(%arg11 : memref<80x128xf32, #tpu.memory_space<vmem>>)
      tpu.yield
    }) : () -> ()
    %get3A = arith.constant 0 : index
    %get3A_1 = tpu.vector_load %arg12[%get3A] {strides = array<i32>} : memref<16xi32, #tpu.memory_space<vmem>>, vector<16xi32>,
    %get3A_2 = vector.shape_cast %get3A_1 : vector<16xi32> to vector<16xi32>
    %mul3A_3 = arith.constant 160 : i32
    %mul3A_4 = arith.muli %arg1, %mul3A_3 : i32
    "tpu.region"() ({
      %run_scoped3A_279 = tpu.sem_alloc : memref<!tpu.dma_semaphore, #tpu.memory_space<semaphore_mem>>
      %dma_start3A = arith.constant 0 : i32
      %dma_start3A_280 = tpu.memref_slice %arg16[%mul3A_4, %dma_start3A] : memref<2568x128xf32, #tpu.memory_space<vmem_shared>> -> memref<160x128xf32, #tpu.memory_space<vmem_shared>>
      %dma_start3A_281 = arith.constant 0 : i32
      %dma_start3A_282 = arith.constant 0 : i32
      %dma_start3A_283 = tpu.memref_slice %arg5[%dma_start3A_281, %dma_start3A_282] : memref<160x128xf32, #tpu.memory_space<hbm>> -> memref<160x128xf32, #tpu.memory_space<hbm>>
      tpu.enqueue_dma source(%dma_start3A_283 : memref<160x128xf32, #tpu.memory_space<hbm>>) target(%dma_start3A_280 : memref<160x128xf32, #tpu.memory_space<vmem_shared>>) target_semaphore(%run_scoped3A_279 : memref<!tpu.dma_semaphore, #tpu.memory_space<semaphore_mem>>)
      %dma_wait3A = arith.constant 0 : i32
      %dma_wait3A_284 = tpu.memref_slice %arg16[%mul3A_4, %dma_wait3A] : memref<2568x128xf32, #tpu.memory_space<vmem_shared>> -> memref<160x128xf32, #tpu.memory_space<vmem_shared>>
      %dma_wait3A_285 = arith.constant 0 : i32
      %dma_wait3A_286 = arith.constant 0 : i32
      %dma_wait3A_287 = tpu.memref_slice %arg5[%dma_wait3A_285, %dma_wait3A_286] : memref<160x128xf32, #tpu.memory_space<hbm>> -> memref<160x128xf32, #tpu.memory_space<hbm>>
      tpu.wait_dma2 semaphore(%run_scoped3A_279 : memref<!tpu.dma_semaphore, #tpu.memory_space<semaphore_mem>>) src(%dma_wait3A_287 : memref<160x128xf32, #tpu.memory_space<hbm>>) dst(%dma_wait3A_284 : memref<160x128xf32, #tpu.memory_space<vmem_shared>>)
      tpu.yield
    }) : () -> ()
    %mul3A_5 = arith.constant 160 : i32
    %mul3A_6 = arith.muli %arg1, %mul3A_5 : i32
    "tpu.region"() ({
      %run_scoped3A_279 = tpu.sem_alloc : memref<!tpu.dma_semaphore, #tpu.memory_space<semaphore_mem>>
      %dma_start3A = arith.constant 0 : i32
      %dma_start3A_280 = tpu.memref_slice %arg17[%mul3A_6, %dma_start3A] : memref<2568x128xf32, #tpu.memory_space<vmem_shared>> -> memref<160x128xf32, #tpu.memory_space<vmem_shared>>
      %dma_start3A_281 = arith.constant 0 : i32
      %dma_start3A_282 = arith.constant 0 : i32
      %dma_start3A_283 = tpu.memref_slice %arg5[%dma_start3A_281, %dma_start3A_282] : memref<160x128xf32, #tpu.memory_space<hbm>> -> memref<160x128xf32, #tpu.memory_space<hbm>>
      tpu.enqueue_dma source(%dma_start3A_283 : memref<160x128xf32, #tpu.memory_space<hbm>>) target(%dma_start3A_280 : memref<160x128xf32, #tpu.memory_space<vmem_shared>>) target_semaphore(%run_scoped3A_279 : memref<!tpu.dma_semaphore, #tpu.memory_space<semaphore_mem>>)
      %dma_wait3A = arith.constant 0 : i32
      %dma_wait3A_284 = tpu.memref_slice %arg17[%mul3A_6, %dma_wait3A] : memref<2568x128xf32, #tpu.memory_space<vmem_shared>> -> memref<160x128xf32, #tpu.memory_space<vmem_shared>>
      %dma_wait3A_285 = arith.constant 0 : i32
      %dma_wait3A_286 = arith.constant 0 : i32
      %dma_wait3A_287 = tpu.memref_slice %arg5[%dma_wait3A_285, %dma_wait3A_286] : memref<160x128xf32, #tpu.memory_space<hbm>> -> memref<160x128xf32, #tpu.memory_space<hbm>>
      tpu.wait_dma2 semaphore(%run_scoped3A_279 : memref<!tpu.dma_semaphore, #tpu.memory_space<semaphore_mem>>) src(%dma_wait3A_287 : memref<160x128xf32, #tpu.memory_space<hbm>>) dst(%dma_wait3A_284 : memref<160x128xf32, #tpu.memory_space<vmem_shared>>)
      tpu.yield
    }) : () -> ()
    %eq3A = arith.constant 0 : i32
    %eq3A_7 = arith.cmpi eq, %arg1, %eq3A : i32
    %convert_element_type3A = arith.extui %eq3A_7 : i1 to i32
    %cond3A = arith.constant 0 : i32
    %cond3A_8 = arith.cmpi ne, %convert_element_type3A, %cond3A : i32
    scf.if %cond3A_8 {
      "tpu.region"() ({
        %run_scoped3A_279 = tpu.sem_alloc : memref<!tpu.dma_semaphore, #tpu.memory_space<semaphore_mem>>
        %dma_start3A = arith.constant 2560 : i32
        %dma_start3A_280 = arith.constant 0 : i32
        %dma_start3A_281 = tpu.memref_slice %arg16[%dma_start3A, %dma_start3A_280] : memref<2568x128xf32, #tpu.memory_space<vmem_shared>> -> memref<8x128xf32, #tpu.memory_space<vmem_shared>>
        %dma_start3A_282 = arith.constant 0 : i32
        %dma_start3A_283 = arith.constant 0 : i32
        %dma_start3A_284 = tpu.memref_slice %arg5[%dma_start3A_282, %dma_start3A_283] : memref<160x128xf32, #tpu.memory_space<hbm>> -> memref<8x128xf32, #tpu.memory_space<hbm>>
        tpu.enqueue_dma source(%dma_start3A_284 : memref<8x128xf32, #tpu.memory_space<hbm>>) target(%dma_start3A_281 : memref<8x128xf32, #tpu.memory_space<vmem_shared>>) target_semaphore(%run_scoped3A_279 : memref<!tpu.dma_semaphore, #tpu.memory_space<semaphore_mem>>)
        %dma_wait3A = arith.constant 2560 : i32
        %dma_wait3A_285 = arith.constant 0 : i32
        %dma_wait3A_286 = tpu.memref_slice %arg16[%dma_wait3A, %dma_wait3A_285] : memref<2568x128xf32, #tpu.memory_space<vmem_shared>> -> memref<8x128xf32, #tpu.memory_space<vmem_shared>>
        %dma_wait3A_287 = arith.constant 0 : i32
        %dma_wait3A_288 = arith.constant 0 : i32
        %dma_wait3A_289 = tpu.memref_slice %arg5[%dma_wait3A_287, %dma_wait3A_288] : memref<160x128xf32, #tpu.memory_space<hbm>> -> memref<8x128xf32, #tpu.memory_space<hbm>>
        tpu.wait_dma2 semaphore(%run_scoped3A_279 : memref<!tpu.dma_semaphore, #tpu.memory_space<semaphore_mem>>) src(%dma_wait3A_289 : memref<8x128xf32, #tpu.memory_space<hbm>>) dst(%dma_wait3A_286 : memref<8x128xf32, #tpu.memory_space<vmem_shared>>)
        tpu.yield
      }) : () -> ()
      "tpu.region"() ({
        %run_scoped3A_279 = tpu.sem_alloc : memref<!tpu.dma_semaphore, #tpu.memory_space<semaphore_mem>>
        %dma_start3A = arith.constant 2560 : i32
        %dma_start3A_280 = arith.constant 0 : i32
        %dma_start3A_281 = tpu.memref_slice %arg17[%dma_start3A, %dma_start3A_280] : memref<2568x128xf32, #tpu.memory_space<vmem_shared>> -> memref<8x128xf32, #tpu.memory_space<vmem_shared>>
        %dma_start3A_282 = arith.constant 0 : i32
        %dma_start3A_283 = arith.constant 0 : i32
        %dma_start3A_284 = tpu.memref_slice %arg5[%dma_start3A_282, %dma_start3A_283] : memref<160x128xf32, #tpu.memory_space<hbm>> -> memref<8x128xf32, #tpu.memory_space<hbm>>
        tpu.enqueue_dma source(%dma_start3A_284 : memref<8x128xf32, #tpu.memory_space<hbm>>) target(%dma_start3A_281 : memref<8x128xf32, #tpu.memory_space<vmem_shared>>) target_semaphore(%run_scoped3A_279 : memref<!tpu.dma_semaphore, #tpu.memory_space<semaphore_mem>>)
        %dma_wait3A = arith.constant 2560 : i32
        %dma_wait3A_285 = arith.constant 0 : i32
        %dma_wait3A_286 = tpu.memref_slice %arg17[%dma_wait3A, %dma_wait3A_285] : memref<2568x128xf32, #tpu.memory_space<vmem_shared>> -> memref<8x128xf32, #tpu.memory_space<vmem_shared>>
        %dma_wait3A_287 = arith.constant 0 : i32
        %dma_wait3A_288 = arith.constant 0 : i32
        %dma_wait3A_289 = tpu.memref_slice %arg5[%dma_wait3A_287, %dma_wait3A_288] : memref<160x128xf32, #tpu.memory_space<hbm>> -> memref<8x128xf32, #tpu.memory_space<hbm>>
        tpu.wait_dma2 semaphore(%run_scoped3A_279 : memref<!tpu.dma_semaphore, #tpu.memory_space<semaphore_mem>>) src(%dma_wait3A_289 : memref<8x128xf32, #tpu.memory_space<hbm>>) dst(%dma_wait3A_286 : memref<8x128xf32, #tpu.memory_space<vmem_shared>>)
        tpu.yield
      }) : () -> ()
    } else {
    }
    %barrier3A = arith.constant 0 : index
    tpu.barrier barrier_id(%barrier3A)
    %slice3A = vector.extract_strided_slice %get3A_2 {offsets = [0], sizes = [1], strides = [1]} : vector<16xi32> to vector<1xi32>
    %squeeze3A = vector.extract %slice3A[0] : i32 from vector<1xi32>
    %slice3A_9 = vector.extract_strided_slice %get3A_2 {offsets = [1], sizes = [1], strides = [1]} : vector<16xi32> to vector<1xi32>
    %squeeze3A_10 = vector.extract %slice3A_9[0] : i32 from vector<1xi32>
    %gt3A = arith.cmpi sgt, %squeeze3A_10, %squeeze3A : i32
    %convert_element_type3A_11 = arith.extui %gt3A : i1 to i32
    %cond3A_12 = arith.constant 0 : i32
    %cond3A_13 = arith.cmpi ne, %convert_element_type3A_11, %cond3A_12 : i32
    scf.if %cond3A_13 {
      %mul3A_279 = arith.constant 80 : i32
      %mul3A_280 = arith.muli %squeeze3A, %mul3A_279 : i32
      %add3A_281 = arith.addi %mul3A_0, %mul3A_280 : i32
      %mul3A_282 = arith.constant 128 : i32
      %mul3A_283 = arith.muli %arg0, %mul3A_282 : i32
      %dma_start3A = arith.constant 0 : i32
      %dma_start3A_284 = arith.constant 0 : i32
      %dma_start3A_285 = arith.constant 0 : i32
      %dma_start3A_286 = arith.constant 0 : i32
      %dma_start3A_287 = tpu.memref_slice %arg10[%dma_start3A, %dma_start3A_285, %dma_start3A_286] : memref<2x80x128xf32, #tpu.memory_space<vmem>> -> memref<1x80x128xf32, #tpu.memory_space<vmem>>
      %dma_start3A_288 = tpu.memref_squeeze %dma_start3A_287 : memref<1x80x128xf32, #tpu.memory_space<vmem>> -> memref<80x128xf32, #tpu.memory_space<vmem>>
      %dma_start3A_289 = tpu.memref_slice %arg2[%add3A_281, %mul3A_283] : memref<160000x256xf32, #tpu.memory_space<hbm>> -> memref<80x128xf32, #tpu.memory_space<hbm>>
      %dma_start3A_290 = tpu.memref_slice %arg13[%dma_start3A_284] : memref<2x!tpu.dma_semaphore, #tpu.memory_space<semaphore_mem>> -> memref<1x!tpu.dma_semaphore, #tpu.memory_space<semaphore_mem>>
      %dma_start3A_291 = tpu.memref_squeeze %dma_start3A_290 : memref<1x!tpu.dma_semaphore, #tpu.memory_space<semaphore_mem>> -> memref<!tpu.dma_semaphore, #tpu.memory_space<semaphore_mem>>
      %dma_start3A_292 = arith.constant 0 : i32
      %dma_start3A_293 = arith.constant 0 : i32
      %dma_start3A_294 = tpu.memref_slice %arg10[%dma_start3A, %dma_start3A_292, %dma_start3A_293] : memref<2x80x128xf32, #tpu.memory_space<vmem>> -> memref<1x80x128xf32, #tpu.memory_space<vmem>>
      %dma_start3A_295 = tpu.memref_squeeze %dma_start3A_294 : memref<1x80x128xf32, #tpu.memory_space<vmem>> -> memref<80x128xf32, #tpu.memory_space<vmem>>
      %dma_start3A_296 = tpu.memref_slice %arg2[%add3A_281, %mul3A_283] : memref<160000x256xf32, #tpu.memory_space<hbm>> -> memref<80x128xf32, #tpu.memory_space<hbm>>
      tpu.enqueue_dma source(%dma_start3A_296 : memref<80x128xf32, #tpu.memory_space<hbm>>) target(%dma_start3A_295 : memref<80x128xf32, #tpu.memory_space<vmem>>) target_semaphore(%dma_start3A_291 : memref<!tpu.dma_semaphore, #tpu.memory_space<semaphore_mem>>)
    } else {
    }
    %while3A = arith.constant 0 : i32
    %while3A_14 = arith.subi %squeeze3A_10, %squeeze3A : i32
    %while3A_15 = arith.addi %squeeze3A, %while3A_14 : i32
    %while3A_16 = arith.constant 1 : i32
    %while3A_17 = arith.divsi %while3A_14, %while3A_16 : i32
    %while3A_18 = arith.muli %while3A_17, %while3A_16 : i32
    %while3A_19 = arith.addi %squeeze3A, %while3A_18 : i32
    %while3A_20 = arith.constant 1 : i32
    scf.for %while3A_279 = %squeeze3A to %while3A_19 step %while3A_20  : i32 {
      %sub3A = arith.subi %while3A_279, %squeeze3A : i32
      %rem3A = arith.constant 2 : i32
      %rem3A_280 = arith.remsi %sub3A, %rem3A : i32
      %sub3A_281 = arith.constant 1 : i32
      %sub3A_282 = arith.subi %sub3A_281, %rem3A_280 : i32
      %get3A_283 = arith.index_cast %while3A_279 : i32 to index
      %get3A_284 = arith.constant 0 : index
      %get3A_285 = tpu.vector_load %arg8[%get3A_283, %get3A_284] {strides = array<i32>} : memref<125x80xi32, #tpu.memory_space<vmem>>, vector<1x16xi32>,
      %get3A_286 = vector.shape_cast %get3A_285 : vector<1x16xi32> to vector<16xi32>
      %ge3A = arith.constant 0 : i32
      %ge3A_287 = vector.broadcast %ge3A : i32 to vector<16xi32>
      %ge3A_288 = arith.cmpi sge, %get3A_286, %ge3A_287 : vector<16xi32>
      %lt3A_289 = arith.constant 2504 : i32
      %lt3A_290 = vector.broadcast %lt3A_289 : i32 to vector<16xi32>
      %lt3A_291 = arith.cmpi slt, %get3A_286, %lt3A_290 : vector<16xi32>
      %and3A = arith.andi %ge3A_288, %lt3A_291 : vector<16xi1>
      %sub3A_292 = arith.constant 0 : i32
      %sub3A_293 = vector.broadcast %sub3A_292 : i32 to vector<16xi32>
      %sub3A_294 = arith.subi %get3A_286, %sub3A_293 : vector<16xi32>
      %jit3A = arith.constant 2560 : i32
      %broadcast_in_dim3A = vector.broadcast %jit3A : i32 to vector<16xi32>
      %select_n3A = arith.select %and3A, %sub3A_294, %broadcast_in_dim3A : vector<16xi1>, vector<16xi32>
      %swap3A = arith.index_cast %rem3A_280 : i32 to index
      %swap3A_295 = arith.constant 0 : index
      %swap3A_296 = tpu.vector_load %arg9[%swap3A, %swap3A_295] {strides = array<i32>} : memref<2x80xi32, #tpu.memory_space<vmem>>, vector<1x16xi32>,
      %swap3A_297 = vector.shape_cast %swap3A_296 : vector<1x16xi32> to vector<16xi32>
      %swap3A_298 = vector.shape_cast %select_n3A : vector<16xi32> to vector<1x16xi32>
      tpu.vector_store %arg9[%swap3A, %swap3A_295], %swap3A_298 {strides = array<i32>} : memref<2x80xi32, #tpu.memory_space<vmem>>, vector<1x16xi32>,
      %get3A_299 = arith.index_cast %while3A_279 : i32 to index
      %get3A_300 = arith.constant 16 : index
      %get3A_301 = tpu.vector_load %arg8[%get3A_299, %get3A_300] {strides = array<i32>} : memref<125x80xi32, #tpu.memory_space<vmem>>, vector<1x16xi32>,
      %get3A_302 = vector.shape_cast %get3A_301 : vector<1x16xi32> to vector<16xi32>
      %ge3A_303 = arith.constant 0 : i32
      %ge3A_304 = vector.broadcast %ge3A_303 : i32 to vector<16xi32>
      %ge3A_305 = arith.cmpi sge, %get3A_302, %ge3A_304 : vector<16xi32>
      %lt3A_306 = arith.constant 2504 : i32
      %lt3A_307 = vector.broadcast %lt3A_306 : i32 to vector<16xi32>
      %lt3A_308 = arith.cmpi slt, %get3A_302, %lt3A_307 : vector<16xi32>
      %and3A_309 = arith.andi %ge3A_305, %lt3A_308 : vector<16xi1>
      %sub3A_310 = arith.constant 0 : i32
      %sub3A_311 = vector.broadcast %sub3A_310 : i32 to vector<16xi32>
      %sub3A_312 = arith.subi %get3A_302, %sub3A_311 : vector<16xi32>
      %jit3A_313 = arith.constant 2560 : i32
      %broadcast_in_dim3A_314 = vector.broadcast %jit3A_313 : i32 to vector<16xi32>
      %select_n3A_315 = arith.select %and3A_309, %sub3A_312, %broadcast_in_dim3A_314 : vector<16xi1>, vector<16xi32>
      %swap3A_316 = arith.index_cast %rem3A_280 : i32 to index
      %swap3A_317 = arith.constant 16 : index
      %swap3A_318 = tpu.vector_load %arg9[%swap3A_316, %swap3A_317] {strides = array<i32>} : memref<2x80xi32, #tpu.memory_space<vmem>>, vector<1x16xi32>,
      %swap3A_319 = vector.shape_cast %swap3A_318 : vector<1x16xi32> to vector<16xi32>
      %swap3A_320 = vector.shape_cast %select_n3A_315 : vector<16xi32> to vector<1x16xi32>
      tpu.vector_store %arg9[%swap3A_316, %swap3A_317], %swap3A_320 {strides = array<i32>} : memref<2x80xi32, #tpu.memory_space<vmem>>, vector<1x16xi32>,
      %get3A_321 = arith.index_cast %while3A_279 : i32 to index
      %get3A_322 = arith.constant 32 : index
      %get3A_323 = tpu.vector_load %arg8[%get3A_321, %get3A_322] {strides = array<i32>} : memref<125x80xi32, #tpu.memory_space<vmem>>, vector<1x16xi32>,
      %get3A_324 = vector.shape_cast %get3A_323 : vector<1x16xi32> to vector<16xi32>
      %ge3A_325 = arith.constant 0 : i32
      %ge3A_326 = vector.broadcast %ge3A_325 : i32 to vector<16xi32>
      %ge3A_327 = arith.cmpi sge, %get3A_324, %ge3A_326 : vector<16xi32>
      %lt3A_328 = arith.constant 2504 : i32
      %lt3A_329 = vector.broadcast %lt3A_328 : i32 to vector<16xi32>
      %lt3A_330 = arith.cmpi slt, %get3A_324, %lt3A_329 : vector<16xi32>
      %and3A_331 = arith.andi %ge3A_327, %lt3A_330 : vector<16xi1>
      %sub3A_332 = arith.constant 0 : i32
      %sub3A_333 = vector.broadcast %sub3A_332 : i32 to vector<16xi32>
      %sub3A_334 = arith.subi %get3A_324, %sub3A_333 : vector<16xi32>
      %jit3A_335 = arith.constant 2560 : i32
      %broadcast_in_dim3A_336 = vector.broadcast %jit3A_335 : i32 to vector<16xi32>
      %select_n3A_337 = arith.select %and3A_331, %sub3A_334, %broadcast_in_dim3A_336 : vector<16xi1>, vector<16xi32>
      %swap3A_338 = arith.index_cast %rem3A_280 : i32 to index
      %swap3A_339 = arith.constant 32 : index
      %swap3A_340 = tpu.vector_load %arg9[%swap3A_338, %swap3A_339] {strides = array<i32>} : memref<2x80xi32, #tpu.memory_space<vmem>>, vector<1x16xi32>,
      %swap3A_341 = vector.shape_cast %swap3A_340 : vector<1x16xi32> to vector<16xi32>
      %swap3A_342 = vector.shape_cast %select_n3A_337 : vector<16xi32> to vector<1x16xi32>
      tpu.vector_store %arg9[%swap3A_338, %swap3A_339], %swap3A_342 {strides = array<i32>} : memref<2x80xi32, #tpu.memory_space<vmem>>, vector<1x16xi32>,
      %get3A_343 = arith.index_cast %while3A_279 : i32 to index
      %get3A_344 = arith.constant 48 : index
      %get3A_345 = tpu.vector_load %arg8[%get3A_343, %get3A_344] {strides = array<i32>} : memref<125x80xi32, #tpu.memory_space<vmem>>, vector<1x16xi32>,
      %get3A_346 = vector.shape_cast %get3A_345 : vector<1x16xi32> to vector<16xi32>
      %ge3A_347 = arith.constant 0 : i32
      %ge3A_348 = vector.broadcast %ge3A_347 : i32 to vector<16xi32>
      %ge3A_349 = arith.cmpi sge, %get3A_346, %ge3A_348 : vector<16xi32>
      %lt3A_350 = arith.constant 2504 : i32
      %lt3A_351 = vector.broadcast %lt3A_350 : i32 to vector<16xi32>
      %lt3A_352 = arith.cmpi slt, %get3A_346, %lt3A_351 : vector<16xi32>
      %and3A_353 = arith.andi %ge3A_349, %lt3A_352 : vector<16xi1>
      %sub3A_354 = arith.constant 0 : i32
      %sub3A_355 = vector.broadcast %sub3A_354 : i32 to vector<16xi32>
      %sub3A_356 = arith.subi %get3A_346, %sub3A_355 : vector<16xi32>
      %jit3A_357 = arith.constant 2560 : i32
      %broadcast_in_dim3A_358 = vector.broadcast %jit3A_357 : i32 to vector<16xi32>
      %select_n3A_359 = arith.select %and3A_353, %sub3A_356, %broadcast_in_dim3A_358 : vector<16xi1>, vector<16xi32>
      %swap3A_360 = arith.index_cast %rem3A_280 : i32 to index
      %swap3A_361 = arith.constant 48 : index
      %swap3A_362 = tpu.vector_load %arg9[%swap3A_360, %swap3A_361] {strides = array<i32>} : memref<2x80xi32, #tpu.memory_space<vmem>>, vector<1x16xi32>,
      %swap3A_363 = vector.shape_cast %swap3A_362 : vector<1x16xi32> to vector<16xi32>
      %swap3A_364 = vector.shape_cast %select_n3A_359 : vector<16xi32> to vector<1x16xi32>
      tpu.vector_store %arg9[%swap3A_360, %swap3A_361], %swap3A_364 {strides = array<i32>} : memref<2x80xi32, #tpu.memory_space<vmem>>, vector<1x16xi32>,
      %get3A_365 = arith.index_cast %while3A_279 : i32 to index
      %get3A_366 = arith.constant 64 : index
      %get3A_367 = tpu.vector_load %arg8[%get3A_365, %get3A_366] {strides = array<i32>} : memref<125x80xi32, #tpu.memory_space<vmem>>, vector<1x16xi32>,
      %get3A_368 = vector.shape_cast %get3A_367 : vector<1x16xi32> to vector<16xi32>
      %ge3A_369 = arith.constant 0 : i32
      %ge3A_370 = vector.broadcast %ge3A_369 : i32 to vector<16xi32>
      %ge3A_371 = arith.cmpi sge, %get3A_368, %ge3A_370 : vector<16xi32>
      %lt3A_372 = arith.constant 2504 : i32
      %lt3A_373 = vector.broadcast %lt3A_372 : i32 to vector<16xi32>
      %lt3A_374 = arith.cmpi slt, %get3A_368, %lt3A_373 : vector<16xi32>
      %and3A_375 = arith.andi %ge3A_371, %lt3A_374 : vector<16xi1>
      %sub3A_376 = arith.constant 0 : i32
      %sub3A_377 = vector.broadcast %sub3A_376 : i32 to vector<16xi32>
      %sub3A_378 = arith.subi %get3A_368, %sub3A_377 : vector<16xi32>
      %jit3A_379 = arith.constant 2560 : i32
      %broadcast_in_dim3A_380 = vector.broadcast %jit3A_379 : i32 to vector<16xi32>
      %select_n3A_381 = arith.select %and3A_375, %sub3A_378, %broadcast_in_dim3A_380 : vector<16xi1>, vector<16xi32>
      %swap3A_382 = arith.index_cast %rem3A_280 : i32 to index
      %swap3A_383 = arith.constant 64 : index
      %swap3A_384 = tpu.vector_load %arg9[%swap3A_382, %swap3A_383] {strides = array<i32>} : memref<2x80xi32, #tpu.memory_space<vmem>>, vector<1x16xi32>,
      %swap3A_385 = vector.shape_cast %swap3A_384 : vector<1x16xi32> to vector<16xi32>
      %swap3A_386 = vector.shape_cast %select_n3A_381 : vector<16xi32> to vector<1x16xi32>
      tpu.vector_store %arg9[%swap3A_382, %swap3A_383], %swap3A_386 {strides = array<i32>} : memref<2x80xi32, #tpu.memory_space<vmem>>, vector<1x16xi32>,
      %gt3A_387 = arith.cmpi sgt, %while3A_279, %squeeze3A : i32
      %convert_element_type3A_388 = arith.extui %gt3A_387 : i1 to i32
      %cond3A_389 = arith.constant 0 : i32
      %cond3A_390 = arith.cmpi ne, %convert_element_type3A_388, %cond3A_389 : i32
      scf.if %cond3A_390 {
        %dma_wait3A_432 = arith.constant 0 : i32
        %dma_wait3A_433 = arith.constant 0 : i32
        %dma_wait3A_434 = tpu.memref_slice %arg10[%sub3A_282, %dma_wait3A_432, %dma_wait3A_433] : memref<2x80x128xf32, #tpu.memory_space<vmem>> -> memref<1x80x128xf32, #tpu.memory_space<vmem>>
        %dma_wait3A_435 = tpu.memref_squeeze %dma_wait3A_434 : memref<1x80x128xf32, #tpu.memory_space<vmem>> -> memref<80x128xf32, #tpu.memory_space<vmem>>
        %dma_wait3A_436 = arith.constant 0 : i32
        %dma_wait3A_437 = tpu.memref_slice %arg9[%sub3A_282, %dma_wait3A_436] : memref<2x80xi32, #tpu.memory_space<vmem>> -> memref<1x80xi32, #tpu.memory_space<vmem>>
        %dma_wait3A_438 = tpu.memref_squeeze %dma_wait3A_437 : memref<1x80xi32, #tpu.memory_space<vmem>> -> memref<80xi32, #tpu.memory_space<vmem>>
        %dma_wait3A_439 = arith.constant 0 : i32
        %dma_wait3A_440 = arith.constant 0 : i32
        %dma_wait3A_441 = tpu.memref_slice %arg16[%dma_wait3A_439, %dma_wait3A_440] : memref<2568x128xf32, #tpu.memory_space<vmem_shared>> -> memref<2568x128xf32, #tpu.memory_space<vmem_shared>>
        %dma_wait3A_442 = tpu.memref_slice %arg14[%sub3A_282] : memref<2x!tpu.dma_semaphore, #tpu.memory_space<semaphore_mem>> -> memref<1x!tpu.dma_semaphore, #tpu.memory_space<semaphore_mem>>
        %dma_wait3A_443 = tpu.memref_squeeze %dma_wait3A_442 : memref<1x!tpu.dma_semaphore, #tpu.memory_space<semaphore_mem>> -> memref<!tpu.dma_semaphore, #tpu.memory_space<semaphore_mem>>
        tpu.wait_indirect_dma semaphore(%dma_wait3A_443 : memref<!tpu.dma_semaphore, #tpu.memory_space<semaphore_mem>>) src(%dma_wait3A_435 : memref<80x128xf32, #tpu.memory_space<vmem>>) dst(%dma_wait3A_441 : memref<2568x128xf32, #tpu.memory_space<vmem_shared>>)
        %dma_wait3A_444 = arith.constant 0 : i32
        %dma_wait3A_445 = tpu.memref_slice %arg9[%sub3A_282, %dma_wait3A_444] : memref<2x80xi32, #tpu.memory_space<vmem>> -> memref<1x80xi32, #tpu.memory_space<vmem>>
        %dma_wait3A_446 = tpu.memref_squeeze %dma_wait3A_445 : memref<1x80xi32, #tpu.memory_space<vmem>> -> memref<80xi32, #tpu.memory_space<vmem>>
        %dma_wait3A_447 = arith.constant 0 : i32
        %dma_wait3A_448 = arith.constant 0 : i32
        %dma_wait3A_449 = tpu.memref_slice %arg17[%dma_wait3A_447, %dma_wait3A_448] : memref<2568x128xf32, #tpu.memory_space<vmem_shared>> -> memref<2568x128xf32, #tpu.memory_space<vmem_shared>>
        %dma_wait3A_450 = tpu.memref_slice %arg15[%sub3A_282] : memref<2x!tpu.dma_semaphore, #tpu.memory_space<semaphore_mem>> -> memref<1x!tpu.dma_semaphore, #tpu.memory_space<semaphore_mem>>
        %dma_wait3A_451 = tpu.memref_squeeze %dma_wait3A_450 : memref<1x!tpu.dma_semaphore, #tpu.memory_space<semaphore_mem>> -> memref<!tpu.dma_semaphore, #tpu.memory_space<semaphore_mem>>
        tpu.wait_indirect_dma semaphore(%dma_wait3A_451 : memref<!tpu.dma_semaphore, #tpu.memory_space<semaphore_mem>>) src(%arg11 : memref<80x128xf32, #tpu.memory_space<vmem>>) dst(%dma_wait3A_449 : memref<2568x128xf32, #tpu.memory_space<vmem_shared>>)
      } else {
      }
      %add3A_391 = arith.constant 1 : i32
      %add3A_392 = arith.addi %while3A_279, %add3A_391 : i32
      %lt3A_393 = arith.cmpi slt, %add3A_392, %squeeze3A_10 : i32
      %convert_element_type3A_394 = arith.extui %lt3A_393 : i1 to i32
      %cond3A_395 = arith.constant 0 : i32
      %cond3A_396 = arith.cmpi ne, %convert_element_type3A_394, %cond3A_395 : i32
      scf.if %cond3A_396 {
        %add3A_432 = arith.constant 1 : i32
        %add3A_433 = arith.addi %while3A_279, %add3A_432 : i32
        %mul3A_434 = arith.constant 80 : i32
        %mul3A_435 = arith.muli %add3A_433, %mul3A_434 : i32
        %add3A_436 = arith.addi %mul3A_0, %mul3A_435 : i32
        %mul3A_437 = arith.constant 128 : i32
        %mul3A_438 = arith.muli %arg0, %mul3A_437 : i32
        %dma_start3A_439 = arith.constant 0 : i32
        %dma_start3A_440 = arith.constant 0 : i32
        %dma_start3A_441 = tpu.memref_slice %arg10[%sub3A_282, %dma_start3A_439, %dma_start3A_440] : memref<2x80x128xf32, #tpu.memory_space<vmem>> -> memref<1x80x128xf32, #tpu.memory_space<vmem>>
        %dma_start3A_442 = tpu.memref_squeeze %dma_start3A_441 : memref<1x80x128xf32, #tpu.memory_space<vmem>> -> memref<80x128xf32, #tpu.memory_space<vmem>>
        %dma_start3A_443 = tpu.memref_slice %arg2[%add3A_436, %mul3A_438] : memref<160000x256xf32, #tpu.memory_space<hbm>> -> memref<80x128xf32, #tpu.memory_space<hbm>>
        %dma_start3A_444 = tpu.memref_slice %arg13[%sub3A_282] : memref<2x!tpu.dma_semaphore, #tpu.memory_space<semaphore_mem>> -> memref<1x!tpu.dma_semaphore, #tpu.memory_space<semaphore_mem>>
        %dma_start3A_445 = tpu.memref_squeeze %dma_start3A_444 : memref<1x!tpu.dma_semaphore, #tpu.memory_space<semaphore_mem>> -> memref<!tpu.dma_semaphore, #tpu.memory_space<semaphore_mem>>
        %dma_start3A_446 = arith.constant 0 : i32
        %dma_start3A_447 = arith.constant 0 : i32
        %dma_start3A_448 = tpu.memref_slice %arg10[%sub3A_282, %dma_start3A_446, %dma_start3A_447] : memref<2x80x128xf32, #tpu.memory_space<vmem>> -> memref<1x80x128xf32, #tpu.memory_space<vmem>>
        %dma_start3A_449 = tpu.memref_squeeze %dma_start3A_448 : memref<1x80x128xf32, #tpu.memory_space<vmem>> -> memref<80x128xf32, #tpu.memory_space<vmem>>
        %dma_start3A_450 = tpu.memref_slice %arg2[%add3A_436, %mul3A_438] : memref<160000x256xf32, #tpu.memory_space<hbm>> -> memref<80x128xf32, #tpu.memory_space<hbm>>
        tpu.enqueue_dma source(%dma_start3A_450 : memref<80x128xf32, #tpu.memory_space<hbm>>) target(%dma_start3A_449 : memref<80x128xf32, #tpu.memory_space<vmem>>) target_semaphore(%dma_start3A_445 : memref<!tpu.dma_semaphore, #tpu.memory_space<semaphore_mem>>)
      } else {
      }
      %mul3A_397 = arith.constant 80 : i32
      %mul3A_398 = arith.muli %while3A_279, %mul3A_397 : i32
      %add3A_399 = arith.addi %mul3A_0, %mul3A_398 : i32
      %mul3A_400 = arith.constant 128 : i32
      %mul3A_401 = arith.muli %arg0, %mul3A_400 : i32
      %dma_wait3A = arith.constant 0 : i32
      %dma_wait3A_402 = arith.constant 0 : i32
      %dma_wait3A_403 = tpu.memref_slice %arg10[%rem3A_280, %dma_wait3A, %dma_wait3A_402] : memref<2x80x128xf32, #tpu.memory_space<vmem>> -> memref<1x80x128xf32, #tpu.memory_space<vmem>>
      %dma_wait3A_404 = tpu.memref_squeeze %dma_wait3A_403 : memref<1x80x128xf32, #tpu.memory_space<vmem>> -> memref<80x128xf32, #tpu.memory_space<vmem>>
      %dma_wait3A_405 = tpu.memref_slice %arg2[%add3A_399, %mul3A_401] : memref<160000x256xf32, #tpu.memory_space<hbm>> -> memref<80x128xf32, #tpu.memory_space<hbm>>
      %dma_wait3A_406 = tpu.memref_slice %arg13[%rem3A_280] : memref<2x!tpu.dma_semaphore, #tpu.memory_space<semaphore_mem>> -> memref<1x!tpu.dma_semaphore, #tpu.memory_space<semaphore_mem>>
      %dma_wait3A_407 = tpu.memref_squeeze %dma_wait3A_406 : memref<1x!tpu.dma_semaphore, #tpu.memory_space<semaphore_mem>> -> memref<!tpu.dma_semaphore, #tpu.memory_space<semaphore_mem>>
      %dma_wait3A_408 = arith.constant 0 : i32
      %dma_wait3A_409 = arith.constant 0 : i32
      %dma_wait3A_410 = tpu.memref_slice %arg10[%rem3A_280, %dma_wait3A_408, %dma_wait3A_409] : memref<2x80x128xf32, #tpu.memory_space<vmem>> -> memref<1x80x128xf32, #tpu.memory_space<vmem>>
      %dma_wait3A_411 = tpu.memref_squeeze %dma_wait3A_410 : memref<1x80x128xf32, #tpu.memory_space<vmem>> -> memref<80x128xf32, #tpu.memory_space<vmem>>
      %dma_wait3A_412 = tpu.memref_slice %arg2[%add3A_399, %mul3A_401] : memref<160000x256xf32, #tpu.memory_space<hbm>> -> memref<80x128xf32, #tpu.memory_space<hbm>>
      tpu.wait_dma2 semaphore(%dma_wait3A_407 : memref<!tpu.dma_semaphore, #tpu.memory_space<semaphore_mem>>) src(%dma_wait3A_412 : memref<80x128xf32, #tpu.memory_space<hbm>>) dst(%dma_wait3A_411 : memref<80x128xf32, #tpu.memory_space<vmem>>)
      %dma_start3A = arith.constant 0 : i32
      %dma_start3A_413 = arith.constant 0 : i32
      %dma_start3A_414 = tpu.memref_slice %arg10[%rem3A_280, %dma_start3A, %dma_start3A_413] : memref<2x80x128xf32, #tpu.memory_space<vmem>> -> memref<1x80x128xf32, #tpu.memory_space<vmem>>
      %dma_start3A_415 = tpu.memref_squeeze %dma_start3A_414 : memref<1x80x128xf32, #tpu.memory_space<vmem>> -> memref<80x128xf32, #tpu.memory_space<vmem>>
      %dma_start3A_416 = arith.constant 0 : i32
      %dma_start3A_417 = tpu.memref_slice %arg9[%rem3A_280, %dma_start3A_416] : memref<2x80xi32, #tpu.memory_space<vmem>> -> memref<1x80xi32, #tpu.memory_space<vmem>>
      %dma_start3A_418 = tpu.memref_squeeze %dma_start3A_417 : memref<1x80xi32, #tpu.memory_space<vmem>> -> memref<80xi32, #tpu.memory_space<vmem>>
      %dma_start3A_419 = arith.constant 0 : i32
      %dma_start3A_420 = arith.constant 0 : i32
      %dma_start3A_421 = tpu.memref_slice %arg16[%dma_start3A_419, %dma_start3A_420] : memref<2568x128xf32, #tpu.memory_space<vmem_shared>> -> memref<2568x128xf32, #tpu.memory_space<vmem_shared>>
      %dma_start3A_422 = tpu.memref_slice %arg14[%rem3A_280] : memref<2x!tpu.dma_semaphore, #tpu.memory_space<semaphore_mem>> -> memref<1x!tpu.dma_semaphore, #tpu.memory_space<semaphore_mem>>
      %dma_start3A_423 = tpu.memref_squeeze %dma_start3A_422 : memref<1x!tpu.dma_semaphore, #tpu.memory_space<semaphore_mem>> -> memref<!tpu.dma_semaphore, #tpu.memory_space<semaphore_mem>>
      tpu.enqueue_indirect_dma source(%dma_start3A_415 : memref<80x128xf32, #tpu.memory_space<vmem>>) target(%dma_start3A_421 : memref<2568x128xf32, #tpu.memory_space<vmem_shared>>) offsets(%dma_start3A_418 : memref<80xi32, #tpu.memory_space<vmem>>) semaphore(%dma_start3A_423 : memref<!tpu.dma_semaphore, #tpu.memory_space<semaphore_mem>>) {add = true}
      %dma_start3A_424 = arith.constant 0 : i32
      %dma_start3A_425 = tpu.memref_slice %arg9[%rem3A_280, %dma_start3A_424] : memref<2x80xi32, #tpu.memory_space<vmem>> -> memref<1x80xi32, #tpu.memory_space<vmem>>
      %dma_start3A_426 = tpu.memref_squeeze %dma_start3A_425 : memref<1x80xi32, #tpu.memory_space<vmem>> -> memref<80xi32, #tpu.memory_space<vmem>>
      %dma_start3A_427 = arith.constant 0 : i32
      %dma_start3A_428 = arith.constant 0 : i32
      %dma_start3A_429 = tpu.memref_slice %arg17[%dma_start3A_427, %dma_start3A_428] : memref<2568x128xf32, #tpu.memory_space<vmem_shared>> -> memref<2568x128xf32, #tpu.memory_space<vmem_shared>>
      %dma_start3A_430 = tpu.memref_slice %arg15[%rem3A_280] : memref<2x!tpu.dma_semaphore, #tpu.memory_space<semaphore_mem>> -> memref<1x!tpu.dma_semaphore, #tpu.memory_space<semaphore_mem>>
      %dma_start3A_431 = tpu.memref_squeeze %dma_start3A_430 : memref<1x!tpu.dma_semaphore, #tpu.memory_space<semaphore_mem>> -> memref<!tpu.dma_semaphore, #tpu.memory_space<semaphore_mem>>
      tpu.enqueue_indirect_dma source(%arg11 : memref<80x128xf32, #tpu.memory_space<vmem>>) target(%dma_start3A_429 : memref<2568x128xf32, #tpu.memory_space<vmem_shared>>) offsets(%dma_start3A_426 : memref<80xi32, #tpu.memory_space<vmem>>) semaphore(%dma_start3A_431 : memref<!tpu.dma_semaphore, #tpu.memory_space<semaphore_mem>>) {add = true}
    }
    %while3A_21 = arith.constant 1 : i32
    scf.for %while3A_279 = %while3A_19 to %while3A_15 step %while3A_21  : i32 {
      %sub3A = arith.subi %while3A_279, %squeeze3A : i32
      %rem3A = arith.constant 2 : i32
      %rem3A_280 = arith.remsi %sub3A, %rem3A : i32
      %sub3A_281 = arith.constant 1 : i32
      %sub3A_282 = arith.subi %sub3A_281, %rem3A_280 : i32
      %get3A_283 = arith.index_cast %while3A_279 : i32 to index
      %get3A_284 = arith.constant 0 : index
      %get3A_285 = tpu.vector_load %arg8[%get3A_283, %get3A_284] {strides = array<i32>} : memref<125x80xi32, #tpu.memory_space<vmem>>, vector<1x16xi32>,
      %get3A_286 = vector.shape_cast %get3A_285 : vector<1x16xi32> to vector<16xi32>
      %ge3A = arith.constant 0 : i32
      %ge3A_287 = vector.broadcast %ge3A : i32 to vector<16xi32>
      %ge3A_288 = arith.cmpi sge, %get3A_286, %ge3A_287 : vector<16xi32>
      %lt3A_289 = arith.constant 2504 : i32
      %lt3A_290 = vector.broadcast %lt3A_289 : i32 to vector<16xi32>
      %lt3A_291 = arith.cmpi slt, %get3A_286, %lt3A_290 : vector<16xi32>
      %and3A = arith.andi %ge3A_288, %lt3A_291 : vector<16xi1>
      %sub3A_292 = arith.constant 0 : i32
      %sub3A_293 = vector.broadcast %sub3A_292 : i32 to vector<16xi32>
      %sub3A_294 = arith.subi %get3A_286, %sub3A_293 : vector<16xi32>
      %jit3A = arith.constant 2560 : i32
      %broadcast_in_dim3A = vector.broadcast %jit3A : i32 to vector<16xi32>
      %select_n3A = arith.select %and3A, %sub3A_294, %broadcast_in_dim3A : vector<16xi1>, vector<16xi32>
      %swap3A = arith.index_cast %rem3A_280 : i32 to index
      %swap3A_295 = arith.constant 0 : index
      %swap3A_296 = tpu.vector_load %arg9[%swap3A, %swap3A_295] {strides = array<i32>} : memref<2x80xi32, #tpu.memory_space<vmem>>, vector<1x16xi32>,
      %swap3A_297 = vector.shape_cast %swap3A_296 : vector<1x16xi32> to vector<16xi32>
      %swap3A_298 = vector.shape_cast %select_n3A : vector<16xi32> to vector<1x16xi32>
      tpu.vector_store %arg9[%swap3A, %swap3A_295], %swap3A_298 {strides = array<i32>} : memref<2x80xi32, #tpu.memory_space<vmem>>, vector<1x16xi32>,
      %get3A_299 = arith.index_cast %while3A_279 : i32 to index
      %get3A_300 = arith.constant 16 : index
      %get3A_301 = tpu.vector_load %arg8[%get3A_299, %get3A_300] {strides = array<i32>} : memref<125x80xi32, #tpu.memory_space<vmem>>, vector<1x16xi32>,
      %get3A_302 = vector.shape_cast %get3A_301 : vector<1x16xi32> to vector<16xi32>
      %ge3A_303 = arith.constant 0 : i32
      %ge3A_304 = vector.broadcast %ge3A_303 : i32 to vector<16xi32>
      %ge3A_305 = arith.cmpi sge, %get3A_302, %ge3A_304 : vector<16xi32>
      %lt3A_306 = arith.constant 2504 : i32
      %lt3A_307 = vector.broadcast %lt3A_306 : i32 to vector<16xi32>
      %lt3A_308 = arith.cmpi slt, %get3A_302, %lt3A_307 : vector<16xi32>
      %and3A_309 = arith.andi %ge3A_305, %lt3A_308 : vector<16xi1>
      %sub3A_310 = arith.constant 0 : i32
      %sub3A_311 = vector.broadcast %sub3A_310 : i32 to vector<16xi32>
      %sub3A_312 = arith.subi %get3A_302, %sub3A_311 : vector<16xi32>
      %jit3A_313 = arith.constant 2560 : i32
      %broadcast_in_dim3A_314 = vector.broadcast %jit3A_313 : i32 to vector<16xi32>
      %select_n3A_315 = arith.select %and3A_309, %sub3A_312, %broadcast_in_dim3A_314 : vector<16xi1>, vector<16xi32>
      %swap3A_316 = arith.index_cast %rem3A_280 : i32 to index
      %swap3A_317 = arith.constant 16 : index
      %swap3A_318 = tpu.vector_load %arg9[%swap3A_316, %swap3A_317] {strides = array<i32>} : memref<2x80xi32, #tpu.memory_space<vmem>>, vector<1x16xi32>,
      %swap3A_319 = vector.shape_cast %swap3A_318 : vector<1x16xi32> to vector<16xi32>
      %swap3A_320 = vector.shape_cast %select_n3A_315 : vector<16xi32> to vector<1x16xi32>
      tpu.vector_store %arg9[%swap3A_316, %swap3A_317], %swap3A_320 {strides = array<i32>} : memref<2x80xi32, #tpu.memory_space<vmem>>, vector<1x16xi32>,
      %get3A_321 = arith.index_cast %while3A_279 : i32 to index
      %get3A_322 = arith.constant 32 : index
      %get3A_323 = tpu.vector_load %arg8[%get3A_321, %get3A_322] {strides = array<i32>} : memref<125x80xi32, #tpu.memory_space<vmem>>, vector<1x16xi32>,
      %get3A_324 = vector.shape_cast %get3A_323 : vector<1x16xi32> to vector<16xi32>
      %ge3A_325 = arith.constant 0 : i32
      %ge3A_326 = vector.broadcast %ge3A_325 : i32 to vector<16xi32>
      %ge3A_327 = arith.cmpi sge, %get3A_324, %ge3A_326 : vector<16xi32>
      %lt3A_328 = arith.constant 2504 : i32
      %lt3A_329 = vector.broadcast %lt3A_328 : i32 to vector<16xi32>
      %lt3A_330 = arith.cmpi slt, %get3A_324, %lt3A_329 : vector<16xi32>
      %and3A_331 = arith.andi %ge3A_327, %lt3A_330 : vector<16xi1>
      %sub3A_332 = arith.constant 0 : i32
      %sub3A_333 = vector.broadcast %sub3A_332 : i32 to vector<16xi32>
      %sub3A_334 = arith.subi %get3A_324, %sub3A_333 : vector<16xi32>
      %jit3A_335 = arith.constant 2560 : i32
      %broadcast_in_dim3A_336 = vector.broadcast %jit3A_335 : i32 to vector<16xi32>
      %select_n3A_337 = arith.select %and3A_331, %sub3A_334, %broadcast_in_dim3A_336 : vector<16xi1>, vector<16xi32>
      %swap3A_338 = arith.index_cast %rem3A_280 : i32 to index
      %swap3A_339 = arith.constant 32 : index
      %swap3A_340 = tpu.vector_load %arg9[%swap3A_338, %swap3A_339] {strides = array<i32>} : memref<2x80xi32, #tpu.memory_space<vmem>>, vector<1x16xi32>,
      %swap3A_341 = vector.shape_cast %swap3A_340 : vector<1x16xi32> to vector<16xi32>
      %swap3A_342 = vector.shape_cast %select_n3A_337 : vector<16xi32> to vector<1x16xi32>
      tpu.vector_store %arg9[%swap3A_338, %swap3A_339], %swap3A_342 {strides = array<i32>} : memref<2x80xi32, #tpu.memory_space<vmem>>, vector<1x16xi32>,
      %get3A_343 = arith.index_cast %while3A_279 : i32 to index
      %get3A_344 = arith.constant 48 : index
      %get3A_345 = tpu.vector_load %arg8[%get3A_343, %get3A_344] {strides = array<i32>} : memref<125x80xi32, #tpu.memory_space<vmem>>, vector<1x16xi32>,
      %get3A_346 = vector.shape_cast %get3A_345 : vector<1x16xi32> to vector<16xi32>
      %ge3A_347 = arith.constant 0 : i32
      %ge3A_348 = vector.broadcast %ge3A_347 : i32 to vector<16xi32>
      %ge3A_349 = arith.cmpi sge, %get3A_346, %ge3A_348 : vector<16xi32>
      %lt3A_350 = arith.constant 2504 : i32
      %lt3A_351 = vector.broadcast %lt3A_350 : i32 to vector<16xi32>
      %lt3A_352 = arith.cmpi slt, %get3A_346, %lt3A_351 : vector<16xi32>
      %and3A_353 = arith.andi %ge3A_349, %lt3A_352 : vector<16xi1>
      %sub3A_354 = arith.constant 0 : i32
      %sub3A_355 = vector.broadcast %sub3A_354 : i32 to vector<16xi32>
      %sub3A_356 = arith.subi %get3A_346, %sub3A_355 : vector<16xi32>
      %jit3A_357 = arith.constant 2560 : i32
      %broadcast_in_dim3A_358 = vector.broadcast %jit3A_357 : i32 to vector<16xi32>
      %select_n3A_359 = arith.select %and3A_353, %sub3A_356, %broadcast_in_dim3A_358 : vector<16xi1>, vector<16xi32>
      %swap3A_360 = arith.index_cast %rem3A_280 : i32 to index
      %swap3A_361 = arith.constant 48 : index
      %swap3A_362 = tpu.vector_load %arg9[%swap3A_360, %swap3A_361] {strides = array<i32>} : memref<2x80xi32, #tpu.memory_space<vmem>>, vector<1x16xi32>,
      %swap3A_363 = vector.shape_cast %swap3A_362 : vector<1x16xi32> to vector<16xi32>
      %swap3A_364 = vector.shape_cast %select_n3A_359 : vector<16xi32> to vector<1x16xi32>
      tpu.vector_store %arg9[%swap3A_360, %swap3A_361], %swap3A_364 {strides = array<i32>} : memref<2x80xi32, #tpu.memory_space<vmem>>, vector<1x16xi32>,
      %get3A_365 = arith.index_cast %while3A_279 : i32 to index
      %get3A_366 = arith.constant 64 : index
      %get3A_367 = tpu.vector_load %arg8[%get3A_365, %get3A_366] {strides = array<i32>} : memref<125x80xi32, #tpu.memory_space<vmem>>, vector<1x16xi32>,
      %get3A_368 = vector.shape_cast %get3A_367 : vector<1x16xi32> to vector<16xi32>
      %ge3A_369 = arith.constant 0 : i32
      %ge3A_370 = vector.broadcast %ge3A_369 : i32 to vector<16xi32>
      %ge3A_371 = arith.cmpi sge, %get3A_368, %ge3A_370 : vector<16xi32>
      %lt3A_372 = arith.constant 2504 : i32
      %lt3A_373 = vector.broadcast %lt3A_372 : i32 to vector<16xi32>
      %lt3A_374 = arith.cmpi slt, %get3A_368, %lt3A_373 : vector<16xi32>
      %and3A_375 = arith.andi %ge3A_371, %lt3A_374 : vector<16xi1>
      %sub3A_376 = arith.constant 0 : i32
      %sub3A_377 = vector.broadcast %sub3A_376 : i32 to vector<16xi32>
      %sub3A_378 = arith.subi %get3A_368, %sub3A_377 : vector<16xi32>
      %jit3A_379 = arith.constant 2560 : i32
      %broadcast_in_dim3A_380 = vector.broadcast %jit3A_379 : i32 to vector<16xi32>
      %select_n3A_381 = arith.select %and3A_375, %sub3A_378, %broadcast_in_dim3A_380 : vector<16xi1>, vector<16xi32>
      %swap3A_382 = arith.index_cast %rem3A_280 : i32 to index
      %swap3A_383 = arith.constant 64 : index
      %swap3A_384 = tpu.vector_load %arg9[%swap3A_382, %swap3A_383] {strides = array<i32>} : memref<2x80xi32, #tpu.memory_space<vmem>>, vector<1x16xi32>,
      %swap3A_385 = vector.shape_cast %swap3A_384 : vector<1x16xi32> to vector<16xi32>
      %swap3A_386 = vector.shape_cast %select_n3A_381 : vector<16xi32> to vector<1x16xi32>
      tpu.vector_store %arg9[%swap3A_382, %swap3A_383], %swap3A_386 {strides = array<i32>} : memref<2x80xi32, #tpu.memory_space<vmem>>, vector<1x16xi32>,
      %gt3A_387 = arith.cmpi sgt, %while3A_279, %squeeze3A : i32
      %convert_element_type3A_388 = arith.extui %gt3A_387 : i1 to i32
      %cond3A_389 = arith.constant 0 : i32
      %cond3A_390 = arith.cmpi ne, %convert_element_type3A_388, %cond3A_389 : i32
      scf.if %cond3A_390 {
        %dma_wait3A_432 = arith.constant 0 : i32
        %dma_wait3A_433 = arith.constant 0 : i32
        %dma_wait3A_434 = tpu.memref_slice %arg10[%sub3A_282, %dma_wait3A_432, %dma_wait3A_433] : memref<2x80x128xf32, #tpu.memory_space<vmem>> -> memref<1x80x128xf32, #tpu.memory_space<vmem>>
        %dma_wait3A_435 = tpu.memref_squeeze %dma_wait3A_434 : memref<1x80x128xf32, #tpu.memory_space<vmem>> -> memref<80x128xf32, #tpu.memory_space<vmem>>
        %dma_wait3A_436 = arith.constant 0 : i32
        %dma_wait3A_437 = tpu.memref_slice %arg9[%sub3A_282, %dma_wait3A_436] : memref<2x80xi32, #tpu.memory_space<vmem>> -> memref<1x80xi32, #tpu.memory_space<vmem>>
        %dma_wait3A_438 = tpu.memref_squeeze %dma_wait3A_437 : memref<1x80xi32, #tpu.memory_space<vmem>> -> memref<80xi32, #tpu.memory_space<vmem>>
        %dma_wait3A_439 = arith.constant 0 : i32
        %dma_wait3A_440 = arith.constant 0 : i32
        %dma_wait3A_441 = tpu.memref_slice %arg16[%dma_wait3A_439, %dma_wait3A_440] : memref<2568x128xf32, #tpu.memory_space<vmem_shared>> -> memref<2568x128xf32, #tpu.memory_space<vmem_shared>>
        %dma_wait3A_442 = tpu.memref_slice %arg14[%sub3A_282] : memref<2x!tpu.dma_semaphore, #tpu.memory_space<semaphore_mem>> -> memref<1x!tpu.dma_semaphore, #tpu.memory_space<semaphore_mem>>
        %dma_wait3A_443 = tpu.memref_squeeze %dma_wait3A_442 : memref<1x!tpu.dma_semaphore, #tpu.memory_space<semaphore_mem>> -> memref<!tpu.dma_semaphore, #tpu.memory_space<semaphore_mem>>
        tpu.wait_indirect_dma semaphore(%dma_wait3A_443 : memref<!tpu.dma_semaphore, #tpu.memory_space<semaphore_mem>>) src(%dma_wait3A_435 : memref<80x128xf32, #tpu.memory_space<vmem>>) dst(%dma_wait3A_441 : memref<2568x128xf32, #tpu.memory_space<vmem_shared>>)
        %dma_wait3A_444 = arith.constant 0 : i32
        %dma_wait3A_445 = tpu.memref_slice %arg9[%sub3A_282, %dma_wait3A_444] : memref<2x80xi32, #tpu.memory_space<vmem>> -> memref<1x80xi32, #tpu.memory_space<vmem>>
        %dma_wait3A_446 = tpu.memref_squeeze %dma_wait3A_445 : memref<1x80xi32, #tpu.memory_space<vmem>> -> memref<80xi32, #tpu.memory_space<vmem>>
        %dma_wait3A_447 = arith.constant 0 : i32
        %dma_wait3A_448 = arith.constant 0 : i32
        %dma_wait3A_449 = tpu.memref_slice %arg17[%dma_wait3A_447, %dma_wait3A_448] : memref<2568x128xf32, #tpu.memory_space<vmem_shared>> -> memref<2568x128xf32, #tpu.memory_space<vmem_shared>>
        %dma_wait3A_450 = tpu.memref_slice %arg15[%sub3A_282] : memref<2x!tpu.dma_semaphore, #tpu.memory_space<semaphore_mem>> -> memref<1x!tpu.dma_semaphore, #tpu.memory_space<semaphore_mem>>
        %dma_wait3A_451 = tpu.memref_squeeze %dma_wait3A_450 : memref<1x!tpu.dma_semaphore, #tpu.memory_space<semaphore_mem>> -> memref<!tpu.dma_semaphore, #tpu.memory_space<semaphore_mem>>
        tpu.wait_indirect_dma semaphore(%dma_wait3A_451 : memref<!tpu.dma_semaphore, #tpu.memory_space<semaphore_mem>>) src(%arg11 : memref<80x128xf32, #tpu.memory_space<vmem>>) dst(%dma_wait3A_449 : memref<2568x128xf32, #tpu.memory_space<vmem_shared>>)
      } else {
      }
      %add3A_391 = arith.constant 1 : i32
      %add3A_392 = arith.addi %while3A_279, %add3A_391 : i32
      %lt3A_393 = arith.cmpi slt, %add3A_392, %squeeze3A_10 : i32
      %convert_element_type3A_394 = arith.extui %lt3A_393 : i1 to i32
      %cond3A_395 = arith.constant 0 : i32
      %cond3A_396 = arith.cmpi ne, %convert_element_type3A_394, %cond3A_395 : i32
      scf.if %cond3A_396 {
        %add3A_432 = arith.constant 1 : i32
        %add3A_433 = arith.addi %while3A_279, %add3A_432 : i32
        %mul3A_434 = arith.constant 80 : i32
        %mul3A_435 = arith.muli %add3A_433, %mul3A_434 : i32
        %add3A_436 = arith.addi %mul3A_0, %mul3A_435 : i32
        %mul3A_437 = arith.constant 128 : i32
        %mul3A_438 = arith.muli %arg0, %mul3A_437 : i32
        %dma_start3A_439 = arith.constant 0 : i32
        %dma_start3A_440 = arith.constant 0 : i32
        %dma_start3A_441 = tpu.memref_slice %arg10[%sub3A_282, %dma_start3A_439, %dma_start3A_440] : memref<2x80x128xf32, #tpu.memory_space<vmem>> -> memref<1x80x128xf32, #tpu.memory_space<vmem>>
        %dma_start3A_442 = tpu.memref_squeeze %dma_start3A_441 : memref<1x80x128xf32, #tpu.memory_space<vmem>> -> memref<80x128xf32, #tpu.memory_space<vmem>>
        %dma_start3A_443 = tpu.memref_slice %arg2[%add3A_436, %mul3A_438] : memref<160000x256xf32, #tpu.memory_space<hbm>> -> memref<80x128xf32, #tpu.memory_space<hbm>>
        %dma_start3A_444 = tpu.memref_slice %arg13[%sub3A_282] : memref<2x!tpu.dma_semaphore, #tpu.memory_space<semaphore_mem>> -> memref<1x!tpu.dma_semaphore, #tpu.memory_space<semaphore_mem>>
        %dma_start3A_445 = tpu.memref_squeeze %dma_start3A_444 : memref<1x!tpu.dma_semaphore, #tpu.memory_space<semaphore_mem>> -> memref<!tpu.dma_semaphore, #tpu.memory_space<semaphore_mem>>
        %dma_start3A_446 = arith.constant 0 : i32
        %dma_start3A_447 = arith.constant 0 : i32
        %dma_start3A_448 = tpu.memref_slice %arg10[%sub3A_282, %dma_start3A_446, %dma_start3A_447] : memref<2x80x128xf32, #tpu.memory_space<vmem>> -> memref<1x80x128xf32, #tpu.memory_space<vmem>>
        %dma_start3A_449 = tpu.memref_squeeze %dma_start3A_448 : memref<1x80x128xf32, #tpu.memory_space<vmem>> -> memref<80x128xf32, #tpu.memory_space<vmem>>
        %dma_start3A_450 = tpu.memref_slice %arg2[%add3A_436, %mul3A_438] : memref<160000x256xf32, #tpu.memory_space<hbm>> -> memref<80x128xf32, #tpu.memory_space<hbm>>
        tpu.enqueue_dma source(%dma_start3A_450 : memref<80x128xf32, #tpu.memory_space<hbm>>) target(%dma_start3A_449 : memref<80x128xf32, #tpu.memory_space<vmem>>) target_semaphore(%dma_start3A_445 : memref<!tpu.dma_semaphore, #tpu.memory_space<semaphore_mem>>)
      } else {
      }
      %mul3A_397 = arith.constant 80 : i32
      %mul3A_398 = arith.muli %while3A_279, %mul3A_397 : i32
      %add3A_399 = arith.addi %mul3A_0, %mul3A_398 : i32
      %mul3A_400 = arith.constant 128 : i32
      %mul3A_401 = arith.muli %arg0, %mul3A_400 : i32
      %dma_wait3A = arith.constant 0 : i32
      %dma_wait3A_402 = arith.constant 0 : i32
      %dma_wait3A_403 = tpu.memref_slice %arg10[%rem3A_280, %dma_wait3A, %dma_wait3A_402] : memref<2x80x128xf32, #tpu.memory_space<vmem>> -> memref<1x80x128xf32, #tpu.memory_space<vmem>>
      %dma_wait3A_404 = tpu.memref_squeeze %dma_wait3A_403 : memref<1x80x128xf32, #tpu.memory_space<vmem>> -> memref<80x128xf32, #tpu.memory_space<vmem>>
      %dma_wait3A_405 = tpu.memref_slice %arg2[%add3A_399, %mul3A_401] : memref<160000x256xf32, #tpu.memory_space<hbm>> -> memref<80x128xf32, #tpu.memory_space<hbm>>
      %dma_wait3A_406 = tpu.memref_slice %arg13[%rem3A_280] : memref<2x!tpu.dma_semaphore, #tpu.memory_space<semaphore_mem>> -> memref<1x!tpu.dma_semaphore, #tpu.memory_space<semaphore_mem>>
      %dma_wait3A_407 = tpu.memref_squeeze %dma_wait3A_406 : memref<1x!tpu.dma_semaphore, #tpu.memory_space<semaphore_mem>> -> memref<!tpu.dma_semaphore, #tpu.memory_space<semaphore_mem>>
      %dma_wait3A_408 = arith.constant 0 : i32
      %dma_wait3A_409 = arith.constant 0 : i32
      %dma_wait3A_410 = tpu.memref_slice %arg10[%rem3A_280, %dma_wait3A_408, %dma_wait3A_409] : memref<2x80x128xf32, #tpu.memory_space<vmem>> -> memref<1x80x128xf32, #tpu.memory_space<vmem>>
      %dma_wait3A_411 = tpu.memref_squeeze %dma_wait3A_410 : memref<1x80x128xf32, #tpu.memory_space<vmem>> -> memref<80x128xf32, #tpu.memory_space<vmem>>
      %dma_wait3A_412 = tpu.memref_slice %arg2[%add3A_399, %mul3A_401] : memref<160000x256xf32, #tpu.memory_space<hbm>> -> memref<80x128xf32, #tpu.memory_space<hbm>>
      tpu.wait_dma2 semaphore(%dma_wait3A_407 : memref<!tpu.dma_semaphore, #tpu.memory_space<semaphore_mem>>) src(%dma_wait3A_412 : memref<80x128xf32, #tpu.memory_space<hbm>>) dst(%dma_wait3A_411 : memref<80x128xf32, #tpu.memory_space<vmem>>)
      %dma_start3A = arith.constant 0 : i32
      %dma_start3A_413 = arith.constant 0 : i32
      %dma_start3A_414 = tpu.memref_slice %arg10[%rem3A_280, %dma_start3A, %dma_start3A_413] : memref<2x80x128xf32, #tpu.memory_space<vmem>> -> memref<1x80x128xf32, #tpu.memory_space<vmem>>
      %dma_start3A_415 = tpu.memref_squeeze %dma_start3A_414 : memref<1x80x128xf32, #tpu.memory_space<vmem>> -> memref<80x128xf32, #tpu.memory_space<vmem>>
      %dma_start3A_416 = arith.constant 0 : i32
      %dma_start3A_417 = tpu.memref_slice %arg9[%rem3A_280, %dma_start3A_416] : memref<2x80xi32, #tpu.memory_space<vmem>> -> memref<1x80xi32, #tpu.memory_space<vmem>>
      %dma_start3A_418 = tpu.memref_squeeze %dma_start3A_417 : memref<1x80xi32, #tpu.memory_space<vmem>> -> memref<80xi32, #tpu.memory_space<vmem>>
      %dma_start3A_419 = arith.constant 0 : i32
      %dma_start3A_420 = arith.constant 0 : i32
      %dma_start3A_421 = tpu.memref_slice %arg16[%dma_start3A_419, %dma_start3A_420] : memref<2568x128xf32, #tpu.memory_space<vmem_shared>> -> memref<2568x128xf32, #tpu.memory_space<vmem_shared>>
      %dma_start3A_422 = tpu.memref_slice %arg14[%rem3A_280] : memref<2x!tpu.dma_semaphore, #tpu.memory_space<semaphore_mem>> -> memref<1x!tpu.dma_semaphore, #tpu.memory_space<semaphore_mem>>
      %dma_start3A_423 = tpu.memref_squeeze %dma_start3A_422 : memref<1x!tpu.dma_semaphore, #tpu.memory_space<semaphore_mem>> -> memref<!tpu.dma_semaphore, #tpu.memory_space<semaphore_mem>>
      tpu.enqueue_indirect_dma source(%dma_start3A_415 : memref<80x128xf32, #tpu.memory_space<vmem>>) target(%dma_start3A_421 : memref<2568x128xf32, #tpu.memory_space<vmem_shared>>) offsets(%dma_start3A_418 : memref<80xi32, #tpu.memory_space<vmem>>) semaphore(%dma_start3A_423 : memref<!tpu.dma_semaphore, #tpu.memory_space<semaphore_mem>>) {add = true}
      %dma_start3A_424 = arith.constant 0 : i32
      %dma_start3A_425 = tpu.memref_slice %arg9[%rem3A_280, %dma_start3A_424] : memref<2x80xi32, #tpu.memory_space<vmem>> -> memref<1x80xi32, #tpu.memory_space<vmem>>
      %dma_start3A_426 = tpu.memref_squeeze %dma_start3A_425 : memref<1x80xi32, #tpu.memory_space<vmem>> -> memref<80xi32, #tpu.memory_space<vmem>>
      %dma_start3A_427 = arith.constant 0 : i32
      %dma_start3A_428 = arith.constant 0 : i32
      %dma_start3A_429 = tpu.memref_slice %arg17[%dma_start3A_427, %dma_start3A_428] : memref<2568x128xf32, #tpu.memory_space<vmem_shared>> -> memref<2568x128xf32, #tpu.memory_space<vmem_shared>>
      %dma_start3A_430 = tpu.memref_slice %arg15[%rem3A_280] : memref<2x!tpu.dma_semaphore, #tpu.memory_space<semaphore_mem>> -> memref<1x!tpu.dma_semaphore, #tpu.memory_space<semaphore_mem>>
      %dma_start3A_431 = tpu.memref_squeeze %dma_start3A_430 : memref<1x!tpu.dma_semaphore, #tpu.memory_space<semaphore_mem>> -> memref<!tpu.dma_semaphore, #tpu.memory_space<semaphore_mem>>
      tpu.enqueue_indirect_dma source(%arg11 : memref<80x128xf32, #tpu.memory_space<vmem>>) target(%dma_start3A_429 : memref<2568x128xf32, #tpu.memory_space<vmem_shared>>) offsets(%dma_start3A_426 : memref<80xi32, #tpu.memory_space<vmem>>) semaphore(%dma_start3A_431 : memref<!tpu.dma_semaphore, #tpu.memory_space<semaphore_mem>>) {add = true}
    }
    %gt3A_22 = arith.cmpi sgt, %squeeze3A_10, %squeeze3A : i32
    %convert_element_type3A_23 = arith.extui %gt3A_22 : i1 to i32
    %cond3A_24 = arith.constant 0 : i32
    %cond3A_25 = arith.cmpi ne, %convert_element_type3A_23, %cond3A_24 : i32
    scf.if %cond3A_25 {
      %sub3A = arith.constant 1 : i32
      %sub3A_279 = arith.subi %squeeze3A_10, %sub3A : i32
      %sub3A_280 = arith.subi %sub3A_279, %squeeze3A : i32
      %rem3A = arith.constant 2 : i32
      %rem3A_281 = arith.remsi %sub3A_280, %rem3A : i32
      %dma_wait3A = arith.constant 0 : i32
      %dma_wait3A_282 = arith.constant 0 : i32
      %dma_wait3A_283 = tpu.memref_slice %arg10[%rem3A_281, %dma_wait3A, %dma_wait3A_282] : memref<2x80x128xf32, #tpu.memory_space<vmem>> -> memref<1x80x128xf32, #tpu.memory_space<vmem>>
      %dma_wait3A_284 = tpu.memref_squeeze %dma_wait3A_283 : memref<1x80x128xf32, #tpu.memory_space<vmem>> -> memref<80x128xf32, #tpu.memory_space<vmem>>
      %dma_wait3A_285 = arith.constant 0 : i32
      %dma_wait3A_286 = tpu.memref_slice %arg9[%rem3A_281, %dma_wait3A_285] : memref<2x80xi32, #tpu.memory_space<vmem>> -> memref<1x80xi32, #tpu.memory_space<vmem>>
      %dma_wait3A_287 = tpu.memref_squeeze %dma_wait3A_286 : memref<1x80xi32, #tpu.memory_space<vmem>> -> memref<80xi32, #tpu.memory_space<vmem>>
      %dma_wait3A_288 = arith.constant 0 : i32
      %dma_wait3A_289 = arith.constant 0 : i32
      %dma_wait3A_290 = tpu.memref_slice %arg16[%dma_wait3A_288, %dma_wait3A_289] : memref<2568x128xf32, #tpu.memory_space<vmem_shared>> -> memref<2568x128xf32, #tpu.memory_space<vmem_shared>>
      %dma_wait3A_291 = tpu.memref_slice %arg14[%rem3A_281] : memref<2x!tpu.dma_semaphore, #tpu.memory_space<semaphore_mem>> -> memref<1x!tpu.dma_semaphore, #tpu.memory_space<semaphore_mem>>
      %dma_wait3A_292 = tpu.memref_squeeze %dma_wait3A_291 : memref<1x!tpu.dma_semaphore, #tpu.memory_space<semaphore_mem>> -> memref<!tpu.dma_semaphore, #tpu.memory_space<semaphore_mem>>
      tpu.wait_indirect_dma semaphore(%dma_wait3A_292 : memref<!tpu.dma_semaphore, #tpu.memory_space<semaphore_mem>>) src(%dma_wait3A_284 : memref<80x128xf32, #tpu.memory_space<vmem>>) dst(%dma_wait3A_290 : memref<2568x128xf32, #tpu.memory_space<vmem_shared>>)
      %dma_wait3A_293 = arith.constant 0 : i32
      %dma_wait3A_294 = tpu.memref_slice %arg9[%rem3A_281, %dma_wait3A_293] : memref<2x80xi32, #tpu.memory_space<vmem>> -> memref<1x80xi32, #tpu.memory_space<vmem>>
      %dma_wait3A_295 = tpu.memref_squeeze %dma_wait3A_294 : memref<1x80xi32, #tpu.memory_space<vmem>> -> memref<80xi32, #tpu.memory_space<vmem>>
      %dma_wait3A_296 = arith.constant 0 : i32
      %dma_wait3A_297 = arith.constant 0 : i32
      %dma_wait3A_298 = tpu.memref_slice %arg17[%dma_wait3A_296, %dma_wait3A_297] : memref<2568x128xf32, #tpu.memory_space<vmem_shared>> -> memref<2568x128xf32, #tpu.memory_space<vmem_shared>>
      %dma_wait3A_299 = tpu.memref_slice %arg15[%rem3A_281] : memref<2x!tpu.dma_semaphore, #tpu.memory_space<semaphore_mem>> -> memref<1x!tpu.dma_semaphore, #tpu.memory_space<semaphore_mem>>
      %dma_wait3A_300 = tpu.memref_squeeze %dma_wait3A_299 : memref<1x!tpu.dma_semaphore, #tpu.memory_space<semaphore_mem>> -> memref<!tpu.dma_semaphore, #tpu.memory_space<semaphore_mem>>
      tpu.wait_indirect_dma semaphore(%dma_wait3A_300 : memref<!tpu.dma_semaphore, #tpu.memory_space<semaphore_mem>>) src(%arg11 : memref<80x128xf32, #tpu.memory_space<vmem>>) dst(%dma_wait3A_298 : memref<2568x128xf32, #tpu.memory_space<vmem_shared>>)
    } else {
    }
    %barrier3A_26 = arith.constant 0 : index
    tpu.barrier barrier_id(%barrier3A_26)
    %mul3A_27 = arith.constant 160 : i32
    %mul3A_28 = arith.muli %arg1, %mul3A_27 : i32
    %add3A = arith.constant 0 : i32
    %add3A_29 = arith.addi %mul3A_28, %add3A : i32
    %run_scoped3A = arith.constant 0 : i32
    "tpu.region"() ({
      %run_scoped3A_279 = tpu.sem_alloc : memref<!tpu.dma_semaphore, #tpu.memory_space<semaphore_mem>>
      %dma_start3A = arith.constant 0 : i32
      %dma_start3A_280 = arith.constant 0 : i32
      %dma_start3A_281 = tpu.memref_slice %arg10[%run_scoped3A, %dma_start3A, %dma_start3A_280] : memref<2x80x128xf32, #tpu.memory_space<vmem>> -> memref<1x80x128xf32, #tpu.memory_space<vmem>>
      %dma_start3A_282 = tpu.memref_squeeze %dma_start3A_281 : memref<1x80x128xf32, #tpu.memory_space<vmem>> -> memref<80x128xf32, #tpu.memory_space<vmem>>
      %dma_start3A_283 = arith.constant 0 : i32
      %dma_start3A_284 = tpu.memref_slice %arg16[%add3A_29, %dma_start3A_283] : memref<2568x128xf32, #tpu.memory_space<vmem_shared>> -> memref<80x128xf32, #tpu.memory_space<vmem_shared>>
      %dma_start3A_285 = arith.constant 0 : i32
      %dma_start3A_286 = arith.constant 0 : i32
      %dma_start3A_287 = tpu.memref_slice %arg10[%run_scoped3A, %dma_start3A_285, %dma_start3A_286] : memref<2x80x128xf32, #tpu.memory_space<vmem>> -> memref<1x80x128xf32, #tpu.memory_space<vmem>>
      %dma_start3A_288 = tpu.memref_squeeze %dma_start3A_287 : memref<1x80x128xf32, #tpu.memory_space<vmem>> -> memref<80x128xf32, #tpu.memory_space<vmem>>
      %dma_start3A_289 = arith.constant 0 : i32
      %dma_start3A_290 = tpu.memref_slice %arg16[%add3A_29, %dma_start3A_289] : memref<2568x128xf32, #tpu.memory_space<vmem_shared>> -> memref<80x128xf32, #tpu.memory_space<vmem_shared>>
      tpu.enqueue_dma source(%dma_start3A_290 : memref<80x128xf32, #tpu.memory_space<vmem_shared>>) target(%dma_start3A_288 : memref<80x128xf32, #tpu.memory_space<vmem>>) target_semaphore(%run_scoped3A_279 : memref<!tpu.dma_semaphore, #tpu.memory_space<semaphore_mem>>)
      %dma_wait3A = arith.constant 0 : i32
      %dma_wait3A_291 = arith.constant 0 : i32
      %dma_wait3A_292 = tpu.memref_slice %arg10[%run_scoped3A, %dma_wait3A, %dma_wait3A_291] : memref<2x80x128xf32, #tpu.memory_space<vmem>> -> memref<1x80x128xf32, #tpu.memory_space<vmem>>
      %dma_wait3A_293 = tpu.memref_squeeze %dma_wait3A_292 : memref<1x80x128xf32, #tpu.memory_space<vmem>> -> memref<80x128xf32, #tpu.memory_space<vmem>>
      %dma_wait3A_294 = arith.constant 0 : i32
      %dma_wait3A_295 = tpu.memref_slice %arg16[%add3A_29, %dma_wait3A_294] : memref<2568x128xf32, #tpu.memory_space<vmem_shared>> -> memref<80x128xf32, #tpu.memory_space<vmem_shared>>
      %dma_wait3A_296 = arith.constant 0 : i32
      %dma_wait3A_297 = arith.constant 0 : i32
      %dma_wait3A_298 = tpu.memref_slice %arg10[%run_scoped3A, %dma_wait3A_296, %dma_wait3A_297] : memref<2x80x128xf32, #tpu.memory_space<vmem>> -> memref<1x80x128xf32, #tpu.memory_space<vmem>>
      %dma_wait3A_299 = tpu.memref_squeeze %dma_wait3A_298 : memref<1x80x128xf32, #tpu.memory_space<vmem>> -> memref<80x128xf32, #tpu.memory_space<vmem>>
      %dma_wait3A_300 = arith.constant 0 : i32
      %dma_wait3A_301 = tpu.memref_slice %arg16[%add3A_29, %dma_wait3A_300] : memref<2568x128xf32, #tpu.memory_space<vmem_shared>> -> memref<80x128xf32, #tpu.memory_space<vmem_shared>>
      tpu.wait_dma2 semaphore(%run_scoped3A_279 : memref<!tpu.dma_semaphore, #tpu.memory_space<semaphore_mem>>) src(%dma_wait3A_301 : memref<80x128xf32, #tpu.memory_space<vmem_shared>>) dst(%dma_wait3A_299 : memref<80x128xf32, #tpu.memory_space<vmem>>)
      tpu.yield
    }) : () -> ()
    %run_scoped3A_30 = arith.constant 1 : i32
    "tpu.region"() ({
      %run_scoped3A_279 = tpu.sem_alloc : memref<!tpu.dma_semaphore, #tpu.memory_space<semaphore_mem>>
      %dma_start3A = arith.constant 0 : i32
      %dma_start3A_280 = arith.constant 0 : i32
      %dma_start3A_281 = tpu.memref_slice %arg10[%run_scoped3A_30, %dma_start3A, %dma_start3A_280] : memref<2x80x128xf32, #tpu.memory_space<vmem>> -> memref<1x80x128xf32, #tpu.memory_space<vmem>>
      %dma_start3A_282 = tpu.memref_squeeze %dma_start3A_281 : memref<1x80x128xf32, #tpu.memory_space<vmem>> -> memref<80x128xf32, #tpu.memory_space<vmem>>
      %dma_start3A_283 = arith.constant 0 : i32
      %dma_start3A_284 = tpu.memref_slice %arg17[%add3A_29, %dma_start3A_283] : memref<2568x128xf32, #tpu.memory_space<vmem_shared>> -> memref<80x128xf32, #tpu.memory_space<vmem_shared>>
      %dma_start3A_285 = arith.constant 0 : i32
      %dma_start3A_286 = arith.constant 0 : i32
      %dma_start3A_287 = tpu.memref_slice %arg10[%run_scoped3A_30, %dma_start3A_285, %dma_start3A_286] : memref<2x80x128xf32, #tpu.memory_space<vmem>> -> memref<1x80x128xf32, #tpu.memory_space<vmem>>
      %dma_start3A_288 = tpu.memref_squeeze %dma_start3A_287 : memref<1x80x128xf32, #tpu.memory_space<vmem>> -> memref<80x128xf32, #tpu.memory_space<vmem>>
      %dma_start3A_289 = arith.constant 0 : i32
      %dma_start3A_290 = tpu.memref_slice %arg17[%add3A_29, %dma_start3A_289] : memref<2568x128xf32, #tpu.memory_space<vmem_shared>> -> memref<80x128xf32, #tpu.memory_space<vmem_shared>>
      tpu.enqueue_dma source(%dma_start3A_290 : memref<80x128xf32, #tpu.memory_space<vmem_shared>>) target(%dma_start3A_288 : memref<80x128xf32, #tpu.memory_space<vmem>>) target_semaphore(%run_scoped3A_279 : memref<!tpu.dma_semaphore, #tpu.memory_space<semaphore_mem>>)
      %dma_wait3A = arith.constant 0 : i32
      %dma_wait3A_291 = arith.constant 0 : i32
      %dma_wait3A_292 = tpu.memref_slice %arg10[%run_scoped3A_30, %dma_wait3A, %dma_wait3A_291] : memref<2x80x128xf32, #tpu.memory_space<vmem>> -> memref<1x80x128xf32, #tpu.memory_space<vmem>>
      %dma_wait3A_293 = tpu.memref_squeeze %dma_wait3A_292 : memref<1x80x128xf32, #tpu.memory_space<vmem>> -> memref<80x128xf32, #tpu.memory_space<vmem>>
      %dma_wait3A_294 = arith.constant 0 : i32
      %dma_wait3A_295 = tpu.memref_slice %arg17[%add3A_29, %dma_wait3A_294] : memref<2568x128xf32, #tpu.memory_space<vmem_shared>> -> memref<80x128xf32, #tpu.memory_space<vmem_shared>>
      %dma_wait3A_296 = arith.constant 0 : i32
      %dma_wait3A_297 = arith.constant 0 : i32
      %dma_wait3A_298 = tpu.memref_slice %arg10[%run_scoped3A_30, %dma_wait3A_296, %dma_wait3A_297] : memref<2x80x128xf32, #tpu.memory_space<vmem>> -> memref<1x80x128xf32, #tpu.memory_space<vmem>>
      %dma_wait3A_299 = tpu.memref_squeeze %dma_wait3A_298 : memref<1x80x128xf32, #tpu.memory_space<vmem>> -> memref<80x128xf32, #tpu.memory_space<vmem>>
      %dma_wait3A_300 = arith.constant 0 : i32
      %dma_wait3A_301 = tpu.memref_slice %arg17[%add3A_29, %dma_wait3A_300] : memref<2568x128xf32, #tpu.memory_space<vmem_shared>> -> memref<80x128xf32, #tpu.memory_space<vmem_shared>>
      tpu.wait_dma2 semaphore(%run_scoped3A_279 : memref<!tpu.dma_semaphore, #tpu.memory_space<semaphore_mem>>) src(%dma_wait3A_301 : memref<80x128xf32, #tpu.memory_space<vmem_shared>>) dst(%dma_wait3A_299 : memref<80x128xf32, #tpu.memory_space<vmem>>)
      tpu.yield
    }) : () -> ()
    %scan3A = arith.constant 0 : i32
    %scan3A_31 = arith.constant 0 : i32
    %scan3A_32 = arith.constant 80 : i32
    %scan3A_33 = arith.addi %scan3A_31, %scan3A_32 : i32
    %scan3A_34 = arith.constant 1 : i32
    scf.for %scan3A_279 = %scan3A_31 to %scan3A_33 step %scan3A_34  : i32 {
      %get3A_280 = arith.constant 1 : i32
      %get3A_281 = arith.index_cast %get3A_280 : i32 to index
      %get3A_282 = arith.index_cast %scan3A_279 : i32 to index
      %get3A_283 = arith.constant 0 : index
      %get3A_284 = tpu.vector_load %arg10[%get3A_281, %get3A_282, %get3A_283] {strides = array<i32>} : memref<2x80x128xf32, #tpu.memory_space<vmem>>, vector<1x1x16xf32>,
      %get3A_285 = vector.shape_cast %get3A_284 : vector<1x1x16xf32> to vector<16xf32>
      %max3A = arith.constant 1.000000e+00 : f32
      %max3A_286 = vector.broadcast %max3A : f32 to vector<16xf32>
      %max3A_287 = arith.maximumf %get3A_285, %max3A_286 : vector<16xf32>
      %div3A = arith.constant 1.000000e+00 : f32
      %div3A_288 = vector.broadcast %div3A : f32 to vector<16xf32>
      %div3A_289 = arith.divf %div3A_288, %max3A_287 : vector<16xf32>
      %get3A_290 = arith.constant 0 : i32
      %get3A_291 = arith.index_cast %get3A_290 : i32 to index
      %get3A_292 = arith.index_cast %scan3A_279 : i32 to index
      %get3A_293 = arith.constant 0 : index
      %get3A_294 = tpu.vector_load %arg10[%get3A_291, %get3A_292, %get3A_293] {strides = array<i32>} : memref<2x80x128xf32, #tpu.memory_space<vmem>>, vector<1x1x16xf32>,
      %get3A_295 = vector.shape_cast %get3A_294 : vector<1x1x16xf32> to vector<16xf32>
      %mul3A_296 = arith.mulf %get3A_295, %div3A_289 : vector<16xf32>
      %swap3A = arith.constant 0 : i32
      %swap3A_297 = arith.index_cast %swap3A : i32 to index
      %swap3A_298 = arith.index_cast %scan3A_279 : i32 to index
      %swap3A_299 = arith.constant 0 : index
      %swap3A_300 = tpu.vector_load %arg10[%swap3A_297, %swap3A_298, %swap3A_299] {strides = array<i32>} : memref<2x80x128xf32, #tpu.memory_space<vmem>>, vector<1x1x16xf32>,
      %swap3A_301 = vector.shape_cast %swap3A_300 : vector<1x1x16xf32> to vector<16xf32>
      %swap3A_302 = vector.shape_cast %mul3A_296 : vector<16xf32> to vector<1x1x16xf32>
      tpu.vector_store %arg10[%swap3A_297, %swap3A_298, %swap3A_299], %swap3A_302 {strides = array<i32>} : memref<2x80x128xf32, #tpu.memory_space<vmem>>, vector<1x1x16xf32>,
      %get3A_303 = arith.constant 0 : i32
      %get3A_304 = arith.index_cast %get3A_303 : i32 to index
      %get3A_305 = arith.index_cast %scan3A_279 : i32 to index
      %get3A_306 = arith.constant 16 : index
      %get3A_307 = tpu.vector_load %arg10[%get3A_304, %get3A_305, %get3A_306] {strides = array<i32>} : memref<2x80x128xf32, #tpu.memory_space<vmem>>, vector<1x1x16xf32>,
      %get3A_308 = vector.shape_cast %get3A_307 : vector<1x1x16xf32> to vector<16xf32>
      %mul3A_309 = arith.mulf %get3A_308, %div3A_289 : vector<16xf32>
      %swap3A_310 = arith.constant 0 : i32
      %swap3A_311 = arith.index_cast %swap3A_310 : i32 to index
      %swap3A_312 = arith.index_cast %scan3A_279 : i32 to index
      %swap3A_313 = arith.constant 16 : index
      %swap3A_314 = tpu.vector_load %arg10[%swap3A_311, %swap3A_312, %swap3A_313] {strides = array<i32>} : memref<2x80x128xf32, #tpu.memory_space<vmem>>, vector<1x1x16xf32>,
      %swap3A_315 = vector.shape_cast %swap3A_314 : vector<1x1x16xf32> to vector<16xf32>
      %swap3A_316 = vector.shape_cast %mul3A_309 : vector<16xf32> to vector<1x1x16xf32>
      tpu.vector_store %arg10[%swap3A_311, %swap3A_312, %swap3A_313], %swap3A_316 {strides = array<i32>} : memref<2x80x128xf32, #tpu.memory_space<vmem>>, vector<1x1x16xf32>,
      %get3A_317 = arith.constant 0 : i32
      %get3A_318 = arith.index_cast %get3A_317 : i32 to index
      %get3A_319 = arith.index_cast %scan3A_279 : i32 to index
      %get3A_320 = arith.constant 32 : index
      %get3A_321 = tpu.vector_load %arg10[%get3A_318, %get3A_319, %get3A_320] {strides = array<i32>} : memref<2x80x128xf32, #tpu.memory_space<vmem>>, vector<1x1x16xf32>,
      %get3A_322 = vector.shape_cast %get3A_321 : vector<1x1x16xf32> to vector<16xf32>
      %mul3A_323 = arith.mulf %get3A_322, %div3A_289 : vector<16xf32>
      %swap3A_324 = arith.constant 0 : i32
      %swap3A_325 = arith.index_cast %swap3A_324 : i32 to index
      %swap3A_326 = arith.index_cast %scan3A_279 : i32 to index
      %swap3A_327 = arith.constant 32 : index
      %swap3A_328 = tpu.vector_load %arg10[%swap3A_325, %swap3A_326, %swap3A_327] {strides = array<i32>} : memref<2x80x128xf32, #tpu.memory_space<vmem>>, vector<1x1x16xf32>,
      %swap3A_329 = vector.shape_cast %swap3A_328 : vector<1x1x16xf32> to vector<16xf32>
      %swap3A_330 = vector.shape_cast %mul3A_323 : vector<16xf32> to vector<1x1x16xf32>
      tpu.vector_store %arg10[%swap3A_325, %swap3A_326, %swap3A_327], %swap3A_330 {strides = array<i32>} : memref<2x80x128xf32, #tpu.memory_space<vmem>>, vector<1x1x16xf32>,
      %get3A_331 = arith.constant 0 : i32
      %get3A_332 = arith.index_cast %get3A_331 : i32 to index
      %get3A_333 = arith.index_cast %scan3A_279 : i32 to index
      %get3A_334 = arith.constant 48 : index
      %get3A_335 = tpu.vector_load %arg10[%get3A_332, %get3A_333, %get3A_334] {strides = array<i32>} : memref<2x80x128xf32, #tpu.memory_space<vmem>>, vector<1x1x16xf32>,
      %get3A_336 = vector.shape_cast %get3A_335 : vector<1x1x16xf32> to vector<16xf32>
      %mul3A_337 = arith.mulf %get3A_336, %div3A_289 : vector<16xf32>
      %swap3A_338 = arith.constant 0 : i32
      %swap3A_339 = arith.index_cast %swap3A_338 : i32 to index
      %swap3A_340 = arith.index_cast %scan3A_279 : i32 to index
      %swap3A_341 = arith.constant 48 : index
      %swap3A_342 = tpu.vector_load %arg10[%swap3A_339, %swap3A_340, %swap3A_341] {strides = array<i32>} : memref<2x80x128xf32, #tpu.memory_space<vmem>>, vector<1x1x16xf32>,
      %swap3A_343 = vector.shape_cast %swap3A_342 : vector<1x1x16xf32> to vector<16xf32>
      %swap3A_344 = vector.shape_cast %mul3A_337 : vector<16xf32> to vector<1x1x16xf32>
      tpu.vector_store %arg10[%swap3A_339, %swap3A_340, %swap3A_341], %swap3A_344 {strides = array<i32>} : memref<2x80x128xf32, #tpu.memory_space<vmem>>, vector<1x1x16xf32>,
      %get3A_345 = arith.constant 0 : i32
      %get3A_346 = arith.index_cast %get3A_345 : i32 to index
      %get3A_347 = arith.index_cast %scan3A_279 : i32 to index
      %get3A_348 = arith.constant 64 : index
      %get3A_349 = tpu.vector_load %arg10[%get3A_346, %get3A_347, %get3A_348] {strides = array<i32>} : memref<2x80x128xf32, #tpu.memory_space<vmem>>, vector<1x1x16xf32>,
      %get3A_350 = vector.shape_cast %get3A_349 : vector<1x1x16xf32> to vector<16xf32>
      %mul3A_351 = arith.mulf %get3A_350, %div3A_289 : vector<16xf32>
      %swap3A_352 = arith.constant 0 : i32
      %swap3A_353 = arith.index_cast %swap3A_352 : i32 to index
      %swap3A_354 = arith.index_cast %scan3A_279 : i32 to index
      %swap3A_355 = arith.constant 64 : index
      %swap3A_356 = tpu.vector_load %arg10[%swap3A_353, %swap3A_354, %swap3A_355] {strides = array<i32>} : memref<2x80x128xf32, #tpu.memory_space<vmem>>, vector<1x1x16xf32>,
      %swap3A_357 = vector.shape_cast %swap3A_356 : vector<1x1x16xf32> to vector<16xf32>
      %swap3A_358 = vector.shape_cast %mul3A_351 : vector<16xf32> to vector<1x1x16xf32>
      tpu.vector_store %arg10[%swap3A_353, %swap3A_354, %swap3A_355], %swap3A_358 {strides = array<i32>} : memref<2x80x128xf32, #tpu.memory_space<vmem>>, vector<1x1x16xf32>,
      %get3A_359 = arith.constant 0 : i32
      %get3A_360 = arith.index_cast %get3A_359 : i32 to index
      %get3A_361 = arith.index_cast %scan3A_279 : i32 to index
      %get3A_362 = arith.constant 80 : index
      %get3A_363 = tpu.vector_load %arg10[%get3A_360, %get3A_361, %get3A_362] {strides = array<i32>} : memref<2x80x128xf32, #tpu.memory_space<vmem>>, vector<1x1x16xf32>,
      %get3A_364 = vector.shape_cast %get3A_363 : vector<1x1x16xf32> to vector<16xf32>
      %mul3A_365 = arith.mulf %get3A_364, %div3A_289 : vector<16xf32>
      %swap3A_366 = arith.constant 0 : i32
      %swap3A_367 = arith.index_cast %swap3A_366 : i32 to index
      %swap3A_368 = arith.index_cast %scan3A_279 : i32 to index
      %swap3A_369 = arith.constant 80 : index
      %swap3A_370 = tpu.vector_load %arg10[%swap3A_367, %swap3A_368, %swap3A_369] {strides = array<i32>} : memref<2x80x128xf32, #tpu.memory_space<vmem>>, vector<1x1x16xf32>,
      %swap3A_371 = vector.shape_cast %swap3A_370 : vector<1x1x16xf32> to vector<16xf32>
      %swap3A_372 = vector.shape_cast %mul3A_365 : vector<16xf32> to vector<1x1x16xf32>
      tpu.vector_store %arg10[%swap3A_367, %swap3A_368, %swap3A_369], %swap3A_372 {strides = array<i32>} : memref<2x80x128xf32, #tpu.memory_space<vmem>>, vector<1x1x16xf32>,
      %get3A_373 = arith.constant 0 : i32
      %get3A_374 = arith.index_cast %get3A_373 : i32 to index
      %get3A_375 = arith.index_cast %scan3A_279 : i32 to index
      %get3A_376 = arith.constant 96 : index
      %get3A_377 = tpu.vector_load %arg10[%get3A_374, %get3A_375, %get3A_376] {strides = array<i32>} : memref<2x80x128xf32, #tpu.memory_space<vmem>>, vector<1x1x16xf32>,
      %get3A_378 = vector.shape_cast %get3A_377 : vector<1x1x16xf32> to vector<16xf32>
      %mul3A_379 = arith.mulf %get3A_378, %div3A_289 : vector<16xf32>
      %swap3A_380 = arith.constant 0 : i32
      %swap3A_381 = arith.index_cast %swap3A_380 : i32 to index
      %swap3A_382 = arith.index_cast %scan3A_279 : i32 to index
      %swap3A_383 = arith.constant 96 : index
      %swap3A_384 = tpu.vector_load %arg10[%swap3A_381, %swap3A_382, %swap3A_383] {strides = array<i32>} : memref<2x80x128xf32, #tpu.memory_space<vmem>>, vector<1x1x16xf32>,
      %swap3A_385 = vector.shape_cast %swap3A_384 : vector<1x1x16xf32> to vector<16xf32>
      %swap3A_386 = vector.shape_cast %mul3A_379 : vector<16xf32> to vector<1x1x16xf32>
      tpu.vector_store %arg10[%swap3A_381, %swap3A_382, %swap3A_383], %swap3A_386 {strides = array<i32>} : memref<2x80x128xf32, #tpu.memory_space<vmem>>, vector<1x1x16xf32>,
      %get3A_387 = arith.constant 0 : i32
      %get3A_388 = arith.index_cast %get3A_387 : i32 to index
      %get3A_389 = arith.index_cast %scan3A_279 : i32 to index
      %get3A_390 = arith.constant 112 : index
      %get3A_391 = tpu.vector_load %arg10[%get3A_388, %get3A_389, %get3A_390] {strides = array<i32>} : memref<2x80x128xf32, #tpu.memory_space<vmem>>, vector<1x1x16xf32>,
      %get3A_392 = vector.shape_cast %get3A_391 : vector<1x1x16xf32> to vector<16xf32>
      %mul3A_393 = arith.mulf %get3A_392, %div3A_289 : vector<16xf32>
      %swap3A_394 = arith.constant 0 : i32
      %swap3A_395 = arith.index_cast %swap3A_394 : i32 to index
      %swap3A_396 = arith.index_cast %scan3A_279 : i32 to index
      %swap3A_397 = arith.constant 112 : index
      %swap3A_398 = tpu.vector_load %arg10[%swap3A_395, %swap3A_396, %swap3A_397] {strides = array<i32>} : memref<2x80x128xf32, #tpu.memory_space<vmem>>, vector<1x1x16xf32>,
      %swap3A_399 = vector.shape_cast %swap3A_398 : vector<1x1x16xf32> to vector<16xf32>
      %swap3A_400 = vector.shape_cast %mul3A_393 : vector<16xf32> to vector<1x1x16xf32>
      tpu.vector_store %arg10[%swap3A_395, %swap3A_396, %swap3A_397], %swap3A_400 {strides = array<i32>} : memref<2x80x128xf32, #tpu.memory_space<vmem>>, vector<1x1x16xf32>,
    }
    %scan3A_35 = arith.constant 80 : i32
    %add3A_36 = arith.constant 0 : i32
    %add3A_37 = arith.addi %add3A_36, %add3A_29 : i32
    %mul3A_38 = arith.constant 128 : i32
    %mul3A_39 = arith.muli %arg0, %mul3A_38 : i32
    %run_scoped3A_40 = arith.constant 0 : i32
    "tpu.region"() ({
      %run_scoped3A_279 = tpu.sem_alloc : memref<!tpu.dma_semaphore, #tpu.memory_space<semaphore_mem>>
      %dma_start3A = arith.constant 0 : i32
      %dma_start3A_280 = arith.constant 0 : i32
      %dma_start3A_281 = tpu.memref_slice %arg10[%run_scoped3A_40, %dma_start3A, %dma_start3A_280] : memref<2x80x128xf32, #tpu.memory_space<vmem>> -> memref<1x80x128xf32, #tpu.memory_space<vmem>>
      %dma_start3A_282 = tpu.memref_squeeze %dma_start3A_281 : memref<1x80x128xf32, #tpu.memory_space<vmem>> -> memref<80x128xf32, #tpu.memory_space<vmem>>
      %dma_start3A_283 = tpu.memref_slice %arg7[%add3A_37, %mul3A_39] : memref<10000x256xf32, #tpu.memory_space<hbm>> -> memref<80x128xf32, #tpu.memory_space<hbm>>
      %dma_start3A_284 = tpu.memref_slice %arg7[%add3A_37, %mul3A_39] : memref<10000x256xf32, #tpu.memory_space<hbm>> -> memref<80x128xf32, #tpu.memory_space<hbm>>
      %dma_start3A_285 = arith.constant 0 : i32
      %dma_start3A_286 = arith.constant 0 : i32
      %dma_start3A_287 = tpu.memref_slice %arg10[%run_scoped3A_40, %dma_start3A_285, %dma_start3A_286] : memref<2x80x128xf32, #tpu.memory_space<vmem>> -> memref<1x80x128xf32, #tpu.memory_space<vmem>>
      %dma_start3A_288 = tpu.memref_squeeze %dma_start3A_287 : memref<1x80x128xf32, #tpu.memory_space<vmem>> -> memref<80x128xf32, #tpu.memory_space<vmem>>
      tpu.enqueue_dma source(%dma_start3A_288 : memref<80x128xf32, #tpu.memory_space<vmem>>) target(%dma_start3A_284 : memref<80x128xf32, #tpu.memory_space<hbm>>) target_semaphore(%run_scoped3A_279 : memref<!tpu.dma_semaphore, #tpu.memory_space<semaphore_mem>>)
      %dma_wait3A = arith.constant 0 : i32
      %dma_wait3A_289 = arith.constant 0 : i32
      %dma_wait3A_290 = tpu.memref_slice %arg10[%run_scoped3A_40, %dma_wait3A, %dma_wait3A_289] : memref<2x80x128xf32, #tpu.memory_space<vmem>> -> memref<1x80x128xf32, #tpu.memory_space<vmem>>
      %dma_wait3A_291 = tpu.memref_squeeze %dma_wait3A_290 : memref<1x80x128xf32, #tpu.memory_space<vmem>> -> memref<80x128xf32, #tpu.memory_space<vmem>>
      %dma_wait3A_292 = tpu.memref_slice %arg7[%add3A_37, %mul3A_39] : memref<10000x256xf32, #tpu.memory_space<hbm>> -> memref<80x128xf32, #tpu.memory_space<hbm>>
      %dma_wait3A_293 = tpu.memref_slice %arg7[%add3A_37, %mul3A_39] : memref<10000x256xf32, #tpu.memory_space<hbm>> -> memref<80x128xf32, #tpu.memory_space<hbm>>
      %dma_wait3A_294 = arith.constant 0 : i32
      %dma_wait3A_295 = arith.constant 0 : i32
      %dma_wait3A_296 = tpu.memref_slice %arg10[%run_scoped3A_40, %dma_wait3A_294, %dma_wait3A_295] : memref<2x80x128xf32, #tpu.memory_space<vmem>> -> memref<1x80x128xf32, #tpu.memory_space<vmem>>
      %dma_wait3A_297 = tpu.memref_squeeze %dma_wait3A_296 : memref<1x80x128xf32, #tpu.memory_space<vmem>> -> memref<80x128xf32, #tpu.memory_space<vmem>>
      tpu.wait_dma2 semaphore(%run_scoped3A_279 : memref<!tpu.dma_semaphore, #tpu.memory_space<semaphore_mem>>) src(%dma_wait3A_297 : memref<80x128xf32, #tpu.memory_space<vmem>>) dst(%dma_wait3A_293 : memref<80x128xf32, #tpu.memory_space<hbm>>)
      tpu.yield
    }) : () -> ()
    %add3A_41 = arith.constant 80 : i32
    %add3A_42 = arith.addi %mul3A_28, %add3A_41 : i32
    %run_scoped3A_43 = arith.constant 0 : i32
    "tpu.region"() ({
      %run_scoped3A_279 = tpu.sem_alloc : memref<!tpu.dma_semaphore, #tpu.memory_space<semaphore_mem>>
      %dma_start3A = arith.constant 0 : i32
      %dma_start3A_280 = arith.constant 0 : i32
      %dma_start3A_281 = tpu.memref_slice %arg10[%run_scoped3A_43, %dma_start3A, %dma_start3A_280] : memref<2x80x128xf32, #tpu.memory_space<vmem>> -> memref<1x80x128xf32, #tpu.memory_space<vmem>>
      %dma_start3A_282 = tpu.memref_squeeze %dma_start3A_281 : memref<1x80x128xf32, #tpu.memory_space<vmem>> -> memref<80x128xf32, #tpu.memory_space<vmem>>
      %dma_start3A_283 = arith.constant 0 : i32
      %dma_start3A_284 = tpu.memref_slice %arg16[%add3A_42, %dma_start3A_283] : memref<2568x128xf32, #tpu.memory_space<vmem_shared>> -> memref<80x128xf32, #tpu.memory_space<vmem_shared>>
      %dma_start3A_285 = arith.constant 0 : i32
      %dma_start3A_286 = arith.constant 0 : i32
      %dma_start3A_287 = tpu.memref_slice %arg10[%run_scoped3A_43, %dma_start3A_285, %dma_start3A_286] : memref<2x80x128xf32, #tpu.memory_space<vmem>> -> memref<1x80x128xf32, #tpu.memory_space<vmem>>
      %dma_start3A_288 = tpu.memref_squeeze %dma_start3A_287 : memref<1x80x128xf32, #tpu.memory_space<vmem>> -> memref<80x128xf32, #tpu.memory_space<vmem>>
      %dma_start3A_289 = arith.constant 0 : i32
      %dma_start3A_290 = tpu.memref_slice %arg16[%add3A_42, %dma_start3A_289] : memref<2568x128xf32, #tpu.memory_space<vmem_shared>> -> memref<80x128xf32, #tpu.memory_space<vmem_shared>>
      tpu.enqueue_dma source(%dma_start3A_290 : memref<80x128xf32, #tpu.memory_space<vmem_shared>>) target(%dma_start3A_288 : memref<80x128xf32, #tpu.memory_space<vmem>>) target_semaphore(%run_scoped3A_279 : memref<!tpu.dma_semaphore, #tpu.memory_space<semaphore_mem>>)
      %dma_wait3A = arith.constant 0 : i32
      %dma_wait3A_291 = arith.constant 0 : i32
      %dma_wait3A_292 = tpu.memref_slice %arg10[%run_scoped3A_43, %dma_wait3A, %dma_wait3A_291] : memref<2x80x128xf32, #tpu.memory_space<vmem>> -> memref<1x80x128xf32, #tpu.memory_space<vmem>>
      %dma_wait3A_293 = tpu.memref_squeeze %dma_wait3A_292 : memref<1x80x128xf32, #tpu.memory_space<vmem>> -> memref<80x128xf32, #tpu.memory_space<vmem>>
      %dma_wait3A_294 = arith.constant 0 : i32
      %dma_wait3A_295 = tpu.memref_slice %arg16[%add3A_42, %dma_wait3A_294] : memref<2568x128xf32, #tpu.memory_space<vmem_shared>> -> memref<80x128xf32, #tpu.memory_space<vmem_shared>>
      %dma_wait3A_296 = arith.constant 0 : i32
      %dma_wait3A_297 = arith.constant 0 : i32
      %dma_wait3A_298 = tpu.memref_slice %arg10[%run_scoped3A_43, %dma_wait3A_296, %dma_wait3A_297] : memref<2x80x128xf32, #tpu.memory_space<vmem>> -> memref<1x80x128xf32, #tpu.memory_space<vmem>>
      %dma_wait3A_299 = tpu.memref_squeeze %dma_wait3A_298 : memref<1x80x128xf32, #tpu.memory_space<vmem>> -> memref<80x128xf32, #tpu.memory_space<vmem>>
      %dma_wait3A_300 = arith.constant 0 : i32
      %dma_wait3A_301 = tpu.memref_slice %arg16[%add3A_42, %dma_wait3A_300] : memref<2568x128xf32, #tpu.memory_space<vmem_shared>> -> memref<80x128xf32, #tpu.memory_space<vmem_shared>>
      tpu.wait_dma2 semaphore(%run_scoped3A_279 : memref<!tpu.dma_semaphore, #tpu.memory_space<semaphore_mem>>) src(%dma_wait3A_301 : memref<80x128xf32, #tpu.memory_space<vmem_shared>>) dst(%dma_wait3A_299 : memref<80x128xf32, #tpu.memory_space<vmem>>)
      tpu.yield
    }) : () -> ()
    %run_scoped3A_44 = arith.constant 1 : i32
    "tpu.region"() ({
      %run_scoped3A_279 = tpu.sem_alloc : memref<!tpu.dma_semaphore, #tpu.memory_space<semaphore_mem>>
      %dma_start3A = arith.constant 0 : i32
      %dma_start3A_280 = arith.constant 0 : i32
      %dma_start3A_281 = tpu.memref_slice %arg10[%run_scoped3A_44, %dma_start3A, %dma_start3A_280] : memref<2x80x128xf32, #tpu.memory_space<vmem>> -> memref<1x80x128xf32, #tpu.memory_space<vmem>>
      %dma_start3A_282 = tpu.memref_squeeze %dma_start3A_281 : memref<1x80x128xf32, #tpu.memory_space<vmem>> -> memref<80x128xf32, #tpu.memory_space<vmem>>
      %dma_start3A_283 = arith.constant 0 : i32
      %dma_start3A_284 = tpu.memref_slice %arg17[%add3A_42, %dma_start3A_283] : memref<2568x128xf32, #tpu.memory_space<vmem_shared>> -> memref<80x128xf32, #tpu.memory_space<vmem_shared>>
      %dma_start3A_285 = arith.constant 0 : i32
      %dma_start3A_286 = arith.constant 0 : i32
      %dma_start3A_287 = tpu.memref_slice %arg10[%run_scoped3A_44, %dma_start3A_285, %dma_start3A_286] : memref<2x80x128xf32, #tpu.memory_space<vmem>> -> memref<1x80x128xf32, #tpu.memory_space<vmem>>
      %dma_start3A_288 = tpu.memref_squeeze %dma_start3A_287 : memref<1x80x128xf32, #tpu.memory_space<vmem>> -> memref<80x128xf32, #tpu.memory_space<vmem>>
      %dma_start3A_289 = arith.constant 0 : i32
      %dma_start3A_290 = tpu.memref_slice %arg17[%add3A_42, %dma_start3A_289] : memref<2568x128xf32, #tpu.memory_space<vmem_shared>> -> memref<80x128xf32, #tpu.memory_space<vmem_shared>>
      tpu.enqueue_dma source(%dma_start3A_290 : memref<80x128xf32, #tpu.memory_space<vmem_shared>>) target(%dma_start3A_288 : memref<80x128xf32, #tpu.memory_space<vmem>>) target_semaphore(%run_scoped3A_279 : memref<!tpu.dma_semaphore, #tpu.memory_space<semaphore_mem>>)
      %dma_wait3A = arith.constant 0 : i32
      %dma_wait3A_291 = arith.constant 0 : i32
      %dma_wait3A_292 = tpu.memref_slice %arg10[%run_scoped3A_44, %dma_wait3A, %dma_wait3A_291] : memref<2x80x128xf32, #tpu.memory_space<vmem>> -> memref<1x80x128xf32, #tpu.memory_space<vmem>>
      %dma_wait3A_293 = tpu.memref_squeeze %dma_wait3A_292 : memref<1x80x128xf32, #tpu.memory_space<vmem>> -> memref<80x128xf32, #tpu.memory_space<vmem>>
      %dma_wait3A_294 = arith.constant 0 : i32
      %dma_wait3A_295 = tpu.memref_slice %arg17[%add3A_42, %dma_wait3A_294] : memref<2568x128xf32, #tpu.memory_space<vmem_shared>> -> memref<80x128xf32, #tpu.memory_space<vmem_shared>>
      %dma_wait3A_296 = arith.constant 0 : i32
      %dma_wait3A_297 = arith.constant 0 : i32
      %dma_wait3A_298 = tpu.memref_slice %arg10[%run_scoped3A_44, %dma_wait3A_296, %dma_wait3A_297] : memref<2x80x128xf32, #tpu.memory_space<vmem>> -> memref<1x80x128xf32, #tpu.memory_space<vmem>>
      %dma_wait3A_299 = tpu.memref_squeeze %dma_wait3A_298 : memref<1x80x128xf32, #tpu.memory_space<vmem>> -> memref<80x128xf32, #tpu.memory_space<vmem>>
      %dma_wait3A_300 = arith.constant 0 : i32
      %dma_wait3A_301 = tpu.memref_slice %arg17[%add3A_42, %dma_wait3A_300] : memref<2568x128xf32, #tpu.memory_space<vmem_shared>> -> memref<80x128xf32, #tpu.memory_space<vmem_shared>>
      tpu.wait_dma2 semaphore(%run_scoped3A_279 : memref<!tpu.dma_semaphore, #tpu.memory_space<semaphore_mem>>) src(%dma_wait3A_301 : memref<80x128xf32, #tpu.memory_space<vmem_shared>>) dst(%dma_wait3A_299 : memref<80x128xf32, #tpu.memory_space<vmem>>)
      tpu.yield
    }) : () -> ()
    %scan3A_45 = arith.constant 0 : i32
    %scan3A_46 = arith.constant 0 : i32
    %scan3A_47 = arith.constant 80 : i32
    %scan3A_48 = arith.addi %scan3A_46, %scan3A_47 : i32
    %scan3A_49 = arith.constant 1 : i32
    scf.for %scan3A_279 = %scan3A_46 to %scan3A_48 step %scan3A_49  : i32 {
      %get3A_280 = arith.constant 1 : i32
      %get3A_281 = arith.index_cast %get3A_280 : i32 to index
      %get3A_282 = arith.index_cast %scan3A_279 : i32 to index
      %get3A_283 = arith.constant 0 : index
      %get3A_284 = tpu.vector_load %arg10[%get3A_281, %get3A_282, %get3A_283] {strides = array<i32>} : memref<2x80x128xf32, #tpu.memory_space<vmem>>, vector<1x1x16xf32>,
      %get3A_285 = vector.shape_cast %get3A_284 : vector<1x1x16xf32> to vector<16xf32>
      %max3A = arith.constant 1.000000e+00 : f32
      %max3A_286 = vector.broadcast %max3A : f32 to vector<16xf32>
      %max3A_287 = arith.maximumf %get3A_285, %max3A_286 : vector<16xf32>
      %div3A = arith.constant 1.000000e+00 : f32
      %div3A_288 = vector.broadcast %div3A : f32 to vector<16xf32>
      %div3A_289 = arith.divf %div3A_288, %max3A_287 : vector<16xf32>
      %get3A_290 = arith.constant 0 : i32
      %get3A_291 = arith.index_cast %get3A_290 : i32 to index
      %get3A_292 = arith.index_cast %scan3A_279 : i32 to index
      %get3A_293 = arith.constant 0 : index
      %get3A_294 = tpu.vector_load %arg10[%get3A_291, %get3A_292, %get3A_293] {strides = array<i32>} : memref<2x80x128xf32, #tpu.memory_space<vmem>>, vector<1x1x16xf32>,
      %get3A_295 = vector.shape_cast %get3A_294 : vector<1x1x16xf32> to vector<16xf32>
      %mul3A_296 = arith.mulf %get3A_295, %div3A_289 : vector<16xf32>
      %swap3A = arith.constant 0 : i32
      %swap3A_297 = arith.index_cast %swap3A : i32 to index
      %swap3A_298 = arith.index_cast %scan3A_279 : i32 to index
      %swap3A_299 = arith.constant 0 : index
      %swap3A_300 = tpu.vector_load %arg10[%swap3A_297, %swap3A_298, %swap3A_299] {strides = array<i32>} : memref<2x80x128xf32, #tpu.memory_space<vmem>>, vector<1x1x16xf32>,
      %swap3A_301 = vector.shape_cast %swap3A_300 : vector<1x1x16xf32> to vector<16xf32>
      %swap3A_302 = vector.shape_cast %mul3A_296 : vector<16xf32> to vector<1x1x16xf32>
      tpu.vector_store %arg10[%swap3A_297, %swap3A_298, %swap3A_299], %swap3A_302 {strides = array<i32>} : memref<2x80x128xf32, #tpu.memory_space<vmem>>, vector<1x1x16xf32>,
      %get3A_303 = arith.constant 0 : i32
      %get3A_304 = arith.index_cast %get3A_303 : i32 to index
      %get3A_305 = arith.index_cast %scan3A_279 : i32 to index
      %get3A_306 = arith.constant 16 : index
      %get3A_307 = tpu.vector_load %arg10[%get3A_304, %get3A_305, %get3A_306] {strides = array<i32>} : memref<2x80x128xf32, #tpu.memory_space<vmem>>, vector<1x1x16xf32>,
      %get3A_308 = vector.shape_cast %get3A_307 : vector<1x1x16xf32> to vector<16xf32>
      %mul3A_309 = arith.mulf %get3A_308, %div3A_289 : vector<16xf32>
      %swap3A_310 = arith.constant 0 : i32
      %swap3A_311 = arith.index_cast %swap3A_310 : i32 to index
      %swap3A_312 = arith.index_cast %scan3A_279 : i32 to index
      %swap3A_313 = arith.constant 16 : index
      %swap3A_314 = tpu.vector_load %arg10[%swap3A_311, %swap3A_312, %swap3A_313] {strides = array<i32>} : memref<2x80x128xf32, #tpu.memory_space<vmem>>, vector<1x1x16xf32>,
      %swap3A_315 = vector.shape_cast %swap3A_314 : vector<1x1x16xf32> to vector<16xf32>
      %swap3A_316 = vector.shape_cast %mul3A_309 : vector<16xf32> to vector<1x1x16xf32>
      tpu.vector_store %arg10[%swap3A_311, %swap3A_312, %swap3A_313], %swap3A_316 {strides = array<i32>} : memref<2x80x128xf32, #tpu.memory_space<vmem>>, vector<1x1x16xf32>,
      %get3A_317 = arith.constant 0 : i32
      %get3A_318 = arith.index_cast %get3A_317 : i32 to index
      %get3A_319 = arith.index_cast %scan3A_279 : i32 to index
      %get3A_320 = arith.constant 32 : index
      %get3A_321 = tpu.vector_load %arg10[%get3A_318, %get3A_319, %get3A_320] {strides = array<i32>} : memref<2x80x128xf32, #tpu.memory_space<vmem>>, vector<1x1x16xf32>,
      %get3A_322 = vector.shape_cast %get3A_321 : vector<1x1x16xf32> to vector<16xf32>
      %mul3A_323 = arith.mulf %get3A_322, %div3A_289 : vector<16xf32>
      %swap3A_324 = arith.constant 0 : i32
      %swap3A_325 = arith.index_cast %swap3A_324 : i32 to index
      %swap3A_326 = arith.index_cast %scan3A_279 : i32 to index
      %swap3A_327 = arith.constant 32 : index
      %swap3A_328 = tpu.vector_load %arg10[%swap3A_325, %swap3A_326, %swap3A_327] {strides = array<i32>} : memref<2x80x128xf32, #tpu.memory_space<vmem>>, vector<1x1x16xf32>,
      %swap3A_329 = vector.shape_cast %swap3A_328 : vector<1x1x16xf32> to vector<16xf32>
      %swap3A_330 = vector.shape_cast %mul3A_323 : vector<16xf32> to vector<1x1x16xf32>
      tpu.vector_store %arg10[%swap3A_325, %swap3A_326, %swap3A_327], %swap3A_330 {strides = array<i32>} : memref<2x80x128xf32, #tpu.memory_space<vmem>>, vector<1x1x16xf32>,
      %get3A_331 = arith.constant 0 : i32
      %get3A_332 = arith.index_cast %get3A_331 : i32 to index
      %get3A_333 = arith.index_cast %scan3A_279 : i32 to index
      %get3A_334 = arith.constant 48 : index
      %get3A_335 = tpu.vector_load %arg10[%get3A_332, %get3A_333, %get3A_334] {strides = array<i32>} : memref<2x80x128xf32, #tpu.memory_space<vmem>>, vector<1x1x16xf32>,
      %get3A_336 = vector.shape_cast %get3A_335 : vector<1x1x16xf32> to vector<16xf32>
      %mul3A_337 = arith.mulf %get3A_336, %div3A_289 : vector<16xf32>
      %swap3A_338 = arith.constant 0 : i32
      %swap3A_339 = arith.index_cast %swap3A_338 : i32 to index
      %swap3A_340 = arith.index_cast %scan3A_279 : i32 to index
      %swap3A_341 = arith.constant 48 : index
      %swap3A_342 = tpu.vector_load %arg10[%swap3A_339, %swap3A_340, %swap3A_341] {strides = array<i32>} : memref<2x80x128xf32, #tpu.memory_space<vmem>>, vector<1x1x16xf32>,
      %swap3A_343 = vector.shape_cast %swap3A_342 : vector<1x1x16xf32> to vector<16xf32>
      %swap3A_344 = vector.shape_cast %mul3A_337 : vector<16xf32> to vector<1x1x16xf32>
      tpu.vector_store %arg10[%swap3A_339, %swap3A_340, %swap3A_341], %swap3A_344 {strides = array<i32>} : memref<2x80x128xf32, #tpu.memory_space<vmem>>, vector<1x1x16xf32>,
      %get3A_345 = arith.constant 0 : i32
      %get3A_346 = arith.index_cast %get3A_345 : i32 to index
      %get3A_347 = arith.index_cast %scan3A_279 : i32 to index
      %get3A_348 = arith.constant 64 : index
      %get3A_349 = tpu.vector_load %arg10[%get3A_346, %get3A_347, %get3A_348] {strides = array<i32>} : memref<2x80x128xf32, #tpu.memory_space<vmem>>, vector<1x1x16xf32>,
      %get3A_350 = vector.shape_cast %get3A_349 : vector<1x1x16xf32> to vector<16xf32>
      %mul3A_351 = arith.mulf %get3A_350, %div3A_289 : vector<16xf32>
      %swap3A_352 = arith.constant 0 : i32
      %swap3A_353 = arith.index_cast %swap3A_352 : i32 to index
      %swap3A_354 = arith.index_cast %scan3A_279 : i32 to index
      %swap3A_355 = arith.constant 64 : index
      %swap3A_356 = tpu.vector_load %arg10[%swap3A_353, %swap3A_354, %swap3A_355] {strides = array<i32>} : memref<2x80x128xf32, #tpu.memory_space<vmem>>, vector<1x1x16xf32>,
      %swap3A_357 = vector.shape_cast %swap3A_356 : vector<1x1x16xf32> to vector<16xf32>
      %swap3A_358 = vector.shape_cast %mul3A_351 : vector<16xf32> to vector<1x1x16xf32>
      tpu.vector_store %arg10[%swap3A_353, %swap3A_354, %swap3A_355], %swap3A_358 {strides = array<i32>} : memref<2x80x128xf32, #tpu.memory_space<vmem>>, vector<1x1x16xf32>,
      %get3A_359 = arith.constant 0 : i32
      %get3A_360 = arith.index_cast %get3A_359 : i32 to index
      %get3A_361 = arith.index_cast %scan3A_279 : i32 to index
      %get3A_362 = arith.constant 80 : index
      %get3A_363 = tpu.vector_load %arg10[%get3A_360, %get3A_361, %get3A_362] {strides = array<i32>} : memref<2x80x128xf32, #tpu.memory_space<vmem>>, vector<1x1x16xf32>,
      %get3A_364 = vector.shape_cast %get3A_363 : vector<1x1x16xf32> to vector<16xf32>
      %mul3A_365 = arith.mulf %get3A_364, %div3A_289 : vector<16xf32>
      %swap3A_366 = arith.constant 0 : i32
      %swap3A_367 = arith.index_cast %swap3A_366 : i32 to index
      %swap3A_368 = arith.index_cast %scan3A_279 : i32 to index
      %swap3A_369 = arith.constant 80 : index
      %swap3A_370 = tpu.vector_load %arg10[%swap3A_367, %swap3A_368, %swap3A_369] {strides = array<i32>} : memref<2x80x128xf32, #tpu.memory_space<vmem>>, vector<1x1x16xf32>,
      %swap3A_371 = vector.shape_cast %swap3A_370 : vector<1x1x16xf32> to vector<16xf32>
      %swap3A_372 = vector.shape_cast %mul3A_365 : vector<16xf32> to vector<1x1x16xf32>
      tpu.vector_store %arg10[%swap3A_367, %swap3A_368, %swap3A_369], %swap3A_372 {strides = array<i32>} : memref<2x80x128xf32, #tpu.memory_space<vmem>>, vector<1x1x16xf32>,
      %get3A_373 = arith.constant 0 : i32
      %get3A_374 = arith.index_cast %get3A_373 : i32 to index
      %get3A_375 = arith.index_cast %scan3A_279 : i32 to index
      %get3A_376 = arith.constant 96 : index
      %get3A_377 = tpu.vector_load %arg10[%get3A_374, %get3A_375, %get3A_376] {strides = array<i32>} : memref<2x80x128xf32, #tpu.memory_space<vmem>>, vector<1x1x16xf32>,
      %get3A_378 = vector.shape_cast %get3A_377 : vector<1x1x16xf32> to vector<16xf32>
      %mul3A_379 = arith.mulf %get3A_378, %div3A_289 : vector<16xf32>
      %swap3A_380 = arith.constant 0 : i32
      %swap3A_381 = arith.index_cast %swap3A_380 : i32 to index
      %swap3A_382 = arith.index_cast %scan3A_279 : i32 to index
      %swap3A_383 = arith.constant 96 : index
      %swap3A_384 = tpu.vector_load %arg10[%swap3A_381, %swap3A_382, %swap3A_383] {strides = array<i32>} : memref<2x80x128xf32, #tpu.memory_space<vmem>>, vector<1x1x16xf32>,
      %swap3A_385 = vector.shape_cast %swap3A_384 : vector<1x1x16xf32> to vector<16xf32>
      %swap3A_386 = vector.shape_cast %mul3A_379 : vector<16xf32> to vector<1x1x16xf32>
      tpu.vector_store %arg10[%swap3A_381, %swap3A_382, %swap3A_383], %swap3A_386 {strides = array<i32>} : memref<2x80x128xf32, #tpu.memory_space<vmem>>, vector<1x1x16xf32>,
      %get3A_387 = arith.constant 0 : i32
      %get3A_388 = arith.index_cast %get3A_387 : i32 to index
      %get3A_389 = arith.index_cast %scan3A_279 : i32 to index
      %get3A_390 = arith.constant 112 : index
      %get3A_391 = tpu.vector_load %arg10[%get3A_388, %get3A_389, %get3A_390] {strides = array<i32>} : memref<2x80x128xf32, #tpu.memory_space<vmem>>, vector<1x1x16xf32>,
      %get3A_392 = vector.shape_cast %get3A_391 : vector<1x1x16xf32> to vector<16xf32>
      %mul3A_393 = arith.mulf %get3A_392, %div3A_289 : vector<16xf32>
      %swap3A_394 = arith.constant 0 : i32
      %swap3A_395 = arith.index_cast %swap3A_394 : i32 to index
      %swap3A_396 = arith.index_cast %scan3A_279 : i32 to index
      %swap3A_397 = arith.constant 112 : index
      %swap3A_398 = tpu.vector_load %arg10[%swap3A_395, %swap3A_396, %swap3A_397] {strides = array<i32>} : memref<2x80x128xf32, #tpu.memory_space<vmem>>, vector<1x1x16xf32>,
      %swap3A_399 = vector.shape_cast %swap3A_398 : vector<1x1x16xf32> to vector<16xf32>
      %swap3A_400 = vector.shape_cast %mul3A_393 : vector<16xf32> to vector<1x1x16xf32>
      tpu.vector_store %arg10[%swap3A_395, %swap3A_396, %swap3A_397], %swap3A_400 {strides = array<i32>} : memref<2x80x128xf32, #tpu.memory_space<vmem>>, vector<1x1x16xf32>,
    }
    %scan3A_50 = arith.constant 80 : i32
    %add3A_51 = arith.constant 0 : i32
    %add3A_52 = arith.addi %add3A_51, %add3A_42 : i32
    %lt3A = arith.constant 15 : i32
    %lt3A_53 = arith.cmpi slt, %arg1, %lt3A : i32
    %convert_element_type3A_54 = arith.extui %lt3A_53 : i1 to i32
    %cond3A_55 = arith.constant 0 : i32
    %cond3A_56 = arith.cmpi ne, %convert_element_type3A_54, %cond3A_55 : i32
    scf.if %cond3A_56 {
      %mul3A_279 = arith.constant 128 : i32
      %mul3A_280 = arith.muli %arg0, %mul3A_279 : i32
      %run_scoped3A_281 = arith.constant 0 : i32
      "tpu.region"() ({
        %run_scoped3A_282 = tpu.sem_alloc : memref<!tpu.dma_semaphore, #tpu.memory_space<semaphore_mem>>
        %dma_start3A = arith.constant 0 : i32
        %dma_start3A_283 = arith.constant 0 : i32
        %dma_start3A_284 = tpu.memref_slice %arg10[%run_scoped3A_281, %dma_start3A, %dma_start3A_283] : memref<2x80x128xf32, #tpu.memory_space<vmem>> -> memref<1x80x128xf32, #tpu.memory_space<vmem>>
        %dma_start3A_285 = tpu.memref_squeeze %dma_start3A_284 : memref<1x80x128xf32, #tpu.memory_space<vmem>> -> memref<80x128xf32, #tpu.memory_space<vmem>>
        %dma_start3A_286 = tpu.memref_slice %arg7[%add3A_52, %mul3A_280] : memref<10000x256xf32, #tpu.memory_space<hbm>> -> memref<80x128xf32, #tpu.memory_space<hbm>>
        %dma_start3A_287 = tpu.memref_slice %arg7[%add3A_52, %mul3A_280] : memref<10000x256xf32, #tpu.memory_space<hbm>> -> memref<80x128xf32, #tpu.memory_space<hbm>>
        %dma_start3A_288 = arith.constant 0 : i32
        %dma_start3A_289 = arith.constant 0 : i32
        %dma_start3A_290 = tpu.memref_slice %arg10[%run_scoped3A_281, %dma_start3A_288, %dma_start3A_289] : memref<2x80x128xf32, #tpu.memory_space<vmem>> -> memref<1x80x128xf32, #tpu.memory_space<vmem>>
        %dma_start3A_291 = tpu.memref_squeeze %dma_start3A_290 : memref<1x80x128xf32, #tpu.memory_space<vmem>> -> memref<80x128xf32, #tpu.memory_space<vmem>>
        tpu.enqueue_dma source(%dma_start3A_291 : memref<80x128xf32, #tpu.memory_space<vmem>>) target(%dma_start3A_287 : memref<80x128xf32, #tpu.memory_space<hbm>>) target_semaphore(%run_scoped3A_282 : memref<!tpu.dma_semaphore, #tpu.memory_space<semaphore_mem>>)
        %dma_wait3A = arith.constant 0 : i32
        %dma_wait3A_292 = arith.constant 0 : i32
        %dma_wait3A_293 = tpu.memref_slice %arg10[%run_scoped3A_281, %dma_wait3A, %dma_wait3A_292] : memref<2x80x128xf32, #tpu.memory_space<vmem>> -> memref<1x80x128xf32, #tpu.memory_space<vmem>>
        %dma_wait3A_294 = tpu.memref_squeeze %dma_wait3A_293 : memref<1x80x128xf32, #tpu.memory_space<vmem>> -> memref<80x128xf32, #tpu.memory_space<vmem>>
        %dma_wait3A_295 = tpu.memref_slice %arg7[%add3A_52, %mul3A_280] : memref<10000x256xf32, #tpu.memory_space<hbm>> -> memref<80x128xf32, #tpu.memory_space<hbm>>
        %dma_wait3A_296 = tpu.memref_slice %arg7[%add3A_52, %mul3A_280] : memref<10000x256xf32, #tpu.memory_space<hbm>> -> memref<80x128xf32, #tpu.memory_space<hbm>>
        %dma_wait3A_297 = arith.constant 0 : i32
        %dma_wait3A_298 = arith.constant 0 : i32
        %dma_wait3A_299 = tpu.memref_slice %arg10[%run_scoped3A_281, %dma_wait3A_297, %dma_wait3A_298] : memref<2x80x128xf32, #tpu.memory_space<vmem>> -> memref<1x80x128xf32, #tpu.memory_space<vmem>>
        %dma_wait3A_300 = tpu.memref_squeeze %dma_wait3A_299 : memref<1x80x128xf32, #tpu.memory_space<vmem>> -> memref<80x128xf32, #tpu.memory_space<vmem>>
        tpu.wait_dma2 semaphore(%run_scoped3A_282 : memref<!tpu.dma_semaphore, #tpu.memory_space<semaphore_mem>>) src(%dma_wait3A_300 : memref<80x128xf32, #tpu.memory_space<vmem>>) dst(%dma_wait3A_296 : memref<80x128xf32, #tpu.memory_space<hbm>>)
        tpu.yield
      }) : () -> ()
    } else {
    }
    %eq3A_57 = arith.constant 15 : i32
    %eq3A_58 = arith.cmpi eq, %arg1, %eq3A_57 : i32
    %convert_element_type3A_59 = arith.extui %eq3A_58 : i1 to i32
    %cond3A_60 = arith.constant 0 : i32
    %cond3A_61 = arith.cmpi ne, %convert_element_type3A_59, %cond3A_60 : i32
    scf.if %cond3A_61 {
      %mul3A_279 = arith.constant 128 : i32
      %mul3A_280 = arith.muli %arg0, %mul3A_279 : i32
      %run_scoped3A_281 = arith.constant 0 : i32
      "tpu.region"() ({
        %run_scoped3A_282 = tpu.sem_alloc : memref<!tpu.dma_semaphore, #tpu.memory_space<semaphore_mem>>
        %dma_start3A = arith.constant 0 : i32
        %dma_start3A_283 = arith.constant 0 : i32
        %dma_start3A_284 = tpu.memref_slice %arg10[%run_scoped3A_281, %dma_start3A, %dma_start3A_283] : memref<2x80x128xf32, #tpu.memory_space<vmem>> -> memref<1x24x128xf32, #tpu.memory_space<vmem>>
        %dma_start3A_285 = tpu.memref_squeeze %dma_start3A_284 : memref<1x24x128xf32, #tpu.memory_space<vmem>> -> memref<24x128xf32, #tpu.memory_space<vmem>>
        %dma_start3A_286 = tpu.memref_slice %arg7[%add3A_52, %mul3A_280] : memref<10000x256xf32, #tpu.memory_space<hbm>> -> memref<24x128xf32, #tpu.memory_space<hbm>>
        %dma_start3A_287 = tpu.memref_slice %arg7[%add3A_52, %mul3A_280] : memref<10000x256xf32, #tpu.memory_space<hbm>> -> memref<24x128xf32, #tpu.memory_space<hbm>>
        %dma_start3A_288 = arith.constant 0 : i32
        %dma_start3A_289 = arith.constant 0 : i32
        %dma_start3A_290 = tpu.memref_slice %arg10[%run_scoped3A_281, %dma_start3A_288, %dma_start3A_289] : memref<2x80x128xf32, #tpu.memory_space<vmem>> -> memref<1x24x128xf32, #tpu.memory_space<vmem>>
        %dma_start3A_291 = tpu.memref_squeeze %dma_start3A_290 : memref<1x24x128xf32, #tpu.memory_space<vmem>> -> memref<24x128xf32, #tpu.memory_space<vmem>>
        tpu.enqueue_dma source(%dma_start3A_291 : memref<24x128xf32, #tpu.memory_space<vmem>>) target(%dma_start3A_287 : memref<24x128xf32, #tpu.memory_space<hbm>>) target_semaphore(%run_scoped3A_282 : memref<!tpu.dma_semaphore, #tpu.memory_space<semaphore_mem>>)
        %dma_wait3A = arith.constant 0 : i32
        %dma_wait3A_292 = arith.constant 0 : i32
        %dma_wait3A_293 = tpu.memref_slice %arg10[%run_scoped3A_281, %dma_wait3A, %dma_wait3A_292] : memref<2x80x128xf32, #tpu.memory_space<vmem>> -> memref<1x24x128xf32, #tpu.memory_space<vmem>>
        %dma_wait3A_294 = tpu.memref_squeeze %dma_wait3A_293 : memref<1x24x128xf32, #tpu.memory_space<vmem>> -> memref<24x128xf32, #tpu.memory_space<vmem>>
        %dma_wait3A_295 = tpu.memref_slice %arg7[%add3A_52, %mul3A_280] : memref<10000x256xf32, #tpu.memory_space<hbm>> -> memref<24x128xf32, #tpu.memory_space<hbm>>
        %dma_wait3A_296 = tpu.memref_slice %arg7[%add3A_52, %mul3A_280] : memref<10000x256xf32, #tpu.memory_space<hbm>> -> memref<24x128xf32, #tpu.memory_space<hbm>>
        %dma_wait3A_297 = arith.constant 0 : i32
        %dma_wait3A_298 = arith.constant 0 : i32
        %dma_wait3A_299 = tpu.memref_slice %arg10[%run_scoped3A_281, %dma_wait3A_297, %dma_wait3A_298] : memref<2x80x128xf32, #tpu.memory_space<vmem>> -> memref<1x24x128xf32, #tpu.memory_space<vmem>>
        %dma_wait3A_300 = tpu.memref_squeeze %dma_wait3A_299 : memref<1x24x128xf32, #tpu.memory_space<vmem>> -> memref<24x128xf32, #tpu.memory_space<vmem>>
        tpu.wait_dma2 semaphore(%run_scoped3A_282 : memref<!tpu.dma_semaphore, #tpu.memory_space<semaphore_mem>>) src(%dma_wait3A_300 : memref<24x128xf32, #tpu.memory_space<vmem>>) dst(%dma_wait3A_296 : memref<24x128xf32, #tpu.memory_space<hbm>>)
        tpu.yield
      }) : () -> ()
    } else {
    }
    %barrier3A_62 = arith.constant 0 : index
    tpu.barrier barrier_id(%barrier3A_62)
    %mul3A_63 = arith.constant 160 : i32
    %mul3A_64 = arith.muli %arg1, %mul3A_63 : i32
    "tpu.region"() ({
      %run_scoped3A_279 = tpu.sem_alloc : memref<!tpu.dma_semaphore, #tpu.memory_space<semaphore_mem>>
      %dma_start3A = arith.constant 0 : i32
      %dma_start3A_280 = tpu.memref_slice %arg16[%mul3A_64, %dma_start3A] : memref<2568x128xf32, #tpu.memory_space<vmem_shared>> -> memref<160x128xf32, #tpu.memory_space<vmem_shared>>
      %dma_start3A_281 = arith.constant 0 : i32
      %dma_start3A_282 = arith.constant 0 : i32
      %dma_start3A_283 = tpu.memref_slice %arg5[%dma_start3A_281, %dma_start3A_282] : memref<160x128xf32, #tpu.memory_space<hbm>> -> memref<160x128xf32, #tpu.memory_space<hbm>>
      tpu.enqueue_dma source(%dma_start3A_283 : memref<160x128xf32, #tpu.memory_space<hbm>>) target(%dma_start3A_280 : memref<160x128xf32, #tpu.memory_space<vmem_shared>>) target_semaphore(%run_scoped3A_279 : memref<!tpu.dma_semaphore, #tpu.memory_space<semaphore_mem>>)
      %dma_wait3A = arith.constant 0 : i32
      %dma_wait3A_284 = tpu.memref_slice %arg16[%mul3A_64, %dma_wait3A] : memref<2568x128xf32, #tpu.memory_space<vmem_shared>> -> memref<160x128xf32, #tpu.memory_space<vmem_shared>>
      %dma_wait3A_285 = arith.constant 0 : i32
      %dma_wait3A_286 = arith.constant 0 : i32
      %dma_wait3A_287 = tpu.memref_slice %arg5[%dma_wait3A_285, %dma_wait3A_286] : memref<160x128xf32, #tpu.memory_space<hbm>> -> memref<160x128xf32, #tpu.memory_space<hbm>>
      tpu.wait_dma2 semaphore(%run_scoped3A_279 : memref<!tpu.dma_semaphore, #tpu.memory_space<semaphore_mem>>) src(%dma_wait3A_287 : memref<160x128xf32, #tpu.memory_space<hbm>>) dst(%dma_wait3A_284 : memref<160x128xf32, #tpu.memory_space<vmem_shared>>)
      tpu.yield
    }) : () -> ()
    %mul3A_65 = arith.constant 160 : i32
    %mul3A_66 = arith.muli %arg1, %mul3A_65 : i32
    "tpu.region"() ({
      %run_scoped3A_279 = tpu.sem_alloc : memref<!tpu.dma_semaphore, #tpu.memory_space<semaphore_mem>>
      %dma_start3A = arith.constant 0 : i32
      %dma_start3A_280 = tpu.memref_slice %arg17[%mul3A_66, %dma_start3A] : memref<2568x128xf32, #tpu.memory_space<vmem_shared>> -> memref<160x128xf32, #tpu.memory_space<vmem_shared>>
      %dma_start3A_281 = arith.constant 0 : i32
      %dma_start3A_282 = arith.constant 0 : i32
      %dma_start3A_283 = tpu.memref_slice %arg5[%dma_start3A_281, %dma_start3A_282] : memref<160x128xf32, #tpu.memory_space<hbm>> -> memref<160x128xf32, #tpu.memory_space<hbm>>
      tpu.enqueue_dma source(%dma_start3A_283 : memref<160x128xf32, #tpu.memory_space<hbm>>) target(%dma_start3A_280 : memref<160x128xf32, #tpu.memory_space<vmem_shared>>) target_semaphore(%run_scoped3A_279 : memref<!tpu.dma_semaphore, #tpu.memory_space<semaphore_mem>>)
      %dma_wait3A = arith.constant 0 : i32
      %dma_wait3A_284 = tpu.memref_slice %arg17[%mul3A_66, %dma_wait3A] : memref<2568x128xf32, #tpu.memory_space<vmem_shared>> -> memref<160x128xf32, #tpu.memory_space<vmem_shared>>
      %dma_wait3A_285 = arith.constant 0 : i32
      %dma_wait3A_286 = arith.constant 0 : i32
      %dma_wait3A_287 = tpu.memref_slice %arg5[%dma_wait3A_285, %dma_wait3A_286] : memref<160x128xf32, #tpu.memory_space<hbm>> -> memref<160x128xf32, #tpu.memory_space<hbm>>
      tpu.wait_dma2 semaphore(%run_scoped3A_279 : memref<!tpu.dma_semaphore, #tpu.memory_space<semaphore_mem>>) src(%dma_wait3A_287 : memref<160x128xf32, #tpu.memory_space<hbm>>) dst(%dma_wait3A_284 : memref<160x128xf32, #tpu.memory_space<vmem_shared>>)
      tpu.yield
    }) : () -> ()
    %eq3A_67 = arith.constant 0 : i32
    %eq3A_68 = arith.cmpi eq, %arg1, %eq3A_67 : i32
    %convert_element_type3A_69 = arith.extui %eq3A_68 : i1 to i32
    %cond3A_70 = arith.constant 0 : i32
    %cond3A_71 = arith.cmpi ne, %convert_element_type3A_69, %cond3A_70 : i32
    scf.if %cond3A_71 {
      "tpu.region"() ({
        %run_scoped3A_279 = tpu.sem_alloc : memref<!tpu.dma_semaphore, #tpu.memory_space<semaphore_mem>>
        %dma_start3A = arith.constant 2560 : i32
        %dma_start3A_280 = arith.constant 0 : i32
        %dma_start3A_281 = tpu.memref_slice %arg16[%dma_start3A, %dma_start3A_280] : memref<2568x128xf32, #tpu.memory_space<vmem_shared>> -> memref<8x128xf32, #tpu.memory_space<vmem_shared>>
        %dma_start3A_282 = arith.constant 0 : i32
        %dma_start3A_283 = arith.constant 0 : i32
        %dma_start3A_284 = tpu.memref_slice %arg5[%dma_start3A_282, %dma_start3A_283] : memref<160x128xf32, #tpu.memory_space<hbm>> -> memref<8x128xf32, #tpu.memory_space<hbm>>
        tpu.enqueue_dma source(%dma_start3A_284 : memref<8x128xf32, #tpu.memory_space<hbm>>) target(%dma_start3A_281 : memref<8x128xf32, #tpu.memory_space<vmem_shared>>) target_semaphore(%run_scoped3A_279 : memref<!tpu.dma_semaphore, #tpu.memory_space<semaphore_mem>>)
        %dma_wait3A = arith.constant 2560 : i32
        %dma_wait3A_285 = arith.constant 0 : i32
        %dma_wait3A_286 = tpu.memref_slice %arg16[%dma_wait3A, %dma_wait3A_285] : memref<2568x128xf32, #tpu.memory_space<vmem_shared>> -> memref<8x128xf32, #tpu.memory_space<vmem_shared>>
        %dma_wait3A_287 = arith.constant 0 : i32
        %dma_wait3A_288 = arith.constant 0 : i32
        %dma_wait3A_289 = tpu.memref_slice %arg5[%dma_wait3A_287, %dma_wait3A_288] : memref<160x128xf32, #tpu.memory_space<hbm>> -> memref<8x128xf32, #tpu.memory_space<hbm>>
        tpu.wait_dma2 semaphore(%run_scoped3A_279 : memref<!tpu.dma_semaphore, #tpu.memory_space<semaphore_mem>>) src(%dma_wait3A_289 : memref<8x128xf32, #tpu.memory_space<hbm>>) dst(%dma_wait3A_286 : memref<8x128xf32, #tpu.memory_space<vmem_shared>>)
        tpu.yield
      }) : () -> ()
      "tpu.region"() ({
        %run_scoped3A_279 = tpu.sem_alloc : memref<!tpu.dma_semaphore, #tpu.memory_space<semaphore_mem>>
        %dma_start3A = arith.constant 2560 : i32
        %dma_start3A_280 = arith.constant 0 : i32
        %dma_start3A_281 = tpu.memref_slice %arg17[%dma_start3A, %dma_start3A_280] : memref<2568x128xf32, #tpu.memory_space<vmem_shared>> -> memref<8x128xf32, #tpu.memory_space<vmem_shared>>
        %dma_start3A_282 = arith.constant 0 : i32
        %dma_start3A_283 = arith.constant 0 : i32
        %dma_start3A_284 = tpu.memref_slice %arg5[%dma_start3A_282, %dma_start3A_283] : memref<160x128xf32, #tpu.memory_space<hbm>> -> memref<8x128xf32, #tpu.memory_space<hbm>>
        tpu.enqueue_dma source(%dma_start3A_284 : memref<8x128xf32, #tpu.memory_space<hbm>>) target(%dma_start3A_281 : memref<8x128xf32, #tpu.memory_space<vmem_shared>>) target_semaphore(%run_scoped3A_279 : memref<!tpu.dma_semaphore, #tpu.memory_space<semaphore_mem>>)
        %dma_wait3A = arith.constant 2560 : i32
        %dma_wait3A_285 = arith.constant 0 : i32
        %dma_wait3A_286 = tpu.memref_slice %arg17[%dma_wait3A, %dma_wait3A_285] : memref<2568x128xf32, #tpu.memory_space<vmem_shared>> -> memref<8x128xf32, #tpu.memory_space<vmem_shared>>
        %dma_wait3A_287 = arith.constant 0 : i32
        %dma_wait3A_288 = arith.constant 0 : i32
        %dma_wait3A_289 = tpu.memref_slice %arg5[%dma_wait3A_287, %dma_wait3A_288] : memref<160x128xf32, #tpu.memory_space<hbm>> -> memref<8x128xf32, #tpu.memory_space<hbm>>
        tpu.wait_dma2 semaphore(%run_scoped3A_279 : memref<!tpu.dma_semaphore, #tpu.memory_space<semaphore_mem>>) src(%dma_wait3A_289 : memref<8x128xf32, #tpu.memory_space<hbm>>) dst(%dma_wait3A_286 : memref<8x128xf32, #tpu.memory_space<vmem_shared>>)
        tpu.yield
      }) : () -> ()
    } else {
    }
    %barrier3A_72 = arith.constant 0 : index
    tpu.barrier barrier_id(%barrier3A_72)
    %slice3A_73 = vector.extract_strided_slice %get3A_2 {offsets = [2], sizes = [1], strides = [1]} : vector<16xi32> to vector<1xi32>
    %squeeze3A_74 = vector.extract %slice3A_73[0] : i32 from vector<1xi32>
    %slice3A_75 = vector.extract_strided_slice %get3A_2 {offsets = [3], sizes = [1], strides = [1]} : vector<16xi32> to vector<1xi32>
    %squeeze3A_76 = vector.extract %slice3A_75[0] : i32 from vector<1xi32>
    %gt3A_77 = arith.cmpi sgt, %squeeze3A_76, %squeeze3A_74 : i32
    %convert_element_type3A_78 = arith.extui %gt3A_77 : i1 to i32
    %cond3A_79 = arith.constant 0 : i32
    %cond3A_80 = arith.cmpi ne, %convert_element_type3A_78, %cond3A_79 : i32
    scf.if %cond3A_80 {
      %mul3A_279 = arith.constant 80 : i32
      %mul3A_280 = arith.muli %squeeze3A_74, %mul3A_279 : i32
      %add3A_281 = arith.addi %mul3A_0, %mul3A_280 : i32
      %mul3A_282 = arith.constant 128 : i32
      %mul3A_283 = arith.muli %arg0, %mul3A_282 : i32
      %dma_start3A = arith.constant 0 : i32
      %dma_start3A_284 = arith.constant 0 : i32
      %dma_start3A_285 = arith.constant 0 : i32
      %dma_start3A_286 = arith.constant 0 : i32
      %dma_start3A_287 = tpu.memref_slice %arg10[%dma_start3A, %dma_start3A_285, %dma_start3A_286] : memref<2x80x128xf32, #tpu.memory_space<vmem>> -> memref<1x80x128xf32, #tpu.memory_space<vmem>>
      %dma_start3A_288 = tpu.memref_squeeze %dma_start3A_287 : memref<1x80x128xf32, #tpu.memory_space<vmem>> -> memref<80x128xf32, #tpu.memory_space<vmem>>
      %dma_start3A_289 = tpu.memref_slice %arg2[%add3A_281, %mul3A_283] : memref<160000x256xf32, #tpu.memory_space<hbm>> -> memref<80x128xf32, #tpu.memory_space<hbm>>
      %dma_start3A_290 = tpu.memref_slice %arg13[%dma_start3A_284] : memref<2x!tpu.dma_semaphore, #tpu.memory_space<semaphore_mem>> -> memref<1x!tpu.dma_semaphore, #tpu.memory_space<semaphore_mem>>
      %dma_start3A_291 = tpu.memref_squeeze %dma_start3A_290 : memref<1x!tpu.dma_semaphore, #tpu.memory_space<semaphore_mem>> -> memref<!tpu.dma_semaphore, #tpu.memory_space<semaphore_mem>>
      %dma_start3A_292 = arith.constant 0 : i32
      %dma_start3A_293 = arith.constant 0 : i32
      %dma_start3A_294 = tpu.memref_slice %arg10[%dma_start3A, %dma_start3A_292, %dma_start3A_293] : memref<2x80x128xf32, #tpu.memory_space<vmem>> -> memref<1x80x128xf32, #tpu.memory_space<vmem>>
      %dma_start3A_295 = tpu.memref_squeeze %dma_start3A_294 : memref<1x80x128xf32, #tpu.memory_space<vmem>> -> memref<80x128xf32, #tpu.memory_space<vmem>>
      %dma_start3A_296 = tpu.memref_slice %arg2[%add3A_281, %mul3A_283] : memref<160000x256xf32, #tpu.memory_space<hbm>> -> memref<80x128xf32, #tpu.memory_space<hbm>>
      tpu.enqueue_dma source(%dma_start3A_296 : memref<80x128xf32, #tpu.memory_space<hbm>>) target(%dma_start3A_295 : memref<80x128xf32, #tpu.memory_space<vmem>>) target_semaphore(%dma_start3A_291 : memref<!tpu.dma_semaphore, #tpu.memory_space<semaphore_mem>>)
    } else {
    }
    %while3A_81 = arith.constant 0 : i32
    %while3A_82 = arith.subi %squeeze3A_76, %squeeze3A_74 : i32
    %while3A_83 = arith.addi %squeeze3A_74, %while3A_82 : i32
    %while3A_84 = arith.constant 1 : i32
    %while3A_85 = arith.divsi %while3A_82, %while3A_84 : i32
    %while3A_86 = arith.muli %while3A_85, %while3A_84 : i32
    %while3A_87 = arith.addi %squeeze3A_74, %while3A_86 : i32
    %while3A_88 = arith.constant 1 : i32
    scf.for %while3A_279 = %squeeze3A_74 to %while3A_87 step %while3A_88  : i32 {
      %sub3A = arith.subi %while3A_279, %squeeze3A_74 : i32
      %rem3A = arith.constant 2 : i32
      %rem3A_280 = arith.remsi %sub3A, %rem3A : i32
      %sub3A_281 = arith.constant 1 : i32
      %sub3A_282 = arith.subi %sub3A_281, %rem3A_280 : i32
      %get3A_283 = arith.index_cast %while3A_279 : i32 to index
      %get3A_284 = arith.constant 0 : index
      %get3A_285 = tpu.vector_load %arg8[%get3A_283, %get3A_284] {strides = array<i32>} : memref<125x80xi32, #tpu.memory_space<vmem>>, vector<1x16xi32>,
      %get3A_286 = vector.shape_cast %get3A_285 : vector<1x16xi32> to vector<16xi32>
      %ge3A = arith.constant 2504 : i32
      %ge3A_287 = vector.broadcast %ge3A : i32 to vector<16xi32>
      %ge3A_288 = arith.cmpi sge, %get3A_286, %ge3A_287 : vector<16xi32>
      %lt3A_289 = arith.constant 5008 : i32
      %lt3A_290 = vector.broadcast %lt3A_289 : i32 to vector<16xi32>
      %lt3A_291 = arith.cmpi slt, %get3A_286, %lt3A_290 : vector<16xi32>
      %and3A = arith.andi %ge3A_288, %lt3A_291 : vector<16xi1>
      %sub3A_292 = arith.constant 2504 : i32
      %sub3A_293 = vector.broadcast %sub3A_292 : i32 to vector<16xi32>
      %sub3A_294 = arith.subi %get3A_286, %sub3A_293 : vector<16xi32>
      %jit3A = arith.constant 2560 : i32
      %broadcast_in_dim3A = vector.broadcast %jit3A : i32 to vector<16xi32>
      %select_n3A = arith.select %and3A, %sub3A_294, %broadcast_in_dim3A : vector<16xi1>, vector<16xi32>
      %swap3A = arith.index_cast %rem3A_280 : i32 to index
      %swap3A_295 = arith.constant 0 : index
      %swap3A_296 = tpu.vector_load %arg9[%swap3A, %swap3A_295] {strides = array<i32>} : memref<2x80xi32, #tpu.memory_space<vmem>>, vector<1x16xi32>,
      %swap3A_297 = vector.shape_cast %swap3A_296 : vector<1x16xi32> to vector<16xi32>
      %swap3A_298 = vector.shape_cast %select_n3A : vector<16xi32> to vector<1x16xi32>
      tpu.vector_store %arg9[%swap3A, %swap3A_295], %swap3A_298 {strides = array<i32>} : memref<2x80xi32, #tpu.memory_space<vmem>>, vector<1x16xi32>,
      %get3A_299 = arith.index_cast %while3A_279 : i32 to index
      %get3A_300 = arith.constant 16 : index
      %get3A_301 = tpu.vector_load %arg8[%get3A_299, %get3A_300] {strides = array<i32>} : memref<125x80xi32, #tpu.memory_space<vmem>>, vector<1x16xi32>,
      %get3A_302 = vector.shape_cast %get3A_301 : vector<1x16xi32> to vector<16xi32>
      %ge3A_303 = arith.constant 2504 : i32
      %ge3A_304 = vector.broadcast %ge3A_303 : i32 to vector<16xi32>
      %ge3A_305 = arith.cmpi sge, %get3A_302, %ge3A_304 : vector<16xi32>
      %lt3A_306 = arith.constant 5008 : i32
      %lt3A_307 = vector.broadcast %lt3A_306 : i32 to vector<16xi32>
      %lt3A_308 = arith.cmpi slt, %get3A_302, %lt3A_307 : vector<16xi32>
      %and3A_309 = arith.andi %ge3A_305, %lt3A_308 : vector<16xi1>
      %sub3A_310 = arith.constant 2504 : i32
      %sub3A_311 = vector.broadcast %sub3A_310 : i32 to vector<16xi32>
      %sub3A_312 = arith.subi %get3A_302, %sub3A_311 : vector<16xi32>
      %jit3A_313 = arith.constant 2560 : i32
      %broadcast_in_dim3A_314 = vector.broadcast %jit3A_313 : i32 to vector<16xi32>
      %select_n3A_315 = arith.select %and3A_309, %sub3A_312, %broadcast_in_dim3A_314 : vector<16xi1>, vector<16xi32>
      %swap3A_316 = arith.index_cast %rem3A_280 : i32 to index
      %swap3A_317 = arith.constant 16 : index
      %swap3A_318 = tpu.vector_load %arg9[%swap3A_316, %swap3A_317] {strides = array<i32>} : memref<2x80xi32, #tpu.memory_space<vmem>>, vector<1x16xi32>,
      %swap3A_319 = vector.shape_cast %swap3A_318 : vector<1x16xi32> to vector<16xi32>
      %swap3A_320 = vector.shape_cast %select_n3A_315 : vector<16xi32> to vector<1x16xi32>
      tpu.vector_store %arg9[%swap3A_316, %swap3A_317], %swap3A_320 {strides = array<i32>} : memref<2x80xi32, #tpu.memory_space<vmem>>, vector<1x16xi32>,
      %get3A_321 = arith.index_cast %while3A_279 : i32 to index
      %get3A_322 = arith.constant 32 : index
      %get3A_323 = tpu.vector_load %arg8[%get3A_321, %get3A_322] {strides = array<i32>} : memref<125x80xi32, #tpu.memory_space<vmem>>, vector<1x16xi32>,
      %get3A_324 = vector.shape_cast %get3A_323 : vector<1x16xi32> to vector<16xi32>
      %ge3A_325 = arith.constant 2504 : i32
      %ge3A_326 = vector.broadcast %ge3A_325 : i32 to vector<16xi32>
      %ge3A_327 = arith.cmpi sge, %get3A_324, %ge3A_326 : vector<16xi32>
      %lt3A_328 = arith.constant 5008 : i32
      %lt3A_329 = vector.broadcast %lt3A_328 : i32 to vector<16xi32>
      %lt3A_330 = arith.cmpi slt, %get3A_324, %lt3A_329 : vector<16xi32>
      %and3A_331 = arith.andi %ge3A_327, %lt3A_330 : vector<16xi1>
      %sub3A_332 = arith.constant 2504 : i32
      %sub3A_333 = vector.broadcast %sub3A_332 : i32 to vector<16xi32>
      %sub3A_334 = arith.subi %get3A_324, %sub3A_333 : vector<16xi32>
      %jit3A_335 = arith.constant 2560 : i32
      %broadcast_in_dim3A_336 = vector.broadcast %jit3A_335 : i32 to vector<16xi32>
      %select_n3A_337 = arith.select %and3A_331, %sub3A_334, %broadcast_in_dim3A_336 : vector<16xi1>, vector<16xi32>
      %swap3A_338 = arith.index_cast %rem3A_280 : i32 to index
      %swap3A_339 = arith.constant 32 : index
      %swap3A_340 = tpu.vector_load %arg9[%swap3A_338, %swap3A_339] {strides = array<i32>} : memref<2x80xi32, #tpu.memory_space<vmem>>, vector<1x16xi32>,
      %swap3A_341 = vector.shape_cast %swap3A_340 : vector<1x16xi32> to vector<16xi32>
      %swap3A_342 = vector.shape_cast %select_n3A_337 : vector<16xi32> to vector<1x16xi32>
      tpu.vector_store %arg9[%swap3A_338, %swap3A_339], %swap3A_342 {strides = array<i32>} : memref<2x80xi32, #tpu.memory_space<vmem>>, vector<1x16xi32>,
      %get3A_343 = arith.index_cast %while3A_279 : i32 to index
      %get3A_344 = arith.constant 48 : index
      %get3A_345 = tpu.vector_load %arg8[%get3A_343, %get3A_344] {strides = array<i32>} : memref<125x80xi32, #tpu.memory_space<vmem>>, vector<1x16xi32>,
      %get3A_346 = vector.shape_cast %get3A_345 : vector<1x16xi32> to vector<16xi32>
      %ge3A_347 = arith.constant 2504 : i32
      %ge3A_348 = vector.broadcast %ge3A_347 : i32 to vector<16xi32>
      %ge3A_349 = arith.cmpi sge, %get3A_346, %ge3A_348 : vector<16xi32>
      %lt3A_350 = arith.constant 5008 : i32
      %lt3A_351 = vector.broadcast %lt3A_350 : i32 to vector<16xi32>
      %lt3A_352 = arith.cmpi slt, %get3A_346, %lt3A_351 : vector<16xi32>
      %and3A_353 = arith.andi %ge3A_349, %lt3A_352 : vector<16xi1>
      %sub3A_354 = arith.constant 2504 : i32
      %sub3A_355 = vector.broadcast %sub3A_354 : i32 to vector<16xi32>
      %sub3A_356 = arith.subi %get3A_346, %sub3A_355 : vector<16xi32>
      %jit3A_357 = arith.constant 2560 : i32
      %broadcast_in_dim3A_358 = vector.broadcast %jit3A_357 : i32 to vector<16xi32>
      %select_n3A_359 = arith.select %and3A_353, %sub3A_356, %broadcast_in_dim3A_358 : vector<16xi1>, vector<16xi32>
      %swap3A_360 = arith.index_cast %rem3A_280 : i32 to index
      %swap3A_361 = arith.constant 48 : index
      %swap3A_362 = tpu.vector_load %arg9[%swap3A_360, %swap3A_361] {strides = array<i32>} : memref<2x80xi32, #tpu.memory_space<vmem>>, vector<1x16xi32>,
      %swap3A_363 = vector.shape_cast %swap3A_362 : vector<1x16xi32> to vector<16xi32>
      %swap3A_364 = vector.shape_cast %select_n3A_359 : vector<16xi32> to vector<1x16xi32>
      tpu.vector_store %arg9[%swap3A_360, %swap3A_361], %swap3A_364 {strides = array<i32>} : memref<2x80xi32, #tpu.memory_space<vmem>>, vector<1x16xi32>,
      %get3A_365 = arith.index_cast %while3A_279 : i32 to index
      %get3A_366 = arith.constant 64 : index
      %get3A_367 = tpu.vector_load %arg8[%get3A_365, %get3A_366] {strides = array<i32>} : memref<125x80xi32, #tpu.memory_space<vmem>>, vector<1x16xi32>,
      %get3A_368 = vector.shape_cast %get3A_367 : vector<1x16xi32> to vector<16xi32>
      %ge3A_369 = arith.constant 2504 : i32
      %ge3A_370 = vector.broadcast %ge3A_369 : i32 to vector<16xi32>
      %ge3A_371 = arith.cmpi sge, %get3A_368, %ge3A_370 : vector<16xi32>
      %lt3A_372 = arith.constant 5008 : i32
      %lt3A_373 = vector.broadcast %lt3A_372 : i32 to vector<16xi32>
      %lt3A_374 = arith.cmpi slt, %get3A_368, %lt3A_373 : vector<16xi32>
      %and3A_375 = arith.andi %ge3A_371, %lt3A_374 : vector<16xi1>
      %sub3A_376 = arith.constant 2504 : i32
      %sub3A_377 = vector.broadcast %sub3A_376 : i32 to vector<16xi32>
      %sub3A_378 = arith.subi %get3A_368, %sub3A_377 : vector<16xi32>
      %jit3A_379 = arith.constant 2560 : i32
      %broadcast_in_dim3A_380 = vector.broadcast %jit3A_379 : i32 to vector<16xi32>
      %select_n3A_381 = arith.select %and3A_375, %sub3A_378, %broadcast_in_dim3A_380 : vector<16xi1>, vector<16xi32>
      %swap3A_382 = arith.index_cast %rem3A_280 : i32 to index
      %swap3A_383 = arith.constant 64 : index
      %swap3A_384 = tpu.vector_load %arg9[%swap3A_382, %swap3A_383] {strides = array<i32>} : memref<2x80xi32, #tpu.memory_space<vmem>>, vector<1x16xi32>,
      %swap3A_385 = vector.shape_cast %swap3A_384 : vector<1x16xi32> to vector<16xi32>
      %swap3A_386 = vector.shape_cast %select_n3A_381 : vector<16xi32> to vector<1x16xi32>
      tpu.vector_store %arg9[%swap3A_382, %swap3A_383], %swap3A_386 {strides = array<i32>} : memref<2x80xi32, #tpu.memory_space<vmem>>, vector<1x16xi32>,
      %gt3A_387 = arith.cmpi sgt, %while3A_279, %squeeze3A_74 : i32
      %convert_element_type3A_388 = arith.extui %gt3A_387 : i1 to i32
      %cond3A_389 = arith.constant 0 : i32
      %cond3A_390 = arith.cmpi ne, %convert_element_type3A_388, %cond3A_389 : i32
      scf.if %cond3A_390 {
        %dma_wait3A_432 = arith.constant 0 : i32
        %dma_wait3A_433 = arith.constant 0 : i32
        %dma_wait3A_434 = tpu.memref_slice %arg10[%sub3A_282, %dma_wait3A_432, %dma_wait3A_433] : memref<2x80x128xf32, #tpu.memory_space<vmem>> -> memref<1x80x128xf32, #tpu.memory_space<vmem>>
        %dma_wait3A_435 = tpu.memref_squeeze %dma_wait3A_434 : memref<1x80x128xf32, #tpu.memory_space<vmem>> -> memref<80x128xf32, #tpu.memory_space<vmem>>
        %dma_wait3A_436 = arith.constant 0 : i32
        %dma_wait3A_437 = tpu.memref_slice %arg9[%sub3A_282, %dma_wait3A_436] : memref<2x80xi32, #tpu.memory_space<vmem>> -> memref<1x80xi32, #tpu.memory_space<vmem>>
        %dma_wait3A_438 = tpu.memref_squeeze %dma_wait3A_437 : memref<1x80xi32, #tpu.memory_space<vmem>> -> memref<80xi32, #tpu.memory_space<vmem>>
        %dma_wait3A_439 = arith.constant 0 : i32
        %dma_wait3A_440 = arith.constant 0 : i32
        %dma_wait3A_441 = tpu.memref_slice %arg16[%dma_wait3A_439, %dma_wait3A_440] : memref<2568x128xf32, #tpu.memory_space<vmem_shared>> -> memref<2568x128xf32, #tpu.memory_space<vmem_shared>>
        %dma_wait3A_442 = tpu.memref_slice %arg14[%sub3A_282] : memref<2x!tpu.dma_semaphore, #tpu.memory_space<semaphore_mem>> -> memref<1x!tpu.dma_semaphore, #tpu.memory_space<semaphore_mem>>
        %dma_wait3A_443 = tpu.memref_squeeze %dma_wait3A_442 : memref<1x!tpu.dma_semaphore, #tpu.memory_space<semaphore_mem>> -> memref<!tpu.dma_semaphore, #tpu.memory_space<semaphore_mem>>
        tpu.wait_indirect_dma semaphore(%dma_wait3A_443 : memref<!tpu.dma_semaphore, #tpu.memory_space<semaphore_mem>>) src(%dma_wait3A_435 : memref<80x128xf32, #tpu.memory_space<vmem>>) dst(%dma_wait3A_441 : memref<2568x128xf32, #tpu.memory_space<vmem_shared>>)
        %dma_wait3A_444 = arith.constant 0 : i32
        %dma_wait3A_445 = tpu.memref_slice %arg9[%sub3A_282, %dma_wait3A_444] : memref<2x80xi32, #tpu.memory_space<vmem>> -> memref<1x80xi32, #tpu.memory_space<vmem>>
        %dma_wait3A_446 = tpu.memref_squeeze %dma_wait3A_445 : memref<1x80xi32, #tpu.memory_space<vmem>> -> memref<80xi32, #tpu.memory_space<vmem>>
        %dma_wait3A_447 = arith.constant 0 : i32
        %dma_wait3A_448 = arith.constant 0 : i32
        %dma_wait3A_449 = tpu.memref_slice %arg17[%dma_wait3A_447, %dma_wait3A_448] : memref<2568x128xf32, #tpu.memory_space<vmem_shared>> -> memref<2568x128xf32, #tpu.memory_space<vmem_shared>>
        %dma_wait3A_450 = tpu.memref_slice %arg15[%sub3A_282] : memref<2x!tpu.dma_semaphore, #tpu.memory_space<semaphore_mem>> -> memref<1x!tpu.dma_semaphore, #tpu.memory_space<semaphore_mem>>
        %dma_wait3A_451 = tpu.memref_squeeze %dma_wait3A_450 : memref<1x!tpu.dma_semaphore, #tpu.memory_space<semaphore_mem>> -> memref<!tpu.dma_semaphore, #tpu.memory_space<semaphore_mem>>
        tpu.wait_indirect_dma semaphore(%dma_wait3A_451 : memref<!tpu.dma_semaphore, #tpu.memory_space<semaphore_mem>>) src(%arg11 : memref<80x128xf32, #tpu.memory_space<vmem>>) dst(%dma_wait3A_449 : memref<2568x128xf32, #tpu.memory_space<vmem_shared>>)
      } else {
      }
      %add3A_391 = arith.constant 1 : i32
      %add3A_392 = arith.addi %while3A_279, %add3A_391 : i32
      %lt3A_393 = arith.cmpi slt, %add3A_392, %squeeze3A_76 : i32
      %convert_element_type3A_394 = arith.extui %lt3A_393 : i1 to i32
      %cond3A_395 = arith.constant 0 : i32
      %cond3A_396 = arith.cmpi ne, %convert_element_type3A_394, %cond3A_395 : i32
      scf.if %cond3A_396 {
        %add3A_432 = arith.constant 1 : i32
        %add3A_433 = arith.addi %while3A_279, %add3A_432 : i32
        %mul3A_434 = arith.constant 80 : i32
        %mul3A_435 = arith.muli %add3A_433, %mul3A_434 : i32
        %add3A_436 = arith.addi %mul3A_0, %mul3A_435 : i32
        %mul3A_437 = arith.constant 128 : i32
        %mul3A_438 = arith.muli %arg0, %mul3A_437 : i32
        %dma_start3A_439 = arith.constant 0 : i32
        %dma_start3A_440 = arith.constant 0 : i32
        %dma_start3A_441 = tpu.memref_slice %arg10[%sub3A_282, %dma_start3A_439, %dma_start3A_440] : memref<2x80x128xf32, #tpu.memory_space<vmem>> -> memref<1x80x128xf32, #tpu.memory_space<vmem>>
        %dma_start3A_442 = tpu.memref_squeeze %dma_start3A_441 : memref<1x80x128xf32, #tpu.memory_space<vmem>> -> memref<80x128xf32, #tpu.memory_space<vmem>>
        %dma_start3A_443 = tpu.memref_slice %arg2[%add3A_436, %mul3A_438] : memref<160000x256xf32, #tpu.memory_space<hbm>> -> memref<80x128xf32, #tpu.memory_space<hbm>>
        %dma_start3A_444 = tpu.memref_slice %arg13[%sub3A_282] : memref<2x!tpu.dma_semaphore, #tpu.memory_space<semaphore_mem>> -> memref<1x!tpu.dma_semaphore, #tpu.memory_space<semaphore_mem>>
        %dma_start3A_445 = tpu.memref_squeeze %dma_start3A_444 : memref<1x!tpu.dma_semaphore, #tpu.memory_space<semaphore_mem>> -> memref<!tpu.dma_semaphore, #tpu.memory_space<semaphore_mem>>
        %dma_start3A_446 = arith.constant 0 : i32
        %dma_start3A_447 = arith.constant 0 : i32
        %dma_start3A_448 = tpu.memref_slice %arg10[%sub3A_282, %dma_start3A_446, %dma_start3A_447] : memref<2x80x128xf32, #tpu.memory_space<vmem>> -> memref<1x80x128xf32, #tpu.memory_space<vmem>>
        %dma_start3A_449 = tpu.memref_squeeze %dma_start3A_448 : memref<1x80x128xf32, #tpu.memory_space<vmem>> -> memref<80x128xf32, #tpu.memory_space<vmem>>
        %dma_start3A_450 = tpu.memref_slice %arg2[%add3A_436, %mul3A_438] : memref<160000x256xf32, #tpu.memory_space<hbm>> -> memref<80x128xf32, #tpu.memory_space<hbm>>
        tpu.enqueue_dma source(%dma_start3A_450 : memref<80x128xf32, #tpu.memory_space<hbm>>) target(%dma_start3A_449 : memref<80x128xf32, #tpu.memory_space<vmem>>) target_semaphore(%dma_start3A_445 : memref<!tpu.dma_semaphore, #tpu.memory_space<semaphore_mem>>)
      } else {
      }
      %mul3A_397 = arith.constant 80 : i32
      %mul3A_398 = arith.muli %while3A_279, %mul3A_397 : i32
      %add3A_399 = arith.addi %mul3A_0, %mul3A_398 : i32
      %mul3A_400 = arith.constant 128 : i32
      %mul3A_401 = arith.muli %arg0, %mul3A_400 : i32
      %dma_wait3A = arith.constant 0 : i32
      %dma_wait3A_402 = arith.constant 0 : i32
      %dma_wait3A_403 = tpu.memref_slice %arg10[%rem3A_280, %dma_wait3A, %dma_wait3A_402] : memref<2x80x128xf32, #tpu.memory_space<vmem>> -> memref<1x80x128xf32, #tpu.memory_space<vmem>>
      %dma_wait3A_404 = tpu.memref_squeeze %dma_wait3A_403 : memref<1x80x128xf32, #tpu.memory_space<vmem>> -> memref<80x128xf32, #tpu.memory_space<vmem>>
      %dma_wait3A_405 = tpu.memref_slice %arg2[%add3A_399, %mul3A_401] : memref<160000x256xf32, #tpu.memory_space<hbm>> -> memref<80x128xf32, #tpu.memory_space<hbm>>
      %dma_wait3A_406 = tpu.memref_slice %arg13[%rem3A_280] : memref<2x!tpu.dma_semaphore, #tpu.memory_space<semaphore_mem>> -> memref<1x!tpu.dma_semaphore, #tpu.memory_space<semaphore_mem>>
      %dma_wait3A_407 = tpu.memref_squeeze %dma_wait3A_406 : memref<1x!tpu.dma_semaphore, #tpu.memory_space<semaphore_mem>> -> memref<!tpu.dma_semaphore, #tpu.memory_space<semaphore_mem>>
      %dma_wait3A_408 = arith.constant 0 : i32
      %dma_wait3A_409 = arith.constant 0 : i32
      %dma_wait3A_410 = tpu.memref_slice %arg10[%rem3A_280, %dma_wait3A_408, %dma_wait3A_409] : memref<2x80x128xf32, #tpu.memory_space<vmem>> -> memref<1x80x128xf32, #tpu.memory_space<vmem>>
      %dma_wait3A_411 = tpu.memref_squeeze %dma_wait3A_410 : memref<1x80x128xf32, #tpu.memory_space<vmem>> -> memref<80x128xf32, #tpu.memory_space<vmem>>
      %dma_wait3A_412 = tpu.memref_slice %arg2[%add3A_399, %mul3A_401] : memref<160000x256xf32, #tpu.memory_space<hbm>> -> memref<80x128xf32, #tpu.memory_space<hbm>>
      tpu.wait_dma2 semaphore(%dma_wait3A_407 : memref<!tpu.dma_semaphore, #tpu.memory_space<semaphore_mem>>) src(%dma_wait3A_412 : memref<80x128xf32, #tpu.memory_space<hbm>>) dst(%dma_wait3A_411 : memref<80x128xf32, #tpu.memory_space<vmem>>)
      %dma_start3A = arith.constant 0 : i32
      %dma_start3A_413 = arith.constant 0 : i32
      %dma_start3A_414 = tpu.memref_slice %arg10[%rem3A_280, %dma_start3A, %dma_start3A_413] : memref<2x80x128xf32, #tpu.memory_space<vmem>> -> memref<1x80x128xf32, #tpu.memory_space<vmem>>
      %dma_start3A_415 = tpu.memref_squeeze %dma_start3A_414 : memref<1x80x128xf32, #tpu.memory_space<vmem>> -> memref<80x128xf32, #tpu.memory_space<vmem>>
      %dma_start3A_416 = arith.constant 0 : i32
      %dma_start3A_417 = tpu.memref_slice %arg9[%rem3A_280, %dma_start3A_416] : memref<2x80xi32, #tpu.memory_space<vmem>> -> memref<1x80xi32, #tpu.memory_space<vmem>>
      %dma_start3A_418 = tpu.memref_squeeze %dma_start3A_417 : memref<1x80xi32, #tpu.memory_space<vmem>> -> memref<80xi32, #tpu.memory_space<vmem>>
      %dma_start3A_419 = arith.constant 0 : i32
      %dma_start3A_420 = arith.constant 0 : i32
      %dma_start3A_421 = tpu.memref_slice %arg16[%dma_start3A_419, %dma_start3A_420] : memref<2568x128xf32, #tpu.memory_space<vmem_shared>> -> memref<2568x128xf32, #tpu.memory_space<vmem_shared>>
      %dma_start3A_422 = tpu.memref_slice %arg14[%rem3A_280] : memref<2x!tpu.dma_semaphore, #tpu.memory_space<semaphore_mem>> -> memref<1x!tpu.dma_semaphore, #tpu.memory_space<semaphore_mem>>
      %dma_start3A_423 = tpu.memref_squeeze %dma_start3A_422 : memref<1x!tpu.dma_semaphore, #tpu.memory_space<semaphore_mem>> -> memref<!tpu.dma_semaphore, #tpu.memory_space<semaphore_mem>>
      tpu.enqueue_indirect_dma source(%dma_start3A_415 : memref<80x128xf32, #tpu.memory_space<vmem>>) target(%dma_start3A_421 : memref<2568x128xf32, #tpu.memory_space<vmem_shared>>) offsets(%dma_start3A_418 : memref<80xi32, #tpu.memory_space<vmem>>) semaphore(%dma_start3A_423 : memref<!tpu.dma_semaphore, #tpu.memory_space<semaphore_mem>>) {add = true}
      %dma_start3A_424 = arith.constant 0 : i32
      %dma_start3A_425 = tpu.memref_slice %arg9[%rem3A_280, %dma_start3A_424] : memref<2x80xi32, #tpu.memory_space<vmem>> -> memref<1x80xi32, #tpu.memory_space<vmem>>
      %dma_start3A_426 = tpu.memref_squeeze %dma_start3A_425 : memref<1x80xi32, #tpu.memory_space<vmem>> -> memref<80xi32, #tpu.memory_space<vmem>>
      %dma_start3A_427 = arith.constant 0 : i32
      %dma_start3A_428 = arith.constant 0 : i32
      %dma_start3A_429 = tpu.memref_slice %arg17[%dma_start3A_427, %dma_start3A_428] : memref<2568x128xf32, #tpu.memory_space<vmem_shared>> -> memref<2568x128xf32, #tpu.memory_space<vmem_shared>>
      %dma_start3A_430 = tpu.memref_slice %arg15[%rem3A_280] : memref<2x!tpu.dma_semaphore, #tpu.memory_space<semaphore_mem>> -> memref<1x!tpu.dma_semaphore, #tpu.memory_space<semaphore_mem>>
      %dma_start3A_431 = tpu.memref_squeeze %dma_start3A_430 : memref<1x!tpu.dma_semaphore, #tpu.memory_space<semaphore_mem>> -> memref<!tpu.dma_semaphore, #tpu.memory_space<semaphore_mem>>
      tpu.enqueue_indirect_dma source(%arg11 : memref<80x128xf32, #tpu.memory_space<vmem>>) target(%dma_start3A_429 : memref<2568x128xf32, #tpu.memory_space<vmem_shared>>) offsets(%dma_start3A_426 : memref<80xi32, #tpu.memory_space<vmem>>) semaphore(%dma_start3A_431 : memref<!tpu.dma_semaphore, #tpu.memory_space<semaphore_mem>>) {add = true}
    }
    %while3A_89 = arith.constant 1 : i32
    scf.for %while3A_279 = %while3A_87 to %while3A_83 step %while3A_89  : i32 {
      %sub3A = arith.subi %while3A_279, %squeeze3A_74 : i32
      %rem3A = arith.constant 2 : i32
      %rem3A_280 = arith.remsi %sub3A, %rem3A : i32
      %sub3A_281 = arith.constant 1 : i32
      %sub3A_282 = arith.subi %sub3A_281, %rem3A_280 : i32
      %get3A_283 = arith.index_cast %while3A_279 : i32 to index
      %get3A_284 = arith.constant 0 : index
      %get3A_285 = tpu.vector_load %arg8[%get3A_283, %get3A_284] {strides = array<i32>} : memref<125x80xi32, #tpu.memory_space<vmem>>, vector<1x16xi32>,
      %get3A_286 = vector.shape_cast %get3A_285 : vector<1x16xi32> to vector<16xi32>
      %ge3A = arith.constant 2504 : i32
      %ge3A_287 = vector.broadcast %ge3A : i32 to vector<16xi32>
      %ge3A_288 = arith.cmpi sge, %get3A_286, %ge3A_287 : vector<16xi32>
      %lt3A_289 = arith.constant 5008 : i32
      %lt3A_290 = vector.broadcast %lt3A_289 : i32 to vector<16xi32>
      %lt3A_291 = arith.cmpi slt, %get3A_286, %lt3A_290 : vector<16xi32>
      %and3A = arith.andi %ge3A_288, %lt3A_291 : vector<16xi1>
      %sub3A_292 = arith.constant 2504 : i32
      %sub3A_293 = vector.broadcast %sub3A_292 : i32 to vector<16xi32>
      %sub3A_294 = arith.subi %get3A_286, %sub3A_293 : vector<16xi32>
      %jit3A = arith.constant 2560 : i32
      %broadcast_in_dim3A = vector.broadcast %jit3A : i32 to vector<16xi32>
      %select_n3A = arith.select %and3A, %sub3A_294, %broadcast_in_dim3A : vector<16xi1>, vector<16xi32>
      %swap3A = arith.index_cast %rem3A_280 : i32 to index
      %swap3A_295 = arith.constant 0 : index
      %swap3A_296 = tpu.vector_load %arg9[%swap3A, %swap3A_295] {strides = array<i32>} : memref<2x80xi32, #tpu.memory_space<vmem>>, vector<1x16xi32>,
      %swap3A_297 = vector.shape_cast %swap3A_296 : vector<1x16xi32> to vector<16xi32>
      %swap3A_298 = vector.shape_cast %select_n3A : vector<16xi32> to vector<1x16xi32>
      tpu.vector_store %arg9[%swap3A, %swap3A_295], %swap3A_298 {strides = array<i32>} : memref<2x80xi32, #tpu.memory_space<vmem>>, vector<1x16xi32>,
      %get3A_299 = arith.index_cast %while3A_279 : i32 to index
      %get3A_300 = arith.constant 16 : index
      %get3A_301 = tpu.vector_load %arg8[%get3A_299, %get3A_300] {strides = array<i32>} : memref<125x80xi32, #tpu.memory_space<vmem>>, vector<1x16xi32>,
      %get3A_302 = vector.shape_cast %get3A_301 : vector<1x16xi32> to vector<16xi32>
      %ge3A_303 = arith.constant 2504 : i32
      %ge3A_304 = vector.broadcast %ge3A_303 : i32 to vector<16xi32>
      %ge3A_305 = arith.cmpi sge, %get3A_302, %ge3A_304 : vector<16xi32>
      %lt3A_306 = arith.constant 5008 : i32
      %lt3A_307 = vector.broadcast %lt3A_306 : i32 to vector<16xi32>
      %lt3A_308 = arith.cmpi slt, %get3A_302, %lt3A_307 : vector<16xi32>
      %and3A_309 = arith.andi %ge3A_305, %lt3A_308 : vector<16xi1>
      %sub3A_310 = arith.constant 2504 : i32
      %sub3A_311 = vector.broadcast %sub3A_310 : i32 to vector<16xi32>
      %sub3A_312 = arith.subi %get3A_302, %sub3A_311 : vector<16xi32>
      %jit3A_313 = arith.constant 2560 : i32
      %broadcast_in_dim3A_314 = vector.broadcast %jit3A_313 : i32 to vector<16xi32>
      %select_n3A_315 = arith.select %and3A_309, %sub3A_312, %broadcast_in_dim3A_314 : vector<16xi1>, vector<16xi32>
      %swap3A_316 = arith.index_cast %rem3A_280 : i32 to index
      %swap3A_317 = arith.constant 16 : index
      %swap3A_318 = tpu.vector_load %arg9[%swap3A_316, %swap3A_317] {strides = array<i32>} : memref<2x80xi32, #tpu.memory_space<vmem>>, vector<1x16xi32>,
      %swap3A_319 = vector.shape_cast %swap3A_318 : vector<1x16xi32> to vector<16xi32>
      %swap3A_320 = vector.shape_cast %select_n3A_315 : vector<16xi32> to vector<1x16xi32>
      tpu.vector_store %arg9[%swap3A_316, %swap3A_317], %swap3A_320 {strides = array<i32>} : memref<2x80xi32, #tpu.memory_space<vmem>>, vector<1x16xi32>,
      %get3A_321 = arith.index_cast %while3A_279 : i32 to index
      %get3A_322 = arith.constant 32 : index
      %get3A_323 = tpu.vector_load %arg8[%get3A_321, %get3A_322] {strides = array<i32>} : memref<125x80xi32, #tpu.memory_space<vmem>>, vector<1x16xi32>,
      %get3A_324 = vector.shape_cast %get3A_323 : vector<1x16xi32> to vector<16xi32>
      %ge3A_325 = arith.constant 2504 : i32
      %ge3A_326 = vector.broadcast %ge3A_325 : i32 to vector<16xi32>
      %ge3A_327 = arith.cmpi sge, %get3A_324, %ge3A_326 : vector<16xi32>
      %lt3A_328 = arith.constant 5008 : i32
      %lt3A_329 = vector.broadcast %lt3A_328 : i32 to vector<16xi32>
      %lt3A_330 = arith.cmpi slt, %get3A_324, %lt3A_329 : vector<16xi32>
      %and3A_331 = arith.andi %ge3A_327, %lt3A_330 : vector<16xi1>
      %sub3A_332 = arith.constant 2504 : i32
      %sub3A_333 = vector.broadcast %sub3A_332 : i32 to vector<16xi32>
      %sub3A_334 = arith.subi %get3A_324, %sub3A_333 : vector<16xi32>
      %jit3A_335 = arith.constant 2560 : i32
      %broadcast_in_dim3A_336 = vector.broadcast %jit3A_335 : i32 to vector<16xi32>
      %select_n3A_337 = arith.select %and3A_331, %sub3A_334, %broadcast_in_dim3A_336 : vector<16xi1>, vector<16xi32>
      %swap3A_338 = arith.index_cast %rem3A_280 : i32 to index
      %swap3A_339 = arith.constant 32 : index
      %swap3A_340 = tpu.vector_load %arg9[%swap3A_338, %swap3A_339] {strides = array<i32>} : memref<2x80xi32, #tpu.memory_space<vmem>>, vector<1x16xi32>,
      %swap3A_341 = vector.shape_cast %swap3A_340 : vector<1x16xi32> to vector<16xi32>
      %swap3A_342 = vector.shape_cast %select_n3A_337 : vector<16xi32> to vector<1x16xi32>
      tpu.vector_store %arg9[%swap3A_338, %swap3A_339], %swap3A_342 {strides = array<i32>} : memref<2x80xi32, #tpu.memory_space<vmem>>, vector<1x16xi32>,
      %get3A_343 = arith.index_cast %while3A_279 : i32 to index
      %get3A_344 = arith.constant 48 : index
      %get3A_345 = tpu.vector_load %arg8[%get3A_343, %get3A_344] {strides = array<i32>} : memref<125x80xi32, #tpu.memory_space<vmem>>, vector<1x16xi32>,
      %get3A_346 = vector.shape_cast %get3A_345 : vector<1x16xi32> to vector<16xi32>
      %ge3A_347 = arith.constant 2504 : i32
      %ge3A_348 = vector.broadcast %ge3A_347 : i32 to vector<16xi32>
      %ge3A_349 = arith.cmpi sge, %get3A_346, %ge3A_348 : vector<16xi32>
      %lt3A_350 = arith.constant 5008 : i32
      %lt3A_351 = vector.broadcast %lt3A_350 : i32 to vector<16xi32>
      %lt3A_352 = arith.cmpi slt, %get3A_346, %lt3A_351 : vector<16xi32>
      %and3A_353 = arith.andi %ge3A_349, %lt3A_352 : vector<16xi1>
      %sub3A_354 = arith.constant 2504 : i32
      %sub3A_355 = vector.broadcast %sub3A_354 : i32 to vector<16xi32>
      %sub3A_356 = arith.subi %get3A_346, %sub3A_355 : vector<16xi32>
      %jit3A_357 = arith.constant 2560 : i32
      %broadcast_in_dim3A_358 = vector.broadcast %jit3A_357 : i32 to vector<16xi32>
      %select_n3A_359 = arith.select %and3A_353, %sub3A_356, %broadcast_in_dim3A_358 : vector<16xi1>, vector<16xi32>
      %swap3A_360 = arith.index_cast %rem3A_280 : i32 to index
      %swap3A_361 = arith.constant 48 : index
      %swap3A_362 = tpu.vector_load %arg9[%swap3A_360, %swap3A_361] {strides = array<i32>} : memref<2x80xi32, #tpu.memory_space<vmem>>, vector<1x16xi32>,
      %swap3A_363 = vector.shape_cast %swap3A_362 : vector<1x16xi32> to vector<16xi32>
      %swap3A_364 = vector.shape_cast %select_n3A_359 : vector<16xi32> to vector<1x16xi32>
      tpu.vector_store %arg9[%swap3A_360, %swap3A_361], %swap3A_364 {strides = array<i32>} : memref<2x80xi32, #tpu.memory_space<vmem>>, vector<1x16xi32>,
      %get3A_365 = arith.index_cast %while3A_279 : i32 to index
      %get3A_366 = arith.constant 64 : index
      %get3A_367 = tpu.vector_load %arg8[%get3A_365, %get3A_366] {strides = array<i32>} : memref<125x80xi32, #tpu.memory_space<vmem>>, vector<1x16xi32>,
      %get3A_368 = vector.shape_cast %get3A_367 : vector<1x16xi32> to vector<16xi32>
      %ge3A_369 = arith.constant 2504 : i32
      %ge3A_370 = vector.broadcast %ge3A_369 : i32 to vector<16xi32>
      %ge3A_371 = arith.cmpi sge, %get3A_368, %ge3A_370 : vector<16xi32>
      %lt3A_372 = arith.constant 5008 : i32
      %lt3A_373 = vector.broadcast %lt3A_372 : i32 to vector<16xi32>
      %lt3A_374 = arith.cmpi slt, %get3A_368, %lt3A_373 : vector<16xi32>
      %and3A_375 = arith.andi %ge3A_371, %lt3A_374 : vector<16xi1>
      %sub3A_376 = arith.constant 2504 : i32
      %sub3A_377 = vector.broadcast %sub3A_376 : i32 to vector<16xi32>
      %sub3A_378 = arith.subi %get3A_368, %sub3A_377 : vector<16xi32>
      %jit3A_379 = arith.constant 2560 : i32
      %broadcast_in_dim3A_380 = vector.broadcast %jit3A_379 : i32 to vector<16xi32>
      %select_n3A_381 = arith.select %and3A_375, %sub3A_378, %broadcast_in_dim3A_380 : vector<16xi1>, vector<16xi32>
      %swap3A_382 = arith.index_cast %rem3A_280 : i32 to index
      %swap3A_383 = arith.constant 64 : index
      %swap3A_384 = tpu.vector_load %arg9[%swap3A_382, %swap3A_383] {strides = array<i32>} : memref<2x80xi32, #tpu.memory_space<vmem>>, vector<1x16xi32>,
      %swap3A_385 = vector.shape_cast %swap3A_384 : vector<1x16xi32> to vector<16xi32>
      %swap3A_386 = vector.shape_cast %select_n3A_381 : vector<16xi32> to vector<1x16xi32>
      tpu.vector_store %arg9[%swap3A_382, %swap3A_383], %swap3A_386 {strides = array<i32>} : memref<2x80xi32, #tpu.memory_space<vmem>>, vector<1x16xi32>,
      %gt3A_387 = arith.cmpi sgt, %while3A_279, %squeeze3A_74 : i32
      %convert_element_type3A_388 = arith.extui %gt3A_387 : i1 to i32
      %cond3A_389 = arith.constant 0 : i32
      %cond3A_390 = arith.cmpi ne, %convert_element_type3A_388, %cond3A_389 : i32
      scf.if %cond3A_390 {
        %dma_wait3A_432 = arith.constant 0 : i32
        %dma_wait3A_433 = arith.constant 0 : i32
        %dma_wait3A_434 = tpu.memref_slice %arg10[%sub3A_282, %dma_wait3A_432, %dma_wait3A_433] : memref<2x80x128xf32, #tpu.memory_space<vmem>> -> memref<1x80x128xf32, #tpu.memory_space<vmem>>
        %dma_wait3A_435 = tpu.memref_squeeze %dma_wait3A_434 : memref<1x80x128xf32, #tpu.memory_space<vmem>> -> memref<80x128xf32, #tpu.memory_space<vmem>>
        %dma_wait3A_436 = arith.constant 0 : i32
        %dma_wait3A_437 = tpu.memref_slice %arg9[%sub3A_282, %dma_wait3A_436] : memref<2x80xi32, #tpu.memory_space<vmem>> -> memref<1x80xi32, #tpu.memory_space<vmem>>
        %dma_wait3A_438 = tpu.memref_squeeze %dma_wait3A_437 : memref<1x80xi32, #tpu.memory_space<vmem>> -> memref<80xi32, #tpu.memory_space<vmem>>
        %dma_wait3A_439 = arith.constant 0 : i32
        %dma_wait3A_440 = arith.constant 0 : i32
        %dma_wait3A_441 = tpu.memref_slice %arg16[%dma_wait3A_439, %dma_wait3A_440] : memref<2568x128xf32, #tpu.memory_space<vmem_shared>> -> memref<2568x128xf32, #tpu.memory_space<vmem_shared>>
        %dma_wait3A_442 = tpu.memref_slice %arg14[%sub3A_282] : memref<2x!tpu.dma_semaphore, #tpu.memory_space<semaphore_mem>> -> memref<1x!tpu.dma_semaphore, #tpu.memory_space<semaphore_mem>>
        %dma_wait3A_443 = tpu.memref_squeeze %dma_wait3A_442 : memref<1x!tpu.dma_semaphore, #tpu.memory_space<semaphore_mem>> -> memref<!tpu.dma_semaphore, #tpu.memory_space<semaphore_mem>>
        tpu.wait_indirect_dma semaphore(%dma_wait3A_443 : memref<!tpu.dma_semaphore, #tpu.memory_space<semaphore_mem>>) src(%dma_wait3A_435 : memref<80x128xf32, #tpu.memory_space<vmem>>) dst(%dma_wait3A_441 : memref<2568x128xf32, #tpu.memory_space<vmem_shared>>)
        %dma_wait3A_444 = arith.constant 0 : i32
        %dma_wait3A_445 = tpu.memref_slice %arg9[%sub3A_282, %dma_wait3A_444] : memref<2x80xi32, #tpu.memory_space<vmem>> -> memref<1x80xi32, #tpu.memory_space<vmem>>
        %dma_wait3A_446 = tpu.memref_squeeze %dma_wait3A_445 : memref<1x80xi32, #tpu.memory_space<vmem>> -> memref<80xi32, #tpu.memory_space<vmem>>
        %dma_wait3A_447 = arith.constant 0 : i32
        %dma_wait3A_448 = arith.constant 0 : i32
        %dma_wait3A_449 = tpu.memref_slice %arg17[%dma_wait3A_447, %dma_wait3A_448] : memref<2568x128xf32, #tpu.memory_space<vmem_shared>> -> memref<2568x128xf32, #tpu.memory_space<vmem_shared>>
        %dma_wait3A_450 = tpu.memref_slice %arg15[%sub3A_282] : memref<2x!tpu.dma_semaphore, #tpu.memory_space<semaphore_mem>> -> memref<1x!tpu.dma_semaphore, #tpu.memory_space<semaphore_mem>>
        %dma_wait3A_451 = tpu.memref_squeeze %dma_wait3A_450 : memref<1x!tpu.dma_semaphore, #tpu.memory_space<semaphore_mem>> -> memref<!tpu.dma_semaphore, #tpu.memory_space<semaphore_mem>>
        tpu.wait_indirect_dma semaphore(%dma_wait3A_451 : memref<!tpu.dma_semaphore, #tpu.memory_space<semaphore_mem>>) src(%arg11 : memref<80x128xf32, #tpu.memory_space<vmem>>) dst(%dma_wait3A_449 : memref<2568x128xf32, #tpu.memory_space<vmem_shared>>)
      } else {
      }
      %add3A_391 = arith.constant 1 : i32
      %add3A_392 = arith.addi %while3A_279, %add3A_391 : i32
      %lt3A_393 = arith.cmpi slt, %add3A_392, %squeeze3A_76 : i32
      %convert_element_type3A_394 = arith.extui %lt3A_393 : i1 to i32
      %cond3A_395 = arith.constant 0 : i32
      %cond3A_396 = arith.cmpi ne, %convert_element_type3A_394, %cond3A_395 : i32
      scf.if %cond3A_396 {
        %add3A_432 = arith.constant 1 : i32
        %add3A_433 = arith.addi %while3A_279, %add3A_432 : i32
        %mul3A_434 = arith.constant 80 : i32
        %mul3A_435 = arith.muli %add3A_433, %mul3A_434 : i32
        %add3A_436 = arith.addi %mul3A_0, %mul3A_435 : i32
        %mul3A_437 = arith.constant 128 : i32
        %mul3A_438 = arith.muli %arg0, %mul3A_437 : i32
        %dma_start3A_439 = arith.constant 0 : i32
        %dma_start3A_440 = arith.constant 0 : i32
        %dma_start3A_441 = tpu.memref_slice %arg10[%sub3A_282, %dma_start3A_439, %dma_start3A_440] : memref<2x80x128xf32, #tpu.memory_space<vmem>> -> memref<1x80x128xf32, #tpu.memory_space<vmem>>
        %dma_start3A_442 = tpu.memref_squeeze %dma_start3A_441 : memref<1x80x128xf32, #tpu.memory_space<vmem>> -> memref<80x128xf32, #tpu.memory_space<vmem>>
        %dma_start3A_443 = tpu.memref_slice %arg2[%add3A_436, %mul3A_438] : memref<160000x256xf32, #tpu.memory_space<hbm>> -> memref<80x128xf32, #tpu.memory_space<hbm>>
        %dma_start3A_444 = tpu.memref_slice %arg13[%sub3A_282] : memref<2x!tpu.dma_semaphore, #tpu.memory_space<semaphore_mem>> -> memref<1x!tpu.dma_semaphore, #tpu.memory_space<semaphore_mem>>
        %dma_start3A_445 = tpu.memref_squeeze %dma_start3A_444 : memref<1x!tpu.dma_semaphore, #tpu.memory_space<semaphore_mem>> -> memref<!tpu.dma_semaphore, #tpu.memory_space<semaphore_mem>>
        %dma_start3A_446 = arith.constant 0 : i32
        %dma_start3A_447 = arith.constant 0 : i32
        %dma_start3A_448 = tpu.memref_slice %arg10[%sub3A_282, %dma_start3A_446, %dma_start3A_447] : memref<2x80x128xf32, #tpu.memory_space<vmem>> -> memref<1x80x128xf32, #tpu.memory_space<vmem>>
        %dma_start3A_449 = tpu.memref_squeeze %dma_start3A_448 : memref<1x80x128xf32, #tpu.memory_space<vmem>> -> memref<80x128xf32, #tpu.memory_space<vmem>>
        %dma_start3A_450 = tpu.memref_slice %arg2[%add3A_436, %mul3A_438] : memref<160000x256xf32, #tpu.memory_space<hbm>> -> memref<80x128xf32, #tpu.memory_space<hbm>>
        tpu.enqueue_dma source(%dma_start3A_450 : memref<80x128xf32, #tpu.memory_space<hbm>>) target(%dma_start3A_449 : memref<80x128xf32, #tpu.memory_space<vmem>>) target_semaphore(%dma_start3A_445 : memref<!tpu.dma_semaphore, #tpu.memory_space<semaphore_mem>>)
      } else {
      }
      %mul3A_397 = arith.constant 80 : i32
      %mul3A_398 = arith.muli %while3A_279, %mul3A_397 : i32
      %add3A_399 = arith.addi %mul3A_0, %mul3A_398 : i32
      %mul3A_400 = arith.constant 128 : i32
      %mul3A_401 = arith.muli %arg0, %mul3A_400 : i32
      %dma_wait3A = arith.constant 0 : i32
      %dma_wait3A_402 = arith.constant 0 : i32
      %dma_wait3A_403 = tpu.memref_slice %arg10[%rem3A_280, %dma_wait3A, %dma_wait3A_402] : memref<2x80x128xf32, #tpu.memory_space<vmem>> -> memref<1x80x128xf32, #tpu.memory_space<vmem>>
      %dma_wait3A_404 = tpu.memref_squeeze %dma_wait3A_403 : memref<1x80x128xf32, #tpu.memory_space<vmem>> -> memref<80x128xf32, #tpu.memory_space<vmem>>
      %dma_wait3A_405 = tpu.memref_slice %arg2[%add3A_399, %mul3A_401] : memref<160000x256xf32, #tpu.memory_space<hbm>> -> memref<80x128xf32, #tpu.memory_space<hbm>>
      %dma_wait3A_406 = tpu.memref_slice %arg13[%rem3A_280] : memref<2x!tpu.dma_semaphore, #tpu.memory_space<semaphore_mem>> -> memref<1x!tpu.dma_semaphore, #tpu.memory_space<semaphore_mem>>
      %dma_wait3A_407 = tpu.memref_squeeze %dma_wait3A_406 : memref<1x!tpu.dma_semaphore, #tpu.memory_space<semaphore_mem>> -> memref<!tpu.dma_semaphore, #tpu.memory_space<semaphore_mem>>
      %dma_wait3A_408 = arith.constant 0 : i32
      %dma_wait3A_409 = arith.constant 0 : i32
      %dma_wait3A_410 = tpu.memref_slice %arg10[%rem3A_280, %dma_wait3A_408, %dma_wait3A_409] : memref<2x80x128xf32, #tpu.memory_space<vmem>> -> memref<1x80x128xf32, #tpu.memory_space<vmem>>
      %dma_wait3A_411 = tpu.memref_squeeze %dma_wait3A_410 : memref<1x80x128xf32, #tpu.memory_space<vmem>> -> memref<80x128xf32, #tpu.memory_space<vmem>>
      %dma_wait3A_412 = tpu.memref_slice %arg2[%add3A_399, %mul3A_401] : memref<160000x256xf32, #tpu.memory_space<hbm>> -> memref<80x128xf32, #tpu.memory_space<hbm>>
      tpu.wait_dma2 semaphore(%dma_wait3A_407 : memref<!tpu.dma_semaphore, #tpu.memory_space<semaphore_mem>>) src(%dma_wait3A_412 : memref<80x128xf32, #tpu.memory_space<hbm>>) dst(%dma_wait3A_411 : memref<80x128xf32, #tpu.memory_space<vmem>>)
      %dma_start3A = arith.constant 0 : i32
      %dma_start3A_413 = arith.constant 0 : i32
      %dma_start3A_414 = tpu.memref_slice %arg10[%rem3A_280, %dma_start3A, %dma_start3A_413] : memref<2x80x128xf32, #tpu.memory_space<vmem>> -> memref<1x80x128xf32, #tpu.memory_space<vmem>>
      %dma_start3A_415 = tpu.memref_squeeze %dma_start3A_414 : memref<1x80x128xf32, #tpu.memory_space<vmem>> -> memref<80x128xf32, #tpu.memory_space<vmem>>
      %dma_start3A_416 = arith.constant 0 : i32
      %dma_start3A_417 = tpu.memref_slice %arg9[%rem3A_280, %dma_start3A_416] : memref<2x80xi32, #tpu.memory_space<vmem>> -> memref<1x80xi32, #tpu.memory_space<vmem>>
      %dma_start3A_418 = tpu.memref_squeeze %dma_start3A_417 : memref<1x80xi32, #tpu.memory_space<vmem>> -> memref<80xi32, #tpu.memory_space<vmem>>
      %dma_start3A_419 = arith.constant 0 : i32
      %dma_start3A_420 = arith.constant 0 : i32
      %dma_start3A_421 = tpu.memref_slice %arg16[%dma_start3A_419, %dma_start3A_420] : memref<2568x128xf32, #tpu.memory_space<vmem_shared>> -> memref<2568x128xf32, #tpu.memory_space<vmem_shared>>
      %dma_start3A_422 = tpu.memref_slice %arg14[%rem3A_280] : memref<2x!tpu.dma_semaphore, #tpu.memory_space<semaphore_mem>> -> memref<1x!tpu.dma_semaphore, #tpu.memory_space<semaphore_mem>>
      %dma_start3A_423 = tpu.memref_squeeze %dma_start3A_422 : memref<1x!tpu.dma_semaphore, #tpu.memory_space<semaphore_mem>> -> memref<!tpu.dma_semaphore, #tpu.memory_space<semaphore_mem>>
      tpu.enqueue_indirect_dma source(%dma_start3A_415 : memref<80x128xf32, #tpu.memory_space<vmem>>) target(%dma_start3A_421 : memref<2568x128xf32, #tpu.memory_space<vmem_shared>>) offsets(%dma_start3A_418 : memref<80xi32, #tpu.memory_space<vmem>>) semaphore(%dma_start3A_423 : memref<!tpu.dma_semaphore, #tpu.memory_space<semaphore_mem>>) {add = true}
      %dma_start3A_424 = arith.constant 0 : i32
      %dma_start3A_425 = tpu.memref_slice %arg9[%rem3A_280, %dma_start3A_424] : memref<2x80xi32, #tpu.memory_space<vmem>> -> memref<1x80xi32, #tpu.memory_space<vmem>>
      %dma_start3A_426 = tpu.memref_squeeze %dma_start3A_425 : memref<1x80xi32, #tpu.memory_space<vmem>> -> memref<80xi32, #tpu.memory_space<vmem>>
      %dma_start3A_427 = arith.constant 0 : i32
      %dma_start3A_428 = arith.constant 0 : i32
      %dma_start3A_429 = tpu.memref_slice %arg17[%dma_start3A_427, %dma_start3A_428] : memref<2568x128xf32, #tpu.memory_space<vmem_shared>> -> memref<2568x128xf32, #tpu.memory_space<vmem_shared>>
      %dma_start3A_430 = tpu.memref_slice %arg15[%rem3A_280] : memref<2x!tpu.dma_semaphore, #tpu.memory_space<semaphore_mem>> -> memref<1x!tpu.dma_semaphore, #tpu.memory_space<semaphore_mem>>
      %dma_start3A_431 = tpu.memref_squeeze %dma_start3A_430 : memref<1x!tpu.dma_semaphore, #tpu.memory_space<semaphore_mem>> -> memref<!tpu.dma_semaphore, #tpu.memory_space<semaphore_mem>>
      tpu.enqueue_indirect_dma source(%arg11 : memref<80x128xf32, #tpu.memory_space<vmem>>) target(%dma_start3A_429 : memref<2568x128xf32, #tpu.memory_space<vmem_shared>>) offsets(%dma_start3A_426 : memref<80xi32, #tpu.memory_space<vmem>>) semaphore(%dma_start3A_431 : memref<!tpu.dma_semaphore, #tpu.memory_space<semaphore_mem>>) {add = true}
    }
    %gt3A_90 = arith.cmpi sgt, %squeeze3A_76, %squeeze3A_74 : i32
    %convert_element_type3A_91 = arith.extui %gt3A_90 : i1 to i32
    %cond3A_92 = arith.constant 0 : i32
    %cond3A_93 = arith.cmpi ne, %convert_element_type3A_91, %cond3A_92 : i32
    scf.if %cond3A_93 {
      %sub3A = arith.constant 1 : i32
      %sub3A_279 = arith.subi %squeeze3A_76, %sub3A : i32
      %sub3A_280 = arith.subi %sub3A_279, %squeeze3A_74 : i32
      %rem3A = arith.constant 2 : i32
      %rem3A_281 = arith.remsi %sub3A_280, %rem3A : i32
      %dma_wait3A = arith.constant 0 : i32
      %dma_wait3A_282 = arith.constant 0 : i32
      %dma_wait3A_283 = tpu.memref_slice %arg10[%rem3A_281, %dma_wait3A, %dma_wait3A_282] : memref<2x80x128xf32, #tpu.memory_space<vmem>> -> memref<1x80x128xf32, #tpu.memory_space<vmem>>
      %dma_wait3A_284 = tpu.memref_squeeze %dma_wait3A_283 : memref<1x80x128xf32, #tpu.memory_space<vmem>> -> memref<80x128xf32, #tpu.memory_space<vmem>>
      %dma_wait3A_285 = arith.constant 0 : i32
      %dma_wait3A_286 = tpu.memref_slice %arg9[%rem3A_281, %dma_wait3A_285] : memref<2x80xi32, #tpu.memory_space<vmem>> -> memref<1x80xi32, #tpu.memory_space<vmem>>
      %dma_wait3A_287 = tpu.memref_squeeze %dma_wait3A_286 : memref<1x80xi32, #tpu.memory_space<vmem>> -> memref<80xi32, #tpu.memory_space<vmem>>
      %dma_wait3A_288 = arith.constant 0 : i32
      %dma_wait3A_289 = arith.constant 0 : i32
      %dma_wait3A_290 = tpu.memref_slice %arg16[%dma_wait3A_288, %dma_wait3A_289] : memref<2568x128xf32, #tpu.memory_space<vmem_shared>> -> memref<2568x128xf32, #tpu.memory_space<vmem_shared>>
      %dma_wait3A_291 = tpu.memref_slice %arg14[%rem3A_281] : memref<2x!tpu.dma_semaphore, #tpu.memory_space<semaphore_mem>> -> memref<1x!tpu.dma_semaphore, #tpu.memory_space<semaphore_mem>>
      %dma_wait3A_292 = tpu.memref_squeeze %dma_wait3A_291 : memref<1x!tpu.dma_semaphore, #tpu.memory_space<semaphore_mem>> -> memref<!tpu.dma_semaphore, #tpu.memory_space<semaphore_mem>>
      tpu.wait_indirect_dma semaphore(%dma_wait3A_292 : memref<!tpu.dma_semaphore, #tpu.memory_space<semaphore_mem>>) src(%dma_wait3A_284 : memref<80x128xf32, #tpu.memory_space<vmem>>) dst(%dma_wait3A_290 : memref<2568x128xf32, #tpu.memory_space<vmem_shared>>)
      %dma_wait3A_293 = arith.constant 0 : i32
      %dma_wait3A_294 = tpu.memref_slice %arg9[%rem3A_281, %dma_wait3A_293] : memref<2x80xi32, #tpu.memory_space<vmem>> -> memref<1x80xi32, #tpu.memory_space<vmem>>
      %dma_wait3A_295 = tpu.memref_squeeze %dma_wait3A_294 : memref<1x80xi32, #tpu.memory_space<vmem>> -> memref<80xi32, #tpu.memory_space<vmem>>
      %dma_wait3A_296 = arith.constant 0 : i32
      %dma_wait3A_297 = arith.constant 0 : i32
      %dma_wait3A_298 = tpu.memref_slice %arg17[%dma_wait3A_296, %dma_wait3A_297] : memref<2568x128xf32, #tpu.memory_space<vmem_shared>> -> memref<2568x128xf32, #tpu.memory_space<vmem_shared>>
      %dma_wait3A_299 = tpu.memref_slice %arg15[%rem3A_281] : memref<2x!tpu.dma_semaphore, #tpu.memory_space<semaphore_mem>> -> memref<1x!tpu.dma_semaphore, #tpu.memory_space<semaphore_mem>>
      %dma_wait3A_300 = tpu.memref_squeeze %dma_wait3A_299 : memref<1x!tpu.dma_semaphore, #tpu.memory_space<semaphore_mem>> -> memref<!tpu.dma_semaphore, #tpu.memory_space<semaphore_mem>>
      tpu.wait_indirect_dma semaphore(%dma_wait3A_300 : memref<!tpu.dma_semaphore, #tpu.memory_space<semaphore_mem>>) src(%arg11 : memref<80x128xf32, #tpu.memory_space<vmem>>) dst(%dma_wait3A_298 : memref<2568x128xf32, #tpu.memory_space<vmem_shared>>)
    } else {
    }
    %barrier3A_94 = arith.constant 0 : index
    tpu.barrier barrier_id(%barrier3A_94)
    %mul3A_95 = arith.constant 160 : i32
    %mul3A_96 = arith.muli %arg1, %mul3A_95 : i32
    %add3A_97 = arith.constant 0 : i32
    %add3A_98 = arith.addi %mul3A_96, %add3A_97 : i32
    %run_scoped3A_99 = arith.constant 0 : i32
    "tpu.region"() ({
      %run_scoped3A_279 = tpu.sem_alloc : memref<!tpu.dma_semaphore, #tpu.memory_space<semaphore_mem>>
      %dma_start3A = arith.constant 0 : i32
      %dma_start3A_280 = arith.constant 0 : i32
      %dma_start3A_281 = tpu.memref_slice %arg10[%run_scoped3A_99, %dma_start3A, %dma_start3A_280] : memref<2x80x128xf32, #tpu.memory_space<vmem>> -> memref<1x80x128xf32, #tpu.memory_space<vmem>>
      %dma_start3A_282 = tpu.memref_squeeze %dma_start3A_281 : memref<1x80x128xf32, #tpu.memory_space<vmem>> -> memref<80x128xf32, #tpu.memory_space<vmem>>
      %dma_start3A_283 = arith.constant 0 : i32
      %dma_start3A_284 = tpu.memref_slice %arg16[%add3A_98, %dma_start3A_283] : memref<2568x128xf32, #tpu.memory_space<vmem_shared>> -> memref<80x128xf32, #tpu.memory_space<vmem_shared>>
      %dma_start3A_285 = arith.constant 0 : i32
      %dma_start3A_286 = arith.constant 0 : i32
      %dma_start3A_287 = tpu.memref_slice %arg10[%run_scoped3A_99, %dma_start3A_285, %dma_start3A_286] : memref<2x80x128xf32, #tpu.memory_space<vmem>> -> memref<1x80x128xf32, #tpu.memory_space<vmem>>
      %dma_start3A_288 = tpu.memref_squeeze %dma_start3A_287 : memref<1x80x128xf32, #tpu.memory_space<vmem>> -> memref<80x128xf32, #tpu.memory_space<vmem>>
      %dma_start3A_289 = arith.constant 0 : i32
      %dma_start3A_290 = tpu.memref_slice %arg16[%add3A_98, %dma_start3A_289] : memref<2568x128xf32, #tpu.memory_space<vmem_shared>> -> memref<80x128xf32, #tpu.memory_space<vmem_shared>>
      tpu.enqueue_dma source(%dma_start3A_290 : memref<80x128xf32, #tpu.memory_space<vmem_shared>>) target(%dma_start3A_288 : memref<80x128xf32, #tpu.memory_space<vmem>>) target_semaphore(%run_scoped3A_279 : memref<!tpu.dma_semaphore, #tpu.memory_space<semaphore_mem>>)
      %dma_wait3A = arith.constant 0 : i32
      %dma_wait3A_291 = arith.constant 0 : i32
      %dma_wait3A_292 = tpu.memref_slice %arg10[%run_scoped3A_99, %dma_wait3A, %dma_wait3A_291] : memref<2x80x128xf32, #tpu.memory_space<vmem>> -> memref<1x80x128xf32, #tpu.memory_space<vmem>>
      %dma_wait3A_293 = tpu.memref_squeeze %dma_wait3A_292 : memref<1x80x128xf32, #tpu.memory_space<vmem>> -> memref<80x128xf32, #tpu.memory_space<vmem>>
      %dma_wait3A_294 = arith.constant 0 : i32
      %dma_wait3A_295 = tpu.memref_slice %arg16[%add3A_98, %dma_wait3A_294] : memref<2568x128xf32, #tpu.memory_space<vmem_shared>> -> memref<80x128xf32, #tpu.memory_space<vmem_shared>>
      %dma_wait3A_296 = arith.constant 0 : i32
      %dma_wait3A_297 = arith.constant 0 : i32
      %dma_wait3A_298 = tpu.memref_slice %arg10[%run_scoped3A_99, %dma_wait3A_296, %dma_wait3A_297] : memref<2x80x128xf32, #tpu.memory_space<vmem>> -> memref<1x80x128xf32, #tpu.memory_space<vmem>>
      %dma_wait3A_299 = tpu.memref_squeeze %dma_wait3A_298 : memref<1x80x128xf32, #tpu.memory_space<vmem>> -> memref<80x128xf32, #tpu.memory_space<vmem>>
      %dma_wait3A_300 = arith.constant 0 : i32
      %dma_wait3A_301 = tpu.memref_slice %arg16[%add3A_98, %dma_wait3A_300] : memref<2568x128xf32, #tpu.memory_space<vmem_shared>> -> memref<80x128xf32, #tpu.memory_space<vmem_shared>>
      tpu.wait_dma2 semaphore(%run_scoped3A_279 : memref<!tpu.dma_semaphore, #tpu.memory_space<semaphore_mem>>) src(%dma_wait3A_301 : memref<80x128xf32, #tpu.memory_space<vmem_shared>>) dst(%dma_wait3A_299 : memref<80x128xf32, #tpu.memory_space<vmem>>)
      tpu.yield
    }) : () -> ()
    %run_scoped3A_100 = arith.constant 1 : i32
    "tpu.region"() ({
      %run_scoped3A_279 = tpu.sem_alloc : memref<!tpu.dma_semaphore, #tpu.memory_space<semaphore_mem>>
      %dma_start3A = arith.constant 0 : i32
      %dma_start3A_280 = arith.constant 0 : i32
      %dma_start3A_281 = tpu.memref_slice %arg10[%run_scoped3A_100, %dma_start3A, %dma_start3A_280] : memref<2x80x128xf32, #tpu.memory_space<vmem>> -> memref<1x80x128xf32, #tpu.memory_space<vmem>>
      %dma_start3A_282 = tpu.memref_squeeze %dma_start3A_281 : memref<1x80x128xf32, #tpu.memory_space<vmem>> -> memref<80x128xf32, #tpu.memory_space<vmem>>
      %dma_start3A_283 = arith.constant 0 : i32
      %dma_start3A_284 = tpu.memref_slice %arg17[%add3A_98, %dma_start3A_283] : memref<2568x128xf32, #tpu.memory_space<vmem_shared>> -> memref<80x128xf32, #tpu.memory_space<vmem_shared>>
      %dma_start3A_285 = arith.constant 0 : i32
      %dma_start3A_286 = arith.constant 0 : i32
      %dma_start3A_287 = tpu.memref_slice %arg10[%run_scoped3A_100, %dma_start3A_285, %dma_start3A_286] : memref<2x80x128xf32, #tpu.memory_space<vmem>> -> memref<1x80x128xf32, #tpu.memory_space<vmem>>
      %dma_start3A_288 = tpu.memref_squeeze %dma_start3A_287 : memref<1x80x128xf32, #tpu.memory_space<vmem>> -> memref<80x128xf32, #tpu.memory_space<vmem>>
      %dma_start3A_289 = arith.constant 0 : i32
      %dma_start3A_290 = tpu.memref_slice %arg17[%add3A_98, %dma_start3A_289] : memref<2568x128xf32, #tpu.memory_space<vmem_shared>> -> memref<80x128xf32, #tpu.memory_space<vmem_shared>>
      tpu.enqueue_dma source(%dma_start3A_290 : memref<80x128xf32, #tpu.memory_space<vmem_shared>>) target(%dma_start3A_288 : memref<80x128xf32, #tpu.memory_space<vmem>>) target_semaphore(%run_scoped3A_279 : memref<!tpu.dma_semaphore, #tpu.memory_space<semaphore_mem>>)
      %dma_wait3A = arith.constant 0 : i32
      %dma_wait3A_291 = arith.constant 0 : i32
      %dma_wait3A_292 = tpu.memref_slice %arg10[%run_scoped3A_100, %dma_wait3A, %dma_wait3A_291] : memref<2x80x128xf32, #tpu.memory_space<vmem>> -> memref<1x80x128xf32, #tpu.memory_space<vmem>>
      %dma_wait3A_293 = tpu.memref_squeeze %dma_wait3A_292 : memref<1x80x128xf32, #tpu.memory_space<vmem>> -> memref<80x128xf32, #tpu.memory_space<vmem>>
      %dma_wait3A_294 = arith.constant 0 : i32
      %dma_wait3A_295 = tpu.memref_slice %arg17[%add3A_98, %dma_wait3A_294] : memref<2568x128xf32, #tpu.memory_space<vmem_shared>> -> memref<80x128xf32, #tpu.memory_space<vmem_shared>>
      %dma_wait3A_296 = arith.constant 0 : i32
      %dma_wait3A_297 = arith.constant 0 : i32
      %dma_wait3A_298 = tpu.memref_slice %arg10[%run_scoped3A_100, %dma_wait3A_296, %dma_wait3A_297] : memref<2x80x128xf32, #tpu.memory_space<vmem>> -> memref<1x80x128xf32, #tpu.memory_space<vmem>>
      %dma_wait3A_299 = tpu.memref_squeeze %dma_wait3A_298 : memref<1x80x128xf32, #tpu.memory_space<vmem>> -> memref<80x128xf32, #tpu.memory_space<vmem>>
      %dma_wait3A_300 = arith.constant 0 : i32
      %dma_wait3A_301 = tpu.memref_slice %arg17[%add3A_98, %dma_wait3A_300] : memref<2568x128xf32, #tpu.memory_space<vmem_shared>> -> memref<80x128xf32, #tpu.memory_space<vmem_shared>>
      tpu.wait_dma2 semaphore(%run_scoped3A_279 : memref<!tpu.dma_semaphore, #tpu.memory_space<semaphore_mem>>) src(%dma_wait3A_301 : memref<80x128xf32, #tpu.memory_space<vmem_shared>>) dst(%dma_wait3A_299 : memref<80x128xf32, #tpu.memory_space<vmem>>)
      tpu.yield
    }) : () -> ()
    %scan3A_101 = arith.constant 0 : i32
    %scan3A_102 = arith.constant 0 : i32
    %scan3A_103 = arith.constant 80 : i32
    %scan3A_104 = arith.addi %scan3A_102, %scan3A_103 : i32
    %scan3A_105 = arith.constant 1 : i32
    scf.for %scan3A_279 = %scan3A_102 to %scan3A_104 step %scan3A_105  : i32 {
      %get3A_280 = arith.constant 1 : i32
      %get3A_281 = arith.index_cast %get3A_280 : i32 to index
      %get3A_282 = arith.index_cast %scan3A_279 : i32 to index
      %get3A_283 = arith.constant 0 : index
      %get3A_284 = tpu.vector_load %arg10[%get3A_281, %get3A_282, %get3A_283] {strides = array<i32>} : memref<2x80x128xf32, #tpu.memory_space<vmem>>, vector<1x1x16xf32>,
      %get3A_285 = vector.shape_cast %get3A_284 : vector<1x1x16xf32> to vector<16xf32>
      %max3A = arith.constant 1.000000e+00 : f32
      %max3A_286 = vector.broadcast %max3A : f32 to vector<16xf32>
      %max3A_287 = arith.maximumf %get3A_285, %max3A_286 : vector<16xf32>
      %div3A = arith.constant 1.000000e+00 : f32
      %div3A_288 = vector.broadcast %div3A : f32 to vector<16xf32>
      %div3A_289 = arith.divf %div3A_288, %max3A_287 : vector<16xf32>
      %get3A_290 = arith.constant 0 : i32
      %get3A_291 = arith.index_cast %get3A_290 : i32 to index
      %get3A_292 = arith.index_cast %scan3A_279 : i32 to index
      %get3A_293 = arith.constant 0 : index
      %get3A_294 = tpu.vector_load %arg10[%get3A_291, %get3A_292, %get3A_293] {strides = array<i32>} : memref<2x80x128xf32, #tpu.memory_space<vmem>>, vector<1x1x16xf32>,
      %get3A_295 = vector.shape_cast %get3A_294 : vector<1x1x16xf32> to vector<16xf32>
      %mul3A_296 = arith.mulf %get3A_295, %div3A_289 : vector<16xf32>
      %swap3A = arith.constant 0 : i32
      %swap3A_297 = arith.index_cast %swap3A : i32 to index
      %swap3A_298 = arith.index_cast %scan3A_279 : i32 to index
      %swap3A_299 = arith.constant 0 : index
      %swap3A_300 = tpu.vector_load %arg10[%swap3A_297, %swap3A_298, %swap3A_299] {strides = array<i32>} : memref<2x80x128xf32, #tpu.memory_space<vmem>>, vector<1x1x16xf32>,
      %swap3A_301 = vector.shape_cast %swap3A_300 : vector<1x1x16xf32> to vector<16xf32>
      %swap3A_302 = vector.shape_cast %mul3A_296 : vector<16xf32> to vector<1x1x16xf32>
      tpu.vector_store %arg10[%swap3A_297, %swap3A_298, %swap3A_299], %swap3A_302 {strides = array<i32>} : memref<2x80x128xf32, #tpu.memory_space<vmem>>, vector<1x1x16xf32>,
      %get3A_303 = arith.constant 0 : i32
      %get3A_304 = arith.index_cast %get3A_303 : i32 to index
      %get3A_305 = arith.index_cast %scan3A_279 : i32 to index
      %get3A_306 = arith.constant 16 : index
      %get3A_307 = tpu.vector_load %arg10[%get3A_304, %get3A_305, %get3A_306] {strides = array<i32>} : memref<2x80x128xf32, #tpu.memory_space<vmem>>, vector<1x1x16xf32>,
      %get3A_308 = vector.shape_cast %get3A_307 : vector<1x1x16xf32> to vector<16xf32>
      %mul3A_309 = arith.mulf %get3A_308, %div3A_289 : vector<16xf32>
      %swap3A_310 = arith.constant 0 : i32
      %swap3A_311 = arith.index_cast %swap3A_310 : i32 to index
      %swap3A_312 = arith.index_cast %scan3A_279 : i32 to index
      %swap3A_313 = arith.constant 16 : index
      %swap3A_314 = tpu.vector_load %arg10[%swap3A_311, %swap3A_312, %swap3A_313] {strides = array<i32>} : memref<2x80x128xf32, #tpu.memory_space<vmem>>, vector<1x1x16xf32>,
      %swap3A_315 = vector.shape_cast %swap3A_314 : vector<1x1x16xf32> to vector<16xf32>
      %swap3A_316 = vector.shape_cast %mul3A_309 : vector<16xf32> to vector<1x1x16xf32>
      tpu.vector_store %arg10[%swap3A_311, %swap3A_312, %swap3A_313], %swap3A_316 {strides = array<i32>} : memref<2x80x128xf32, #tpu.memory_space<vmem>>, vector<1x1x16xf32>,
      %get3A_317 = arith.constant 0 : i32
      %get3A_318 = arith.index_cast %get3A_317 : i32 to index
      %get3A_319 = arith.index_cast %scan3A_279 : i32 to index
      %get3A_320 = arith.constant 32 : index
      %get3A_321 = tpu.vector_load %arg10[%get3A_318, %get3A_319, %get3A_320] {strides = array<i32>} : memref<2x80x128xf32, #tpu.memory_space<vmem>>, vector<1x1x16xf32>,
      %get3A_322 = vector.shape_cast %get3A_321 : vector<1x1x16xf32> to vector<16xf32>
      %mul3A_323 = arith.mulf %get3A_322, %div3A_289 : vector<16xf32>
      %swap3A_324 = arith.constant 0 : i32
      %swap3A_325 = arith.index_cast %swap3A_324 : i32 to index
      %swap3A_326 = arith.index_cast %scan3A_279 : i32 to index
      %swap3A_327 = arith.constant 32 : index
      %swap3A_328 = tpu.vector_load %arg10[%swap3A_325, %swap3A_326, %swap3A_327] {strides = array<i32>} : memref<2x80x128xf32, #tpu.memory_space<vmem>>, vector<1x1x16xf32>,
      %swap3A_329 = vector.shape_cast %swap3A_328 : vector<1x1x16xf32> to vector<16xf32>
      %swap3A_330 = vector.shape_cast %mul3A_323 : vector<16xf32> to vector<1x1x16xf32>
      tpu.vector_store %arg10[%swap3A_325, %swap3A_326, %swap3A_327], %swap3A_330 {strides = array<i32>} : memref<2x80x128xf32, #tpu.memory_space<vmem>>, vector<1x1x16xf32>,
      %get3A_331 = arith.constant 0 : i32
      %get3A_332 = arith.index_cast %get3A_331 : i32 to index
      %get3A_333 = arith.index_cast %scan3A_279 : i32 to index
      %get3A_334 = arith.constant 48 : index
      %get3A_335 = tpu.vector_load %arg10[%get3A_332, %get3A_333, %get3A_334] {strides = array<i32>} : memref<2x80x128xf32, #tpu.memory_space<vmem>>, vector<1x1x16xf32>,
      %get3A_336 = vector.shape_cast %get3A_335 : vector<1x1x16xf32> to vector<16xf32>
      %mul3A_337 = arith.mulf %get3A_336, %div3A_289 : vector<16xf32>
      %swap3A_338 = arith.constant 0 : i32
      %swap3A_339 = arith.index_cast %swap3A_338 : i32 to index
      %swap3A_340 = arith.index_cast %scan3A_279 : i32 to index
      %swap3A_341 = arith.constant 48 : index
      %swap3A_342 = tpu.vector_load %arg10[%swap3A_339, %swap3A_340, %swap3A_341] {strides = array<i32>} : memref<2x80x128xf32, #tpu.memory_space<vmem>>, vector<1x1x16xf32>,
      %swap3A_343 = vector.shape_cast %swap3A_342 : vector<1x1x16xf32> to vector<16xf32>
      %swap3A_344 = vector.shape_cast %mul3A_337 : vector<16xf32> to vector<1x1x16xf32>
      tpu.vector_store %arg10[%swap3A_339, %swap3A_340, %swap3A_341], %swap3A_344 {strides = array<i32>} : memref<2x80x128xf32, #tpu.memory_space<vmem>>, vector<1x1x16xf32>,
      %get3A_345 = arith.constant 0 : i32
      %get3A_346 = arith.index_cast %get3A_345 : i32 to index
      %get3A_347 = arith.index_cast %scan3A_279 : i32 to index
      %get3A_348 = arith.constant 64 : index
      %get3A_349 = tpu.vector_load %arg10[%get3A_346, %get3A_347, %get3A_348] {strides = array<i32>} : memref<2x80x128xf32, #tpu.memory_space<vmem>>, vector<1x1x16xf32>,
      %get3A_350 = vector.shape_cast %get3A_349 : vector<1x1x16xf32> to vector<16xf32>
      %mul3A_351 = arith.mulf %get3A_350, %div3A_289 : vector<16xf32>
      %swap3A_352 = arith.constant 0 : i32
      %swap3A_353 = arith.index_cast %swap3A_352 : i32 to index
      %swap3A_354 = arith.index_cast %scan3A_279 : i32 to index
      %swap3A_355 = arith.constant 64 : index
      %swap3A_356 = tpu.vector_load %arg10[%swap3A_353, %swap3A_354, %swap3A_355] {strides = array<i32>} : memref<2x80x128xf32, #tpu.memory_space<vmem>>, vector<1x1x16xf32>,
      %swap3A_357 = vector.shape_cast %swap3A_356 : vector<1x1x16xf32> to vector<16xf32>
      %swap3A_358 = vector.shape_cast %mul3A_351 : vector<16xf32> to vector<1x1x16xf32>
      tpu.vector_store %arg10[%swap3A_353, %swap3A_354, %swap3A_355], %swap3A_358 {strides = array<i32>} : memref<2x80x128xf32, #tpu.memory_space<vmem>>, vector<1x1x16xf32>,
      %get3A_359 = arith.constant 0 : i32
      %get3A_360 = arith.index_cast %get3A_359 : i32 to index
      %get3A_361 = arith.index_cast %scan3A_279 : i32 to index
      %get3A_362 = arith.constant 80 : index
      %get3A_363 = tpu.vector_load %arg10[%get3A_360, %get3A_361, %get3A_362] {strides = array<i32>} : memref<2x80x128xf32, #tpu.memory_space<vmem>>, vector<1x1x16xf32>,
      %get3A_364 = vector.shape_cast %get3A_363 : vector<1x1x16xf32> to vector<16xf32>
      %mul3A_365 = arith.mulf %get3A_364, %div3A_289 : vector<16xf32>
      %swap3A_366 = arith.constant 0 : i32
      %swap3A_367 = arith.index_cast %swap3A_366 : i32 to index
      %swap3A_368 = arith.index_cast %scan3A_279 : i32 to index
      %swap3A_369 = arith.constant 80 : index
      %swap3A_370 = tpu.vector_load %arg10[%swap3A_367, %swap3A_368, %swap3A_369] {strides = array<i32>} : memref<2x80x128xf32, #tpu.memory_space<vmem>>, vector<1x1x16xf32>,
      %swap3A_371 = vector.shape_cast %swap3A_370 : vector<1x1x16xf32> to vector<16xf32>
      %swap3A_372 = vector.shape_cast %mul3A_365 : vector<16xf32> to vector<1x1x16xf32>
      tpu.vector_store %arg10[%swap3A_367, %swap3A_368, %swap3A_369], %swap3A_372 {strides = array<i32>} : memref<2x80x128xf32, #tpu.memory_space<vmem>>, vector<1x1x16xf32>,
      %get3A_373 = arith.constant 0 : i32
      %get3A_374 = arith.index_cast %get3A_373 : i32 to index
      %get3A_375 = arith.index_cast %scan3A_279 : i32 to index
      %get3A_376 = arith.constant 96 : index
      %get3A_377 = tpu.vector_load %arg10[%get3A_374, %get3A_375, %get3A_376] {strides = array<i32>} : memref<2x80x128xf32, #tpu.memory_space<vmem>>, vector<1x1x16xf32>,
      %get3A_378 = vector.shape_cast %get3A_377 : vector<1x1x16xf32> to vector<16xf32>
      %mul3A_379 = arith.mulf %get3A_378, %div3A_289 : vector<16xf32>
      %swap3A_380 = arith.constant 0 : i32
      %swap3A_381 = arith.index_cast %swap3A_380 : i32 to index
      %swap3A_382 = arith.index_cast %scan3A_279 : i32 to index
      %swap3A_383 = arith.constant 96 : index
      %swap3A_384 = tpu.vector_load %arg10[%swap3A_381, %swap3A_382, %swap3A_383] {strides = array<i32>} : memref<2x80x128xf32, #tpu.memory_space<vmem>>, vector<1x1x16xf32>,
      %swap3A_385 = vector.shape_cast %swap3A_384 : vector<1x1x16xf32> to vector<16xf32>
      %swap3A_386 = vector.shape_cast %mul3A_379 : vector<16xf32> to vector<1x1x16xf32>
      tpu.vector_store %arg10[%swap3A_381, %swap3A_382, %swap3A_383], %swap3A_386 {strides = array<i32>} : memref<2x80x128xf32, #tpu.memory_space<vmem>>, vector<1x1x16xf32>,
      %get3A_387 = arith.constant 0 : i32
      %get3A_388 = arith.index_cast %get3A_387 : i32 to index
      %get3A_389 = arith.index_cast %scan3A_279 : i32 to index
      %get3A_390 = arith.constant 112 : index
      %get3A_391 = tpu.vector_load %arg10[%get3A_388, %get3A_389, %get3A_390] {strides = array<i32>} : memref<2x80x128xf32, #tpu.memory_space<vmem>>, vector<1x1x16xf32>,
      %get3A_392 = vector.shape_cast %get3A_391 : vector<1x1x16xf32> to vector<16xf32>
      %mul3A_393 = arith.mulf %get3A_392, %div3A_289 : vector<16xf32>
      %swap3A_394 = arith.constant 0 : i32
      %swap3A_395 = arith.index_cast %swap3A_394 : i32 to index
      %swap3A_396 = arith.index_cast %scan3A_279 : i32 to index
      %swap3A_397 = arith.constant 112 : index
      %swap3A_398 = tpu.vector_load %arg10[%swap3A_395, %swap3A_396, %swap3A_397] {strides = array<i32>} : memref<2x80x128xf32, #tpu.memory_space<vmem>>, vector<1x1x16xf32>,
      %swap3A_399 = vector.shape_cast %swap3A_398 : vector<1x1x16xf32> to vector<16xf32>
      %swap3A_400 = vector.shape_cast %mul3A_393 : vector<16xf32> to vector<1x1x16xf32>
      tpu.vector_store %arg10[%swap3A_395, %swap3A_396, %swap3A_397], %swap3A_400 {strides = array<i32>} : memref<2x80x128xf32, #tpu.memory_space<vmem>>, vector<1x1x16xf32>,
    }
    %scan3A_106 = arith.constant 80 : i32
    %add3A_107 = arith.constant 2504 : i32
    %add3A_108 = arith.addi %add3A_107, %add3A_98 : i32
    %mul3A_109 = arith.constant 128 : i32
    %mul3A_110 = arith.muli %arg0, %mul3A_109 : i32
    %run_scoped3A_111 = arith.constant 0 : i32
    "tpu.region"() ({
      %run_scoped3A_279 = tpu.sem_alloc : memref<!tpu.dma_semaphore, #tpu.memory_space<semaphore_mem>>
      %dma_start3A = arith.constant 0 : i32
      %dma_start3A_280 = arith.constant 0 : i32
      %dma_start3A_281 = tpu.memref_slice %arg10[%run_scoped3A_111, %dma_start3A, %dma_start3A_280] : memref<2x80x128xf32, #tpu.memory_space<vmem>> -> memref<1x80x128xf32, #tpu.memory_space<vmem>>
      %dma_start3A_282 = tpu.memref_squeeze %dma_start3A_281 : memref<1x80x128xf32, #tpu.memory_space<vmem>> -> memref<80x128xf32, #tpu.memory_space<vmem>>
      %dma_start3A_283 = tpu.memref_slice %arg7[%add3A_108, %mul3A_110] : memref<10000x256xf32, #tpu.memory_space<hbm>> -> memref<80x128xf32, #tpu.memory_space<hbm>>
      %dma_start3A_284 = tpu.memref_slice %arg7[%add3A_108, %mul3A_110] : memref<10000x256xf32, #tpu.memory_space<hbm>> -> memref<80x128xf32, #tpu.memory_space<hbm>>
      %dma_start3A_285 = arith.constant 0 : i32
      %dma_start3A_286 = arith.constant 0 : i32
      %dma_start3A_287 = tpu.memref_slice %arg10[%run_scoped3A_111, %dma_start3A_285, %dma_start3A_286] : memref<2x80x128xf32, #tpu.memory_space<vmem>> -> memref<1x80x128xf32, #tpu.memory_space<vmem>>
      %dma_start3A_288 = tpu.memref_squeeze %dma_start3A_287 : memref<1x80x128xf32, #tpu.memory_space<vmem>> -> memref<80x128xf32, #tpu.memory_space<vmem>>
      tpu.enqueue_dma source(%dma_start3A_288 : memref<80x128xf32, #tpu.memory_space<vmem>>) target(%dma_start3A_284 : memref<80x128xf32, #tpu.memory_space<hbm>>) target_semaphore(%run_scoped3A_279 : memref<!tpu.dma_semaphore, #tpu.memory_space<semaphore_mem>>)
      %dma_wait3A = arith.constant 0 : i32
      %dma_wait3A_289 = arith.constant 0 : i32
      %dma_wait3A_290 = tpu.memref_slice %arg10[%run_scoped3A_111, %dma_wait3A, %dma_wait3A_289] : memref<2x80x128xf32, #tpu.memory_space<vmem>> -> memref<1x80x128xf32, #tpu.memory_space<vmem>>
      %dma_wait3A_291 = tpu.memref_squeeze %dma_wait3A_290 : memref<1x80x128xf32, #tpu.memory_space<vmem>> -> memref<80x128xf32, #tpu.memory_space<vmem>>
      %dma_wait3A_292 = tpu.memref_slice %arg7[%add3A_108, %mul3A_110] : memref<10000x256xf32, #tpu.memory_space<hbm>> -> memref<80x128xf32, #tpu.memory_space<hbm>>
      %dma_wait3A_293 = tpu.memref_slice %arg7[%add3A_108, %mul3A_110] : memref<10000x256xf32, #tpu.memory_space<hbm>> -> memref<80x128xf32, #tpu.memory_space<hbm>>
      %dma_wait3A_294 = arith.constant 0 : i32
      %dma_wait3A_295 = arith.constant 0 : i32
      %dma_wait3A_296 = tpu.memref_slice %arg10[%run_scoped3A_111, %dma_wait3A_294, %dma_wait3A_295] : memref<2x80x128xf32, #tpu.memory_space<vmem>> -> memref<1x80x128xf32, #tpu.memory_space<vmem>>
      %dma_wait3A_297 = tpu.memref_squeeze %dma_wait3A_296 : memref<1x80x128xf32, #tpu.memory_space<vmem>> -> memref<80x128xf32, #tpu.memory_space<vmem>>
      tpu.wait_dma2 semaphore(%run_scoped3A_279 : memref<!tpu.dma_semaphore, #tpu.memory_space<semaphore_mem>>) src(%dma_wait3A_297 : memref<80x128xf32, #tpu.memory_space<vmem>>) dst(%dma_wait3A_293 : memref<80x128xf32, #tpu.memory_space<hbm>>)
      tpu.yield
    }) : () -> ()
    %add3A_112 = arith.constant 80 : i32
    %add3A_113 = arith.addi %mul3A_96, %add3A_112 : i32
    %run_scoped3A_114 = arith.constant 0 : i32
    "tpu.region"() ({
      %run_scoped3A_279 = tpu.sem_alloc : memref<!tpu.dma_semaphore, #tpu.memory_space<semaphore_mem>>
      %dma_start3A = arith.constant 0 : i32
      %dma_start3A_280 = arith.constant 0 : i32
      %dma_start3A_281 = tpu.memref_slice %arg10[%run_scoped3A_114, %dma_start3A, %dma_start3A_280] : memref<2x80x128xf32, #tpu.memory_space<vmem>> -> memref<1x80x128xf32, #tpu.memory_space<vmem>>
      %dma_start3A_282 = tpu.memref_squeeze %dma_start3A_281 : memref<1x80x128xf32, #tpu.memory_space<vmem>> -> memref<80x128xf32, #tpu.memory_space<vmem>>
      %dma_start3A_283 = arith.constant 0 : i32
      %dma_start3A_284 = tpu.memref_slice %arg16[%add3A_113, %dma_start3A_283] : memref<2568x128xf32, #tpu.memory_space<vmem_shared>> -> memref<80x128xf32, #tpu.memory_space<vmem_shared>>
      %dma_start3A_285 = arith.constant 0 : i32
      %dma_start3A_286 = arith.constant 0 : i32
      %dma_start3A_287 = tpu.memref_slice %arg10[%run_scoped3A_114, %dma_start3A_285, %dma_start3A_286] : memref<2x80x128xf32, #tpu.memory_space<vmem>> -> memref<1x80x128xf32, #tpu.memory_space<vmem>>
      %dma_start3A_288 = tpu.memref_squeeze %dma_start3A_287 : memref<1x80x128xf32, #tpu.memory_space<vmem>> -> memref<80x128xf32, #tpu.memory_space<vmem>>
      %dma_start3A_289 = arith.constant 0 : i32
      %dma_start3A_290 = tpu.memref_slice %arg16[%add3A_113, %dma_start3A_289] : memref<2568x128xf32, #tpu.memory_space<vmem_shared>> -> memref<80x128xf32, #tpu.memory_space<vmem_shared>>
      tpu.enqueue_dma source(%dma_start3A_290 : memref<80x128xf32, #tpu.memory_space<vmem_shared>>) target(%dma_start3A_288 : memref<80x128xf32, #tpu.memory_space<vmem>>) target_semaphore(%run_scoped3A_279 : memref<!tpu.dma_semaphore, #tpu.memory_space<semaphore_mem>>)
      %dma_wait3A = arith.constant 0 : i32
      %dma_wait3A_291 = arith.constant 0 : i32
      %dma_wait3A_292 = tpu.memref_slice %arg10[%run_scoped3A_114, %dma_wait3A, %dma_wait3A_291] : memref<2x80x128xf32, #tpu.memory_space<vmem>> -> memref<1x80x128xf32, #tpu.memory_space<vmem>>
      %dma_wait3A_293 = tpu.memref_squeeze %dma_wait3A_292 : memref<1x80x128xf32, #tpu.memory_space<vmem>> -> memref<80x128xf32, #tpu.memory_space<vmem>>
      %dma_wait3A_294 = arith.constant 0 : i32
      %dma_wait3A_295 = tpu.memref_slice %arg16[%add3A_113, %dma_wait3A_294] : memref<2568x128xf32, #tpu.memory_space<vmem_shared>> -> memref<80x128xf32, #tpu.memory_space<vmem_shared>>
      %dma_wait3A_296 = arith.constant 0 : i32
      %dma_wait3A_297 = arith.constant 0 : i32
      %dma_wait3A_298 = tpu.memref_slice %arg10[%run_scoped3A_114, %dma_wait3A_296, %dma_wait3A_297] : memref<2x80x128xf32, #tpu.memory_space<vmem>> -> memref<1x80x128xf32, #tpu.memory_space<vmem>>
      %dma_wait3A_299 = tpu.memref_squeeze %dma_wait3A_298 : memref<1x80x128xf32, #tpu.memory_space<vmem>> -> memref<80x128xf32, #tpu.memory_space<vmem>>
      %dma_wait3A_300 = arith.constant 0 : i32
      %dma_wait3A_301 = tpu.memref_slice %arg16[%add3A_113, %dma_wait3A_300] : memref<2568x128xf32, #tpu.memory_space<vmem_shared>> -> memref<80x128xf32, #tpu.memory_space<vmem_shared>>
      tpu.wait_dma2 semaphore(%run_scoped3A_279 : memref<!tpu.dma_semaphore, #tpu.memory_space<semaphore_mem>>) src(%dma_wait3A_301 : memref<80x128xf32, #tpu.memory_space<vmem_shared>>) dst(%dma_wait3A_299 : memref<80x128xf32, #tpu.memory_space<vmem>>)
      tpu.yield
    }) : () -> ()
    %run_scoped3A_115 = arith.constant 1 : i32
    "tpu.region"() ({
      %run_scoped3A_279 = tpu.sem_alloc : memref<!tpu.dma_semaphore, #tpu.memory_space<semaphore_mem>>
      %dma_start3A = arith.constant 0 : i32
      %dma_start3A_280 = arith.constant 0 : i32
      %dma_start3A_281 = tpu.memref_slice %arg10[%run_scoped3A_115, %dma_start3A, %dma_start3A_280] : memref<2x80x128xf32, #tpu.memory_space<vmem>> -> memref<1x80x128xf32, #tpu.memory_space<vmem>>
      %dma_start3A_282 = tpu.memref_squeeze %dma_start3A_281 : memref<1x80x128xf32, #tpu.memory_space<vmem>> -> memref<80x128xf32, #tpu.memory_space<vmem>>
      %dma_start3A_283 = arith.constant 0 : i32
      %dma_start3A_284 = tpu.memref_slice %arg17[%add3A_113, %dma_start3A_283] : memref<2568x128xf32, #tpu.memory_space<vmem_shared>> -> memref<80x128xf32, #tpu.memory_space<vmem_shared>>
      %dma_start3A_285 = arith.constant 0 : i32
      %dma_start3A_286 = arith.constant 0 : i32
      %dma_start3A_287 = tpu.memref_slice %arg10[%run_scoped3A_115, %dma_start3A_285, %dma_start3A_286] : memref<2x80x128xf32, #tpu.memory_space<vmem>> -> memref<1x80x128xf32, #tpu.memory_space<vmem>>
      %dma_start3A_288 = tpu.memref_squeeze %dma_start3A_287 : memref<1x80x128xf32, #tpu.memory_space<vmem>> -> memref<80x128xf32, #tpu.memory_space<vmem>>
      %dma_start3A_289 = arith.constant 0 : i32
      %dma_start3A_290 = tpu.memref_slice %arg17[%add3A_113, %dma_start3A_289] : memref<2568x128xf32, #tpu.memory_space<vmem_shared>> -> memref<80x128xf32, #tpu.memory_space<vmem_shared>>
      tpu.enqueue_dma source(%dma_start3A_290 : memref<80x128xf32, #tpu.memory_space<vmem_shared>>) target(%dma_start3A_288 : memref<80x128xf32, #tpu.memory_space<vmem>>) target_semaphore(%run_scoped3A_279 : memref<!tpu.dma_semaphore, #tpu.memory_space<semaphore_mem>>)
      %dma_wait3A = arith.constant 0 : i32
      %dma_wait3A_291 = arith.constant 0 : i32
      %dma_wait3A_292 = tpu.memref_slice %arg10[%run_scoped3A_115, %dma_wait3A, %dma_wait3A_291] : memref<2x80x128xf32, #tpu.memory_space<vmem>> -> memref<1x80x128xf32, #tpu.memory_space<vmem>>
      %dma_wait3A_293 = tpu.memref_squeeze %dma_wait3A_292 : memref<1x80x128xf32, #tpu.memory_space<vmem>> -> memref<80x128xf32, #tpu.memory_space<vmem>>
      %dma_wait3A_294 = arith.constant 0 : i32
      %dma_wait3A_295 = tpu.memref_slice %arg17[%add3A_113, %dma_wait3A_294] : memref<2568x128xf32, #tpu.memory_space<vmem_shared>> -> memref<80x128xf32, #tpu.memory_space<vmem_shared>>
      %dma_wait3A_296 = arith.constant 0 : i32
      %dma_wait3A_297 = arith.constant 0 : i32
      %dma_wait3A_298 = tpu.memref_slice %arg10[%run_scoped3A_115, %dma_wait3A_296, %dma_wait3A_297] : memref<2x80x128xf32, #tpu.memory_space<vmem>> -> memref<1x80x128xf32, #tpu.memory_space<vmem>>
      %dma_wait3A_299 = tpu.memref_squeeze %dma_wait3A_298 : memref<1x80x128xf32, #tpu.memory_space<vmem>> -> memref<80x128xf32, #tpu.memory_space<vmem>>
      %dma_wait3A_300 = arith.constant 0 : i32
      %dma_wait3A_301 = tpu.memref_slice %arg17[%add3A_113, %dma_wait3A_300] : memref<2568x128xf32, #tpu.memory_space<vmem_shared>> -> memref<80x128xf32, #tpu.memory_space<vmem_shared>>
      tpu.wait_dma2 semaphore(%run_scoped3A_279 : memref<!tpu.dma_semaphore, #tpu.memory_space<semaphore_mem>>) src(%dma_wait3A_301 : memref<80x128xf32, #tpu.memory_space<vmem_shared>>) dst(%dma_wait3A_299 : memref<80x128xf32, #tpu.memory_space<vmem>>)
      tpu.yield
    }) : () -> ()
    %scan3A_116 = arith.constant 0 : i32
    %scan3A_117 = arith.constant 0 : i32
    %scan3A_118 = arith.constant 80 : i32
    %scan3A_119 = arith.addi %scan3A_117, %scan3A_118 : i32
    %scan3A_120 = arith.constant 1 : i32
    scf.for %scan3A_279 = %scan3A_117 to %scan3A_119 step %scan3A_120  : i32 {
      %get3A_280 = arith.constant 1 : i32
      %get3A_281 = arith.index_cast %get3A_280 : i32 to index
      %get3A_282 = arith.index_cast %scan3A_279 : i32 to index
      %get3A_283 = arith.constant 0 : index
      %get3A_284 = tpu.vector_load %arg10[%get3A_281, %get3A_282, %get3A_283] {strides = array<i32>} : memref<2x80x128xf32, #tpu.memory_space<vmem>>, vector<1x1x16xf32>,
      %get3A_285 = vector.shape_cast %get3A_284 : vector<1x1x16xf32> to vector<16xf32>
      %max3A = arith.constant 1.000000e+00 : f32
      %max3A_286 = vector.broadcast %max3A : f32 to vector<16xf32>
      %max3A_287 = arith.maximumf %get3A_285, %max3A_286 : vector<16xf32>
      %div3A = arith.constant 1.000000e+00 : f32
      %div3A_288 = vector.broadcast %div3A : f32 to vector<16xf32>
      %div3A_289 = arith.divf %div3A_288, %max3A_287 : vector<16xf32>
      %get3A_290 = arith.constant 0 : i32
      %get3A_291 = arith.index_cast %get3A_290 : i32 to index
      %get3A_292 = arith.index_cast %scan3A_279 : i32 to index
      %get3A_293 = arith.constant 0 : index
      %get3A_294 = tpu.vector_load %arg10[%get3A_291, %get3A_292, %get3A_293] {strides = array<i32>} : memref<2x80x128xf32, #tpu.memory_space<vmem>>, vector<1x1x16xf32>,
      %get3A_295 = vector.shape_cast %get3A_294 : vector<1x1x16xf32> to vector<16xf32>
      %mul3A_296 = arith.mulf %get3A_295, %div3A_289 : vector<16xf32>
      %swap3A = arith.constant 0 : i32
      %swap3A_297 = arith.index_cast %swap3A : i32 to index
      %swap3A_298 = arith.index_cast %scan3A_279 : i32 to index
      %swap3A_299 = arith.constant 0 : index
      %swap3A_300 = tpu.vector_load %arg10[%swap3A_297, %swap3A_298, %swap3A_299] {strides = array<i32>} : memref<2x80x128xf32, #tpu.memory_space<vmem>>, vector<1x1x16xf32>,
      %swap3A_301 = vector.shape_cast %swap3A_300 : vector<1x1x16xf32> to vector<16xf32>
      %swap3A_302 = vector.shape_cast %mul3A_296 : vector<16xf32> to vector<1x1x16xf32>
      tpu.vector_store %arg10[%swap3A_297, %swap3A_298, %swap3A_299], %swap3A_302 {strides = array<i32>} : memref<2x80x128xf32, #tpu.memory_space<vmem>>, vector<1x1x16xf32>,
      %get3A_303 = arith.constant 0 : i32
      %get3A_304 = arith.index_cast %get3A_303 : i32 to index
      %get3A_305 = arith.index_cast %scan3A_279 : i32 to index
      %get3A_306 = arith.constant 16 : index
      %get3A_307 = tpu.vector_load %arg10[%get3A_304, %get3A_305, %get3A_306] {strides = array<i32>} : memref<2x80x128xf32, #tpu.memory_space<vmem>>, vector<1x1x16xf32>,
      %get3A_308 = vector.shape_cast %get3A_307 : vector<1x1x16xf32> to vector<16xf32>
      %mul3A_309 = arith.mulf %get3A_308, %div3A_289 : vector<16xf32>
      %swap3A_310 = arith.constant 0 : i32
      %swap3A_311 = arith.index_cast %swap3A_310 : i32 to index
      %swap3A_312 = arith.index_cast %scan3A_279 : i32 to index
      %swap3A_313 = arith.constant 16 : index
      %swap3A_314 = tpu.vector_load %arg10[%swap3A_311, %swap3A_312, %swap3A_313] {strides = array<i32>} : memref<2x80x128xf32, #tpu.memory_space<vmem>>, vector<1x1x16xf32>,
      %swap3A_315 = vector.shape_cast %swap3A_314 : vector<1x1x16xf32> to vector<16xf32>
      %swap3A_316 = vector.shape_cast %mul3A_309 : vector<16xf32> to vector<1x1x16xf32>
      tpu.vector_store %arg10[%swap3A_311, %swap3A_312, %swap3A_313], %swap3A_316 {strides = array<i32>} : memref<2x80x128xf32, #tpu.memory_space<vmem>>, vector<1x1x16xf32>,
      %get3A_317 = arith.constant 0 : i32
      %get3A_318 = arith.index_cast %get3A_317 : i32 to index
      %get3A_319 = arith.index_cast %scan3A_279 : i32 to index
      %get3A_320 = arith.constant 32 : index
      %get3A_321 = tpu.vector_load %arg10[%get3A_318, %get3A_319, %get3A_320] {strides = array<i32>} : memref<2x80x128xf32, #tpu.memory_space<vmem>>, vector<1x1x16xf32>,
      %get3A_322 = vector.shape_cast %get3A_321 : vector<1x1x16xf32> to vector<16xf32>
      %mul3A_323 = arith.mulf %get3A_322, %div3A_289 : vector<16xf32>
      %swap3A_324 = arith.constant 0 : i32
      %swap3A_325 = arith.index_cast %swap3A_324 : i32 to index
      %swap3A_326 = arith.index_cast %scan3A_279 : i32 to index
      %swap3A_327 = arith.constant 32 : index
      %swap3A_328 = tpu.vector_load %arg10[%swap3A_325, %swap3A_326, %swap3A_327] {strides = array<i32>} : memref<2x80x128xf32, #tpu.memory_space<vmem>>, vector<1x1x16xf32>,
      %swap3A_329 = vector.shape_cast %swap3A_328 : vector<1x1x16xf32> to vector<16xf32>
      %swap3A_330 = vector.shape_cast %mul3A_323 : vector<16xf32> to vector<1x1x16xf32>
      tpu.vector_store %arg10[%swap3A_325, %swap3A_326, %swap3A_327], %swap3A_330 {strides = array<i32>} : memref<2x80x128xf32, #tpu.memory_space<vmem>>, vector<1x1x16xf32>,
      %get3A_331 = arith.constant 0 : i32
      %get3A_332 = arith.index_cast %get3A_331 : i32 to index
      %get3A_333 = arith.index_cast %scan3A_279 : i32 to index
      %get3A_334 = arith.constant 48 : index
      %get3A_335 = tpu.vector_load %arg10[%get3A_332, %get3A_333, %get3A_334] {strides = array<i32>} : memref<2x80x128xf32, #tpu.memory_space<vmem>>, vector<1x1x16xf32>,
      %get3A_336 = vector.shape_cast %get3A_335 : vector<1x1x16xf32> to vector<16xf32>
      %mul3A_337 = arith.mulf %get3A_336, %div3A_289 : vector<16xf32>
      %swap3A_338 = arith.constant 0 : i32
      %swap3A_339 = arith.index_cast %swap3A_338 : i32 to index
      %swap3A_340 = arith.index_cast %scan3A_279 : i32 to index
      %swap3A_341 = arith.constant 48 : index
      %swap3A_342 = tpu.vector_load %arg10[%swap3A_339, %swap3A_340, %swap3A_341] {strides = array<i32>} : memref<2x80x128xf32, #tpu.memory_space<vmem>>, vector<1x1x16xf32>,
      %swap3A_343 = vector.shape_cast %swap3A_342 : vector<1x1x16xf32> to vector<16xf32>
      %swap3A_344 = vector.shape_cast %mul3A_337 : vector<16xf32> to vector<1x1x16xf32>
      tpu.vector_store %arg10[%swap3A_339, %swap3A_340, %swap3A_341], %swap3A_344 {strides = array<i32>} : memref<2x80x128xf32, #tpu.memory_space<vmem>>, vector<1x1x16xf32>,
      %get3A_345 = arith.constant 0 : i32
      %get3A_346 = arith.index_cast %get3A_345 : i32 to index
      %get3A_347 = arith.index_cast %scan3A_279 : i32 to index
      %get3A_348 = arith.constant 64 : index
      %get3A_349 = tpu.vector_load %arg10[%get3A_346, %get3A_347, %get3A_348] {strides = array<i32>} : memref<2x80x128xf32, #tpu.memory_space<vmem>>, vector<1x1x16xf32>,
      %get3A_350 = vector.shape_cast %get3A_349 : vector<1x1x16xf32> to vector<16xf32>
      %mul3A_351 = arith.mulf %get3A_350, %div3A_289 : vector<16xf32>
      %swap3A_352 = arith.constant 0 : i32
      %swap3A_353 = arith.index_cast %swap3A_352 : i32 to index
      %swap3A_354 = arith.index_cast %scan3A_279 : i32 to index
      %swap3A_355 = arith.constant 64 : index
      %swap3A_356 = tpu.vector_load %arg10[%swap3A_353, %swap3A_354, %swap3A_355] {strides = array<i32>} : memref<2x80x128xf32, #tpu.memory_space<vmem>>, vector<1x1x16xf32>,
      %swap3A_357 = vector.shape_cast %swap3A_356 : vector<1x1x16xf32> to vector<16xf32>
      %swap3A_358 = vector.shape_cast %mul3A_351 : vector<16xf32> to vector<1x1x16xf32>
      tpu.vector_store %arg10[%swap3A_353, %swap3A_354, %swap3A_355], %swap3A_358 {strides = array<i32>} : memref<2x80x128xf32, #tpu.memory_space<vmem>>, vector<1x1x16xf32>,
      %get3A_359 = arith.constant 0 : i32
      %get3A_360 = arith.index_cast %get3A_359 : i32 to index
      %get3A_361 = arith.index_cast %scan3A_279 : i32 to index
      %get3A_362 = arith.constant 80 : index
      %get3A_363 = tpu.vector_load %arg10[%get3A_360, %get3A_361, %get3A_362] {strides = array<i32>} : memref<2x80x128xf32, #tpu.memory_space<vmem>>, vector<1x1x16xf32>,
      %get3A_364 = vector.shape_cast %get3A_363 : vector<1x1x16xf32> to vector<16xf32>
      %mul3A_365 = arith.mulf %get3A_364, %div3A_289 : vector<16xf32>
      %swap3A_366 = arith.constant 0 : i32
      %swap3A_367 = arith.index_cast %swap3A_366 : i32 to index
      %swap3A_368 = arith.index_cast %scan3A_279 : i32 to index
      %swap3A_369 = arith.constant 80 : index
      %swap3A_370 = tpu.vector_load %arg10[%swap3A_367, %swap3A_368, %swap3A_369] {strides = array<i32>} : memref<2x80x128xf32, #tpu.memory_space<vmem>>, vector<1x1x16xf32>,
      %swap3A_371 = vector.shape_cast %swap3A_370 : vector<1x1x16xf32> to vector<16xf32>
      %swap3A_372 = vector.shape_cast %mul3A_365 : vector<16xf32> to vector<1x1x16xf32>
      tpu.vector_store %arg10[%swap3A_367, %swap3A_368, %swap3A_369], %swap3A_372 {strides = array<i32>} : memref<2x80x128xf32, #tpu.memory_space<vmem>>, vector<1x1x16xf32>,
      %get3A_373 = arith.constant 0 : i32
      %get3A_374 = arith.index_cast %get3A_373 : i32 to index
      %get3A_375 = arith.index_cast %scan3A_279 : i32 to index
      %get3A_376 = arith.constant 96 : index
      %get3A_377 = tpu.vector_load %arg10[%get3A_374, %get3A_375, %get3A_376] {strides = array<i32>} : memref<2x80x128xf32, #tpu.memory_space<vmem>>, vector<1x1x16xf32>,
      %get3A_378 = vector.shape_cast %get3A_377 : vector<1x1x16xf32> to vector<16xf32>
      %mul3A_379 = arith.mulf %get3A_378, %div3A_289 : vector<16xf32>
      %swap3A_380 = arith.constant 0 : i32
      %swap3A_381 = arith.index_cast %swap3A_380 : i32 to index
      %swap3A_382 = arith.index_cast %scan3A_279 : i32 to index
      %swap3A_383 = arith.constant 96 : index
      %swap3A_384 = tpu.vector_load %arg10[%swap3A_381, %swap3A_382, %swap3A_383] {strides = array<i32>} : memref<2x80x128xf32, #tpu.memory_space<vmem>>, vector<1x1x16xf32>,
      %swap3A_385 = vector.shape_cast %swap3A_384 : vector<1x1x16xf32> to vector<16xf32>
      %swap3A_386 = vector.shape_cast %mul3A_379 : vector<16xf32> to vector<1x1x16xf32>
      tpu.vector_store %arg10[%swap3A_381, %swap3A_382, %swap3A_383], %swap3A_386 {strides = array<i32>} : memref<2x80x128xf32, #tpu.memory_space<vmem>>, vector<1x1x16xf32>,
      %get3A_387 = arith.constant 0 : i32
      %get3A_388 = arith.index_cast %get3A_387 : i32 to index
      %get3A_389 = arith.index_cast %scan3A_279 : i32 to index
      %get3A_390 = arith.constant 112 : index
      %get3A_391 = tpu.vector_load %arg10[%get3A_388, %get3A_389, %get3A_390] {strides = array<i32>} : memref<2x80x128xf32, #tpu.memory_space<vmem>>, vector<1x1x16xf32>,
      %get3A_392 = vector.shape_cast %get3A_391 : vector<1x1x16xf32> to vector<16xf32>
      %mul3A_393 = arith.mulf %get3A_392, %div3A_289 : vector<16xf32>
      %swap3A_394 = arith.constant 0 : i32
      %swap3A_395 = arith.index_cast %swap3A_394 : i32 to index
      %swap3A_396 = arith.index_cast %scan3A_279 : i32 to index
      %swap3A_397 = arith.constant 112 : index
      %swap3A_398 = tpu.vector_load %arg10[%swap3A_395, %swap3A_396, %swap3A_397] {strides = array<i32>} : memref<2x80x128xf32, #tpu.memory_space<vmem>>, vector<1x1x16xf32>,
      %swap3A_399 = vector.shape_cast %swap3A_398 : vector<1x1x16xf32> to vector<16xf32>
      %swap3A_400 = vector.shape_cast %mul3A_393 : vector<16xf32> to vector<1x1x16xf32>
      tpu.vector_store %arg10[%swap3A_395, %swap3A_396, %swap3A_397], %swap3A_400 {strides = array<i32>} : memref<2x80x128xf32, #tpu.memory_space<vmem>>, vector<1x1x16xf32>,
    }
    %scan3A_121 = arith.constant 80 : i32
    %add3A_122 = arith.constant 2504 : i32
    %add3A_123 = arith.addi %add3A_122, %add3A_113 : i32
    %lt3A_124 = arith.constant 15 : i32
    %lt3A_125 = arith.cmpi slt, %arg1, %lt3A_124 : i32
    %convert_element_type3A_126 = arith.extui %lt3A_125 : i1 to i32
    %cond3A_127 = arith.constant 0 : i32
    %cond3A_128 = arith.cmpi ne, %convert_element_type3A_126, %cond3A_127 : i32
    scf.if %cond3A_128 {
      %mul3A_279 = arith.constant 128 : i32
      %mul3A_280 = arith.muli %arg0, %mul3A_279 : i32
      %run_scoped3A_281 = arith.constant 0 : i32
      "tpu.region"() ({
        %run_scoped3A_282 = tpu.sem_alloc : memref<!tpu.dma_semaphore, #tpu.memory_space<semaphore_mem>>
        %dma_start3A = arith.constant 0 : i32
        %dma_start3A_283 = arith.constant 0 : i32
        %dma_start3A_284 = tpu.memref_slice %arg10[%run_scoped3A_281, %dma_start3A, %dma_start3A_283] : memref<2x80x128xf32, #tpu.memory_space<vmem>> -> memref<1x80x128xf32, #tpu.memory_space<vmem>>
        %dma_start3A_285 = tpu.memref_squeeze %dma_start3A_284 : memref<1x80x128xf32, #tpu.memory_space<vmem>> -> memref<80x128xf32, #tpu.memory_space<vmem>>
        %dma_start3A_286 = tpu.memref_slice %arg7[%add3A_123, %mul3A_280] : memref<10000x256xf32, #tpu.memory_space<hbm>> -> memref<80x128xf32, #tpu.memory_space<hbm>>
        %dma_start3A_287 = tpu.memref_slice %arg7[%add3A_123, %mul3A_280] : memref<10000x256xf32, #tpu.memory_space<hbm>> -> memref<80x128xf32, #tpu.memory_space<hbm>>
        %dma_start3A_288 = arith.constant 0 : i32
        %dma_start3A_289 = arith.constant 0 : i32
        %dma_start3A_290 = tpu.memref_slice %arg10[%run_scoped3A_281, %dma_start3A_288, %dma_start3A_289] : memref<2x80x128xf32, #tpu.memory_space<vmem>> -> memref<1x80x128xf32, #tpu.memory_space<vmem>>
        %dma_start3A_291 = tpu.memref_squeeze %dma_start3A_290 : memref<1x80x128xf32, #tpu.memory_space<vmem>> -> memref<80x128xf32, #tpu.memory_space<vmem>>
        tpu.enqueue_dma source(%dma_start3A_291 : memref<80x128xf32, #tpu.memory_space<vmem>>) target(%dma_start3A_287 : memref<80x128xf32, #tpu.memory_space<hbm>>) target_semaphore(%run_scoped3A_282 : memref<!tpu.dma_semaphore, #tpu.memory_space<semaphore_mem>>)
        %dma_wait3A = arith.constant 0 : i32
        %dma_wait3A_292 = arith.constant 0 : i32
        %dma_wait3A_293 = tpu.memref_slice %arg10[%run_scoped3A_281, %dma_wait3A, %dma_wait3A_292] : memref<2x80x128xf32, #tpu.memory_space<vmem>> -> memref<1x80x128xf32, #tpu.memory_space<vmem>>
        %dma_wait3A_294 = tpu.memref_squeeze %dma_wait3A_293 : memref<1x80x128xf32, #tpu.memory_space<vmem>> -> memref<80x128xf32, #tpu.memory_space<vmem>>
        %dma_wait3A_295 = tpu.memref_slice %arg7[%add3A_123, %mul3A_280] : memref<10000x256xf32, #tpu.memory_space<hbm>> -> memref<80x128xf32, #tpu.memory_space<hbm>>
        %dma_wait3A_296 = tpu.memref_slice %arg7[%add3A_123, %mul3A_280] : memref<10000x256xf32, #tpu.memory_space<hbm>> -> memref<80x128xf32, #tpu.memory_space<hbm>>
        %dma_wait3A_297 = arith.constant 0 : i32
        %dma_wait3A_298 = arith.constant 0 : i32
        %dma_wait3A_299 = tpu.memref_slice %arg10[%run_scoped3A_281, %dma_wait3A_297, %dma_wait3A_298] : memref<2x80x128xf32, #tpu.memory_space<vmem>> -> memref<1x80x128xf32, #tpu.memory_space<vmem>>
        %dma_wait3A_300 = tpu.memref_squeeze %dma_wait3A_299 : memref<1x80x128xf32, #tpu.memory_space<vmem>> -> memref<80x128xf32, #tpu.memory_space<vmem>>
        tpu.wait_dma2 semaphore(%run_scoped3A_282 : memref<!tpu.dma_semaphore, #tpu.memory_space<semaphore_mem>>) src(%dma_wait3A_300 : memref<80x128xf32, #tpu.memory_space<vmem>>) dst(%dma_wait3A_296 : memref<80x128xf32, #tpu.memory_space<hbm>>)
        tpu.yield
      }) : () -> ()
    } else {
    }
    %eq3A_129 = arith.constant 15 : i32
    %eq3A_130 = arith.cmpi eq, %arg1, %eq3A_129 : i32
    %convert_element_type3A_131 = arith.extui %eq3A_130 : i1 to i32
    %cond3A_132 = arith.constant 0 : i32
    %cond3A_133 = arith.cmpi ne, %convert_element_type3A_131, %cond3A_132 : i32
    scf.if %cond3A_133 {
      %mul3A_279 = arith.constant 128 : i32
      %mul3A_280 = arith.muli %arg0, %mul3A_279 : i32
      %run_scoped3A_281 = arith.constant 0 : i32
      "tpu.region"() ({
        %run_scoped3A_282 = tpu.sem_alloc : memref<!tpu.dma_semaphore, #tpu.memory_space<semaphore_mem>>
        %dma_start3A = arith.constant 0 : i32
        %dma_start3A_283 = arith.constant 0 : i32
        %dma_start3A_284 = tpu.memref_slice %arg10[%run_scoped3A_281, %dma_start3A, %dma_start3A_283] : memref<2x80x128xf32, #tpu.memory_space<vmem>> -> memref<1x24x128xf32, #tpu.memory_space<vmem>>
        %dma_start3A_285 = tpu.memref_squeeze %dma_start3A_284 : memref<1x24x128xf32, #tpu.memory_space<vmem>> -> memref<24x128xf32, #tpu.memory_space<vmem>>
        %dma_start3A_286 = tpu.memref_slice %arg7[%add3A_123, %mul3A_280] : memref<10000x256xf32, #tpu.memory_space<hbm>> -> memref<24x128xf32, #tpu.memory_space<hbm>>
        %dma_start3A_287 = tpu.memref_slice %arg7[%add3A_123, %mul3A_280] : memref<10000x256xf32, #tpu.memory_space<hbm>> -> memref<24x128xf32, #tpu.memory_space<hbm>>
        %dma_start3A_288 = arith.constant 0 : i32
        %dma_start3A_289 = arith.constant 0 : i32
        %dma_start3A_290 = tpu.memref_slice %arg10[%run_scoped3A_281, %dma_start3A_288, %dma_start3A_289] : memref<2x80x128xf32, #tpu.memory_space<vmem>> -> memref<1x24x128xf32, #tpu.memory_space<vmem>>
        %dma_start3A_291 = tpu.memref_squeeze %dma_start3A_290 : memref<1x24x128xf32, #tpu.memory_space<vmem>> -> memref<24x128xf32, #tpu.memory_space<vmem>>
        tpu.enqueue_dma source(%dma_start3A_291 : memref<24x128xf32, #tpu.memory_space<vmem>>) target(%dma_start3A_287 : memref<24x128xf32, #tpu.memory_space<hbm>>) target_semaphore(%run_scoped3A_282 : memref<!tpu.dma_semaphore, #tpu.memory_space<semaphore_mem>>)
        %dma_wait3A = arith.constant 0 : i32
        %dma_wait3A_292 = arith.constant 0 : i32
        %dma_wait3A_293 = tpu.memref_slice %arg10[%run_scoped3A_281, %dma_wait3A, %dma_wait3A_292] : memref<2x80x128xf32, #tpu.memory_space<vmem>> -> memref<1x24x128xf32, #tpu.memory_space<vmem>>
        %dma_wait3A_294 = tpu.memref_squeeze %dma_wait3A_293 : memref<1x24x128xf32, #tpu.memory_space<vmem>> -> memref<24x128xf32, #tpu.memory_space<vmem>>
        %dma_wait3A_295 = tpu.memref_slice %arg7[%add3A_123, %mul3A_280] : memref<10000x256xf32, #tpu.memory_space<hbm>> -> memref<24x128xf32, #tpu.memory_space<hbm>>
        %dma_wait3A_296 = tpu.memref_slice %arg7[%add3A_123, %mul3A_280] : memref<10000x256xf32, #tpu.memory_space<hbm>> -> memref<24x128xf32, #tpu.memory_space<hbm>>
        %dma_wait3A_297 = arith.constant 0 : i32
        %dma_wait3A_298 = arith.constant 0 : i32
        %dma_wait3A_299 = tpu.memref_slice %arg10[%run_scoped3A_281, %dma_wait3A_297, %dma_wait3A_298] : memref<2x80x128xf32, #tpu.memory_space<vmem>> -> memref<1x24x128xf32, #tpu.memory_space<vmem>>
        %dma_wait3A_300 = tpu.memref_squeeze %dma_wait3A_299 : memref<1x24x128xf32, #tpu.memory_space<vmem>> -> memref<24x128xf32, #tpu.memory_space<vmem>>
        tpu.wait_dma2 semaphore(%run_scoped3A_282 : memref<!tpu.dma_semaphore, #tpu.memory_space<semaphore_mem>>) src(%dma_wait3A_300 : memref<24x128xf32, #tpu.memory_space<vmem>>) dst(%dma_wait3A_296 : memref<24x128xf32, #tpu.memory_space<hbm>>)
        tpu.yield
      }) : () -> ()
    } else {
    }
    %barrier3A_134 = arith.constant 0 : index
    tpu.barrier barrier_id(%barrier3A_134)
    %mul3A_135 = arith.constant 160 : i32
    %mul3A_136 = arith.muli %arg1, %mul3A_135 : i32
    "tpu.region"() ({
      %run_scoped3A_279 = tpu.sem_alloc : memref<!tpu.dma_semaphore, #tpu.memory_space<semaphore_mem>>
      %dma_start3A = arith.constant 0 : i32
      %dma_start3A_280 = tpu.memref_slice %arg16[%mul3A_136, %dma_start3A] : memref<2568x128xf32, #tpu.memory_space<vmem_shared>> -> memref<160x128xf32, #tpu.memory_space<vmem_shared>>
      %dma_start3A_281 = arith.constant 0 : i32
      %dma_start3A_282 = arith.constant 0 : i32
      %dma_start3A_283 = tpu.memref_slice %arg5[%dma_start3A_281, %dma_start3A_282] : memref<160x128xf32, #tpu.memory_space<hbm>> -> memref<160x128xf32, #tpu.memory_space<hbm>>
      tpu.enqueue_dma source(%dma_start3A_283 : memref<160x128xf32, #tpu.memory_space<hbm>>) target(%dma_start3A_280 : memref<160x128xf32, #tpu.memory_space<vmem_shared>>) target_semaphore(%run_scoped3A_279 : memref<!tpu.dma_semaphore, #tpu.memory_space<semaphore_mem>>)
      %dma_wait3A = arith.constant 0 : i32
      %dma_wait3A_284 = tpu.memref_slice %arg16[%mul3A_136, %dma_wait3A] : memref<2568x128xf32, #tpu.memory_space<vmem_shared>> -> memref<160x128xf32, #tpu.memory_space<vmem_shared>>
      %dma_wait3A_285 = arith.constant 0 : i32
      %dma_wait3A_286 = arith.constant 0 : i32
      %dma_wait3A_287 = tpu.memref_slice %arg5[%dma_wait3A_285, %dma_wait3A_286] : memref<160x128xf32, #tpu.memory_space<hbm>> -> memref<160x128xf32, #tpu.memory_space<hbm>>
      tpu.wait_dma2 semaphore(%run_scoped3A_279 : memref<!tpu.dma_semaphore, #tpu.memory_space<semaphore_mem>>) src(%dma_wait3A_287 : memref<160x128xf32, #tpu.memory_space<hbm>>) dst(%dma_wait3A_284 : memref<160x128xf32, #tpu.memory_space<vmem_shared>>)
      tpu.yield
    }) : () -> ()
    %mul3A_137 = arith.constant 160 : i32
    %mul3A_138 = arith.muli %arg1, %mul3A_137 : i32
    "tpu.region"() ({
      %run_scoped3A_279 = tpu.sem_alloc : memref<!tpu.dma_semaphore, #tpu.memory_space<semaphore_mem>>
      %dma_start3A = arith.constant 0 : i32
      %dma_start3A_280 = tpu.memref_slice %arg17[%mul3A_138, %dma_start3A] : memref<2568x128xf32, #tpu.memory_space<vmem_shared>> -> memref<160x128xf32, #tpu.memory_space<vmem_shared>>
      %dma_start3A_281 = arith.constant 0 : i32
      %dma_start3A_282 = arith.constant 0 : i32
      %dma_start3A_283 = tpu.memref_slice %arg5[%dma_start3A_281, %dma_start3A_282] : memref<160x128xf32, #tpu.memory_space<hbm>> -> memref<160x128xf32, #tpu.memory_space<hbm>>
      tpu.enqueue_dma source(%dma_start3A_283 : memref<160x128xf32, #tpu.memory_space<hbm>>) target(%dma_start3A_280 : memref<160x128xf32, #tpu.memory_space<vmem_shared>>) target_semaphore(%run_scoped3A_279 : memref<!tpu.dma_semaphore, #tpu.memory_space<semaphore_mem>>)
      %dma_wait3A = arith.constant 0 : i32
      %dma_wait3A_284 = tpu.memref_slice %arg17[%mul3A_138, %dma_wait3A] : memref<2568x128xf32, #tpu.memory_space<vmem_shared>> -> memref<160x128xf32, #tpu.memory_space<vmem_shared>>
      %dma_wait3A_285 = arith.constant 0 : i32
      %dma_wait3A_286 = arith.constant 0 : i32
      %dma_wait3A_287 = tpu.memref_slice %arg5[%dma_wait3A_285, %dma_wait3A_286] : memref<160x128xf32, #tpu.memory_space<hbm>> -> memref<160x128xf32, #tpu.memory_space<hbm>>
      tpu.wait_dma2 semaphore(%run_scoped3A_279 : memref<!tpu.dma_semaphore, #tpu.memory_space<semaphore_mem>>) src(%dma_wait3A_287 : memref<160x128xf32, #tpu.memory_space<hbm>>) dst(%dma_wait3A_284 : memref<160x128xf32, #tpu.memory_space<vmem_shared>>)
      tpu.yield
    }) : () -> ()
    %eq3A_139 = arith.constant 0 : i32
    %eq3A_140 = arith.cmpi eq, %arg1, %eq3A_139 : i32
    %convert_element_type3A_141 = arith.extui %eq3A_140 : i1 to i32
    %cond3A_142 = arith.constant 0 : i32
    %cond3A_143 = arith.cmpi ne, %convert_element_type3A_141, %cond3A_142 : i32
    scf.if %cond3A_143 {
      "tpu.region"() ({
        %run_scoped3A_279 = tpu.sem_alloc : memref<!tpu.dma_semaphore, #tpu.memory_space<semaphore_mem>>
        %dma_start3A = arith.constant 2560 : i32
        %dma_start3A_280 = arith.constant 0 : i32
        %dma_start3A_281 = tpu.memref_slice %arg16[%dma_start3A, %dma_start3A_280] : memref<2568x128xf32, #tpu.memory_space<vmem_shared>> -> memref<8x128xf32, #tpu.memory_space<vmem_shared>>
        %dma_start3A_282 = arith.constant 0 : i32
        %dma_start3A_283 = arith.constant 0 : i32
        %dma_start3A_284 = tpu.memref_slice %arg5[%dma_start3A_282, %dma_start3A_283] : memref<160x128xf32, #tpu.memory_space<hbm>> -> memref<8x128xf32, #tpu.memory_space<hbm>>
        tpu.enqueue_dma source(%dma_start3A_284 : memref<8x128xf32, #tpu.memory_space<hbm>>) target(%dma_start3A_281 : memref<8x128xf32, #tpu.memory_space<vmem_shared>>) target_semaphore(%run_scoped3A_279 : memref<!tpu.dma_semaphore, #tpu.memory_space<semaphore_mem>>)
        %dma_wait3A = arith.constant 2560 : i32
        %dma_wait3A_285 = arith.constant 0 : i32
        %dma_wait3A_286 = tpu.memref_slice %arg16[%dma_wait3A, %dma_wait3A_285] : memref<2568x128xf32, #tpu.memory_space<vmem_shared>> -> memref<8x128xf32, #tpu.memory_space<vmem_shared>>
        %dma_wait3A_287 = arith.constant 0 : i32
        %dma_wait3A_288 = arith.constant 0 : i32
        %dma_wait3A_289 = tpu.memref_slice %arg5[%dma_wait3A_287, %dma_wait3A_288] : memref<160x128xf32, #tpu.memory_space<hbm>> -> memref<8x128xf32, #tpu.memory_space<hbm>>
        tpu.wait_dma2 semaphore(%run_scoped3A_279 : memref<!tpu.dma_semaphore, #tpu.memory_space<semaphore_mem>>) src(%dma_wait3A_289 : memref<8x128xf32, #tpu.memory_space<hbm>>) dst(%dma_wait3A_286 : memref<8x128xf32, #tpu.memory_space<vmem_shared>>)
        tpu.yield
      }) : () -> ()
      "tpu.region"() ({
        %run_scoped3A_279 = tpu.sem_alloc : memref<!tpu.dma_semaphore, #tpu.memory_space<semaphore_mem>>
        %dma_start3A = arith.constant 2560 : i32
        %dma_start3A_280 = arith.constant 0 : i32
        %dma_start3A_281 = tpu.memref_slice %arg17[%dma_start3A, %dma_start3A_280] : memref<2568x128xf32, #tpu.memory_space<vmem_shared>> -> memref<8x128xf32, #tpu.memory_space<vmem_shared>>
        %dma_start3A_282 = arith.constant 0 : i32
        %dma_start3A_283 = arith.constant 0 : i32
        %dma_start3A_284 = tpu.memref_slice %arg5[%dma_start3A_282, %dma_start3A_283] : memref<160x128xf32, #tpu.memory_space<hbm>> -> memref<8x128xf32, #tpu.memory_space<hbm>>
        tpu.enqueue_dma source(%dma_start3A_284 : memref<8x128xf32, #tpu.memory_space<hbm>>) target(%dma_start3A_281 : memref<8x128xf32, #tpu.memory_space<vmem_shared>>) target_semaphore(%run_scoped3A_279 : memref<!tpu.dma_semaphore, #tpu.memory_space<semaphore_mem>>)
        %dma_wait3A = arith.constant 2560 : i32
        %dma_wait3A_285 = arith.constant 0 : i32
        %dma_wait3A_286 = tpu.memref_slice %arg17[%dma_wait3A, %dma_wait3A_285] : memref<2568x128xf32, #tpu.memory_space<vmem_shared>> -> memref<8x128xf32, #tpu.memory_space<vmem_shared>>
        %dma_wait3A_287 = arith.constant 0 : i32
        %dma_wait3A_288 = arith.constant 0 : i32
        %dma_wait3A_289 = tpu.memref_slice %arg5[%dma_wait3A_287, %dma_wait3A_288] : memref<160x128xf32, #tpu.memory_space<hbm>> -> memref<8x128xf32, #tpu.memory_space<hbm>>
        tpu.wait_dma2 semaphore(%run_scoped3A_279 : memref<!tpu.dma_semaphore, #tpu.memory_space<semaphore_mem>>) src(%dma_wait3A_289 : memref<8x128xf32, #tpu.memory_space<hbm>>) dst(%dma_wait3A_286 : memref<8x128xf32, #tpu.memory_space<vmem_shared>>)
        tpu.yield
      }) : () -> ()
    } else {
    }
    %barrier3A_144 = arith.constant 0 : index
    tpu.barrier barrier_id(%barrier3A_144)
    %slice3A_145 = vector.extract_strided_slice %get3A_2 {offsets = [4], sizes = [1], strides = [1]} : vector<16xi32> to vector<1xi32>
    %squeeze3A_146 = vector.extract %slice3A_145[0] : i32 from vector<1xi32>
    %slice3A_147 = vector.extract_strided_slice %get3A_2 {offsets = [5], sizes = [1], strides = [1]} : vector<16xi32> to vector<1xi32>
    %squeeze3A_148 = vector.extract %slice3A_147[0] : i32 from vector<1xi32>
    %gt3A_149 = arith.cmpi sgt, %squeeze3A_148, %squeeze3A_146 : i32
    %convert_element_type3A_150 = arith.extui %gt3A_149 : i1 to i32
    %cond3A_151 = arith.constant 0 : i32
    %cond3A_152 = arith.cmpi ne, %convert_element_type3A_150, %cond3A_151 : i32
    scf.if %cond3A_152 {
      %mul3A_279 = arith.constant 80 : i32
      %mul3A_280 = arith.muli %squeeze3A_146, %mul3A_279 : i32
      %add3A_281 = arith.addi %mul3A_0, %mul3A_280 : i32
      %mul3A_282 = arith.constant 128 : i32
      %mul3A_283 = arith.muli %arg0, %mul3A_282 : i32
      %dma_start3A = arith.constant 0 : i32
      %dma_start3A_284 = arith.constant 0 : i32
      %dma_start3A_285 = arith.constant 0 : i32
      %dma_start3A_286 = arith.constant 0 : i32
      %dma_start3A_287 = tpu.memref_slice %arg10[%dma_start3A, %dma_start3A_285, %dma_start3A_286] : memref<2x80x128xf32, #tpu.memory_space<vmem>> -> memref<1x80x128xf32, #tpu.memory_space<vmem>>
      %dma_start3A_288 = tpu.memref_squeeze %dma_start3A_287 : memref<1x80x128xf32, #tpu.memory_space<vmem>> -> memref<80x128xf32, #tpu.memory_space<vmem>>
      %dma_start3A_289 = tpu.memref_slice %arg2[%add3A_281, %mul3A_283] : memref<160000x256xf32, #tpu.memory_space<hbm>> -> memref<80x128xf32, #tpu.memory_space<hbm>>
      %dma_start3A_290 = tpu.memref_slice %arg13[%dma_start3A_284] : memref<2x!tpu.dma_semaphore, #tpu.memory_space<semaphore_mem>> -> memref<1x!tpu.dma_semaphore, #tpu.memory_space<semaphore_mem>>
      %dma_start3A_291 = tpu.memref_squeeze %dma_start3A_290 : memref<1x!tpu.dma_semaphore, #tpu.memory_space<semaphore_mem>> -> memref<!tpu.dma_semaphore, #tpu.memory_space<semaphore_mem>>
      %dma_start3A_292 = arith.constant 0 : i32
      %dma_start3A_293 = arith.constant 0 : i32
      %dma_start3A_294 = tpu.memref_slice %arg10[%dma_start3A, %dma_start3A_292, %dma_start3A_293] : memref<2x80x128xf32, #tpu.memory_space<vmem>> -> memref<1x80x128xf32, #tpu.memory_space<vmem>>
      %dma_start3A_295 = tpu.memref_squeeze %dma_start3A_294 : memref<1x80x128xf32, #tpu.memory_space<vmem>> -> memref<80x128xf32, #tpu.memory_space<vmem>>
      %dma_start3A_296 = tpu.memref_slice %arg2[%add3A_281, %mul3A_283] : memref<160000x256xf32, #tpu.memory_space<hbm>> -> memref<80x128xf32, #tpu.memory_space<hbm>>
      tpu.enqueue_dma source(%dma_start3A_296 : memref<80x128xf32, #tpu.memory_space<hbm>>) target(%dma_start3A_295 : memref<80x128xf32, #tpu.memory_space<vmem>>) target_semaphore(%dma_start3A_291 : memref<!tpu.dma_semaphore, #tpu.memory_space<semaphore_mem>>)
    } else {
    }
    %while3A_153 = arith.constant 0 : i32
    %while3A_154 = arith.subi %squeeze3A_148, %squeeze3A_146 : i32
    %while3A_155 = arith.addi %squeeze3A_146, %while3A_154 : i32
    %while3A_156 = arith.constant 1 : i32
    %while3A_157 = arith.divsi %while3A_154, %while3A_156 : i32
    %while3A_158 = arith.muli %while3A_157, %while3A_156 : i32
    %while3A_159 = arith.addi %squeeze3A_146, %while3A_158 : i32
    %while3A_160 = arith.constant 1 : i32
    scf.for %while3A_279 = %squeeze3A_146 to %while3A_159 step %while3A_160  : i32 {
      %sub3A = arith.subi %while3A_279, %squeeze3A_146 : i32
      %rem3A = arith.constant 2 : i32
      %rem3A_280 = arith.remsi %sub3A, %rem3A : i32
      %sub3A_281 = arith.constant 1 : i32
      %sub3A_282 = arith.subi %sub3A_281, %rem3A_280 : i32
      %get3A_283 = arith.index_cast %while3A_279 : i32 to index
      %get3A_284 = arith.constant 0 : index
      %get3A_285 = tpu.vector_load %arg8[%get3A_283, %get3A_284] {strides = array<i32>} : memref<125x80xi32, #tpu.memory_space<vmem>>, vector<1x16xi32>,
      %get3A_286 = vector.shape_cast %get3A_285 : vector<1x16xi32> to vector<16xi32>
      %ge3A = arith.constant 5008 : i32
      %ge3A_287 = vector.broadcast %ge3A : i32 to vector<16xi32>
      %ge3A_288 = arith.cmpi sge, %get3A_286, %ge3A_287 : vector<16xi32>
      %lt3A_289 = arith.constant 7512 : i32
      %lt3A_290 = vector.broadcast %lt3A_289 : i32 to vector<16xi32>
      %lt3A_291 = arith.cmpi slt, %get3A_286, %lt3A_290 : vector<16xi32>
      %and3A = arith.andi %ge3A_288, %lt3A_291 : vector<16xi1>
      %sub3A_292 = arith.constant 5008 : i32
      %sub3A_293 = vector.broadcast %sub3A_292 : i32 to vector<16xi32>
      %sub3A_294 = arith.subi %get3A_286, %sub3A_293 : vector<16xi32>
      %jit3A = arith.constant 2560 : i32
      %broadcast_in_dim3A = vector.broadcast %jit3A : i32 to vector<16xi32>
      %select_n3A = arith.select %and3A, %sub3A_294, %broadcast_in_dim3A : vector<16xi1>, vector<16xi32>
      %swap3A = arith.index_cast %rem3A_280 : i32 to index
      %swap3A_295 = arith.constant 0 : index
      %swap3A_296 = tpu.vector_load %arg9[%swap3A, %swap3A_295] {strides = array<i32>} : memref<2x80xi32, #tpu.memory_space<vmem>>, vector<1x16xi32>,
      %swap3A_297 = vector.shape_cast %swap3A_296 : vector<1x16xi32> to vector<16xi32>
      %swap3A_298 = vector.shape_cast %select_n3A : vector<16xi32> to vector<1x16xi32>
      tpu.vector_store %arg9[%swap3A, %swap3A_295], %swap3A_298 {strides = array<i32>} : memref<2x80xi32, #tpu.memory_space<vmem>>, vector<1x16xi32>,
      %get3A_299 = arith.index_cast %while3A_279 : i32 to index
      %get3A_300 = arith.constant 16 : index
      %get3A_301 = tpu.vector_load %arg8[%get3A_299, %get3A_300] {strides = array<i32>} : memref<125x80xi32, #tpu.memory_space<vmem>>, vector<1x16xi32>,
      %get3A_302 = vector.shape_cast %get3A_301 : vector<1x16xi32> to vector<16xi32>
      %ge3A_303 = arith.constant 5008 : i32
      %ge3A_304 = vector.broadcast %ge3A_303 : i32 to vector<16xi32>
      %ge3A_305 = arith.cmpi sge, %get3A_302, %ge3A_304 : vector<16xi32>
      %lt3A_306 = arith.constant 7512 : i32
      %lt3A_307 = vector.broadcast %lt3A_306 : i32 to vector<16xi32>
      %lt3A_308 = arith.cmpi slt, %get3A_302, %lt3A_307 : vector<16xi32>
      %and3A_309 = arith.andi %ge3A_305, %lt3A_308 : vector<16xi1>
      %sub3A_310 = arith.constant 5008 : i32
      %sub3A_311 = vector.broadcast %sub3A_310 : i32 to vector<16xi32>
      %sub3A_312 = arith.subi %get3A_302, %sub3A_311 : vector<16xi32>
      %jit3A_313 = arith.constant 2560 : i32
      %broadcast_in_dim3A_314 = vector.broadcast %jit3A_313 : i32 to vector<16xi32>
      %select_n3A_315 = arith.select %and3A_309, %sub3A_312, %broadcast_in_dim3A_314 : vector<16xi1>, vector<16xi32>
      %swap3A_316 = arith.index_cast %rem3A_280 : i32 to index
      %swap3A_317 = arith.constant 16 : index
      %swap3A_318 = tpu.vector_load %arg9[%swap3A_316, %swap3A_317] {strides = array<i32>} : memref<2x80xi32, #tpu.memory_space<vmem>>, vector<1x16xi32>,
      %swap3A_319 = vector.shape_cast %swap3A_318 : vector<1x16xi32> to vector<16xi32>
      %swap3A_320 = vector.shape_cast %select_n3A_315 : vector<16xi32> to vector<1x16xi32>
      tpu.vector_store %arg9[%swap3A_316, %swap3A_317], %swap3A_320 {strides = array<i32>} : memref<2x80xi32, #tpu.memory_space<vmem>>, vector<1x16xi32>,
      %get3A_321 = arith.index_cast %while3A_279 : i32 to index
      %get3A_322 = arith.constant 32 : index
      %get3A_323 = tpu.vector_load %arg8[%get3A_321, %get3A_322] {strides = array<i32>} : memref<125x80xi32, #tpu.memory_space<vmem>>, vector<1x16xi32>,
      %get3A_324 = vector.shape_cast %get3A_323 : vector<1x16xi32> to vector<16xi32>
      %ge3A_325 = arith.constant 5008 : i32
      %ge3A_326 = vector.broadcast %ge3A_325 : i32 to vector<16xi32>
      %ge3A_327 = arith.cmpi sge, %get3A_324, %ge3A_326 : vector<16xi32>
      %lt3A_328 = arith.constant 7512 : i32
      %lt3A_329 = vector.broadcast %lt3A_328 : i32 to vector<16xi32>
      %lt3A_330 = arith.cmpi slt, %get3A_324, %lt3A_329 : vector<16xi32>
      %and3A_331 = arith.andi %ge3A_327, %lt3A_330 : vector<16xi1>
      %sub3A_332 = arith.constant 5008 : i32
      %sub3A_333 = vector.broadcast %sub3A_332 : i32 to vector<16xi32>
      %sub3A_334 = arith.subi %get3A_324, %sub3A_333 : vector<16xi32>
      %jit3A_335 = arith.constant 2560 : i32
      %broadcast_in_dim3A_336 = vector.broadcast %jit3A_335 : i32 to vector<16xi32>
      %select_n3A_337 = arith.select %and3A_331, %sub3A_334, %broadcast_in_dim3A_336 : vector<16xi1>, vector<16xi32>
      %swap3A_338 = arith.index_cast %rem3A_280 : i32 to index
      %swap3A_339 = arith.constant 32 : index
      %swap3A_340 = tpu.vector_load %arg9[%swap3A_338, %swap3A_339] {strides = array<i32>} : memref<2x80xi32, #tpu.memory_space<vmem>>, vector<1x16xi32>,
      %swap3A_341 = vector.shape_cast %swap3A_340 : vector<1x16xi32> to vector<16xi32>
      %swap3A_342 = vector.shape_cast %select_n3A_337 : vector<16xi32> to vector<1x16xi32>
      tpu.vector_store %arg9[%swap3A_338, %swap3A_339], %swap3A_342 {strides = array<i32>} : memref<2x80xi32, #tpu.memory_space<vmem>>, vector<1x16xi32>,
      %get3A_343 = arith.index_cast %while3A_279 : i32 to index
      %get3A_344 = arith.constant 48 : index
      %get3A_345 = tpu.vector_load %arg8[%get3A_343, %get3A_344] {strides = array<i32>} : memref<125x80xi32, #tpu.memory_space<vmem>>, vector<1x16xi32>,
      %get3A_346 = vector.shape_cast %get3A_345 : vector<1x16xi32> to vector<16xi32>
      %ge3A_347 = arith.constant 5008 : i32
      %ge3A_348 = vector.broadcast %ge3A_347 : i32 to vector<16xi32>
      %ge3A_349 = arith.cmpi sge, %get3A_346, %ge3A_348 : vector<16xi32>
      %lt3A_350 = arith.constant 7512 : i32
      %lt3A_351 = vector.broadcast %lt3A_350 : i32 to vector<16xi32>
      %lt3A_352 = arith.cmpi slt, %get3A_346, %lt3A_351 : vector<16xi32>
      %and3A_353 = arith.andi %ge3A_349, %lt3A_352 : vector<16xi1>
      %sub3A_354 = arith.constant 5008 : i32
      %sub3A_355 = vector.broadcast %sub3A_354 : i32 to vector<16xi32>
      %sub3A_356 = arith.subi %get3A_346, %sub3A_355 : vector<16xi32>
      %jit3A_357 = arith.constant 2560 : i32
      %broadcast_in_dim3A_358 = vector.broadcast %jit3A_357 : i32 to vector<16xi32>
      %select_n3A_359 = arith.select %and3A_353, %sub3A_356, %broadcast_in_dim3A_358 : vector<16xi1>, vector<16xi32>
      %swap3A_360 = arith.index_cast %rem3A_280 : i32 to index
      %swap3A_361 = arith.constant 48 : index
      %swap3A_362 = tpu.vector_load %arg9[%swap3A_360, %swap3A_361] {strides = array<i32>} : memref<2x80xi32, #tpu.memory_space<vmem>>, vector<1x16xi32>,
      %swap3A_363 = vector.shape_cast %swap3A_362 : vector<1x16xi32> to vector<16xi32>
      %swap3A_364 = vector.shape_cast %select_n3A_359 : vector<16xi32> to vector<1x16xi32>
      tpu.vector_store %arg9[%swap3A_360, %swap3A_361], %swap3A_364 {strides = array<i32>} : memref<2x80xi32, #tpu.memory_space<vmem>>, vector<1x16xi32>,
      %get3A_365 = arith.index_cast %while3A_279 : i32 to index
      %get3A_366 = arith.constant 64 : index
      %get3A_367 = tpu.vector_load %arg8[%get3A_365, %get3A_366] {strides = array<i32>} : memref<125x80xi32, #tpu.memory_space<vmem>>, vector<1x16xi32>,
      %get3A_368 = vector.shape_cast %get3A_367 : vector<1x16xi32> to vector<16xi32>
      %ge3A_369 = arith.constant 5008 : i32
      %ge3A_370 = vector.broadcast %ge3A_369 : i32 to vector<16xi32>
      %ge3A_371 = arith.cmpi sge, %get3A_368, %ge3A_370 : vector<16xi32>
      %lt3A_372 = arith.constant 7512 : i32
      %lt3A_373 = vector.broadcast %lt3A_372 : i32 to vector<16xi32>
      %lt3A_374 = arith.cmpi slt, %get3A_368, %lt3A_373 : vector<16xi32>
      %and3A_375 = arith.andi %ge3A_371, %lt3A_374 : vector<16xi1>
      %sub3A_376 = arith.constant 5008 : i32
      %sub3A_377 = vector.broadcast %sub3A_376 : i32 to vector<16xi32>
      %sub3A_378 = arith.subi %get3A_368, %sub3A_377 : vector<16xi32>
      %jit3A_379 = arith.constant 2560 : i32
      %broadcast_in_dim3A_380 = vector.broadcast %jit3A_379 : i32 to vector<16xi32>
      %select_n3A_381 = arith.select %and3A_375, %sub3A_378, %broadcast_in_dim3A_380 : vector<16xi1>, vector<16xi32>
      %swap3A_382 = arith.index_cast %rem3A_280 : i32 to index
      %swap3A_383 = arith.constant 64 : index
      %swap3A_384 = tpu.vector_load %arg9[%swap3A_382, %swap3A_383] {strides = array<i32>} : memref<2x80xi32, #tpu.memory_space<vmem>>, vector<1x16xi32>,
      %swap3A_385 = vector.shape_cast %swap3A_384 : vector<1x16xi32> to vector<16xi32>
      %swap3A_386 = vector.shape_cast %select_n3A_381 : vector<16xi32> to vector<1x16xi32>
      tpu.vector_store %arg9[%swap3A_382, %swap3A_383], %swap3A_386 {strides = array<i32>} : memref<2x80xi32, #tpu.memory_space<vmem>>, vector<1x16xi32>,
      %gt3A_387 = arith.cmpi sgt, %while3A_279, %squeeze3A_146 : i32
      %convert_element_type3A_388 = arith.extui %gt3A_387 : i1 to i32
      %cond3A_389 = arith.constant 0 : i32
      %cond3A_390 = arith.cmpi ne, %convert_element_type3A_388, %cond3A_389 : i32
      scf.if %cond3A_390 {
        %dma_wait3A_432 = arith.constant 0 : i32
        %dma_wait3A_433 = arith.constant 0 : i32
        %dma_wait3A_434 = tpu.memref_slice %arg10[%sub3A_282, %dma_wait3A_432, %dma_wait3A_433] : memref<2x80x128xf32, #tpu.memory_space<vmem>> -> memref<1x80x128xf32, #tpu.memory_space<vmem>>
        %dma_wait3A_435 = tpu.memref_squeeze %dma_wait3A_434 : memref<1x80x128xf32, #tpu.memory_space<vmem>> -> memref<80x128xf32, #tpu.memory_space<vmem>>
        %dma_wait3A_436 = arith.constant 0 : i32
        %dma_wait3A_437 = tpu.memref_slice %arg9[%sub3A_282, %dma_wait3A_436] : memref<2x80xi32, #tpu.memory_space<vmem>> -> memref<1x80xi32, #tpu.memory_space<vmem>>
        %dma_wait3A_438 = tpu.memref_squeeze %dma_wait3A_437 : memref<1x80xi32, #tpu.memory_space<vmem>> -> memref<80xi32, #tpu.memory_space<vmem>>
        %dma_wait3A_439 = arith.constant 0 : i32
        %dma_wait3A_440 = arith.constant 0 : i32
        %dma_wait3A_441 = tpu.memref_slice %arg16[%dma_wait3A_439, %dma_wait3A_440] : memref<2568x128xf32, #tpu.memory_space<vmem_shared>> -> memref<2568x128xf32, #tpu.memory_space<vmem_shared>>
        %dma_wait3A_442 = tpu.memref_slice %arg14[%sub3A_282] : memref<2x!tpu.dma_semaphore, #tpu.memory_space<semaphore_mem>> -> memref<1x!tpu.dma_semaphore, #tpu.memory_space<semaphore_mem>>
        %dma_wait3A_443 = tpu.memref_squeeze %dma_wait3A_442 : memref<1x!tpu.dma_semaphore, #tpu.memory_space<semaphore_mem>> -> memref<!tpu.dma_semaphore, #tpu.memory_space<semaphore_mem>>
        tpu.wait_indirect_dma semaphore(%dma_wait3A_443 : memref<!tpu.dma_semaphore, #tpu.memory_space<semaphore_mem>>) src(%dma_wait3A_435 : memref<80x128xf32, #tpu.memory_space<vmem>>) dst(%dma_wait3A_441 : memref<2568x128xf32, #tpu.memory_space<vmem_shared>>)
        %dma_wait3A_444 = arith.constant 0 : i32
        %dma_wait3A_445 = tpu.memref_slice %arg9[%sub3A_282, %dma_wait3A_444] : memref<2x80xi32, #tpu.memory_space<vmem>> -> memref<1x80xi32, #tpu.memory_space<vmem>>
        %dma_wait3A_446 = tpu.memref_squeeze %dma_wait3A_445 : memref<1x80xi32, #tpu.memory_space<vmem>> -> memref<80xi32, #tpu.memory_space<vmem>>
        %dma_wait3A_447 = arith.constant 0 : i32
        %dma_wait3A_448 = arith.constant 0 : i32
        %dma_wait3A_449 = tpu.memref_slice %arg17[%dma_wait3A_447, %dma_wait3A_448] : memref<2568x128xf32, #tpu.memory_space<vmem_shared>> -> memref<2568x128xf32, #tpu.memory_space<vmem_shared>>
        %dma_wait3A_450 = tpu.memref_slice %arg15[%sub3A_282] : memref<2x!tpu.dma_semaphore, #tpu.memory_space<semaphore_mem>> -> memref<1x!tpu.dma_semaphore, #tpu.memory_space<semaphore_mem>>
        %dma_wait3A_451 = tpu.memref_squeeze %dma_wait3A_450 : memref<1x!tpu.dma_semaphore, #tpu.memory_space<semaphore_mem>> -> memref<!tpu.dma_semaphore, #tpu.memory_space<semaphore_mem>>
        tpu.wait_indirect_dma semaphore(%dma_wait3A_451 : memref<!tpu.dma_semaphore, #tpu.memory_space<semaphore_mem>>) src(%arg11 : memref<80x128xf32, #tpu.memory_space<vmem>>) dst(%dma_wait3A_449 : memref<2568x128xf32, #tpu.memory_space<vmem_shared>>)
      } else {
      }
      %add3A_391 = arith.constant 1 : i32
      %add3A_392 = arith.addi %while3A_279, %add3A_391 : i32
      %lt3A_393 = arith.cmpi slt, %add3A_392, %squeeze3A_148 : i32
      %convert_element_type3A_394 = arith.extui %lt3A_393 : i1 to i32
      %cond3A_395 = arith.constant 0 : i32
      %cond3A_396 = arith.cmpi ne, %convert_element_type3A_394, %cond3A_395 : i32
      scf.if %cond3A_396 {
        %add3A_432 = arith.constant 1 : i32
        %add3A_433 = arith.addi %while3A_279, %add3A_432 : i32
        %mul3A_434 = arith.constant 80 : i32
        %mul3A_435 = arith.muli %add3A_433, %mul3A_434 : i32
        %add3A_436 = arith.addi %mul3A_0, %mul3A_435 : i32
        %mul3A_437 = arith.constant 128 : i32
        %mul3A_438 = arith.muli %arg0, %mul3A_437 : i32
        %dma_start3A_439 = arith.constant 0 : i32
        %dma_start3A_440 = arith.constant 0 : i32
        %dma_start3A_441 = tpu.memref_slice %arg10[%sub3A_282, %dma_start3A_439, %dma_start3A_440] : memref<2x80x128xf32, #tpu.memory_space<vmem>> -> memref<1x80x128xf32, #tpu.memory_space<vmem>>
        %dma_start3A_442 = tpu.memref_squeeze %dma_start3A_441 : memref<1x80x128xf32, #tpu.memory_space<vmem>> -> memref<80x128xf32, #tpu.memory_space<vmem>>
        %dma_start3A_443 = tpu.memref_slice %arg2[%add3A_436, %mul3A_438] : memref<160000x256xf32, #tpu.memory_space<hbm>> -> memref<80x128xf32, #tpu.memory_space<hbm>>
        %dma_start3A_444 = tpu.memref_slice %arg13[%sub3A_282] : memref<2x!tpu.dma_semaphore, #tpu.memory_space<semaphore_mem>> -> memref<1x!tpu.dma_semaphore, #tpu.memory_space<semaphore_mem>>
        %dma_start3A_445 = tpu.memref_squeeze %dma_start3A_444 : memref<1x!tpu.dma_semaphore, #tpu.memory_space<semaphore_mem>> -> memref<!tpu.dma_semaphore, #tpu.memory_space<semaphore_mem>>
        %dma_start3A_446 = arith.constant 0 : i32
        %dma_start3A_447 = arith.constant 0 : i32
        %dma_start3A_448 = tpu.memref_slice %arg10[%sub3A_282, %dma_start3A_446, %dma_start3A_447] : memref<2x80x128xf32, #tpu.memory_space<vmem>> -> memref<1x80x128xf32, #tpu.memory_space<vmem>>
        %dma_start3A_449 = tpu.memref_squeeze %dma_start3A_448 : memref<1x80x128xf32, #tpu.memory_space<vmem>> -> memref<80x128xf32, #tpu.memory_space<vmem>>
        %dma_start3A_450 = tpu.memref_slice %arg2[%add3A_436, %mul3A_438] : memref<160000x256xf32, #tpu.memory_space<hbm>> -> memref<80x128xf32, #tpu.memory_space<hbm>>
        tpu.enqueue_dma source(%dma_start3A_450 : memref<80x128xf32, #tpu.memory_space<hbm>>) target(%dma_start3A_449 : memref<80x128xf32, #tpu.memory_space<vmem>>) target_semaphore(%dma_start3A_445 : memref<!tpu.dma_semaphore, #tpu.memory_space<semaphore_mem>>)
      } else {
      }
      %mul3A_397 = arith.constant 80 : i32
      %mul3A_398 = arith.muli %while3A_279, %mul3A_397 : i32
      %add3A_399 = arith.addi %mul3A_0, %mul3A_398 : i32
      %mul3A_400 = arith.constant 128 : i32
      %mul3A_401 = arith.muli %arg0, %mul3A_400 : i32
      %dma_wait3A = arith.constant 0 : i32
      %dma_wait3A_402 = arith.constant 0 : i32
      %dma_wait3A_403 = tpu.memref_slice %arg10[%rem3A_280, %dma_wait3A, %dma_wait3A_402] : memref<2x80x128xf32, #tpu.memory_space<vmem>> -> memref<1x80x128xf32, #tpu.memory_space<vmem>>
      %dma_wait3A_404 = tpu.memref_squeeze %dma_wait3A_403 : memref<1x80x128xf32, #tpu.memory_space<vmem>> -> memref<80x128xf32, #tpu.memory_space<vmem>>
      %dma_wait3A_405 = tpu.memref_slice %arg2[%add3A_399, %mul3A_401] : memref<160000x256xf32, #tpu.memory_space<hbm>> -> memref<80x128xf32, #tpu.memory_space<hbm>>
      %dma_wait3A_406 = tpu.memref_slice %arg13[%rem3A_280] : memref<2x!tpu.dma_semaphore, #tpu.memory_space<semaphore_mem>> -> memref<1x!tpu.dma_semaphore, #tpu.memory_space<semaphore_mem>>
      %dma_wait3A_407 = tpu.memref_squeeze %dma_wait3A_406 : memref<1x!tpu.dma_semaphore, #tpu.memory_space<semaphore_mem>> -> memref<!tpu.dma_semaphore, #tpu.memory_space<semaphore_mem>>
      %dma_wait3A_408 = arith.constant 0 : i32
      %dma_wait3A_409 = arith.constant 0 : i32
      %dma_wait3A_410 = tpu.memref_slice %arg10[%rem3A_280, %dma_wait3A_408, %dma_wait3A_409] : memref<2x80x128xf32, #tpu.memory_space<vmem>> -> memref<1x80x128xf32, #tpu.memory_space<vmem>>
      %dma_wait3A_411 = tpu.memref_squeeze %dma_wait3A_410 : memref<1x80x128xf32, #tpu.memory_space<vmem>> -> memref<80x128xf32, #tpu.memory_space<vmem>>
      %dma_wait3A_412 = tpu.memref_slice %arg2[%add3A_399, %mul3A_401] : memref<160000x256xf32, #tpu.memory_space<hbm>> -> memref<80x128xf32, #tpu.memory_space<hbm>>
      tpu.wait_dma2 semaphore(%dma_wait3A_407 : memref<!tpu.dma_semaphore, #tpu.memory_space<semaphore_mem>>) src(%dma_wait3A_412 : memref<80x128xf32, #tpu.memory_space<hbm>>) dst(%dma_wait3A_411 : memref<80x128xf32, #tpu.memory_space<vmem>>)
      %dma_start3A = arith.constant 0 : i32
      %dma_start3A_413 = arith.constant 0 : i32
      %dma_start3A_414 = tpu.memref_slice %arg10[%rem3A_280, %dma_start3A, %dma_start3A_413] : memref<2x80x128xf32, #tpu.memory_space<vmem>> -> memref<1x80x128xf32, #tpu.memory_space<vmem>>
      %dma_start3A_415 = tpu.memref_squeeze %dma_start3A_414 : memref<1x80x128xf32, #tpu.memory_space<vmem>> -> memref<80x128xf32, #tpu.memory_space<vmem>>
      %dma_start3A_416 = arith.constant 0 : i32
      %dma_start3A_417 = tpu.memref_slice %arg9[%rem3A_280, %dma_start3A_416] : memref<2x80xi32, #tpu.memory_space<vmem>> -> memref<1x80xi32, #tpu.memory_space<vmem>>
      %dma_start3A_418 = tpu.memref_squeeze %dma_start3A_417 : memref<1x80xi32, #tpu.memory_space<vmem>> -> memref<80xi32, #tpu.memory_space<vmem>>
      %dma_start3A_419 = arith.constant 0 : i32
      %dma_start3A_420 = arith.constant 0 : i32
      %dma_start3A_421 = tpu.memref_slice %arg16[%dma_start3A_419, %dma_start3A_420] : memref<2568x128xf32, #tpu.memory_space<vmem_shared>> -> memref<2568x128xf32, #tpu.memory_space<vmem_shared>>
      %dma_start3A_422 = tpu.memref_slice %arg14[%rem3A_280] : memref<2x!tpu.dma_semaphore, #tpu.memory_space<semaphore_mem>> -> memref<1x!tpu.dma_semaphore, #tpu.memory_space<semaphore_mem>>
      %dma_start3A_423 = tpu.memref_squeeze %dma_start3A_422 : memref<1x!tpu.dma_semaphore, #tpu.memory_space<semaphore_mem>> -> memref<!tpu.dma_semaphore, #tpu.memory_space<semaphore_mem>>
      tpu.enqueue_indirect_dma source(%dma_start3A_415 : memref<80x128xf32, #tpu.memory_space<vmem>>) target(%dma_start3A_421 : memref<2568x128xf32, #tpu.memory_space<vmem_shared>>) offsets(%dma_start3A_418 : memref<80xi32, #tpu.memory_space<vmem>>) semaphore(%dma_start3A_423 : memref<!tpu.dma_semaphore, #tpu.memory_space<semaphore_mem>>) {add = true}
      %dma_start3A_424 = arith.constant 0 : i32
      %dma_start3A_425 = tpu.memref_slice %arg9[%rem3A_280, %dma_start3A_424] : memref<2x80xi32, #tpu.memory_space<vmem>> -> memref<1x80xi32, #tpu.memory_space<vmem>>
      %dma_start3A_426 = tpu.memref_squeeze %dma_start3A_425 : memref<1x80xi32, #tpu.memory_space<vmem>> -> memref<80xi32, #tpu.memory_space<vmem>>
      %dma_start3A_427 = arith.constant 0 : i32
      %dma_start3A_428 = arith.constant 0 : i32
      %dma_start3A_429 = tpu.memref_slice %arg17[%dma_start3A_427, %dma_start3A_428] : memref<2568x128xf32, #tpu.memory_space<vmem_shared>> -> memref<2568x128xf32, #tpu.memory_space<vmem_shared>>
      %dma_start3A_430 = tpu.memref_slice %arg15[%rem3A_280] : memref<2x!tpu.dma_semaphore, #tpu.memory_space<semaphore_mem>> -> memref<1x!tpu.dma_semaphore, #tpu.memory_space<semaphore_mem>>
      %dma_start3A_431 = tpu.memref_squeeze %dma_start3A_430 : memref<1x!tpu.dma_semaphore, #tpu.memory_space<semaphore_mem>> -> memref<!tpu.dma_semaphore, #tpu.memory_space<semaphore_mem>>
      tpu.enqueue_indirect_dma source(%arg11 : memref<80x128xf32, #tpu.memory_space<vmem>>) target(%dma_start3A_429 : memref<2568x128xf32, #tpu.memory_space<vmem_shared>>) offsets(%dma_start3A_426 : memref<80xi32, #tpu.memory_space<vmem>>) semaphore(%dma_start3A_431 : memref<!tpu.dma_semaphore, #tpu.memory_space<semaphore_mem>>) {add = true}
    }
    %while3A_161 = arith.constant 1 : i32
    scf.for %while3A_279 = %while3A_159 to %while3A_155 step %while3A_161  : i32 {
      %sub3A = arith.subi %while3A_279, %squeeze3A_146 : i32
      %rem3A = arith.constant 2 : i32
      %rem3A_280 = arith.remsi %sub3A, %rem3A : i32
      %sub3A_281 = arith.constant 1 : i32
      %sub3A_282 = arith.subi %sub3A_281, %rem3A_280 : i32
      %get3A_283 = arith.index_cast %while3A_279 : i32 to index
      %get3A_284 = arith.constant 0 : index
      %get3A_285 = tpu.vector_load %arg8[%get3A_283, %get3A_284] {strides = array<i32>} : memref<125x80xi32, #tpu.memory_space<vmem>>, vector<1x16xi32>,
      %get3A_286 = vector.shape_cast %get3A_285 : vector<1x16xi32> to vector<16xi32>
      %ge3A = arith.constant 5008 : i32
      %ge3A_287 = vector.broadcast %ge3A : i32 to vector<16xi32>
      %ge3A_288 = arith.cmpi sge, %get3A_286, %ge3A_287 : vector<16xi32>
      %lt3A_289 = arith.constant 7512 : i32
      %lt3A_290 = vector.broadcast %lt3A_289 : i32 to vector<16xi32>
      %lt3A_291 = arith.cmpi slt, %get3A_286, %lt3A_290 : vector<16xi32>
      %and3A = arith.andi %ge3A_288, %lt3A_291 : vector<16xi1>
      %sub3A_292 = arith.constant 5008 : i32
      %sub3A_293 = vector.broadcast %sub3A_292 : i32 to vector<16xi32>
      %sub3A_294 = arith.subi %get3A_286, %sub3A_293 : vector<16xi32>
      %jit3A = arith.constant 2560 : i32
      %broadcast_in_dim3A = vector.broadcast %jit3A : i32 to vector<16xi32>
      %select_n3A = arith.select %and3A, %sub3A_294, %broadcast_in_dim3A : vector<16xi1>, vector<16xi32>
      %swap3A = arith.index_cast %rem3A_280 : i32 to index
      %swap3A_295 = arith.constant 0 : index
      %swap3A_296 = tpu.vector_load %arg9[%swap3A, %swap3A_295] {strides = array<i32>} : memref<2x80xi32, #tpu.memory_space<vmem>>, vector<1x16xi32>,
      %swap3A_297 = vector.shape_cast %swap3A_296 : vector<1x16xi32> to vector<16xi32>
      %swap3A_298 = vector.shape_cast %select_n3A : vector<16xi32> to vector<1x16xi32>
      tpu.vector_store %arg9[%swap3A, %swap3A_295], %swap3A_298 {strides = array<i32>} : memref<2x80xi32, #tpu.memory_space<vmem>>, vector<1x16xi32>,
      %get3A_299 = arith.index_cast %while3A_279 : i32 to index
      %get3A_300 = arith.constant 16 : index
      %get3A_301 = tpu.vector_load %arg8[%get3A_299, %get3A_300] {strides = array<i32>} : memref<125x80xi32, #tpu.memory_space<vmem>>, vector<1x16xi32>,
      %get3A_302 = vector.shape_cast %get3A_301 : vector<1x16xi32> to vector<16xi32>
      %ge3A_303 = arith.constant 5008 : i32
      %ge3A_304 = vector.broadcast %ge3A_303 : i32 to vector<16xi32>
      %ge3A_305 = arith.cmpi sge, %get3A_302, %ge3A_304 : vector<16xi32>
      %lt3A_306 = arith.constant 7512 : i32
      %lt3A_307 = vector.broadcast %lt3A_306 : i32 to vector<16xi32>
      %lt3A_308 = arith.cmpi slt, %get3A_302, %lt3A_307 : vector<16xi32>
      %and3A_309 = arith.andi %ge3A_305, %lt3A_308 : vector<16xi1>
      %sub3A_310 = arith.constant 5008 : i32
      %sub3A_311 = vector.broadcast %sub3A_310 : i32 to vector<16xi32>
      %sub3A_312 = arith.subi %get3A_302, %sub3A_311 : vector<16xi32>
      %jit3A_313 = arith.constant 2560 : i32
      %broadcast_in_dim3A_314 = vector.broadcast %jit3A_313 : i32 to vector<16xi32>
      %select_n3A_315 = arith.select %and3A_309, %sub3A_312, %broadcast_in_dim3A_314 : vector<16xi1>, vector<16xi32>
      %swap3A_316 = arith.index_cast %rem3A_280 : i32 to index
      %swap3A_317 = arith.constant 16 : index
      %swap3A_318 = tpu.vector_load %arg9[%swap3A_316, %swap3A_317] {strides = array<i32>} : memref<2x80xi32, #tpu.memory_space<vmem>>, vector<1x16xi32>,
      %swap3A_319 = vector.shape_cast %swap3A_318 : vector<1x16xi32> to vector<16xi32>
      %swap3A_320 = vector.shape_cast %select_n3A_315 : vector<16xi32> to vector<1x16xi32>
      tpu.vector_store %arg9[%swap3A_316, %swap3A_317], %swap3A_320 {strides = array<i32>} : memref<2x80xi32, #tpu.memory_space<vmem>>, vector<1x16xi32>,
      %get3A_321 = arith.index_cast %while3A_279 : i32 to index
      %get3A_322 = arith.constant 32 : index
      %get3A_323 = tpu.vector_load %arg8[%get3A_321, %get3A_322] {strides = array<i32>} : memref<125x80xi32, #tpu.memory_space<vmem>>, vector<1x16xi32>,
      %get3A_324 = vector.shape_cast %get3A_323 : vector<1x16xi32> to vector<16xi32>
      %ge3A_325 = arith.constant 5008 : i32
      %ge3A_326 = vector.broadcast %ge3A_325 : i32 to vector<16xi32>
      %ge3A_327 = arith.cmpi sge, %get3A_324, %ge3A_326 : vector<16xi32>
      %lt3A_328 = arith.constant 7512 : i32
      %lt3A_329 = vector.broadcast %lt3A_328 : i32 to vector<16xi32>
      %lt3A_330 = arith.cmpi slt, %get3A_324, %lt3A_329 : vector<16xi32>
      %and3A_331 = arith.andi %ge3A_327, %lt3A_330 : vector<16xi1>
      %sub3A_332 = arith.constant 5008 : i32
      %sub3A_333 = vector.broadcast %sub3A_332 : i32 to vector<16xi32>
      %sub3A_334 = arith.subi %get3A_324, %sub3A_333 : vector<16xi32>
      %jit3A_335 = arith.constant 2560 : i32
      %broadcast_in_dim3A_336 = vector.broadcast %jit3A_335 : i32 to vector<16xi32>
      %select_n3A_337 = arith.select %and3A_331, %sub3A_334, %broadcast_in_dim3A_336 : vector<16xi1>, vector<16xi32>
      %swap3A_338 = arith.index_cast %rem3A_280 : i32 to index
      %swap3A_339 = arith.constant 32 : index
      %swap3A_340 = tpu.vector_load %arg9[%swap3A_338, %swap3A_339] {strides = array<i32>} : memref<2x80xi32, #tpu.memory_space<vmem>>, vector<1x16xi32>,
      %swap3A_341 = vector.shape_cast %swap3A_340 : vector<1x16xi32> to vector<16xi32>
      %swap3A_342 = vector.shape_cast %select_n3A_337 : vector<16xi32> to vector<1x16xi32>
      tpu.vector_store %arg9[%swap3A_338, %swap3A_339], %swap3A_342 {strides = array<i32>} : memref<2x80xi32, #tpu.memory_space<vmem>>, vector<1x16xi32>,
      %get3A_343 = arith.index_cast %while3A_279 : i32 to index
      %get3A_344 = arith.constant 48 : index
      %get3A_345 = tpu.vector_load %arg8[%get3A_343, %get3A_344] {strides = array<i32>} : memref<125x80xi32, #tpu.memory_space<vmem>>, vector<1x16xi32>,
      %get3A_346 = vector.shape_cast %get3A_345 : vector<1x16xi32> to vector<16xi32>
      %ge3A_347 = arith.constant 5008 : i32
      %ge3A_348 = vector.broadcast %ge3A_347 : i32 to vector<16xi32>
      %ge3A_349 = arith.cmpi sge, %get3A_346, %ge3A_348 : vector<16xi32>
      %lt3A_350 = arith.constant 7512 : i32
      %lt3A_351 = vector.broadcast %lt3A_350 : i32 to vector<16xi32>
      %lt3A_352 = arith.cmpi slt, %get3A_346, %lt3A_351 : vector<16xi32>
      %and3A_353 = arith.andi %ge3A_349, %lt3A_352 : vector<16xi1>
      %sub3A_354 = arith.constant 5008 : i32
      %sub3A_355 = vector.broadcast %sub3A_354 : i32 to vector<16xi32>
      %sub3A_356 = arith.subi %get3A_346, %sub3A_355 : vector<16xi32>
      %jit3A_357 = arith.constant 2560 : i32
      %broadcast_in_dim3A_358 = vector.broadcast %jit3A_357 : i32 to vector<16xi32>
      %select_n3A_359 = arith.select %and3A_353, %sub3A_356, %broadcast_in_dim3A_358 : vector<16xi1>, vector<16xi32>
      %swap3A_360 = arith.index_cast %rem3A_280 : i32 to index
      %swap3A_361 = arith.constant 48 : index
      %swap3A_362 = tpu.vector_load %arg9[%swap3A_360, %swap3A_361] {strides = array<i32>} : memref<2x80xi32, #tpu.memory_space<vmem>>, vector<1x16xi32>,
      %swap3A_363 = vector.shape_cast %swap3A_362 : vector<1x16xi32> to vector<16xi32>
      %swap3A_364 = vector.shape_cast %select_n3A_359 : vector<16xi32> to vector<1x16xi32>
      tpu.vector_store %arg9[%swap3A_360, %swap3A_361], %swap3A_364 {strides = array<i32>} : memref<2x80xi32, #tpu.memory_space<vmem>>, vector<1x16xi32>,
      %get3A_365 = arith.index_cast %while3A_279 : i32 to index
      %get3A_366 = arith.constant 64 : index
      %get3A_367 = tpu.vector_load %arg8[%get3A_365, %get3A_366] {strides = array<i32>} : memref<125x80xi32, #tpu.memory_space<vmem>>, vector<1x16xi32>,
      %get3A_368 = vector.shape_cast %get3A_367 : vector<1x16xi32> to vector<16xi32>
      %ge3A_369 = arith.constant 5008 : i32
      %ge3A_370 = vector.broadcast %ge3A_369 : i32 to vector<16xi32>
      %ge3A_371 = arith.cmpi sge, %get3A_368, %ge3A_370 : vector<16xi32>
      %lt3A_372 = arith.constant 7512 : i32
      %lt3A_373 = vector.broadcast %lt3A_372 : i32 to vector<16xi32>
      %lt3A_374 = arith.cmpi slt, %get3A_368, %lt3A_373 : vector<16xi32>
      %and3A_375 = arith.andi %ge3A_371, %lt3A_374 : vector<16xi1>
      %sub3A_376 = arith.constant 5008 : i32
      %sub3A_377 = vector.broadcast %sub3A_376 : i32 to vector<16xi32>
      %sub3A_378 = arith.subi %get3A_368, %sub3A_377 : vector<16xi32>
      %jit3A_379 = arith.constant 2560 : i32
      %broadcast_in_dim3A_380 = vector.broadcast %jit3A_379 : i32 to vector<16xi32>
      %select_n3A_381 = arith.select %and3A_375, %sub3A_378, %broadcast_in_dim3A_380 : vector<16xi1>, vector<16xi32>
      %swap3A_382 = arith.index_cast %rem3A_280 : i32 to index
      %swap3A_383 = arith.constant 64 : index
      %swap3A_384 = tpu.vector_load %arg9[%swap3A_382, %swap3A_383] {strides = array<i32>} : memref<2x80xi32, #tpu.memory_space<vmem>>, vector<1x16xi32>,
      %swap3A_385 = vector.shape_cast %swap3A_384 : vector<1x16xi32> to vector<16xi32>
      %swap3A_386 = vector.shape_cast %select_n3A_381 : vector<16xi32> to vector<1x16xi32>
      tpu.vector_store %arg9[%swap3A_382, %swap3A_383], %swap3A_386 {strides = array<i32>} : memref<2x80xi32, #tpu.memory_space<vmem>>, vector<1x16xi32>,
      %gt3A_387 = arith.cmpi sgt, %while3A_279, %squeeze3A_146 : i32
      %convert_element_type3A_388 = arith.extui %gt3A_387 : i1 to i32
      %cond3A_389 = arith.constant 0 : i32
      %cond3A_390 = arith.cmpi ne, %convert_element_type3A_388, %cond3A_389 : i32
      scf.if %cond3A_390 {
        %dma_wait3A_432 = arith.constant 0 : i32
        %dma_wait3A_433 = arith.constant 0 : i32
        %dma_wait3A_434 = tpu.memref_slice %arg10[%sub3A_282, %dma_wait3A_432, %dma_wait3A_433] : memref<2x80x128xf32, #tpu.memory_space<vmem>> -> memref<1x80x128xf32, #tpu.memory_space<vmem>>
        %dma_wait3A_435 = tpu.memref_squeeze %dma_wait3A_434 : memref<1x80x128xf32, #tpu.memory_space<vmem>> -> memref<80x128xf32, #tpu.memory_space<vmem>>
        %dma_wait3A_436 = arith.constant 0 : i32
        %dma_wait3A_437 = tpu.memref_slice %arg9[%sub3A_282, %dma_wait3A_436] : memref<2x80xi32, #tpu.memory_space<vmem>> -> memref<1x80xi32, #tpu.memory_space<vmem>>
        %dma_wait3A_438 = tpu.memref_squeeze %dma_wait3A_437 : memref<1x80xi32, #tpu.memory_space<vmem>> -> memref<80xi32, #tpu.memory_space<vmem>>
        %dma_wait3A_439 = arith.constant 0 : i32
        %dma_wait3A_440 = arith.constant 0 : i32
        %dma_wait3A_441 = tpu.memref_slice %arg16[%dma_wait3A_439, %dma_wait3A_440] : memref<2568x128xf32, #tpu.memory_space<vmem_shared>> -> memref<2568x128xf32, #tpu.memory_space<vmem_shared>>
        %dma_wait3A_442 = tpu.memref_slice %arg14[%sub3A_282] : memref<2x!tpu.dma_semaphore, #tpu.memory_space<semaphore_mem>> -> memref<1x!tpu.dma_semaphore, #tpu.memory_space<semaphore_mem>>
        %dma_wait3A_443 = tpu.memref_squeeze %dma_wait3A_442 : memref<1x!tpu.dma_semaphore, #tpu.memory_space<semaphore_mem>> -> memref<!tpu.dma_semaphore, #tpu.memory_space<semaphore_mem>>
        tpu.wait_indirect_dma semaphore(%dma_wait3A_443 : memref<!tpu.dma_semaphore, #tpu.memory_space<semaphore_mem>>) src(%dma_wait3A_435 : memref<80x128xf32, #tpu.memory_space<vmem>>) dst(%dma_wait3A_441 : memref<2568x128xf32, #tpu.memory_space<vmem_shared>>)
        %dma_wait3A_444 = arith.constant 0 : i32
        %dma_wait3A_445 = tpu.memref_slice %arg9[%sub3A_282, %dma_wait3A_444] : memref<2x80xi32, #tpu.memory_space<vmem>> -> memref<1x80xi32, #tpu.memory_space<vmem>>
        %dma_wait3A_446 = tpu.memref_squeeze %dma_wait3A_445 : memref<1x80xi32, #tpu.memory_space<vmem>> -> memref<80xi32, #tpu.memory_space<vmem>>
        %dma_wait3A_447 = arith.constant 0 : i32
        %dma_wait3A_448 = arith.constant 0 : i32
        %dma_wait3A_449 = tpu.memref_slice %arg17[%dma_wait3A_447, %dma_wait3A_448] : memref<2568x128xf32, #tpu.memory_space<vmem_shared>> -> memref<2568x128xf32, #tpu.memory_space<vmem_shared>>
        %dma_wait3A_450 = tpu.memref_slice %arg15[%sub3A_282] : memref<2x!tpu.dma_semaphore, #tpu.memory_space<semaphore_mem>> -> memref<1x!tpu.dma_semaphore, #tpu.memory_space<semaphore_mem>>
        %dma_wait3A_451 = tpu.memref_squeeze %dma_wait3A_450 : memref<1x!tpu.dma_semaphore, #tpu.memory_space<semaphore_mem>> -> memref<!tpu.dma_semaphore, #tpu.memory_space<semaphore_mem>>
        tpu.wait_indirect_dma semaphore(%dma_wait3A_451 : memref<!tpu.dma_semaphore, #tpu.memory_space<semaphore_mem>>) src(%arg11 : memref<80x128xf32, #tpu.memory_space<vmem>>) dst(%dma_wait3A_449 : memref<2568x128xf32, #tpu.memory_space<vmem_shared>>)
      } else {
      }
      %add3A_391 = arith.constant 1 : i32
      %add3A_392 = arith.addi %while3A_279, %add3A_391 : i32
      %lt3A_393 = arith.cmpi slt, %add3A_392, %squeeze3A_148 : i32
      %convert_element_type3A_394 = arith.extui %lt3A_393 : i1 to i32
      %cond3A_395 = arith.constant 0 : i32
      %cond3A_396 = arith.cmpi ne, %convert_element_type3A_394, %cond3A_395 : i32
      scf.if %cond3A_396 {
        %add3A_432 = arith.constant 1 : i32
        %add3A_433 = arith.addi %while3A_279, %add3A_432 : i32
        %mul3A_434 = arith.constant 80 : i32
        %mul3A_435 = arith.muli %add3A_433, %mul3A_434 : i32
        %add3A_436 = arith.addi %mul3A_0, %mul3A_435 : i32
        %mul3A_437 = arith.constant 128 : i32
        %mul3A_438 = arith.muli %arg0, %mul3A_437 : i32
        %dma_start3A_439 = arith.constant 0 : i32
        %dma_start3A_440 = arith.constant 0 : i32
        %dma_start3A_441 = tpu.memref_slice %arg10[%sub3A_282, %dma_start3A_439, %dma_start3A_440] : memref<2x80x128xf32, #tpu.memory_space<vmem>> -> memref<1x80x128xf32, #tpu.memory_space<vmem>>
        %dma_start3A_442 = tpu.memref_squeeze %dma_start3A_441 : memref<1x80x128xf32, #tpu.memory_space<vmem>> -> memref<80x128xf32, #tpu.memory_space<vmem>>
        %dma_start3A_443 = tpu.memref_slice %arg2[%add3A_436, %mul3A_438] : memref<160000x256xf32, #tpu.memory_space<hbm>> -> memref<80x128xf32, #tpu.memory_space<hbm>>
        %dma_start3A_444 = tpu.memref_slice %arg13[%sub3A_282] : memref<2x!tpu.dma_semaphore, #tpu.memory_space<semaphore_mem>> -> memref<1x!tpu.dma_semaphore, #tpu.memory_space<semaphore_mem>>
        %dma_start3A_445 = tpu.memref_squeeze %dma_start3A_444 : memref<1x!tpu.dma_semaphore, #tpu.memory_space<semaphore_mem>> -> memref<!tpu.dma_semaphore, #tpu.memory_space<semaphore_mem>>
        %dma_start3A_446 = arith.constant 0 : i32
        %dma_start3A_447 = arith.constant 0 : i32
        %dma_start3A_448 = tpu.memref_slice %arg10[%sub3A_282, %dma_start3A_446, %dma_start3A_447] : memref<2x80x128xf32, #tpu.memory_space<vmem>> -> memref<1x80x128xf32, #tpu.memory_space<vmem>>
        %dma_start3A_449 = tpu.memref_squeeze %dma_start3A_448 : memref<1x80x128xf32, #tpu.memory_space<vmem>> -> memref<80x128xf32, #tpu.memory_space<vmem>>
        %dma_start3A_450 = tpu.memref_slice %arg2[%add3A_436, %mul3A_438] : memref<160000x256xf32, #tpu.memory_space<hbm>> -> memref<80x128xf32, #tpu.memory_space<hbm>>
        tpu.enqueue_dma source(%dma_start3A_450 : memref<80x128xf32, #tpu.memory_space<hbm>>) target(%dma_start3A_449 : memref<80x128xf32, #tpu.memory_space<vmem>>) target_semaphore(%dma_start3A_445 : memref<!tpu.dma_semaphore, #tpu.memory_space<semaphore_mem>>)
      } else {
      }
      %mul3A_397 = arith.constant 80 : i32
      %mul3A_398 = arith.muli %while3A_279, %mul3A_397 : i32
      %add3A_399 = arith.addi %mul3A_0, %mul3A_398 : i32
      %mul3A_400 = arith.constant 128 : i32
      %mul3A_401 = arith.muli %arg0, %mul3A_400 : i32
      %dma_wait3A = arith.constant 0 : i32
      %dma_wait3A_402 = arith.constant 0 : i32
      %dma_wait3A_403 = tpu.memref_slice %arg10[%rem3A_280, %dma_wait3A, %dma_wait3A_402] : memref<2x80x128xf32, #tpu.memory_space<vmem>> -> memref<1x80x128xf32, #tpu.memory_space<vmem>>
      %dma_wait3A_404 = tpu.memref_squeeze %dma_wait3A_403 : memref<1x80x128xf32, #tpu.memory_space<vmem>> -> memref<80x128xf32, #tpu.memory_space<vmem>>
      %dma_wait3A_405 = tpu.memref_slice %arg2[%add3A_399, %mul3A_401] : memref<160000x256xf32, #tpu.memory_space<hbm>> -> memref<80x128xf32, #tpu.memory_space<hbm>>
      %dma_wait3A_406 = tpu.memref_slice %arg13[%rem3A_280] : memref<2x!tpu.dma_semaphore, #tpu.memory_space<semaphore_mem>> -> memref<1x!tpu.dma_semaphore, #tpu.memory_space<semaphore_mem>>
      %dma_wait3A_407 = tpu.memref_squeeze %dma_wait3A_406 : memref<1x!tpu.dma_semaphore, #tpu.memory_space<semaphore_mem>> -> memref<!tpu.dma_semaphore, #tpu.memory_space<semaphore_mem>>
      %dma_wait3A_408 = arith.constant 0 : i32
      %dma_wait3A_409 = arith.constant 0 : i32
      %dma_wait3A_410 = tpu.memref_slice %arg10[%rem3A_280, %dma_wait3A_408, %dma_wait3A_409] : memref<2x80x128xf32, #tpu.memory_space<vmem>> -> memref<1x80x128xf32, #tpu.memory_space<vmem>>
      %dma_wait3A_411 = tpu.memref_squeeze %dma_wait3A_410 : memref<1x80x128xf32, #tpu.memory_space<vmem>> -> memref<80x128xf32, #tpu.memory_space<vmem>>
      %dma_wait3A_412 = tpu.memref_slice %arg2[%add3A_399, %mul3A_401] : memref<160000x256xf32, #tpu.memory_space<hbm>> -> memref<80x128xf32, #tpu.memory_space<hbm>>
      tpu.wait_dma2 semaphore(%dma_wait3A_407 : memref<!tpu.dma_semaphore, #tpu.memory_space<semaphore_mem>>) src(%dma_wait3A_412 : memref<80x128xf32, #tpu.memory_space<hbm>>) dst(%dma_wait3A_411 : memref<80x128xf32, #tpu.memory_space<vmem>>)
      %dma_start3A = arith.constant 0 : i32
      %dma_start3A_413 = arith.constant 0 : i32
      %dma_start3A_414 = tpu.memref_slice %arg10[%rem3A_280, %dma_start3A, %dma_start3A_413] : memref<2x80x128xf32, #tpu.memory_space<vmem>> -> memref<1x80x128xf32, #tpu.memory_space<vmem>>
      %dma_start3A_415 = tpu.memref_squeeze %dma_start3A_414 : memref<1x80x128xf32, #tpu.memory_space<vmem>> -> memref<80x128xf32, #tpu.memory_space<vmem>>
      %dma_start3A_416 = arith.constant 0 : i32
      %dma_start3A_417 = tpu.memref_slice %arg9[%rem3A_280, %dma_start3A_416] : memref<2x80xi32, #tpu.memory_space<vmem>> -> memref<1x80xi32, #tpu.memory_space<vmem>>
      %dma_start3A_418 = tpu.memref_squeeze %dma_start3A_417 : memref<1x80xi32, #tpu.memory_space<vmem>> -> memref<80xi32, #tpu.memory_space<vmem>>
      %dma_start3A_419 = arith.constant 0 : i32
      %dma_start3A_420 = arith.constant 0 : i32
      %dma_start3A_421 = tpu.memref_slice %arg16[%dma_start3A_419, %dma_start3A_420] : memref<2568x128xf32, #tpu.memory_space<vmem_shared>> -> memref<2568x128xf32, #tpu.memory_space<vmem_shared>>
      %dma_start3A_422 = tpu.memref_slice %arg14[%rem3A_280] : memref<2x!tpu.dma_semaphore, #tpu.memory_space<semaphore_mem>> -> memref<1x!tpu.dma_semaphore, #tpu.memory_space<semaphore_mem>>
      %dma_start3A_423 = tpu.memref_squeeze %dma_start3A_422 : memref<1x!tpu.dma_semaphore, #tpu.memory_space<semaphore_mem>> -> memref<!tpu.dma_semaphore, #tpu.memory_space<semaphore_mem>>
      tpu.enqueue_indirect_dma source(%dma_start3A_415 : memref<80x128xf32, #tpu.memory_space<vmem>>) target(%dma_start3A_421 : memref<2568x128xf32, #tpu.memory_space<vmem_shared>>) offsets(%dma_start3A_418 : memref<80xi32, #tpu.memory_space<vmem>>) semaphore(%dma_start3A_423 : memref<!tpu.dma_semaphore, #tpu.memory_space<semaphore_mem>>) {add = true}
      %dma_start3A_424 = arith.constant 0 : i32
      %dma_start3A_425 = tpu.memref_slice %arg9[%rem3A_280, %dma_start3A_424] : memref<2x80xi32, #tpu.memory_space<vmem>> -> memref<1x80xi32, #tpu.memory_space<vmem>>
      %dma_start3A_426 = tpu.memref_squeeze %dma_start3A_425 : memref<1x80xi32, #tpu.memory_space<vmem>> -> memref<80xi32, #tpu.memory_space<vmem>>
      %dma_start3A_427 = arith.constant 0 : i32
      %dma_start3A_428 = arith.constant 0 : i32
      %dma_start3A_429 = tpu.memref_slice %arg17[%dma_start3A_427, %dma_start3A_428] : memref<2568x128xf32, #tpu.memory_space<vmem_shared>> -> memref<2568x128xf32, #tpu.memory_space<vmem_shared>>
      %dma_start3A_430 = tpu.memref_slice %arg15[%rem3A_280] : memref<2x!tpu.dma_semaphore, #tpu.memory_space<semaphore_mem>> -> memref<1x!tpu.dma_semaphore, #tpu.memory_space<semaphore_mem>>
      %dma_start3A_431 = tpu.memref_squeeze %dma_start3A_430 : memref<1x!tpu.dma_semaphore, #tpu.memory_space<semaphore_mem>> -> memref<!tpu.dma_semaphore, #tpu.memory_space<semaphore_mem>>
      tpu.enqueue_indirect_dma source(%arg11 : memref<80x128xf32, #tpu.memory_space<vmem>>) target(%dma_start3A_429 : memref<2568x128xf32, #tpu.memory_space<vmem_shared>>) offsets(%dma_start3A_426 : memref<80xi32, #tpu.memory_space<vmem>>) semaphore(%dma_start3A_431 : memref<!tpu.dma_semaphore, #tpu.memory_space<semaphore_mem>>) {add = true}
    }
    %gt3A_162 = arith.cmpi sgt, %squeeze3A_148, %squeeze3A_146 : i32
    %convert_element_type3A_163 = arith.extui %gt3A_162 : i1 to i32
    %cond3A_164 = arith.constant 0 : i32
    %cond3A_165 = arith.cmpi ne, %convert_element_type3A_163, %cond3A_164 : i32
    scf.if %cond3A_165 {
      %sub3A = arith.constant 1 : i32
      %sub3A_279 = arith.subi %squeeze3A_148, %sub3A : i32
      %sub3A_280 = arith.subi %sub3A_279, %squeeze3A_146 : i32
      %rem3A = arith.constant 2 : i32
      %rem3A_281 = arith.remsi %sub3A_280, %rem3A : i32
      %dma_wait3A = arith.constant 0 : i32
      %dma_wait3A_282 = arith.constant 0 : i32
      %dma_wait3A_283 = tpu.memref_slice %arg10[%rem3A_281, %dma_wait3A, %dma_wait3A_282] : memref<2x80x128xf32, #tpu.memory_space<vmem>> -> memref<1x80x128xf32, #tpu.memory_space<vmem>>
      %dma_wait3A_284 = tpu.memref_squeeze %dma_wait3A_283 : memref<1x80x128xf32, #tpu.memory_space<vmem>> -> memref<80x128xf32, #tpu.memory_space<vmem>>
      %dma_wait3A_285 = arith.constant 0 : i32
      %dma_wait3A_286 = tpu.memref_slice %arg9[%rem3A_281, %dma_wait3A_285] : memref<2x80xi32, #tpu.memory_space<vmem>> -> memref<1x80xi32, #tpu.memory_space<vmem>>
      %dma_wait3A_287 = tpu.memref_squeeze %dma_wait3A_286 : memref<1x80xi32, #tpu.memory_space<vmem>> -> memref<80xi32, #tpu.memory_space<vmem>>
      %dma_wait3A_288 = arith.constant 0 : i32
      %dma_wait3A_289 = arith.constant 0 : i32
      %dma_wait3A_290 = tpu.memref_slice %arg16[%dma_wait3A_288, %dma_wait3A_289] : memref<2568x128xf32, #tpu.memory_space<vmem_shared>> -> memref<2568x128xf32, #tpu.memory_space<vmem_shared>>
      %dma_wait3A_291 = tpu.memref_slice %arg14[%rem3A_281] : memref<2x!tpu.dma_semaphore, #tpu.memory_space<semaphore_mem>> -> memref<1x!tpu.dma_semaphore, #tpu.memory_space<semaphore_mem>>
      %dma_wait3A_292 = tpu.memref_squeeze %dma_wait3A_291 : memref<1x!tpu.dma_semaphore, #tpu.memory_space<semaphore_mem>> -> memref<!tpu.dma_semaphore, #tpu.memory_space<semaphore_mem>>
      tpu.wait_indirect_dma semaphore(%dma_wait3A_292 : memref<!tpu.dma_semaphore, #tpu.memory_space<semaphore_mem>>) src(%dma_wait3A_284 : memref<80x128xf32, #tpu.memory_space<vmem>>) dst(%dma_wait3A_290 : memref<2568x128xf32, #tpu.memory_space<vmem_shared>>)
      %dma_wait3A_293 = arith.constant 0 : i32
      %dma_wait3A_294 = tpu.memref_slice %arg9[%rem3A_281, %dma_wait3A_293] : memref<2x80xi32, #tpu.memory_space<vmem>> -> memref<1x80xi32, #tpu.memory_space<vmem>>
      %dma_wait3A_295 = tpu.memref_squeeze %dma_wait3A_294 : memref<1x80xi32, #tpu.memory_space<vmem>> -> memref<80xi32, #tpu.memory_space<vmem>>
      %dma_wait3A_296 = arith.constant 0 : i32
      %dma_wait3A_297 = arith.constant 0 : i32
      %dma_wait3A_298 = tpu.memref_slice %arg17[%dma_wait3A_296, %dma_wait3A_297] : memref<2568x128xf32, #tpu.memory_space<vmem_shared>> -> memref<2568x128xf32, #tpu.memory_space<vmem_shared>>
      %dma_wait3A_299 = tpu.memref_slice %arg15[%rem3A_281] : memref<2x!tpu.dma_semaphore, #tpu.memory_space<semaphore_mem>> -> memref<1x!tpu.dma_semaphore, #tpu.memory_space<semaphore_mem>>
      %dma_wait3A_300 = tpu.memref_squeeze %dma_wait3A_299 : memref<1x!tpu.dma_semaphore, #tpu.memory_space<semaphore_mem>> -> memref<!tpu.dma_semaphore, #tpu.memory_space<semaphore_mem>>
      tpu.wait_indirect_dma semaphore(%dma_wait3A_300 : memref<!tpu.dma_semaphore, #tpu.memory_space<semaphore_mem>>) src(%arg11 : memref<80x128xf32, #tpu.memory_space<vmem>>) dst(%dma_wait3A_298 : memref<2568x128xf32, #tpu.memory_space<vmem_shared>>)
    } else {
    }
    %barrier3A_166 = arith.constant 0 : index
    tpu.barrier barrier_id(%barrier3A_166)
    %mul3A_167 = arith.constant 160 : i32
    %mul3A_168 = arith.muli %arg1, %mul3A_167 : i32
    %add3A_169 = arith.constant 0 : i32
    %add3A_170 = arith.addi %mul3A_168, %add3A_169 : i32
    %run_scoped3A_171 = arith.constant 0 : i32
    "tpu.region"() ({
      %run_scoped3A_279 = tpu.sem_alloc : memref<!tpu.dma_semaphore, #tpu.memory_space<semaphore_mem>>
      %dma_start3A = arith.constant 0 : i32
      %dma_start3A_280 = arith.constant 0 : i32
      %dma_start3A_281 = tpu.memref_slice %arg10[%run_scoped3A_171, %dma_start3A, %dma_start3A_280] : memref<2x80x128xf32, #tpu.memory_space<vmem>> -> memref<1x80x128xf32, #tpu.memory_space<vmem>>
      %dma_start3A_282 = tpu.memref_squeeze %dma_start3A_281 : memref<1x80x128xf32, #tpu.memory_space<vmem>> -> memref<80x128xf32, #tpu.memory_space<vmem>>
      %dma_start3A_283 = arith.constant 0 : i32
      %dma_start3A_284 = tpu.memref_slice %arg16[%add3A_170, %dma_start3A_283] : memref<2568x128xf32, #tpu.memory_space<vmem_shared>> -> memref<80x128xf32, #tpu.memory_space<vmem_shared>>
      %dma_start3A_285 = arith.constant 0 : i32
      %dma_start3A_286 = arith.constant 0 : i32
      %dma_start3A_287 = tpu.memref_slice %arg10[%run_scoped3A_171, %dma_start3A_285, %dma_start3A_286] : memref<2x80x128xf32, #tpu.memory_space<vmem>> -> memref<1x80x128xf32, #tpu.memory_space<vmem>>
      %dma_start3A_288 = tpu.memref_squeeze %dma_start3A_287 : memref<1x80x128xf32, #tpu.memory_space<vmem>> -> memref<80x128xf32, #tpu.memory_space<vmem>>
      %dma_start3A_289 = arith.constant 0 : i32
      %dma_start3A_290 = tpu.memref_slice %arg16[%add3A_170, %dma_start3A_289] : memref<2568x128xf32, #tpu.memory_space<vmem_shared>> -> memref<80x128xf32, #tpu.memory_space<vmem_shared>>
      tpu.enqueue_dma source(%dma_start3A_290 : memref<80x128xf32, #tpu.memory_space<vmem_shared>>) target(%dma_start3A_288 : memref<80x128xf32, #tpu.memory_space<vmem>>) target_semaphore(%run_scoped3A_279 : memref<!tpu.dma_semaphore, #tpu.memory_space<semaphore_mem>>)
      %dma_wait3A = arith.constant 0 : i32
      %dma_wait3A_291 = arith.constant 0 : i32
      %dma_wait3A_292 = tpu.memref_slice %arg10[%run_scoped3A_171, %dma_wait3A, %dma_wait3A_291] : memref<2x80x128xf32, #tpu.memory_space<vmem>> -> memref<1x80x128xf32, #tpu.memory_space<vmem>>
      %dma_wait3A_293 = tpu.memref_squeeze %dma_wait3A_292 : memref<1x80x128xf32, #tpu.memory_space<vmem>> -> memref<80x128xf32, #tpu.memory_space<vmem>>
      %dma_wait3A_294 = arith.constant 0 : i32
      %dma_wait3A_295 = tpu.memref_slice %arg16[%add3A_170, %dma_wait3A_294] : memref<2568x128xf32, #tpu.memory_space<vmem_shared>> -> memref<80x128xf32, #tpu.memory_space<vmem_shared>>
      %dma_wait3A_296 = arith.constant 0 : i32
      %dma_wait3A_297 = arith.constant 0 : i32
      %dma_wait3A_298 = tpu.memref_slice %arg10[%run_scoped3A_171, %dma_wait3A_296, %dma_wait3A_297] : memref<2x80x128xf32, #tpu.memory_space<vmem>> -> memref<1x80x128xf32, #tpu.memory_space<vmem>>
      %dma_wait3A_299 = tpu.memref_squeeze %dma_wait3A_298 : memref<1x80x128xf32, #tpu.memory_space<vmem>> -> memref<80x128xf32, #tpu.memory_space<vmem>>
      %dma_wait3A_300 = arith.constant 0 : i32
      %dma_wait3A_301 = tpu.memref_slice %arg16[%add3A_170, %dma_wait3A_300] : memref<2568x128xf32, #tpu.memory_space<vmem_shared>> -> memref<80x128xf32, #tpu.memory_space<vmem_shared>>
      tpu.wait_dma2 semaphore(%run_scoped3A_279 : memref<!tpu.dma_semaphore, #tpu.memory_space<semaphore_mem>>) src(%dma_wait3A_301 : memref<80x128xf32, #tpu.memory_space<vmem_shared>>) dst(%dma_wait3A_299 : memref<80x128xf32, #tpu.memory_space<vmem>>)
      tpu.yield
    }) : () -> ()
    %run_scoped3A_172 = arith.constant 1 : i32
    "tpu.region"() ({
      %run_scoped3A_279 = tpu.sem_alloc : memref<!tpu.dma_semaphore, #tpu.memory_space<semaphore_mem>>
      %dma_start3A = arith.constant 0 : i32
      %dma_start3A_280 = arith.constant 0 : i32
      %dma_start3A_281 = tpu.memref_slice %arg10[%run_scoped3A_172, %dma_start3A, %dma_start3A_280] : memref<2x80x128xf32, #tpu.memory_space<vmem>> -> memref<1x80x128xf32, #tpu.memory_space<vmem>>
      %dma_start3A_282 = tpu.memref_squeeze %dma_start3A_281 : memref<1x80x128xf32, #tpu.memory_space<vmem>> -> memref<80x128xf32, #tpu.memory_space<vmem>>
      %dma_start3A_283 = arith.constant 0 : i32
      %dma_start3A_284 = tpu.memref_slice %arg17[%add3A_170, %dma_start3A_283] : memref<2568x128xf32, #tpu.memory_space<vmem_shared>> -> memref<80x128xf32, #tpu.memory_space<vmem_shared>>
      %dma_start3A_285 = arith.constant 0 : i32
      %dma_start3A_286 = arith.constant 0 : i32
      %dma_start3A_287 = tpu.memref_slice %arg10[%run_scoped3A_172, %dma_start3A_285, %dma_start3A_286] : memref<2x80x128xf32, #tpu.memory_space<vmem>> -> memref<1x80x128xf32, #tpu.memory_space<vmem>>
      %dma_start3A_288 = tpu.memref_squeeze %dma_start3A_287 : memref<1x80x128xf32, #tpu.memory_space<vmem>> -> memref<80x128xf32, #tpu.memory_space<vmem>>
      %dma_start3A_289 = arith.constant 0 : i32
      %dma_start3A_290 = tpu.memref_slice %arg17[%add3A_170, %dma_start3A_289] : memref<2568x128xf32, #tpu.memory_space<vmem_shared>> -> memref<80x128xf32, #tpu.memory_space<vmem_shared>>
      tpu.enqueue_dma source(%dma_start3A_290 : memref<80x128xf32, #tpu.memory_space<vmem_shared>>) target(%dma_start3A_288 : memref<80x128xf32, #tpu.memory_space<vmem>>) target_semaphore(%run_scoped3A_279 : memref<!tpu.dma_semaphore, #tpu.memory_space<semaphore_mem>>)
      %dma_wait3A = arith.constant 0 : i32
      %dma_wait3A_291 = arith.constant 0 : i32
      %dma_wait3A_292 = tpu.memref_slice %arg10[%run_scoped3A_172, %dma_wait3A, %dma_wait3A_291] : memref<2x80x128xf32, #tpu.memory_space<vmem>> -> memref<1x80x128xf32, #tpu.memory_space<vmem>>
      %dma_wait3A_293 = tpu.memref_squeeze %dma_wait3A_292 : memref<1x80x128xf32, #tpu.memory_space<vmem>> -> memref<80x128xf32, #tpu.memory_space<vmem>>
      %dma_wait3A_294 = arith.constant 0 : i32
      %dma_wait3A_295 = tpu.memref_slice %arg17[%add3A_170, %dma_wait3A_294] : memref<2568x128xf32, #tpu.memory_space<vmem_shared>> -> memref<80x128xf32, #tpu.memory_space<vmem_shared>>
      %dma_wait3A_296 = arith.constant 0 : i32
      %dma_wait3A_297 = arith.constant 0 : i32
      %dma_wait3A_298 = tpu.memref_slice %arg10[%run_scoped3A_172, %dma_wait3A_296, %dma_wait3A_297] : memref<2x80x128xf32, #tpu.memory_space<vmem>> -> memref<1x80x128xf32, #tpu.memory_space<vmem>>
      %dma_wait3A_299 = tpu.memref_squeeze %dma_wait3A_298 : memref<1x80x128xf32, #tpu.memory_space<vmem>> -> memref<80x128xf32, #tpu.memory_space<vmem>>
      %dma_wait3A_300 = arith.constant 0 : i32
      %dma_wait3A_301 = tpu.memref_slice %arg17[%add3A_170, %dma_wait3A_300] : memref<2568x128xf32, #tpu.memory_space<vmem_shared>> -> memref<80x128xf32, #tpu.memory_space<vmem_shared>>
      tpu.wait_dma2 semaphore(%run_scoped3A_279 : memref<!tpu.dma_semaphore, #tpu.memory_space<semaphore_mem>>) src(%dma_wait3A_301 : memref<80x128xf32, #tpu.memory_space<vmem_shared>>) dst(%dma_wait3A_299 : memref<80x128xf32, #tpu.memory_space<vmem>>)
      tpu.yield
    }) : () -> ()
    %scan3A_173 = arith.constant 0 : i32
    %scan3A_174 = arith.constant 0 : i32
    %scan3A_175 = arith.constant 80 : i32
    %scan3A_176 = arith.addi %scan3A_174, %scan3A_175 : i32
    %scan3A_177 = arith.constant 1 : i32
    scf.for %scan3A_279 = %scan3A_174 to %scan3A_176 step %scan3A_177  : i32 {
      %get3A_280 = arith.constant 1 : i32
      %get3A_281 = arith.index_cast %get3A_280 : i32 to index
      %get3A_282 = arith.index_cast %scan3A_279 : i32 to index
      %get3A_283 = arith.constant 0 : index
      %get3A_284 = tpu.vector_load %arg10[%get3A_281, %get3A_282, %get3A_283] {strides = array<i32>} : memref<2x80x128xf32, #tpu.memory_space<vmem>>, vector<1x1x16xf32>,
      %get3A_285 = vector.shape_cast %get3A_284 : vector<1x1x16xf32> to vector<16xf32>
      %max3A = arith.constant 1.000000e+00 : f32
      %max3A_286 = vector.broadcast %max3A : f32 to vector<16xf32>
      %max3A_287 = arith.maximumf %get3A_285, %max3A_286 : vector<16xf32>
      %div3A = arith.constant 1.000000e+00 : f32
      %div3A_288 = vector.broadcast %div3A : f32 to vector<16xf32>
      %div3A_289 = arith.divf %div3A_288, %max3A_287 : vector<16xf32>
      %get3A_290 = arith.constant 0 : i32
      %get3A_291 = arith.index_cast %get3A_290 : i32 to index
      %get3A_292 = arith.index_cast %scan3A_279 : i32 to index
      %get3A_293 = arith.constant 0 : index
      %get3A_294 = tpu.vector_load %arg10[%get3A_291, %get3A_292, %get3A_293] {strides = array<i32>} : memref<2x80x128xf32, #tpu.memory_space<vmem>>, vector<1x1x16xf32>,
      %get3A_295 = vector.shape_cast %get3A_294 : vector<1x1x16xf32> to vector<16xf32>
      %mul3A_296 = arith.mulf %get3A_295, %div3A_289 : vector<16xf32>
      %swap3A = arith.constant 0 : i32
      %swap3A_297 = arith.index_cast %swap3A : i32 to index
      %swap3A_298 = arith.index_cast %scan3A_279 : i32 to index
      %swap3A_299 = arith.constant 0 : index
      %swap3A_300 = tpu.vector_load %arg10[%swap3A_297, %swap3A_298, %swap3A_299] {strides = array<i32>} : memref<2x80x128xf32, #tpu.memory_space<vmem>>, vector<1x1x16xf32>,
      %swap3A_301 = vector.shape_cast %swap3A_300 : vector<1x1x16xf32> to vector<16xf32>
      %swap3A_302 = vector.shape_cast %mul3A_296 : vector<16xf32> to vector<1x1x16xf32>
      tpu.vector_store %arg10[%swap3A_297, %swap3A_298, %swap3A_299], %swap3A_302 {strides = array<i32>} : memref<2x80x128xf32, #tpu.memory_space<vmem>>, vector<1x1x16xf32>,
      %get3A_303 = arith.constant 0 : i32
      %get3A_304 = arith.index_cast %get3A_303 : i32 to index
      %get3A_305 = arith.index_cast %scan3A_279 : i32 to index
      %get3A_306 = arith.constant 16 : index
      %get3A_307 = tpu.vector_load %arg10[%get3A_304, %get3A_305, %get3A_306] {strides = array<i32>} : memref<2x80x128xf32, #tpu.memory_space<vmem>>, vector<1x1x16xf32>,
      %get3A_308 = vector.shape_cast %get3A_307 : vector<1x1x16xf32> to vector<16xf32>
      %mul3A_309 = arith.mulf %get3A_308, %div3A_289 : vector<16xf32>
      %swap3A_310 = arith.constant 0 : i32
      %swap3A_311 = arith.index_cast %swap3A_310 : i32 to index
      %swap3A_312 = arith.index_cast %scan3A_279 : i32 to index
      %swap3A_313 = arith.constant 16 : index
      %swap3A_314 = tpu.vector_load %arg10[%swap3A_311, %swap3A_312, %swap3A_313] {strides = array<i32>} : memref<2x80x128xf32, #tpu.memory_space<vmem>>, vector<1x1x16xf32>,
      %swap3A_315 = vector.shape_cast %swap3A_314 : vector<1x1x16xf32> to vector<16xf32>
      %swap3A_316 = vector.shape_cast %mul3A_309 : vector<16xf32> to vector<1x1x16xf32>
      tpu.vector_store %arg10[%swap3A_311, %swap3A_312, %swap3A_313], %swap3A_316 {strides = array<i32>} : memref<2x80x128xf32, #tpu.memory_space<vmem>>, vector<1x1x16xf32>,
      %get3A_317 = arith.constant 0 : i32
      %get3A_318 = arith.index_cast %get3A_317 : i32 to index
      %get3A_319 = arith.index_cast %scan3A_279 : i32 to index
      %get3A_320 = arith.constant 32 : index
      %get3A_321 = tpu.vector_load %arg10[%get3A_318, %get3A_319, %get3A_320] {strides = array<i32>} : memref<2x80x128xf32, #tpu.memory_space<vmem>>, vector<1x1x16xf32>,
      %get3A_322 = vector.shape_cast %get3A_321 : vector<1x1x16xf32> to vector<16xf32>
      %mul3A_323 = arith.mulf %get3A_322, %div3A_289 : vector<16xf32>
      %swap3A_324 = arith.constant 0 : i32
      %swap3A_325 = arith.index_cast %swap3A_324 : i32 to index
      %swap3A_326 = arith.index_cast %scan3A_279 : i32 to index
      %swap3A_327 = arith.constant 32 : index
      %swap3A_328 = tpu.vector_load %arg10[%swap3A_325, %swap3A_326, %swap3A_327] {strides = array<i32>} : memref<2x80x128xf32, #tpu.memory_space<vmem>>, vector<1x1x16xf32>,
      %swap3A_329 = vector.shape_cast %swap3A_328 : vector<1x1x16xf32> to vector<16xf32>
      %swap3A_330 = vector.shape_cast %mul3A_323 : vector<16xf32> to vector<1x1x16xf32>
      tpu.vector_store %arg10[%swap3A_325, %swap3A_326, %swap3A_327], %swap3A_330 {strides = array<i32>} : memref<2x80x128xf32, #tpu.memory_space<vmem>>, vector<1x1x16xf32>,
      %get3A_331 = arith.constant 0 : i32
      %get3A_332 = arith.index_cast %get3A_331 : i32 to index
      %get3A_333 = arith.index_cast %scan3A_279 : i32 to index
      %get3A_334 = arith.constant 48 : index
      %get3A_335 = tpu.vector_load %arg10[%get3A_332, %get3A_333, %get3A_334] {strides = array<i32>} : memref<2x80x128xf32, #tpu.memory_space<vmem>>, vector<1x1x16xf32>,
      %get3A_336 = vector.shape_cast %get3A_335 : vector<1x1x16xf32> to vector<16xf32>
      %mul3A_337 = arith.mulf %get3A_336, %div3A_289 : vector<16xf32>
      %swap3A_338 = arith.constant 0 : i32
      %swap3A_339 = arith.index_cast %swap3A_338 : i32 to index
      %swap3A_340 = arith.index_cast %scan3A_279 : i32 to index
      %swap3A_341 = arith.constant 48 : index
      %swap3A_342 = tpu.vector_load %arg10[%swap3A_339, %swap3A_340, %swap3A_341] {strides = array<i32>} : memref<2x80x128xf32, #tpu.memory_space<vmem>>, vector<1x1x16xf32>,
      %swap3A_343 = vector.shape_cast %swap3A_342 : vector<1x1x16xf32> to vector<16xf32>
      %swap3A_344 = vector.shape_cast %mul3A_337 : vector<16xf32> to vector<1x1x16xf32>
      tpu.vector_store %arg10[%swap3A_339, %swap3A_340, %swap3A_341], %swap3A_344 {strides = array<i32>} : memref<2x80x128xf32, #tpu.memory_space<vmem>>, vector<1x1x16xf32>,
      %get3A_345 = arith.constant 0 : i32
      %get3A_346 = arith.index_cast %get3A_345 : i32 to index
      %get3A_347 = arith.index_cast %scan3A_279 : i32 to index
      %get3A_348 = arith.constant 64 : index
      %get3A_349 = tpu.vector_load %arg10[%get3A_346, %get3A_347, %get3A_348] {strides = array<i32>} : memref<2x80x128xf32, #tpu.memory_space<vmem>>, vector<1x1x16xf32>,
      %get3A_350 = vector.shape_cast %get3A_349 : vector<1x1x16xf32> to vector<16xf32>
      %mul3A_351 = arith.mulf %get3A_350, %div3A_289 : vector<16xf32>
      %swap3A_352 = arith.constant 0 : i32
      %swap3A_353 = arith.index_cast %swap3A_352 : i32 to index
      %swap3A_354 = arith.index_cast %scan3A_279 : i32 to index
      %swap3A_355 = arith.constant 64 : index
      %swap3A_356 = tpu.vector_load %arg10[%swap3A_353, %swap3A_354, %swap3A_355] {strides = array<i32>} : memref<2x80x128xf32, #tpu.memory_space<vmem>>, vector<1x1x16xf32>,
      %swap3A_357 = vector.shape_cast %swap3A_356 : vector<1x1x16xf32> to vector<16xf32>
      %swap3A_358 = vector.shape_cast %mul3A_351 : vector<16xf32> to vector<1x1x16xf32>
      tpu.vector_store %arg10[%swap3A_353, %swap3A_354, %swap3A_355], %swap3A_358 {strides = array<i32>} : memref<2x80x128xf32, #tpu.memory_space<vmem>>, vector<1x1x16xf32>,
      %get3A_359 = arith.constant 0 : i32
      %get3A_360 = arith.index_cast %get3A_359 : i32 to index
      %get3A_361 = arith.index_cast %scan3A_279 : i32 to index
      %get3A_362 = arith.constant 80 : index
      %get3A_363 = tpu.vector_load %arg10[%get3A_360, %get3A_361, %get3A_362] {strides = array<i32>} : memref<2x80x128xf32, #tpu.memory_space<vmem>>, vector<1x1x16xf32>,
      %get3A_364 = vector.shape_cast %get3A_363 : vector<1x1x16xf32> to vector<16xf32>
      %mul3A_365 = arith.mulf %get3A_364, %div3A_289 : vector<16xf32>
      %swap3A_366 = arith.constant 0 : i32
      %swap3A_367 = arith.index_cast %swap3A_366 : i32 to index
      %swap3A_368 = arith.index_cast %scan3A_279 : i32 to index
      %swap3A_369 = arith.constant 80 : index
      %swap3A_370 = tpu.vector_load %arg10[%swap3A_367, %swap3A_368, %swap3A_369] {strides = array<i32>} : memref<2x80x128xf32, #tpu.memory_space<vmem>>, vector<1x1x16xf32>,
      %swap3A_371 = vector.shape_cast %swap3A_370 : vector<1x1x16xf32> to vector<16xf32>
      %swap3A_372 = vector.shape_cast %mul3A_365 : vector<16xf32> to vector<1x1x16xf32>
      tpu.vector_store %arg10[%swap3A_367, %swap3A_368, %swap3A_369], %swap3A_372 {strides = array<i32>} : memref<2x80x128xf32, #tpu.memory_space<vmem>>, vector<1x1x16xf32>,
      %get3A_373 = arith.constant 0 : i32
      %get3A_374 = arith.index_cast %get3A_373 : i32 to index
      %get3A_375 = arith.index_cast %scan3A_279 : i32 to index
      %get3A_376 = arith.constant 96 : index
      %get3A_377 = tpu.vector_load %arg10[%get3A_374, %get3A_375, %get3A_376] {strides = array<i32>} : memref<2x80x128xf32, #tpu.memory_space<vmem>>, vector<1x1x16xf32>,
      %get3A_378 = vector.shape_cast %get3A_377 : vector<1x1x16xf32> to vector<16xf32>
      %mul3A_379 = arith.mulf %get3A_378, %div3A_289 : vector<16xf32>
      %swap3A_380 = arith.constant 0 : i32
      %swap3A_381 = arith.index_cast %swap3A_380 : i32 to index
      %swap3A_382 = arith.index_cast %scan3A_279 : i32 to index
      %swap3A_383 = arith.constant 96 : index
      %swap3A_384 = tpu.vector_load %arg10[%swap3A_381, %swap3A_382, %swap3A_383] {strides = array<i32>} : memref<2x80x128xf32, #tpu.memory_space<vmem>>, vector<1x1x16xf32>,
      %swap3A_385 = vector.shape_cast %swap3A_384 : vector<1x1x16xf32> to vector<16xf32>
      %swap3A_386 = vector.shape_cast %mul3A_379 : vector<16xf32> to vector<1x1x16xf32>
      tpu.vector_store %arg10[%swap3A_381, %swap3A_382, %swap3A_383], %swap3A_386 {strides = array<i32>} : memref<2x80x128xf32, #tpu.memory_space<vmem>>, vector<1x1x16xf32>,
      %get3A_387 = arith.constant 0 : i32
      %get3A_388 = arith.index_cast %get3A_387 : i32 to index
      %get3A_389 = arith.index_cast %scan3A_279 : i32 to index
      %get3A_390 = arith.constant 112 : index
      %get3A_391 = tpu.vector_load %arg10[%get3A_388, %get3A_389, %get3A_390] {strides = array<i32>} : memref<2x80x128xf32, #tpu.memory_space<vmem>>, vector<1x1x16xf32>,
      %get3A_392 = vector.shape_cast %get3A_391 : vector<1x1x16xf32> to vector<16xf32>
      %mul3A_393 = arith.mulf %get3A_392, %div3A_289 : vector<16xf32>
      %swap3A_394 = arith.constant 0 : i32
      %swap3A_395 = arith.index_cast %swap3A_394 : i32 to index
      %swap3A_396 = arith.index_cast %scan3A_279 : i32 to index
      %swap3A_397 = arith.constant 112 : index
      %swap3A_398 = tpu.vector_load %arg10[%swap3A_395, %swap3A_396, %swap3A_397] {strides = array<i32>} : memref<2x80x128xf32, #tpu.memory_space<vmem>>, vector<1x1x16xf32>,
      %swap3A_399 = vector.shape_cast %swap3A_398 : vector<1x1x16xf32> to vector<16xf32>
      %swap3A_400 = vector.shape_cast %mul3A_393 : vector<16xf32> to vector<1x1x16xf32>
      tpu.vector_store %arg10[%swap3A_395, %swap3A_396, %swap3A_397], %swap3A_400 {strides = array<i32>} : memref<2x80x128xf32, #tpu.memory_space<vmem>>, vector<1x1x16xf32>,
    }
    %scan3A_178 = arith.constant 80 : i32
    %add3A_179 = arith.constant 5008 : i32
    %add3A_180 = arith.addi %add3A_179, %add3A_170 : i32
    %mul3A_181 = arith.constant 128 : i32
    %mul3A_182 = arith.muli %arg0, %mul3A_181 : i32
    %run_scoped3A_183 = arith.constant 0 : i32
    "tpu.region"() ({
      %run_scoped3A_279 = tpu.sem_alloc : memref<!tpu.dma_semaphore, #tpu.memory_space<semaphore_mem>>
      %dma_start3A = arith.constant 0 : i32
      %dma_start3A_280 = arith.constant 0 : i32
      %dma_start3A_281 = tpu.memref_slice %arg10[%run_scoped3A_183, %dma_start3A, %dma_start3A_280] : memref<2x80x128xf32, #tpu.memory_space<vmem>> -> memref<1x80x128xf32, #tpu.memory_space<vmem>>
      %dma_start3A_282 = tpu.memref_squeeze %dma_start3A_281 : memref<1x80x128xf32, #tpu.memory_space<vmem>> -> memref<80x128xf32, #tpu.memory_space<vmem>>
      %dma_start3A_283 = tpu.memref_slice %arg7[%add3A_180, %mul3A_182] : memref<10000x256xf32, #tpu.memory_space<hbm>> -> memref<80x128xf32, #tpu.memory_space<hbm>>
      %dma_start3A_284 = tpu.memref_slice %arg7[%add3A_180, %mul3A_182] : memref<10000x256xf32, #tpu.memory_space<hbm>> -> memref<80x128xf32, #tpu.memory_space<hbm>>
      %dma_start3A_285 = arith.constant 0 : i32
      %dma_start3A_286 = arith.constant 0 : i32
      %dma_start3A_287 = tpu.memref_slice %arg10[%run_scoped3A_183, %dma_start3A_285, %dma_start3A_286] : memref<2x80x128xf32, #tpu.memory_space<vmem>> -> memref<1x80x128xf32, #tpu.memory_space<vmem>>
      %dma_start3A_288 = tpu.memref_squeeze %dma_start3A_287 : memref<1x80x128xf32, #tpu.memory_space<vmem>> -> memref<80x128xf32, #tpu.memory_space<vmem>>
      tpu.enqueue_dma source(%dma_start3A_288 : memref<80x128xf32, #tpu.memory_space<vmem>>) target(%dma_start3A_284 : memref<80x128xf32, #tpu.memory_space<hbm>>) target_semaphore(%run_scoped3A_279 : memref<!tpu.dma_semaphore, #tpu.memory_space<semaphore_mem>>)
      %dma_wait3A = arith.constant 0 : i32
      %dma_wait3A_289 = arith.constant 0 : i32
      %dma_wait3A_290 = tpu.memref_slice %arg10[%run_scoped3A_183, %dma_wait3A, %dma_wait3A_289] : memref<2x80x128xf32, #tpu.memory_space<vmem>> -> memref<1x80x128xf32, #tpu.memory_space<vmem>>
      %dma_wait3A_291 = tpu.memref_squeeze %dma_wait3A_290 : memref<1x80x128xf32, #tpu.memory_space<vmem>> -> memref<80x128xf32, #tpu.memory_space<vmem>>
      %dma_wait3A_292 = tpu.memref_slice %arg7[%add3A_180, %mul3A_182] : memref<10000x256xf32, #tpu.memory_space<hbm>> -> memref<80x128xf32, #tpu.memory_space<hbm>>
      %dma_wait3A_293 = tpu.memref_slice %arg7[%add3A_180, %mul3A_182] : memref<10000x256xf32, #tpu.memory_space<hbm>> -> memref<80x128xf32, #tpu.memory_space<hbm>>
      %dma_wait3A_294 = arith.constant 0 : i32
      %dma_wait3A_295 = arith.constant 0 : i32
      %dma_wait3A_296 = tpu.memref_slice %arg10[%run_scoped3A_183, %dma_wait3A_294, %dma_wait3A_295] : memref<2x80x128xf32, #tpu.memory_space<vmem>> -> memref<1x80x128xf32, #tpu.memory_space<vmem>>
      %dma_wait3A_297 = tpu.memref_squeeze %dma_wait3A_296 : memref<1x80x128xf32, #tpu.memory_space<vmem>> -> memref<80x128xf32, #tpu.memory_space<vmem>>
      tpu.wait_dma2 semaphore(%run_scoped3A_279 : memref<!tpu.dma_semaphore, #tpu.memory_space<semaphore_mem>>) src(%dma_wait3A_297 : memref<80x128xf32, #tpu.memory_space<vmem>>) dst(%dma_wait3A_293 : memref<80x128xf32, #tpu.memory_space<hbm>>)
      tpu.yield
    }) : () -> ()
    %add3A_184 = arith.constant 80 : i32
    %add3A_185 = arith.addi %mul3A_168, %add3A_184 : i32
    %run_scoped3A_186 = arith.constant 0 : i32
    "tpu.region"() ({
      %run_scoped3A_279 = tpu.sem_alloc : memref<!tpu.dma_semaphore, #tpu.memory_space<semaphore_mem>>
      %dma_start3A = arith.constant 0 : i32
      %dma_start3A_280 = arith.constant 0 : i32
      %dma_start3A_281 = tpu.memref_slice %arg10[%run_scoped3A_186, %dma_start3A, %dma_start3A_280] : memref<2x80x128xf32, #tpu.memory_space<vmem>> -> memref<1x80x128xf32, #tpu.memory_space<vmem>>
      %dma_start3A_282 = tpu.memref_squeeze %dma_start3A_281 : memref<1x80x128xf32, #tpu.memory_space<vmem>> -> memref<80x128xf32, #tpu.memory_space<vmem>>
      %dma_start3A_283 = arith.constant 0 : i32
      %dma_start3A_284 = tpu.memref_slice %arg16[%add3A_185, %dma_start3A_283] : memref<2568x128xf32, #tpu.memory_space<vmem_shared>> -> memref<80x128xf32, #tpu.memory_space<vmem_shared>>
      %dma_start3A_285 = arith.constant 0 : i32
      %dma_start3A_286 = arith.constant 0 : i32
      %dma_start3A_287 = tpu.memref_slice %arg10[%run_scoped3A_186, %dma_start3A_285, %dma_start3A_286] : memref<2x80x128xf32, #tpu.memory_space<vmem>> -> memref<1x80x128xf32, #tpu.memory_space<vmem>>
      %dma_start3A_288 = tpu.memref_squeeze %dma_start3A_287 : memref<1x80x128xf32, #tpu.memory_space<vmem>> -> memref<80x128xf32, #tpu.memory_space<vmem>>
      %dma_start3A_289 = arith.constant 0 : i32
      %dma_start3A_290 = tpu.memref_slice %arg16[%add3A_185, %dma_start3A_289] : memref<2568x128xf32, #tpu.memory_space<vmem_shared>> -> memref<80x128xf32, #tpu.memory_space<vmem_shared>>
      tpu.enqueue_dma source(%dma_start3A_290 : memref<80x128xf32, #tpu.memory_space<vmem_shared>>) target(%dma_start3A_288 : memref<80x128xf32, #tpu.memory_space<vmem>>) target_semaphore(%run_scoped3A_279 : memref<!tpu.dma_semaphore, #tpu.memory_space<semaphore_mem>>)
      %dma_wait3A = arith.constant 0 : i32
      %dma_wait3A_291 = arith.constant 0 : i32
      %dma_wait3A_292 = tpu.memref_slice %arg10[%run_scoped3A_186, %dma_wait3A, %dma_wait3A_291] : memref<2x80x128xf32, #tpu.memory_space<vmem>> -> memref<1x80x128xf32, #tpu.memory_space<vmem>>
      %dma_wait3A_293 = tpu.memref_squeeze %dma_wait3A_292 : memref<1x80x128xf32, #tpu.memory_space<vmem>> -> memref<80x128xf32, #tpu.memory_space<vmem>>
      %dma_wait3A_294 = arith.constant 0 : i32
      %dma_wait3A_295 = tpu.memref_slice %arg16[%add3A_185, %dma_wait3A_294] : memref<2568x128xf32, #tpu.memory_space<vmem_shared>> -> memref<80x128xf32, #tpu.memory_space<vmem_shared>>
      %dma_wait3A_296 = arith.constant 0 : i32
      %dma_wait3A_297 = arith.constant 0 : i32
      %dma_wait3A_298 = tpu.memref_slice %arg10[%run_scoped3A_186, %dma_wait3A_296, %dma_wait3A_297] : memref<2x80x128xf32, #tpu.memory_space<vmem>> -> memref<1x80x128xf32, #tpu.memory_space<vmem>>
      %dma_wait3A_299 = tpu.memref_squeeze %dma_wait3A_298 : memref<1x80x128xf32, #tpu.memory_space<vmem>> -> memref<80x128xf32, #tpu.memory_space<vmem>>
      %dma_wait3A_300 = arith.constant 0 : i32
      %dma_wait3A_301 = tpu.memref_slice %arg16[%add3A_185, %dma_wait3A_300] : memref<2568x128xf32, #tpu.memory_space<vmem_shared>> -> memref<80x128xf32, #tpu.memory_space<vmem_shared>>
      tpu.wait_dma2 semaphore(%run_scoped3A_279 : memref<!tpu.dma_semaphore, #tpu.memory_space<semaphore_mem>>) src(%dma_wait3A_301 : memref<80x128xf32, #tpu.memory_space<vmem_shared>>) dst(%dma_wait3A_299 : memref<80x128xf32, #tpu.memory_space<vmem>>)
      tpu.yield
    }) : () -> ()
    %run_scoped3A_187 = arith.constant 1 : i32
    "tpu.region"() ({
      %run_scoped3A_279 = tpu.sem_alloc : memref<!tpu.dma_semaphore, #tpu.memory_space<semaphore_mem>>
      %dma_start3A = arith.constant 0 : i32
      %dma_start3A_280 = arith.constant 0 : i32
      %dma_start3A_281 = tpu.memref_slice %arg10[%run_scoped3A_187, %dma_start3A, %dma_start3A_280] : memref<2x80x128xf32, #tpu.memory_space<vmem>> -> memref<1x80x128xf32, #tpu.memory_space<vmem>>
      %dma_start3A_282 = tpu.memref_squeeze %dma_start3A_281 : memref<1x80x128xf32, #tpu.memory_space<vmem>> -> memref<80x128xf32, #tpu.memory_space<vmem>>
      %dma_start3A_283 = arith.constant 0 : i32
      %dma_start3A_284 = tpu.memref_slice %arg17[%add3A_185, %dma_start3A_283] : memref<2568x128xf32, #tpu.memory_space<vmem_shared>> -> memref<80x128xf32, #tpu.memory_space<vmem_shared>>
      %dma_start3A_285 = arith.constant 0 : i32
      %dma_start3A_286 = arith.constant 0 : i32
      %dma_start3A_287 = tpu.memref_slice %arg10[%run_scoped3A_187, %dma_start3A_285, %dma_start3A_286] : memref<2x80x128xf32, #tpu.memory_space<vmem>> -> memref<1x80x128xf32, #tpu.memory_space<vmem>>
      %dma_start3A_288 = tpu.memref_squeeze %dma_start3A_287 : memref<1x80x128xf32, #tpu.memory_space<vmem>> -> memref<80x128xf32, #tpu.memory_space<vmem>>
      %dma_start3A_289 = arith.constant 0 : i32
      %dma_start3A_290 = tpu.memref_slice %arg17[%add3A_185, %dma_start3A_289] : memref<2568x128xf32, #tpu.memory_space<vmem_shared>> -> memref<80x128xf32, #tpu.memory_space<vmem_shared>>
      tpu.enqueue_dma source(%dma_start3A_290 : memref<80x128xf32, #tpu.memory_space<vmem_shared>>) target(%dma_start3A_288 : memref<80x128xf32, #tpu.memory_space<vmem>>) target_semaphore(%run_scoped3A_279 : memref<!tpu.dma_semaphore, #tpu.memory_space<semaphore_mem>>)
      %dma_wait3A = arith.constant 0 : i32
      %dma_wait3A_291 = arith.constant 0 : i32
      %dma_wait3A_292 = tpu.memref_slice %arg10[%run_scoped3A_187, %dma_wait3A, %dma_wait3A_291] : memref<2x80x128xf32, #tpu.memory_space<vmem>> -> memref<1x80x128xf32, #tpu.memory_space<vmem>>
      %dma_wait3A_293 = tpu.memref_squeeze %dma_wait3A_292 : memref<1x80x128xf32, #tpu.memory_space<vmem>> -> memref<80x128xf32, #tpu.memory_space<vmem>>
      %dma_wait3A_294 = arith.constant 0 : i32
      %dma_wait3A_295 = tpu.memref_slice %arg17[%add3A_185, %dma_wait3A_294] : memref<2568x128xf32, #tpu.memory_space<vmem_shared>> -> memref<80x128xf32, #tpu.memory_space<vmem_shared>>
      %dma_wait3A_296 = arith.constant 0 : i32
      %dma_wait3A_297 = arith.constant 0 : i32
      %dma_wait3A_298 = tpu.memref_slice %arg10[%run_scoped3A_187, %dma_wait3A_296, %dma_wait3A_297] : memref<2x80x128xf32, #tpu.memory_space<vmem>> -> memref<1x80x128xf32, #tpu.memory_space<vmem>>
      %dma_wait3A_299 = tpu.memref_squeeze %dma_wait3A_298 : memref<1x80x128xf32, #tpu.memory_space<vmem>> -> memref<80x128xf32, #tpu.memory_space<vmem>>
      %dma_wait3A_300 = arith.constant 0 : i32
      %dma_wait3A_301 = tpu.memref_slice %arg17[%add3A_185, %dma_wait3A_300] : memref<2568x128xf32, #tpu.memory_space<vmem_shared>> -> memref<80x128xf32, #tpu.memory_space<vmem_shared>>
      tpu.wait_dma2 semaphore(%run_scoped3A_279 : memref<!tpu.dma_semaphore, #tpu.memory_space<semaphore_mem>>) src(%dma_wait3A_301 : memref<80x128xf32, #tpu.memory_space<vmem_shared>>) dst(%dma_wait3A_299 : memref<80x128xf32, #tpu.memory_space<vmem>>)
      tpu.yield
    }) : () -> ()
    %scan3A_188 = arith.constant 0 : i32
    %scan3A_189 = arith.constant 0 : i32
    %scan3A_190 = arith.constant 80 : i32
    %scan3A_191 = arith.addi %scan3A_189, %scan3A_190 : i32
    %scan3A_192 = arith.constant 1 : i32
    scf.for %scan3A_279 = %scan3A_189 to %scan3A_191 step %scan3A_192  : i32 {
      %get3A_280 = arith.constant 1 : i32
      %get3A_281 = arith.index_cast %get3A_280 : i32 to index
      %get3A_282 = arith.index_cast %scan3A_279 : i32 to index
      %get3A_283 = arith.constant 0 : index
      %get3A_284 = tpu.vector_load %arg10[%get3A_281, %get3A_282, %get3A_283] {strides = array<i32>} : memref<2x80x128xf32, #tpu.memory_space<vmem>>, vector<1x1x16xf32>,
      %get3A_285 = vector.shape_cast %get3A_284 : vector<1x1x16xf32> to vector<16xf32>
      %max3A = arith.constant 1.000000e+00 : f32
      %max3A_286 = vector.broadcast %max3A : f32 to vector<16xf32>
      %max3A_287 = arith.maximumf %get3A_285, %max3A_286 : vector<16xf32>
      %div3A = arith.constant 1.000000e+00 : f32
      %div3A_288 = vector.broadcast %div3A : f32 to vector<16xf32>
      %div3A_289 = arith.divf %div3A_288, %max3A_287 : vector<16xf32>
      %get3A_290 = arith.constant 0 : i32
      %get3A_291 = arith.index_cast %get3A_290 : i32 to index
      %get3A_292 = arith.index_cast %scan3A_279 : i32 to index
      %get3A_293 = arith.constant 0 : index
      %get3A_294 = tpu.vector_load %arg10[%get3A_291, %get3A_292, %get3A_293] {strides = array<i32>} : memref<2x80x128xf32, #tpu.memory_space<vmem>>, vector<1x1x16xf32>,
      %get3A_295 = vector.shape_cast %get3A_294 : vector<1x1x16xf32> to vector<16xf32>
      %mul3A_296 = arith.mulf %get3A_295, %div3A_289 : vector<16xf32>
      %swap3A = arith.constant 0 : i32
      %swap3A_297 = arith.index_cast %swap3A : i32 to index
      %swap3A_298 = arith.index_cast %scan3A_279 : i32 to index
      %swap3A_299 = arith.constant 0 : index
      %swap3A_300 = tpu.vector_load %arg10[%swap3A_297, %swap3A_298, %swap3A_299] {strides = array<i32>} : memref<2x80x128xf32, #tpu.memory_space<vmem>>, vector<1x1x16xf32>,
      %swap3A_301 = vector.shape_cast %swap3A_300 : vector<1x1x16xf32> to vector<16xf32>
      %swap3A_302 = vector.shape_cast %mul3A_296 : vector<16xf32> to vector<1x1x16xf32>
      tpu.vector_store %arg10[%swap3A_297, %swap3A_298, %swap3A_299], %swap3A_302 {strides = array<i32>} : memref<2x80x128xf32, #tpu.memory_space<vmem>>, vector<1x1x16xf32>,
      %get3A_303 = arith.constant 0 : i32
      %get3A_304 = arith.index_cast %get3A_303 : i32 to index
      %get3A_305 = arith.index_cast %scan3A_279 : i32 to index
      %get3A_306 = arith.constant 16 : index
      %get3A_307 = tpu.vector_load %arg10[%get3A_304, %get3A_305, %get3A_306] {strides = array<i32>} : memref<2x80x128xf32, #tpu.memory_space<vmem>>, vector<1x1x16xf32>,
      %get3A_308 = vector.shape_cast %get3A_307 : vector<1x1x16xf32> to vector<16xf32>
      %mul3A_309 = arith.mulf %get3A_308, %div3A_289 : vector<16xf32>
      %swap3A_310 = arith.constant 0 : i32
      %swap3A_311 = arith.index_cast %swap3A_310 : i32 to index
      %swap3A_312 = arith.index_cast %scan3A_279 : i32 to index
      %swap3A_313 = arith.constant 16 : index
      %swap3A_314 = tpu.vector_load %arg10[%swap3A_311, %swap3A_312, %swap3A_313] {strides = array<i32>} : memref<2x80x128xf32, #tpu.memory_space<vmem>>, vector<1x1x16xf32>,
      %swap3A_315 = vector.shape_cast %swap3A_314 : vector<1x1x16xf32> to vector<16xf32>
      %swap3A_316 = vector.shape_cast %mul3A_309 : vector<16xf32> to vector<1x1x16xf32>
      tpu.vector_store %arg10[%swap3A_311, %swap3A_312, %swap3A_313], %swap3A_316 {strides = array<i32>} : memref<2x80x128xf32, #tpu.memory_space<vmem>>, vector<1x1x16xf32>,
      %get3A_317 = arith.constant 0 : i32
      %get3A_318 = arith.index_cast %get3A_317 : i32 to index
      %get3A_319 = arith.index_cast %scan3A_279 : i32 to index
      %get3A_320 = arith.constant 32 : index
      %get3A_321 = tpu.vector_load %arg10[%get3A_318, %get3A_319, %get3A_320] {strides = array<i32>} : memref<2x80x128xf32, #tpu.memory_space<vmem>>, vector<1x1x16xf32>,
      %get3A_322 = vector.shape_cast %get3A_321 : vector<1x1x16xf32> to vector<16xf32>
      %mul3A_323 = arith.mulf %get3A_322, %div3A_289 : vector<16xf32>
      %swap3A_324 = arith.constant 0 : i32
      %swap3A_325 = arith.index_cast %swap3A_324 : i32 to index
      %swap3A_326 = arith.index_cast %scan3A_279 : i32 to index
      %swap3A_327 = arith.constant 32 : index
      %swap3A_328 = tpu.vector_load %arg10[%swap3A_325, %swap3A_326, %swap3A_327] {strides = array<i32>} : memref<2x80x128xf32, #tpu.memory_space<vmem>>, vector<1x1x16xf32>,
      %swap3A_329 = vector.shape_cast %swap3A_328 : vector<1x1x16xf32> to vector<16xf32>
      %swap3A_330 = vector.shape_cast %mul3A_323 : vector<16xf32> to vector<1x1x16xf32>
      tpu.vector_store %arg10[%swap3A_325, %swap3A_326, %swap3A_327], %swap3A_330 {strides = array<i32>} : memref<2x80x128xf32, #tpu.memory_space<vmem>>, vector<1x1x16xf32>,
      %get3A_331 = arith.constant 0 : i32
      %get3A_332 = arith.index_cast %get3A_331 : i32 to index
      %get3A_333 = arith.index_cast %scan3A_279 : i32 to index
      %get3A_334 = arith.constant 48 : index
      %get3A_335 = tpu.vector_load %arg10[%get3A_332, %get3A_333, %get3A_334] {strides = array<i32>} : memref<2x80x128xf32, #tpu.memory_space<vmem>>, vector<1x1x16xf32>,
      %get3A_336 = vector.shape_cast %get3A_335 : vector<1x1x16xf32> to vector<16xf32>
      %mul3A_337 = arith.mulf %get3A_336, %div3A_289 : vector<16xf32>
      %swap3A_338 = arith.constant 0 : i32
      %swap3A_339 = arith.index_cast %swap3A_338 : i32 to index
      %swap3A_340 = arith.index_cast %scan3A_279 : i32 to index
      %swap3A_341 = arith.constant 48 : index
      %swap3A_342 = tpu.vector_load %arg10[%swap3A_339, %swap3A_340, %swap3A_341] {strides = array<i32>} : memref<2x80x128xf32, #tpu.memory_space<vmem>>, vector<1x1x16xf32>,
      %swap3A_343 = vector.shape_cast %swap3A_342 : vector<1x1x16xf32> to vector<16xf32>
      %swap3A_344 = vector.shape_cast %mul3A_337 : vector<16xf32> to vector<1x1x16xf32>
      tpu.vector_store %arg10[%swap3A_339, %swap3A_340, %swap3A_341], %swap3A_344 {strides = array<i32>} : memref<2x80x128xf32, #tpu.memory_space<vmem>>, vector<1x1x16xf32>,
      %get3A_345 = arith.constant 0 : i32
      %get3A_346 = arith.index_cast %get3A_345 : i32 to index
      %get3A_347 = arith.index_cast %scan3A_279 : i32 to index
      %get3A_348 = arith.constant 64 : index
      %get3A_349 = tpu.vector_load %arg10[%get3A_346, %get3A_347, %get3A_348] {strides = array<i32>} : memref<2x80x128xf32, #tpu.memory_space<vmem>>, vector<1x1x16xf32>,
      %get3A_350 = vector.shape_cast %get3A_349 : vector<1x1x16xf32> to vector<16xf32>
      %mul3A_351 = arith.mulf %get3A_350, %div3A_289 : vector<16xf32>
      %swap3A_352 = arith.constant 0 : i32
      %swap3A_353 = arith.index_cast %swap3A_352 : i32 to index
      %swap3A_354 = arith.index_cast %scan3A_279 : i32 to index
      %swap3A_355 = arith.constant 64 : index
      %swap3A_356 = tpu.vector_load %arg10[%swap3A_353, %swap3A_354, %swap3A_355] {strides = array<i32>} : memref<2x80x128xf32, #tpu.memory_space<vmem>>, vector<1x1x16xf32>,
      %swap3A_357 = vector.shape_cast %swap3A_356 : vector<1x1x16xf32> to vector<16xf32>
      %swap3A_358 = vector.shape_cast %mul3A_351 : vector<16xf32> to vector<1x1x16xf32>
      tpu.vector_store %arg10[%swap3A_353, %swap3A_354, %swap3A_355], %swap3A_358 {strides = array<i32>} : memref<2x80x128xf32, #tpu.memory_space<vmem>>, vector<1x1x16xf32>,
      %get3A_359 = arith.constant 0 : i32
      %get3A_360 = arith.index_cast %get3A_359 : i32 to index
      %get3A_361 = arith.index_cast %scan3A_279 : i32 to index
      %get3A_362 = arith.constant 80 : index
      %get3A_363 = tpu.vector_load %arg10[%get3A_360, %get3A_361, %get3A_362] {strides = array<i32>} : memref<2x80x128xf32, #tpu.memory_space<vmem>>, vector<1x1x16xf32>,
      %get3A_364 = vector.shape_cast %get3A_363 : vector<1x1x16xf32> to vector<16xf32>
      %mul3A_365 = arith.mulf %get3A_364, %div3A_289 : vector<16xf32>
      %swap3A_366 = arith.constant 0 : i32
      %swap3A_367 = arith.index_cast %swap3A_366 : i32 to index
      %swap3A_368 = arith.index_cast %scan3A_279 : i32 to index
      %swap3A_369 = arith.constant 80 : index
      %swap3A_370 = tpu.vector_load %arg10[%swap3A_367, %swap3A_368, %swap3A_369] {strides = array<i32>} : memref<2x80x128xf32, #tpu.memory_space<vmem>>, vector<1x1x16xf32>,
      %swap3A_371 = vector.shape_cast %swap3A_370 : vector<1x1x16xf32> to vector<16xf32>
      %swap3A_372 = vector.shape_cast %mul3A_365 : vector<16xf32> to vector<1x1x16xf32>
      tpu.vector_store %arg10[%swap3A_367, %swap3A_368, %swap3A_369], %swap3A_372 {strides = array<i32>} : memref<2x80x128xf32, #tpu.memory_space<vmem>>, vector<1x1x16xf32>,
      %get3A_373 = arith.constant 0 : i32
      %get3A_374 = arith.index_cast %get3A_373 : i32 to index
      %get3A_375 = arith.index_cast %scan3A_279 : i32 to index
      %get3A_376 = arith.constant 96 : index
      %get3A_377 = tpu.vector_load %arg10[%get3A_374, %get3A_375, %get3A_376] {strides = array<i32>} : memref<2x80x128xf32, #tpu.memory_space<vmem>>, vector<1x1x16xf32>,
      %get3A_378 = vector.shape_cast %get3A_377 : vector<1x1x16xf32> to vector<16xf32>
      %mul3A_379 = arith.mulf %get3A_378, %div3A_289 : vector<16xf32>
      %swap3A_380 = arith.constant 0 : i32
      %swap3A_381 = arith.index_cast %swap3A_380 : i32 to index
      %swap3A_382 = arith.index_cast %scan3A_279 : i32 to index
      %swap3A_383 = arith.constant 96 : index
      %swap3A_384 = tpu.vector_load %arg10[%swap3A_381, %swap3A_382, %swap3A_383] {strides = array<i32>} : memref<2x80x128xf32, #tpu.memory_space<vmem>>, vector<1x1x16xf32>,
      %swap3A_385 = vector.shape_cast %swap3A_384 : vector<1x1x16xf32> to vector<16xf32>
      %swap3A_386 = vector.shape_cast %mul3A_379 : vector<16xf32> to vector<1x1x16xf32>
      tpu.vector_store %arg10[%swap3A_381, %swap3A_382, %swap3A_383], %swap3A_386 {strides = array<i32>} : memref<2x80x128xf32, #tpu.memory_space<vmem>>, vector<1x1x16xf32>,
      %get3A_387 = arith.constant 0 : i32
      %get3A_388 = arith.index_cast %get3A_387 : i32 to index
      %get3A_389 = arith.index_cast %scan3A_279 : i32 to index
      %get3A_390 = arith.constant 112 : index
      %get3A_391 = tpu.vector_load %arg10[%get3A_388, %get3A_389, %get3A_390] {strides = array<i32>} : memref<2x80x128xf32, #tpu.memory_space<vmem>>, vector<1x1x16xf32>,
      %get3A_392 = vector.shape_cast %get3A_391 : vector<1x1x16xf32> to vector<16xf32>
      %mul3A_393 = arith.mulf %get3A_392, %div3A_289 : vector<16xf32>
      %swap3A_394 = arith.constant 0 : i32
      %swap3A_395 = arith.index_cast %swap3A_394 : i32 to index
      %swap3A_396 = arith.index_cast %scan3A_279 : i32 to index
      %swap3A_397 = arith.constant 112 : index
      %swap3A_398 = tpu.vector_load %arg10[%swap3A_395, %swap3A_396, %swap3A_397] {strides = array<i32>} : memref<2x80x128xf32, #tpu.memory_space<vmem>>, vector<1x1x16xf32>,
      %swap3A_399 = vector.shape_cast %swap3A_398 : vector<1x1x16xf32> to vector<16xf32>
      %swap3A_400 = vector.shape_cast %mul3A_393 : vector<16xf32> to vector<1x1x16xf32>
      tpu.vector_store %arg10[%swap3A_395, %swap3A_396, %swap3A_397], %swap3A_400 {strides = array<i32>} : memref<2x80x128xf32, #tpu.memory_space<vmem>>, vector<1x1x16xf32>,
    }
    %scan3A_193 = arith.constant 80 : i32
    %add3A_194 = arith.constant 5008 : i32
    %add3A_195 = arith.addi %add3A_194, %add3A_185 : i32
    %lt3A_196 = arith.constant 15 : i32
    %lt3A_197 = arith.cmpi slt, %arg1, %lt3A_196 : i32
    %convert_element_type3A_198 = arith.extui %lt3A_197 : i1 to i32
    %cond3A_199 = arith.constant 0 : i32
    %cond3A_200 = arith.cmpi ne, %convert_element_type3A_198, %cond3A_199 : i32
    scf.if %cond3A_200 {
      %mul3A_279 = arith.constant 128 : i32
      %mul3A_280 = arith.muli %arg0, %mul3A_279 : i32
      %run_scoped3A_281 = arith.constant 0 : i32
      "tpu.region"() ({
        %run_scoped3A_282 = tpu.sem_alloc : memref<!tpu.dma_semaphore, #tpu.memory_space<semaphore_mem>>
        %dma_start3A = arith.constant 0 : i32
        %dma_start3A_283 = arith.constant 0 : i32
        %dma_start3A_284 = tpu.memref_slice %arg10[%run_scoped3A_281, %dma_start3A, %dma_start3A_283] : memref<2x80x128xf32, #tpu.memory_space<vmem>> -> memref<1x80x128xf32, #tpu.memory_space<vmem>>
        %dma_start3A_285 = tpu.memref_squeeze %dma_start3A_284 : memref<1x80x128xf32, #tpu.memory_space<vmem>> -> memref<80x128xf32, #tpu.memory_space<vmem>>
        %dma_start3A_286 = tpu.memref_slice %arg7[%add3A_195, %mul3A_280] : memref<10000x256xf32, #tpu.memory_space<hbm>> -> memref<80x128xf32, #tpu.memory_space<hbm>>
        %dma_start3A_287 = tpu.memref_slice %arg7[%add3A_195, %mul3A_280] : memref<10000x256xf32, #tpu.memory_space<hbm>> -> memref<80x128xf32, #tpu.memory_space<hbm>>
        %dma_start3A_288 = arith.constant 0 : i32
        %dma_start3A_289 = arith.constant 0 : i32
        %dma_start3A_290 = tpu.memref_slice %arg10[%run_scoped3A_281, %dma_start3A_288, %dma_start3A_289] : memref<2x80x128xf32, #tpu.memory_space<vmem>> -> memref<1x80x128xf32, #tpu.memory_space<vmem>>
        %dma_start3A_291 = tpu.memref_squeeze %dma_start3A_290 : memref<1x80x128xf32, #tpu.memory_space<vmem>> -> memref<80x128xf32, #tpu.memory_space<vmem>>
        tpu.enqueue_dma source(%dma_start3A_291 : memref<80x128xf32, #tpu.memory_space<vmem>>) target(%dma_start3A_287 : memref<80x128xf32, #tpu.memory_space<hbm>>) target_semaphore(%run_scoped3A_282 : memref<!tpu.dma_semaphore, #tpu.memory_space<semaphore_mem>>)
        %dma_wait3A = arith.constant 0 : i32
        %dma_wait3A_292 = arith.constant 0 : i32
        %dma_wait3A_293 = tpu.memref_slice %arg10[%run_scoped3A_281, %dma_wait3A, %dma_wait3A_292] : memref<2x80x128xf32, #tpu.memory_space<vmem>> -> memref<1x80x128xf32, #tpu.memory_space<vmem>>
        %dma_wait3A_294 = tpu.memref_squeeze %dma_wait3A_293 : memref<1x80x128xf32, #tpu.memory_space<vmem>> -> memref<80x128xf32, #tpu.memory_space<vmem>>
        %dma_wait3A_295 = tpu.memref_slice %arg7[%add3A_195, %mul3A_280] : memref<10000x256xf32, #tpu.memory_space<hbm>> -> memref<80x128xf32, #tpu.memory_space<hbm>>
        %dma_wait3A_296 = tpu.memref_slice %arg7[%add3A_195, %mul3A_280] : memref<10000x256xf32, #tpu.memory_space<hbm>> -> memref<80x128xf32, #tpu.memory_space<hbm>>
        %dma_wait3A_297 = arith.constant 0 : i32
        %dma_wait3A_298 = arith.constant 0 : i32
        %dma_wait3A_299 = tpu.memref_slice %arg10[%run_scoped3A_281, %dma_wait3A_297, %dma_wait3A_298] : memref<2x80x128xf32, #tpu.memory_space<vmem>> -> memref<1x80x128xf32, #tpu.memory_space<vmem>>
        %dma_wait3A_300 = tpu.memref_squeeze %dma_wait3A_299 : memref<1x80x128xf32, #tpu.memory_space<vmem>> -> memref<80x128xf32, #tpu.memory_space<vmem>>
        tpu.wait_dma2 semaphore(%run_scoped3A_282 : memref<!tpu.dma_semaphore, #tpu.memory_space<semaphore_mem>>) src(%dma_wait3A_300 : memref<80x128xf32, #tpu.memory_space<vmem>>) dst(%dma_wait3A_296 : memref<80x128xf32, #tpu.memory_space<hbm>>)
        tpu.yield
      }) : () -> ()
    } else {
    }
    %eq3A_201 = arith.constant 15 : i32
    %eq3A_202 = arith.cmpi eq, %arg1, %eq3A_201 : i32
    %convert_element_type3A_203 = arith.extui %eq3A_202 : i1 to i32
    %cond3A_204 = arith.constant 0 : i32
    %cond3A_205 = arith.cmpi ne, %convert_element_type3A_203, %cond3A_204 : i32
    scf.if %cond3A_205 {
      %mul3A_279 = arith.constant 128 : i32
      %mul3A_280 = arith.muli %arg0, %mul3A_279 : i32
      %run_scoped3A_281 = arith.constant 0 : i32
      "tpu.region"() ({
        %run_scoped3A_282 = tpu.sem_alloc : memref<!tpu.dma_semaphore, #tpu.memory_space<semaphore_mem>>
        %dma_start3A = arith.constant 0 : i32
        %dma_start3A_283 = arith.constant 0 : i32
        %dma_start3A_284 = tpu.memref_slice %arg10[%run_scoped3A_281, %dma_start3A, %dma_start3A_283] : memref<2x80x128xf32, #tpu.memory_space<vmem>> -> memref<1x24x128xf32, #tpu.memory_space<vmem>>
        %dma_start3A_285 = tpu.memref_squeeze %dma_start3A_284 : memref<1x24x128xf32, #tpu.memory_space<vmem>> -> memref<24x128xf32, #tpu.memory_space<vmem>>
        %dma_start3A_286 = tpu.memref_slice %arg7[%add3A_195, %mul3A_280] : memref<10000x256xf32, #tpu.memory_space<hbm>> -> memref<24x128xf32, #tpu.memory_space<hbm>>
        %dma_start3A_287 = tpu.memref_slice %arg7[%add3A_195, %mul3A_280] : memref<10000x256xf32, #tpu.memory_space<hbm>> -> memref<24x128xf32, #tpu.memory_space<hbm>>
        %dma_start3A_288 = arith.constant 0 : i32
        %dma_start3A_289 = arith.constant 0 : i32
        %dma_start3A_290 = tpu.memref_slice %arg10[%run_scoped3A_281, %dma_start3A_288, %dma_start3A_289] : memref<2x80x128xf32, #tpu.memory_space<vmem>> -> memref<1x24x128xf32, #tpu.memory_space<vmem>>
        %dma_start3A_291 = tpu.memref_squeeze %dma_start3A_290 : memref<1x24x128xf32, #tpu.memory_space<vmem>> -> memref<24x128xf32, #tpu.memory_space<vmem>>
        tpu.enqueue_dma source(%dma_start3A_291 : memref<24x128xf32, #tpu.memory_space<vmem>>) target(%dma_start3A_287 : memref<24x128xf32, #tpu.memory_space<hbm>>) target_semaphore(%run_scoped3A_282 : memref<!tpu.dma_semaphore, #tpu.memory_space<semaphore_mem>>)
        %dma_wait3A = arith.constant 0 : i32
        %dma_wait3A_292 = arith.constant 0 : i32
        %dma_wait3A_293 = tpu.memref_slice %arg10[%run_scoped3A_281, %dma_wait3A, %dma_wait3A_292] : memref<2x80x128xf32, #tpu.memory_space<vmem>> -> memref<1x24x128xf32, #tpu.memory_space<vmem>>
        %dma_wait3A_294 = tpu.memref_squeeze %dma_wait3A_293 : memref<1x24x128xf32, #tpu.memory_space<vmem>> -> memref<24x128xf32, #tpu.memory_space<vmem>>
        %dma_wait3A_295 = tpu.memref_slice %arg7[%add3A_195, %mul3A_280] : memref<10000x256xf32, #tpu.memory_space<hbm>> -> memref<24x128xf32, #tpu.memory_space<hbm>>
        %dma_wait3A_296 = tpu.memref_slice %arg7[%add3A_195, %mul3A_280] : memref<10000x256xf32, #tpu.memory_space<hbm>> -> memref<24x128xf32, #tpu.memory_space<hbm>>
        %dma_wait3A_297 = arith.constant 0 : i32
        %dma_wait3A_298 = arith.constant 0 : i32
        %dma_wait3A_299 = tpu.memref_slice %arg10[%run_scoped3A_281, %dma_wait3A_297, %dma_wait3A_298] : memref<2x80x128xf32, #tpu.memory_space<vmem>> -> memref<1x24x128xf32, #tpu.memory_space<vmem>>
        %dma_wait3A_300 = tpu.memref_squeeze %dma_wait3A_299 : memref<1x24x128xf32, #tpu.memory_space<vmem>> -> memref<24x128xf32, #tpu.memory_space<vmem>>
        tpu.wait_dma2 semaphore(%run_scoped3A_282 : memref<!tpu.dma_semaphore, #tpu.memory_space<semaphore_mem>>) src(%dma_wait3A_300 : memref<24x128xf32, #tpu.memory_space<vmem>>) dst(%dma_wait3A_296 : memref<24x128xf32, #tpu.memory_space<hbm>>)
        tpu.yield
      }) : () -> ()
    } else {
    }
    %barrier3A_206 = arith.constant 0 : index
    tpu.barrier barrier_id(%barrier3A_206)
    %mul3A_207 = arith.constant 160 : i32
    %mul3A_208 = arith.muli %arg1, %mul3A_207 : i32
    "tpu.region"() ({
      %run_scoped3A_279 = tpu.sem_alloc : memref<!tpu.dma_semaphore, #tpu.memory_space<semaphore_mem>>
      %dma_start3A = arith.constant 0 : i32
      %dma_start3A_280 = tpu.memref_slice %arg16[%mul3A_208, %dma_start3A] : memref<2568x128xf32, #tpu.memory_space<vmem_shared>> -> memref<160x128xf32, #tpu.memory_space<vmem_shared>>
      %dma_start3A_281 = arith.constant 0 : i32
      %dma_start3A_282 = arith.constant 0 : i32
      %dma_start3A_283 = tpu.memref_slice %arg5[%dma_start3A_281, %dma_start3A_282] : memref<160x128xf32, #tpu.memory_space<hbm>> -> memref<160x128xf32, #tpu.memory_space<hbm>>
      tpu.enqueue_dma source(%dma_start3A_283 : memref<160x128xf32, #tpu.memory_space<hbm>>) target(%dma_start3A_280 : memref<160x128xf32, #tpu.memory_space<vmem_shared>>) target_semaphore(%run_scoped3A_279 : memref<!tpu.dma_semaphore, #tpu.memory_space<semaphore_mem>>)
      %dma_wait3A = arith.constant 0 : i32
      %dma_wait3A_284 = tpu.memref_slice %arg16[%mul3A_208, %dma_wait3A] : memref<2568x128xf32, #tpu.memory_space<vmem_shared>> -> memref<160x128xf32, #tpu.memory_space<vmem_shared>>
      %dma_wait3A_285 = arith.constant 0 : i32
      %dma_wait3A_286 = arith.constant 0 : i32
      %dma_wait3A_287 = tpu.memref_slice %arg5[%dma_wait3A_285, %dma_wait3A_286] : memref<160x128xf32, #tpu.memory_space<hbm>> -> memref<160x128xf32, #tpu.memory_space<hbm>>
      tpu.wait_dma2 semaphore(%run_scoped3A_279 : memref<!tpu.dma_semaphore, #tpu.memory_space<semaphore_mem>>) src(%dma_wait3A_287 : memref<160x128xf32, #tpu.memory_space<hbm>>) dst(%dma_wait3A_284 : memref<160x128xf32, #tpu.memory_space<vmem_shared>>)
      tpu.yield
    }) : () -> ()
    %mul3A_209 = arith.constant 160 : i32
    %mul3A_210 = arith.muli %arg1, %mul3A_209 : i32
    "tpu.region"() ({
      %run_scoped3A_279 = tpu.sem_alloc : memref<!tpu.dma_semaphore, #tpu.memory_space<semaphore_mem>>
      %dma_start3A = arith.constant 0 : i32
      %dma_start3A_280 = tpu.memref_slice %arg17[%mul3A_210, %dma_start3A] : memref<2568x128xf32, #tpu.memory_space<vmem_shared>> -> memref<160x128xf32, #tpu.memory_space<vmem_shared>>
      %dma_start3A_281 = arith.constant 0 : i32
      %dma_start3A_282 = arith.constant 0 : i32
      %dma_start3A_283 = tpu.memref_slice %arg5[%dma_start3A_281, %dma_start3A_282] : memref<160x128xf32, #tpu.memory_space<hbm>> -> memref<160x128xf32, #tpu.memory_space<hbm>>
      tpu.enqueue_dma source(%dma_start3A_283 : memref<160x128xf32, #tpu.memory_space<hbm>>) target(%dma_start3A_280 : memref<160x128xf32, #tpu.memory_space<vmem_shared>>) target_semaphore(%run_scoped3A_279 : memref<!tpu.dma_semaphore, #tpu.memory_space<semaphore_mem>>)
      %dma_wait3A = arith.constant 0 : i32
      %dma_wait3A_284 = tpu.memref_slice %arg17[%mul3A_210, %dma_wait3A] : memref<2568x128xf32, #tpu.memory_space<vmem_shared>> -> memref<160x128xf32, #tpu.memory_space<vmem_shared>>
      %dma_wait3A_285 = arith.constant 0 : i32
      %dma_wait3A_286 = arith.constant 0 : i32
      %dma_wait3A_287 = tpu.memref_slice %arg5[%dma_wait3A_285, %dma_wait3A_286] : memref<160x128xf32, #tpu.memory_space<hbm>> -> memref<160x128xf32, #tpu.memory_space<hbm>>
      tpu.wait_dma2 semaphore(%run_scoped3A_279 : memref<!tpu.dma_semaphore, #tpu.memory_space<semaphore_mem>>) src(%dma_wait3A_287 : memref<160x128xf32, #tpu.memory_space<hbm>>) dst(%dma_wait3A_284 : memref<160x128xf32, #tpu.memory_space<vmem_shared>>)
      tpu.yield
    }) : () -> ()
    %eq3A_211 = arith.constant 0 : i32
    %eq3A_212 = arith.cmpi eq, %arg1, %eq3A_211 : i32
    %convert_element_type3A_213 = arith.extui %eq3A_212 : i1 to i32
    %cond3A_214 = arith.constant 0 : i32
    %cond3A_215 = arith.cmpi ne, %convert_element_type3A_213, %cond3A_214 : i32
    scf.if %cond3A_215 {
      "tpu.region"() ({
        %run_scoped3A_279 = tpu.sem_alloc : memref<!tpu.dma_semaphore, #tpu.memory_space<semaphore_mem>>
        %dma_start3A = arith.constant 2560 : i32
        %dma_start3A_280 = arith.constant 0 : i32
        %dma_start3A_281 = tpu.memref_slice %arg16[%dma_start3A, %dma_start3A_280] : memref<2568x128xf32, #tpu.memory_space<vmem_shared>> -> memref<8x128xf32, #tpu.memory_space<vmem_shared>>
        %dma_start3A_282 = arith.constant 0 : i32
        %dma_start3A_283 = arith.constant 0 : i32
        %dma_start3A_284 = tpu.memref_slice %arg5[%dma_start3A_282, %dma_start3A_283] : memref<160x128xf32, #tpu.memory_space<hbm>> -> memref<8x128xf32, #tpu.memory_space<hbm>>
        tpu.enqueue_dma source(%dma_start3A_284 : memref<8x128xf32, #tpu.memory_space<hbm>>) target(%dma_start3A_281 : memref<8x128xf32, #tpu.memory_space<vmem_shared>>) target_semaphore(%run_scoped3A_279 : memref<!tpu.dma_semaphore, #tpu.memory_space<semaphore_mem>>)
        %dma_wait3A = arith.constant 2560 : i32
        %dma_wait3A_285 = arith.constant 0 : i32
        %dma_wait3A_286 = tpu.memref_slice %arg16[%dma_wait3A, %dma_wait3A_285] : memref<2568x128xf32, #tpu.memory_space<vmem_shared>> -> memref<8x128xf32, #tpu.memory_space<vmem_shared>>
        %dma_wait3A_287 = arith.constant 0 : i32
        %dma_wait3A_288 = arith.constant 0 : i32
        %dma_wait3A_289 = tpu.memref_slice %arg5[%dma_wait3A_287, %dma_wait3A_288] : memref<160x128xf32, #tpu.memory_space<hbm>> -> memref<8x128xf32, #tpu.memory_space<hbm>>
        tpu.wait_dma2 semaphore(%run_scoped3A_279 : memref<!tpu.dma_semaphore, #tpu.memory_space<semaphore_mem>>) src(%dma_wait3A_289 : memref<8x128xf32, #tpu.memory_space<hbm>>) dst(%dma_wait3A_286 : memref<8x128xf32, #tpu.memory_space<vmem_shared>>)
        tpu.yield
      }) : () -> ()
      "tpu.region"() ({
        %run_scoped3A_279 = tpu.sem_alloc : memref<!tpu.dma_semaphore, #tpu.memory_space<semaphore_mem>>
        %dma_start3A = arith.constant 2560 : i32
        %dma_start3A_280 = arith.constant 0 : i32
        %dma_start3A_281 = tpu.memref_slice %arg17[%dma_start3A, %dma_start3A_280] : memref<2568x128xf32, #tpu.memory_space<vmem_shared>> -> memref<8x128xf32, #tpu.memory_space<vmem_shared>>
        %dma_start3A_282 = arith.constant 0 : i32
        %dma_start3A_283 = arith.constant 0 : i32
        %dma_start3A_284 = tpu.memref_slice %arg5[%dma_start3A_282, %dma_start3A_283] : memref<160x128xf32, #tpu.memory_space<hbm>> -> memref<8x128xf32, #tpu.memory_space<hbm>>
        tpu.enqueue_dma source(%dma_start3A_284 : memref<8x128xf32, #tpu.memory_space<hbm>>) target(%dma_start3A_281 : memref<8x128xf32, #tpu.memory_space<vmem_shared>>) target_semaphore(%run_scoped3A_279 : memref<!tpu.dma_semaphore, #tpu.memory_space<semaphore_mem>>)
        %dma_wait3A = arith.constant 2560 : i32
        %dma_wait3A_285 = arith.constant 0 : i32
        %dma_wait3A_286 = tpu.memref_slice %arg17[%dma_wait3A, %dma_wait3A_285] : memref<2568x128xf32, #tpu.memory_space<vmem_shared>> -> memref<8x128xf32, #tpu.memory_space<vmem_shared>>
        %dma_wait3A_287 = arith.constant 0 : i32
        %dma_wait3A_288 = arith.constant 0 : i32
        %dma_wait3A_289 = tpu.memref_slice %arg5[%dma_wait3A_287, %dma_wait3A_288] : memref<160x128xf32, #tpu.memory_space<hbm>> -> memref<8x128xf32, #tpu.memory_space<hbm>>
        tpu.wait_dma2 semaphore(%run_scoped3A_279 : memref<!tpu.dma_semaphore, #tpu.memory_space<semaphore_mem>>) src(%dma_wait3A_289 : memref<8x128xf32, #tpu.memory_space<hbm>>) dst(%dma_wait3A_286 : memref<8x128xf32, #tpu.memory_space<vmem_shared>>)
        tpu.yield
      }) : () -> ()
    } else {
    }
    %barrier3A_216 = arith.constant 0 : index
    tpu.barrier barrier_id(%barrier3A_216)
    %slice3A_217 = vector.extract_strided_slice %get3A_2 {offsets = [6], sizes = [1], strides = [1]} : vector<16xi32> to vector<1xi32>
    %squeeze3A_218 = vector.extract %slice3A_217[0] : i32 from vector<1xi32>
    %slice3A_219 = vector.extract_strided_slice %get3A_2 {offsets = [7], sizes = [1], strides = [1]} : vector<16xi32> to vector<1xi32>
    %squeeze3A_220 = vector.extract %slice3A_219[0] : i32 from vector<1xi32>
    %gt3A_221 = arith.cmpi sgt, %squeeze3A_220, %squeeze3A_218 : i32
    %convert_element_type3A_222 = arith.extui %gt3A_221 : i1 to i32
    %cond3A_223 = arith.constant 0 : i32
    %cond3A_224 = arith.cmpi ne, %convert_element_type3A_222, %cond3A_223 : i32
    scf.if %cond3A_224 {
      %mul3A_279 = arith.constant 80 : i32
      %mul3A_280 = arith.muli %squeeze3A_218, %mul3A_279 : i32
      %add3A_281 = arith.addi %mul3A_0, %mul3A_280 : i32
      %mul3A_282 = arith.constant 128 : i32
      %mul3A_283 = arith.muli %arg0, %mul3A_282 : i32
      %dma_start3A = arith.constant 0 : i32
      %dma_start3A_284 = arith.constant 0 : i32
      %dma_start3A_285 = arith.constant 0 : i32
      %dma_start3A_286 = arith.constant 0 : i32
      %dma_start3A_287 = tpu.memref_slice %arg10[%dma_start3A, %dma_start3A_285, %dma_start3A_286] : memref<2x80x128xf32, #tpu.memory_space<vmem>> -> memref<1x80x128xf32, #tpu.memory_space<vmem>>
      %dma_start3A_288 = tpu.memref_squeeze %dma_start3A_287 : memref<1x80x128xf32, #tpu.memory_space<vmem>> -> memref<80x128xf32, #tpu.memory_space<vmem>>
      %dma_start3A_289 = tpu.memref_slice %arg2[%add3A_281, %mul3A_283] : memref<160000x256xf32, #tpu.memory_space<hbm>> -> memref<80x128xf32, #tpu.memory_space<hbm>>
      %dma_start3A_290 = tpu.memref_slice %arg13[%dma_start3A_284] : memref<2x!tpu.dma_semaphore, #tpu.memory_space<semaphore_mem>> -> memref<1x!tpu.dma_semaphore, #tpu.memory_space<semaphore_mem>>
      %dma_start3A_291 = tpu.memref_squeeze %dma_start3A_290 : memref<1x!tpu.dma_semaphore, #tpu.memory_space<semaphore_mem>> -> memref<!tpu.dma_semaphore, #tpu.memory_space<semaphore_mem>>
      %dma_start3A_292 = arith.constant 0 : i32
      %dma_start3A_293 = arith.constant 0 : i32
      %dma_start3A_294 = tpu.memref_slice %arg10[%dma_start3A, %dma_start3A_292, %dma_start3A_293] : memref<2x80x128xf32, #tpu.memory_space<vmem>> -> memref<1x80x128xf32, #tpu.memory_space<vmem>>
      %dma_start3A_295 = tpu.memref_squeeze %dma_start3A_294 : memref<1x80x128xf32, #tpu.memory_space<vmem>> -> memref<80x128xf32, #tpu.memory_space<vmem>>
      %dma_start3A_296 = tpu.memref_slice %arg2[%add3A_281, %mul3A_283] : memref<160000x256xf32, #tpu.memory_space<hbm>> -> memref<80x128xf32, #tpu.memory_space<hbm>>
      tpu.enqueue_dma source(%dma_start3A_296 : memref<80x128xf32, #tpu.memory_space<hbm>>) target(%dma_start3A_295 : memref<80x128xf32, #tpu.memory_space<vmem>>) target_semaphore(%dma_start3A_291 : memref<!tpu.dma_semaphore, #tpu.memory_space<semaphore_mem>>)
    } else {
    }
    %while3A_225 = arith.constant 0 : i32
    %while3A_226 = arith.subi %squeeze3A_220, %squeeze3A_218 : i32
    %while3A_227 = arith.addi %squeeze3A_218, %while3A_226 : i32
    %while3A_228 = arith.constant 1 : i32
    %while3A_229 = arith.divsi %while3A_226, %while3A_228 : i32
    %while3A_230 = arith.muli %while3A_229, %while3A_228 : i32
    %while3A_231 = arith.addi %squeeze3A_218, %while3A_230 : i32
    %while3A_232 = arith.constant 1 : i32
    scf.for %while3A_279 = %squeeze3A_218 to %while3A_231 step %while3A_232  : i32 {
      %sub3A = arith.subi %while3A_279, %squeeze3A_218 : i32
      %rem3A = arith.constant 2 : i32
      %rem3A_280 = arith.remsi %sub3A, %rem3A : i32
      %sub3A_281 = arith.constant 1 : i32
      %sub3A_282 = arith.subi %sub3A_281, %rem3A_280 : i32
      %get3A_283 = arith.index_cast %while3A_279 : i32 to index
      %get3A_284 = arith.constant 0 : index
      %get3A_285 = tpu.vector_load %arg8[%get3A_283, %get3A_284] {strides = array<i32>} : memref<125x80xi32, #tpu.memory_space<vmem>>, vector<1x16xi32>,
      %get3A_286 = vector.shape_cast %get3A_285 : vector<1x16xi32> to vector<16xi32>
      %ge3A = arith.constant 7512 : i32
      %ge3A_287 = vector.broadcast %ge3A : i32 to vector<16xi32>
      %ge3A_288 = arith.cmpi sge, %get3A_286, %ge3A_287 : vector<16xi32>
      %lt3A_289 = arith.constant 10000 : i32
      %lt3A_290 = vector.broadcast %lt3A_289 : i32 to vector<16xi32>
      %lt3A_291 = arith.cmpi slt, %get3A_286, %lt3A_290 : vector<16xi32>
      %and3A = arith.andi %ge3A_288, %lt3A_291 : vector<16xi1>
      %sub3A_292 = arith.constant 7512 : i32
      %sub3A_293 = vector.broadcast %sub3A_292 : i32 to vector<16xi32>
      %sub3A_294 = arith.subi %get3A_286, %sub3A_293 : vector<16xi32>
      %jit3A = arith.constant 2560 : i32
      %broadcast_in_dim3A = vector.broadcast %jit3A : i32 to vector<16xi32>
      %select_n3A = arith.select %and3A, %sub3A_294, %broadcast_in_dim3A : vector<16xi1>, vector<16xi32>
      %swap3A = arith.index_cast %rem3A_280 : i32 to index
      %swap3A_295 = arith.constant 0 : index
      %swap3A_296 = tpu.vector_load %arg9[%swap3A, %swap3A_295] {strides = array<i32>} : memref<2x80xi32, #tpu.memory_space<vmem>>, vector<1x16xi32>,
      %swap3A_297 = vector.shape_cast %swap3A_296 : vector<1x16xi32> to vector<16xi32>
      %swap3A_298 = vector.shape_cast %select_n3A : vector<16xi32> to vector<1x16xi32>
      tpu.vector_store %arg9[%swap3A, %swap3A_295], %swap3A_298 {strides = array<i32>} : memref<2x80xi32, #tpu.memory_space<vmem>>, vector<1x16xi32>,
      %get3A_299 = arith.index_cast %while3A_279 : i32 to index
      %get3A_300 = arith.constant 16 : index
      %get3A_301 = tpu.vector_load %arg8[%get3A_299, %get3A_300] {strides = array<i32>} : memref<125x80xi32, #tpu.memory_space<vmem>>, vector<1x16xi32>,
      %get3A_302 = vector.shape_cast %get3A_301 : vector<1x16xi32> to vector<16xi32>
      %ge3A_303 = arith.constant 7512 : i32
      %ge3A_304 = vector.broadcast %ge3A_303 : i32 to vector<16xi32>
      %ge3A_305 = arith.cmpi sge, %get3A_302, %ge3A_304 : vector<16xi32>
      %lt3A_306 = arith.constant 10000 : i32
      %lt3A_307 = vector.broadcast %lt3A_306 : i32 to vector<16xi32>
      %lt3A_308 = arith.cmpi slt, %get3A_302, %lt3A_307 : vector<16xi32>
      %and3A_309 = arith.andi %ge3A_305, %lt3A_308 : vector<16xi1>
      %sub3A_310 = arith.constant 7512 : i32
      %sub3A_311 = vector.broadcast %sub3A_310 : i32 to vector<16xi32>
      %sub3A_312 = arith.subi %get3A_302, %sub3A_311 : vector<16xi32>
      %jit3A_313 = arith.constant 2560 : i32
      %broadcast_in_dim3A_314 = vector.broadcast %jit3A_313 : i32 to vector<16xi32>
      %select_n3A_315 = arith.select %and3A_309, %sub3A_312, %broadcast_in_dim3A_314 : vector<16xi1>, vector<16xi32>
      %swap3A_316 = arith.index_cast %rem3A_280 : i32 to index
      %swap3A_317 = arith.constant 16 : index
      %swap3A_318 = tpu.vector_load %arg9[%swap3A_316, %swap3A_317] {strides = array<i32>} : memref<2x80xi32, #tpu.memory_space<vmem>>, vector<1x16xi32>,
      %swap3A_319 = vector.shape_cast %swap3A_318 : vector<1x16xi32> to vector<16xi32>
      %swap3A_320 = vector.shape_cast %select_n3A_315 : vector<16xi32> to vector<1x16xi32>
      tpu.vector_store %arg9[%swap3A_316, %swap3A_317], %swap3A_320 {strides = array<i32>} : memref<2x80xi32, #tpu.memory_space<vmem>>, vector<1x16xi32>,
      %get3A_321 = arith.index_cast %while3A_279 : i32 to index
      %get3A_322 = arith.constant 32 : index
      %get3A_323 = tpu.vector_load %arg8[%get3A_321, %get3A_322] {strides = array<i32>} : memref<125x80xi32, #tpu.memory_space<vmem>>, vector<1x16xi32>,
      %get3A_324 = vector.shape_cast %get3A_323 : vector<1x16xi32> to vector<16xi32>
      %ge3A_325 = arith.constant 7512 : i32
      %ge3A_326 = vector.broadcast %ge3A_325 : i32 to vector<16xi32>
      %ge3A_327 = arith.cmpi sge, %get3A_324, %ge3A_326 : vector<16xi32>
      %lt3A_328 = arith.constant 10000 : i32
      %lt3A_329 = vector.broadcast %lt3A_328 : i32 to vector<16xi32>
      %lt3A_330 = arith.cmpi slt, %get3A_324, %lt3A_329 : vector<16xi32>
      %and3A_331 = arith.andi %ge3A_327, %lt3A_330 : vector<16xi1>
      %sub3A_332 = arith.constant 7512 : i32
      %sub3A_333 = vector.broadcast %sub3A_332 : i32 to vector<16xi32>
      %sub3A_334 = arith.subi %get3A_324, %sub3A_333 : vector<16xi32>
      %jit3A_335 = arith.constant 2560 : i32
      %broadcast_in_dim3A_336 = vector.broadcast %jit3A_335 : i32 to vector<16xi32>
      %select_n3A_337 = arith.select %and3A_331, %sub3A_334, %broadcast_in_dim3A_336 : vector<16xi1>, vector<16xi32>
      %swap3A_338 = arith.index_cast %rem3A_280 : i32 to index
      %swap3A_339 = arith.constant 32 : index
      %swap3A_340 = tpu.vector_load %arg9[%swap3A_338, %swap3A_339] {strides = array<i32>} : memref<2x80xi32, #tpu.memory_space<vmem>>, vector<1x16xi32>,
      %swap3A_341 = vector.shape_cast %swap3A_340 : vector<1x16xi32> to vector<16xi32>
      %swap3A_342 = vector.shape_cast %select_n3A_337 : vector<16xi32> to vector<1x16xi32>
      tpu.vector_store %arg9[%swap3A_338, %swap3A_339], %swap3A_342 {strides = array<i32>} : memref<2x80xi32, #tpu.memory_space<vmem>>, vector<1x16xi32>,
      %get3A_343 = arith.index_cast %while3A_279 : i32 to index
      %get3A_344 = arith.constant 48 : index
      %get3A_345 = tpu.vector_load %arg8[%get3A_343, %get3A_344] {strides = array<i32>} : memref<125x80xi32, #tpu.memory_space<vmem>>, vector<1x16xi32>,
      %get3A_346 = vector.shape_cast %get3A_345 : vector<1x16xi32> to vector<16xi32>
      %ge3A_347 = arith.constant 7512 : i32
      %ge3A_348 = vector.broadcast %ge3A_347 : i32 to vector<16xi32>
      %ge3A_349 = arith.cmpi sge, %get3A_346, %ge3A_348 : vector<16xi32>
      %lt3A_350 = arith.constant 10000 : i32
      %lt3A_351 = vector.broadcast %lt3A_350 : i32 to vector<16xi32>
      %lt3A_352 = arith.cmpi slt, %get3A_346, %lt3A_351 : vector<16xi32>
      %and3A_353 = arith.andi %ge3A_349, %lt3A_352 : vector<16xi1>
      %sub3A_354 = arith.constant 7512 : i32
      %sub3A_355 = vector.broadcast %sub3A_354 : i32 to vector<16xi32>
      %sub3A_356 = arith.subi %get3A_346, %sub3A_355 : vector<16xi32>
      %jit3A_357 = arith.constant 2560 : i32
      %broadcast_in_dim3A_358 = vector.broadcast %jit3A_357 : i32 to vector<16xi32>
      %select_n3A_359 = arith.select %and3A_353, %sub3A_356, %broadcast_in_dim3A_358 : vector<16xi1>, vector<16xi32>
      %swap3A_360 = arith.index_cast %rem3A_280 : i32 to index
      %swap3A_361 = arith.constant 48 : index
      %swap3A_362 = tpu.vector_load %arg9[%swap3A_360, %swap3A_361] {strides = array<i32>} : memref<2x80xi32, #tpu.memory_space<vmem>>, vector<1x16xi32>,
      %swap3A_363 = vector.shape_cast %swap3A_362 : vector<1x16xi32> to vector<16xi32>
      %swap3A_364 = vector.shape_cast %select_n3A_359 : vector<16xi32> to vector<1x16xi32>
      tpu.vector_store %arg9[%swap3A_360, %swap3A_361], %swap3A_364 {strides = array<i32>} : memref<2x80xi32, #tpu.memory_space<vmem>>, vector<1x16xi32>,
      %get3A_365 = arith.index_cast %while3A_279 : i32 to index
      %get3A_366 = arith.constant 64 : index
      %get3A_367 = tpu.vector_load %arg8[%get3A_365, %get3A_366] {strides = array<i32>} : memref<125x80xi32, #tpu.memory_space<vmem>>, vector<1x16xi32>,
      %get3A_368 = vector.shape_cast %get3A_367 : vector<1x16xi32> to vector<16xi32>
      %ge3A_369 = arith.constant 7512 : i32
      %ge3A_370 = vector.broadcast %ge3A_369 : i32 to vector<16xi32>
      %ge3A_371 = arith.cmpi sge, %get3A_368, %ge3A_370 : vector<16xi32>
      %lt3A_372 = arith.constant 10000 : i32
      %lt3A_373 = vector.broadcast %lt3A_372 : i32 to vector<16xi32>
      %lt3A_374 = arith.cmpi slt, %get3A_368, %lt3A_373 : vector<16xi32>
      %and3A_375 = arith.andi %ge3A_371, %lt3A_374 : vector<16xi1>
      %sub3A_376 = arith.constant 7512 : i32
      %sub3A_377 = vector.broadcast %sub3A_376 : i32 to vector<16xi32>
      %sub3A_378 = arith.subi %get3A_368, %sub3A_377 : vector<16xi32>
      %jit3A_379 = arith.constant 2560 : i32
      %broadcast_in_dim3A_380 = vector.broadcast %jit3A_379 : i32 to vector<16xi32>
      %select_n3A_381 = arith.select %and3A_375, %sub3A_378, %broadcast_in_dim3A_380 : vector<16xi1>, vector<16xi32>
      %swap3A_382 = arith.index_cast %rem3A_280 : i32 to index
      %swap3A_383 = arith.constant 64 : index
      %swap3A_384 = tpu.vector_load %arg9[%swap3A_382, %swap3A_383] {strides = array<i32>} : memref<2x80xi32, #tpu.memory_space<vmem>>, vector<1x16xi32>,
      %swap3A_385 = vector.shape_cast %swap3A_384 : vector<1x16xi32> to vector<16xi32>
      %swap3A_386 = vector.shape_cast %select_n3A_381 : vector<16xi32> to vector<1x16xi32>
      tpu.vector_store %arg9[%swap3A_382, %swap3A_383], %swap3A_386 {strides = array<i32>} : memref<2x80xi32, #tpu.memory_space<vmem>>, vector<1x16xi32>,
      %gt3A_387 = arith.cmpi sgt, %while3A_279, %squeeze3A_218 : i32
      %convert_element_type3A_388 = arith.extui %gt3A_387 : i1 to i32
      %cond3A_389 = arith.constant 0 : i32
      %cond3A_390 = arith.cmpi ne, %convert_element_type3A_388, %cond3A_389 : i32
      scf.if %cond3A_390 {
        %dma_wait3A_432 = arith.constant 0 : i32
        %dma_wait3A_433 = arith.constant 0 : i32
        %dma_wait3A_434 = tpu.memref_slice %arg10[%sub3A_282, %dma_wait3A_432, %dma_wait3A_433] : memref<2x80x128xf32, #tpu.memory_space<vmem>> -> memref<1x80x128xf32, #tpu.memory_space<vmem>>
        %dma_wait3A_435 = tpu.memref_squeeze %dma_wait3A_434 : memref<1x80x128xf32, #tpu.memory_space<vmem>> -> memref<80x128xf32, #tpu.memory_space<vmem>>
        %dma_wait3A_436 = arith.constant 0 : i32
        %dma_wait3A_437 = tpu.memref_slice %arg9[%sub3A_282, %dma_wait3A_436] : memref<2x80xi32, #tpu.memory_space<vmem>> -> memref<1x80xi32, #tpu.memory_space<vmem>>
        %dma_wait3A_438 = tpu.memref_squeeze %dma_wait3A_437 : memref<1x80xi32, #tpu.memory_space<vmem>> -> memref<80xi32, #tpu.memory_space<vmem>>
        %dma_wait3A_439 = arith.constant 0 : i32
        %dma_wait3A_440 = arith.constant 0 : i32
        %dma_wait3A_441 = tpu.memref_slice %arg16[%dma_wait3A_439, %dma_wait3A_440] : memref<2568x128xf32, #tpu.memory_space<vmem_shared>> -> memref<2568x128xf32, #tpu.memory_space<vmem_shared>>
        %dma_wait3A_442 = tpu.memref_slice %arg14[%sub3A_282] : memref<2x!tpu.dma_semaphore, #tpu.memory_space<semaphore_mem>> -> memref<1x!tpu.dma_semaphore, #tpu.memory_space<semaphore_mem>>
        %dma_wait3A_443 = tpu.memref_squeeze %dma_wait3A_442 : memref<1x!tpu.dma_semaphore, #tpu.memory_space<semaphore_mem>> -> memref<!tpu.dma_semaphore, #tpu.memory_space<semaphore_mem>>
        tpu.wait_indirect_dma semaphore(%dma_wait3A_443 : memref<!tpu.dma_semaphore, #tpu.memory_space<semaphore_mem>>) src(%dma_wait3A_435 : memref<80x128xf32, #tpu.memory_space<vmem>>) dst(%dma_wait3A_441 : memref<2568x128xf32, #tpu.memory_space<vmem_shared>>)
        %dma_wait3A_444 = arith.constant 0 : i32
        %dma_wait3A_445 = tpu.memref_slice %arg9[%sub3A_282, %dma_wait3A_444] : memref<2x80xi32, #tpu.memory_space<vmem>> -> memref<1x80xi32, #tpu.memory_space<vmem>>
        %dma_wait3A_446 = tpu.memref_squeeze %dma_wait3A_445 : memref<1x80xi32, #tpu.memory_space<vmem>> -> memref<80xi32, #tpu.memory_space<vmem>>
        %dma_wait3A_447 = arith.constant 0 : i32
        %dma_wait3A_448 = arith.constant 0 : i32
        %dma_wait3A_449 = tpu.memref_slice %arg17[%dma_wait3A_447, %dma_wait3A_448] : memref<2568x128xf32, #tpu.memory_space<vmem_shared>> -> memref<2568x128xf32, #tpu.memory_space<vmem_shared>>
        %dma_wait3A_450 = tpu.memref_slice %arg15[%sub3A_282] : memref<2x!tpu.dma_semaphore, #tpu.memory_space<semaphore_mem>> -> memref<1x!tpu.dma_semaphore, #tpu.memory_space<semaphore_mem>>
        %dma_wait3A_451 = tpu.memref_squeeze %dma_wait3A_450 : memref<1x!tpu.dma_semaphore, #tpu.memory_space<semaphore_mem>> -> memref<!tpu.dma_semaphore, #tpu.memory_space<semaphore_mem>>
        tpu.wait_indirect_dma semaphore(%dma_wait3A_451 : memref<!tpu.dma_semaphore, #tpu.memory_space<semaphore_mem>>) src(%arg11 : memref<80x128xf32, #tpu.memory_space<vmem>>) dst(%dma_wait3A_449 : memref<2568x128xf32, #tpu.memory_space<vmem_shared>>)
      } else {
      }
      %add3A_391 = arith.constant 1 : i32
      %add3A_392 = arith.addi %while3A_279, %add3A_391 : i32
      %lt3A_393 = arith.cmpi slt, %add3A_392, %squeeze3A_220 : i32
      %convert_element_type3A_394 = arith.extui %lt3A_393 : i1 to i32
      %cond3A_395 = arith.constant 0 : i32
      %cond3A_396 = arith.cmpi ne, %convert_element_type3A_394, %cond3A_395 : i32
      scf.if %cond3A_396 {
        %add3A_432 = arith.constant 1 : i32
        %add3A_433 = arith.addi %while3A_279, %add3A_432 : i32
        %mul3A_434 = arith.constant 80 : i32
        %mul3A_435 = arith.muli %add3A_433, %mul3A_434 : i32
        %add3A_436 = arith.addi %mul3A_0, %mul3A_435 : i32
        %mul3A_437 = arith.constant 128 : i32
        %mul3A_438 = arith.muli %arg0, %mul3A_437 : i32
        %dma_start3A_439 = arith.constant 0 : i32
        %dma_start3A_440 = arith.constant 0 : i32
        %dma_start3A_441 = tpu.memref_slice %arg10[%sub3A_282, %dma_start3A_439, %dma_start3A_440] : memref<2x80x128xf32, #tpu.memory_space<vmem>> -> memref<1x80x128xf32, #tpu.memory_space<vmem>>
        %dma_start3A_442 = tpu.memref_squeeze %dma_start3A_441 : memref<1x80x128xf32, #tpu.memory_space<vmem>> -> memref<80x128xf32, #tpu.memory_space<vmem>>
        %dma_start3A_443 = tpu.memref_slice %arg2[%add3A_436, %mul3A_438] : memref<160000x256xf32, #tpu.memory_space<hbm>> -> memref<80x128xf32, #tpu.memory_space<hbm>>
        %dma_start3A_444 = tpu.memref_slice %arg13[%sub3A_282] : memref<2x!tpu.dma_semaphore, #tpu.memory_space<semaphore_mem>> -> memref<1x!tpu.dma_semaphore, #tpu.memory_space<semaphore_mem>>
        %dma_start3A_445 = tpu.memref_squeeze %dma_start3A_444 : memref<1x!tpu.dma_semaphore, #tpu.memory_space<semaphore_mem>> -> memref<!tpu.dma_semaphore, #tpu.memory_space<semaphore_mem>>
        %dma_start3A_446 = arith.constant 0 : i32
        %dma_start3A_447 = arith.constant 0 : i32
        %dma_start3A_448 = tpu.memref_slice %arg10[%sub3A_282, %dma_start3A_446, %dma_start3A_447] : memref<2x80x128xf32, #tpu.memory_space<vmem>> -> memref<1x80x128xf32, #tpu.memory_space<vmem>>
        %dma_start3A_449 = tpu.memref_squeeze %dma_start3A_448 : memref<1x80x128xf32, #tpu.memory_space<vmem>> -> memref<80x128xf32, #tpu.memory_space<vmem>>
        %dma_start3A_450 = tpu.memref_slice %arg2[%add3A_436, %mul3A_438] : memref<160000x256xf32, #tpu.memory_space<hbm>> -> memref<80x128xf32, #tpu.memory_space<hbm>>
        tpu.enqueue_dma source(%dma_start3A_450 : memref<80x128xf32, #tpu.memory_space<hbm>>) target(%dma_start3A_449 : memref<80x128xf32, #tpu.memory_space<vmem>>) target_semaphore(%dma_start3A_445 : memref<!tpu.dma_semaphore, #tpu.memory_space<semaphore_mem>>)
      } else {
      }
      %mul3A_397 = arith.constant 80 : i32
      %mul3A_398 = arith.muli %while3A_279, %mul3A_397 : i32
      %add3A_399 = arith.addi %mul3A_0, %mul3A_398 : i32
      %mul3A_400 = arith.constant 128 : i32
      %mul3A_401 = arith.muli %arg0, %mul3A_400 : i32
      %dma_wait3A = arith.constant 0 : i32
      %dma_wait3A_402 = arith.constant 0 : i32
      %dma_wait3A_403 = tpu.memref_slice %arg10[%rem3A_280, %dma_wait3A, %dma_wait3A_402] : memref<2x80x128xf32, #tpu.memory_space<vmem>> -> memref<1x80x128xf32, #tpu.memory_space<vmem>>
      %dma_wait3A_404 = tpu.memref_squeeze %dma_wait3A_403 : memref<1x80x128xf32, #tpu.memory_space<vmem>> -> memref<80x128xf32, #tpu.memory_space<vmem>>
      %dma_wait3A_405 = tpu.memref_slice %arg2[%add3A_399, %mul3A_401] : memref<160000x256xf32, #tpu.memory_space<hbm>> -> memref<80x128xf32, #tpu.memory_space<hbm>>
      %dma_wait3A_406 = tpu.memref_slice %arg13[%rem3A_280] : memref<2x!tpu.dma_semaphore, #tpu.memory_space<semaphore_mem>> -> memref<1x!tpu.dma_semaphore, #tpu.memory_space<semaphore_mem>>
      %dma_wait3A_407 = tpu.memref_squeeze %dma_wait3A_406 : memref<1x!tpu.dma_semaphore, #tpu.memory_space<semaphore_mem>> -> memref<!tpu.dma_semaphore, #tpu.memory_space<semaphore_mem>>
      %dma_wait3A_408 = arith.constant 0 : i32
      %dma_wait3A_409 = arith.constant 0 : i32
      %dma_wait3A_410 = tpu.memref_slice %arg10[%rem3A_280, %dma_wait3A_408, %dma_wait3A_409] : memref<2x80x128xf32, #tpu.memory_space<vmem>> -> memref<1x80x128xf32, #tpu.memory_space<vmem>>
      %dma_wait3A_411 = tpu.memref_squeeze %dma_wait3A_410 : memref<1x80x128xf32, #tpu.memory_space<vmem>> -> memref<80x128xf32, #tpu.memory_space<vmem>>
      %dma_wait3A_412 = tpu.memref_slice %arg2[%add3A_399, %mul3A_401] : memref<160000x256xf32, #tpu.memory_space<hbm>> -> memref<80x128xf32, #tpu.memory_space<hbm>>
      tpu.wait_dma2 semaphore(%dma_wait3A_407 : memref<!tpu.dma_semaphore, #tpu.memory_space<semaphore_mem>>) src(%dma_wait3A_412 : memref<80x128xf32, #tpu.memory_space<hbm>>) dst(%dma_wait3A_411 : memref<80x128xf32, #tpu.memory_space<vmem>>)
      %dma_start3A = arith.constant 0 : i32
      %dma_start3A_413 = arith.constant 0 : i32
      %dma_start3A_414 = tpu.memref_slice %arg10[%rem3A_280, %dma_start3A, %dma_start3A_413] : memref<2x80x128xf32, #tpu.memory_space<vmem>> -> memref<1x80x128xf32, #tpu.memory_space<vmem>>
      %dma_start3A_415 = tpu.memref_squeeze %dma_start3A_414 : memref<1x80x128xf32, #tpu.memory_space<vmem>> -> memref<80x128xf32, #tpu.memory_space<vmem>>
      %dma_start3A_416 = arith.constant 0 : i32
      %dma_start3A_417 = tpu.memref_slice %arg9[%rem3A_280, %dma_start3A_416] : memref<2x80xi32, #tpu.memory_space<vmem>> -> memref<1x80xi32, #tpu.memory_space<vmem>>
      %dma_start3A_418 = tpu.memref_squeeze %dma_start3A_417 : memref<1x80xi32, #tpu.memory_space<vmem>> -> memref<80xi32, #tpu.memory_space<vmem>>
      %dma_start3A_419 = arith.constant 0 : i32
      %dma_start3A_420 = arith.constant 0 : i32
      %dma_start3A_421 = tpu.memref_slice %arg16[%dma_start3A_419, %dma_start3A_420] : memref<2568x128xf32, #tpu.memory_space<vmem_shared>> -> memref<2568x128xf32, #tpu.memory_space<vmem_shared>>
      %dma_start3A_422 = tpu.memref_slice %arg14[%rem3A_280] : memref<2x!tpu.dma_semaphore, #tpu.memory_space<semaphore_mem>> -> memref<1x!tpu.dma_semaphore, #tpu.memory_space<semaphore_mem>>
      %dma_start3A_423 = tpu.memref_squeeze %dma_start3A_422 : memref<1x!tpu.dma_semaphore, #tpu.memory_space<semaphore_mem>> -> memref<!tpu.dma_semaphore, #tpu.memory_space<semaphore_mem>>
      tpu.enqueue_indirect_dma source(%dma_start3A_415 : memref<80x128xf32, #tpu.memory_space<vmem>>) target(%dma_start3A_421 : memref<2568x128xf32, #tpu.memory_space<vmem_shared>>) offsets(%dma_start3A_418 : memref<80xi32, #tpu.memory_space<vmem>>) semaphore(%dma_start3A_423 : memref<!tpu.dma_semaphore, #tpu.memory_space<semaphore_mem>>) {add = true}
      %dma_start3A_424 = arith.constant 0 : i32
      %dma_start3A_425 = tpu.memref_slice %arg9[%rem3A_280, %dma_start3A_424] : memref<2x80xi32, #tpu.memory_space<vmem>> -> memref<1x80xi32, #tpu.memory_space<vmem>>
      %dma_start3A_426 = tpu.memref_squeeze %dma_start3A_425 : memref<1x80xi32, #tpu.memory_space<vmem>> -> memref<80xi32, #tpu.memory_space<vmem>>
      %dma_start3A_427 = arith.constant 0 : i32
      %dma_start3A_428 = arith.constant 0 : i32
      %dma_start3A_429 = tpu.memref_slice %arg17[%dma_start3A_427, %dma_start3A_428] : memref<2568x128xf32, #tpu.memory_space<vmem_shared>> -> memref<2568x128xf32, #tpu.memory_space<vmem_shared>>
      %dma_start3A_430 = tpu.memref_slice %arg15[%rem3A_280] : memref<2x!tpu.dma_semaphore, #tpu.memory_space<semaphore_mem>> -> memref<1x!tpu.dma_semaphore, #tpu.memory_space<semaphore_mem>>
      %dma_start3A_431 = tpu.memref_squeeze %dma_start3A_430 : memref<1x!tpu.dma_semaphore, #tpu.memory_space<semaphore_mem>> -> memref<!tpu.dma_semaphore, #tpu.memory_space<semaphore_mem>>
      tpu.enqueue_indirect_dma source(%arg11 : memref<80x128xf32, #tpu.memory_space<vmem>>) target(%dma_start3A_429 : memref<2568x128xf32, #tpu.memory_space<vmem_shared>>) offsets(%dma_start3A_426 : memref<80xi32, #tpu.memory_space<vmem>>) semaphore(%dma_start3A_431 : memref<!tpu.dma_semaphore, #tpu.memory_space<semaphore_mem>>) {add = true}
    }
    %while3A_233 = arith.constant 1 : i32
    scf.for %while3A_279 = %while3A_231 to %while3A_227 step %while3A_233  : i32 {
      %sub3A = arith.subi %while3A_279, %squeeze3A_218 : i32
      %rem3A = arith.constant 2 : i32
      %rem3A_280 = arith.remsi %sub3A, %rem3A : i32
      %sub3A_281 = arith.constant 1 : i32
      %sub3A_282 = arith.subi %sub3A_281, %rem3A_280 : i32
      %get3A_283 = arith.index_cast %while3A_279 : i32 to index
      %get3A_284 = arith.constant 0 : index
      %get3A_285 = tpu.vector_load %arg8[%get3A_283, %get3A_284] {strides = array<i32>} : memref<125x80xi32, #tpu.memory_space<vmem>>, vector<1x16xi32>,
      %get3A_286 = vector.shape_cast %get3A_285 : vector<1x16xi32> to vector<16xi32>
      %ge3A = arith.constant 7512 : i32
      %ge3A_287 = vector.broadcast %ge3A : i32 to vector<16xi32>
      %ge3A_288 = arith.cmpi sge, %get3A_286, %ge3A_287 : vector<16xi32>
      %lt3A_289 = arith.constant 10000 : i32
      %lt3A_290 = vector.broadcast %lt3A_289 : i32 to vector<16xi32>
      %lt3A_291 = arith.cmpi slt, %get3A_286, %lt3A_290 : vector<16xi32>
      %and3A = arith.andi %ge3A_288, %lt3A_291 : vector<16xi1>
      %sub3A_292 = arith.constant 7512 : i32
      %sub3A_293 = vector.broadcast %sub3A_292 : i32 to vector<16xi32>
      %sub3A_294 = arith.subi %get3A_286, %sub3A_293 : vector<16xi32>
      %jit3A = arith.constant 2560 : i32
      %broadcast_in_dim3A = vector.broadcast %jit3A : i32 to vector<16xi32>
      %select_n3A = arith.select %and3A, %sub3A_294, %broadcast_in_dim3A : vector<16xi1>, vector<16xi32>
      %swap3A = arith.index_cast %rem3A_280 : i32 to index
      %swap3A_295 = arith.constant 0 : index
      %swap3A_296 = tpu.vector_load %arg9[%swap3A, %swap3A_295] {strides = array<i32>} : memref<2x80xi32, #tpu.memory_space<vmem>>, vector<1x16xi32>,
      %swap3A_297 = vector.shape_cast %swap3A_296 : vector<1x16xi32> to vector<16xi32>
      %swap3A_298 = vector.shape_cast %select_n3A : vector<16xi32> to vector<1x16xi32>
      tpu.vector_store %arg9[%swap3A, %swap3A_295], %swap3A_298 {strides = array<i32>} : memref<2x80xi32, #tpu.memory_space<vmem>>, vector<1x16xi32>,
      %get3A_299 = arith.index_cast %while3A_279 : i32 to index
      %get3A_300 = arith.constant 16 : index
      %get3A_301 = tpu.vector_load %arg8[%get3A_299, %get3A_300] {strides = array<i32>} : memref<125x80xi32, #tpu.memory_space<vmem>>, vector<1x16xi32>,
      %get3A_302 = vector.shape_cast %get3A_301 : vector<1x16xi32> to vector<16xi32>
      %ge3A_303 = arith.constant 7512 : i32
      %ge3A_304 = vector.broadcast %ge3A_303 : i32 to vector<16xi32>
      %ge3A_305 = arith.cmpi sge, %get3A_302, %ge3A_304 : vector<16xi32>
      %lt3A_306 = arith.constant 10000 : i32
      %lt3A_307 = vector.broadcast %lt3A_306 : i32 to vector<16xi32>
      %lt3A_308 = arith.cmpi slt, %get3A_302, %lt3A_307 : vector<16xi32>
      %and3A_309 = arith.andi %ge3A_305, %lt3A_308 : vector<16xi1>
      %sub3A_310 = arith.constant 7512 : i32
      %sub3A_311 = vector.broadcast %sub3A_310 : i32 to vector<16xi32>
      %sub3A_312 = arith.subi %get3A_302, %sub3A_311 : vector<16xi32>
      %jit3A_313 = arith.constant 2560 : i32
      %broadcast_in_dim3A_314 = vector.broadcast %jit3A_313 : i32 to vector<16xi32>
      %select_n3A_315 = arith.select %and3A_309, %sub3A_312, %broadcast_in_dim3A_314 : vector<16xi1>, vector<16xi32>
      %swap3A_316 = arith.index_cast %rem3A_280 : i32 to index
      %swap3A_317 = arith.constant 16 : index
      %swap3A_318 = tpu.vector_load %arg9[%swap3A_316, %swap3A_317] {strides = array<i32>} : memref<2x80xi32, #tpu.memory_space<vmem>>, vector<1x16xi32>,
      %swap3A_319 = vector.shape_cast %swap3A_318 : vector<1x16xi32> to vector<16xi32>
      %swap3A_320 = vector.shape_cast %select_n3A_315 : vector<16xi32> to vector<1x16xi32>
      tpu.vector_store %arg9[%swap3A_316, %swap3A_317], %swap3A_320 {strides = array<i32>} : memref<2x80xi32, #tpu.memory_space<vmem>>, vector<1x16xi32>,
      %get3A_321 = arith.index_cast %while3A_279 : i32 to index
      %get3A_322 = arith.constant 32 : index
      %get3A_323 = tpu.vector_load %arg8[%get3A_321, %get3A_322] {strides = array<i32>} : memref<125x80xi32, #tpu.memory_space<vmem>>, vector<1x16xi32>,
      %get3A_324 = vector.shape_cast %get3A_323 : vector<1x16xi32> to vector<16xi32>
      %ge3A_325 = arith.constant 7512 : i32
      %ge3A_326 = vector.broadcast %ge3A_325 : i32 to vector<16xi32>
      %ge3A_327 = arith.cmpi sge, %get3A_324, %ge3A_326 : vector<16xi32>
      %lt3A_328 = arith.constant 10000 : i32
      %lt3A_329 = vector.broadcast %lt3A_328 : i32 to vector<16xi32>
      %lt3A_330 = arith.cmpi slt, %get3A_324, %lt3A_329 : vector<16xi32>
      %and3A_331 = arith.andi %ge3A_327, %lt3A_330 : vector<16xi1>
      %sub3A_332 = arith.constant 7512 : i32
      %sub3A_333 = vector.broadcast %sub3A_332 : i32 to vector<16xi32>
      %sub3A_334 = arith.subi %get3A_324, %sub3A_333 : vector<16xi32>
      %jit3A_335 = arith.constant 2560 : i32
      %broadcast_in_dim3A_336 = vector.broadcast %jit3A_335 : i32 to vector<16xi32>
      %select_n3A_337 = arith.select %and3A_331, %sub3A_334, %broadcast_in_dim3A_336 : vector<16xi1>, vector<16xi32>
      %swap3A_338 = arith.index_cast %rem3A_280 : i32 to index
      %swap3A_339 = arith.constant 32 : index
      %swap3A_340 = tpu.vector_load %arg9[%swap3A_338, %swap3A_339] {strides = array<i32>} : memref<2x80xi32, #tpu.memory_space<vmem>>, vector<1x16xi32>,
      %swap3A_341 = vector.shape_cast %swap3A_340 : vector<1x16xi32> to vector<16xi32>
      %swap3A_342 = vector.shape_cast %select_n3A_337 : vector<16xi32> to vector<1x16xi32>
      tpu.vector_store %arg9[%swap3A_338, %swap3A_339], %swap3A_342 {strides = array<i32>} : memref<2x80xi32, #tpu.memory_space<vmem>>, vector<1x16xi32>,
      %get3A_343 = arith.index_cast %while3A_279 : i32 to index
      %get3A_344 = arith.constant 48 : index
      %get3A_345 = tpu.vector_load %arg8[%get3A_343, %get3A_344] {strides = array<i32>} : memref<125x80xi32, #tpu.memory_space<vmem>>, vector<1x16xi32>,
      %get3A_346 = vector.shape_cast %get3A_345 : vector<1x16xi32> to vector<16xi32>
      %ge3A_347 = arith.constant 7512 : i32
      %ge3A_348 = vector.broadcast %ge3A_347 : i32 to vector<16xi32>
      %ge3A_349 = arith.cmpi sge, %get3A_346, %ge3A_348 : vector<16xi32>
      %lt3A_350 = arith.constant 10000 : i32
      %lt3A_351 = vector.broadcast %lt3A_350 : i32 to vector<16xi32>
      %lt3A_352 = arith.cmpi slt, %get3A_346, %lt3A_351 : vector<16xi32>
      %and3A_353 = arith.andi %ge3A_349, %lt3A_352 : vector<16xi1>
      %sub3A_354 = arith.constant 7512 : i32
      %sub3A_355 = vector.broadcast %sub3A_354 : i32 to vector<16xi32>
      %sub3A_356 = arith.subi %get3A_346, %sub3A_355 : vector<16xi32>
      %jit3A_357 = arith.constant 2560 : i32
      %broadcast_in_dim3A_358 = vector.broadcast %jit3A_357 : i32 to vector<16xi32>
      %select_n3A_359 = arith.select %and3A_353, %sub3A_356, %broadcast_in_dim3A_358 : vector<16xi1>, vector<16xi32>
      %swap3A_360 = arith.index_cast %rem3A_280 : i32 to index
      %swap3A_361 = arith.constant 48 : index
      %swap3A_362 = tpu.vector_load %arg9[%swap3A_360, %swap3A_361] {strides = array<i32>} : memref<2x80xi32, #tpu.memory_space<vmem>>, vector<1x16xi32>,
      %swap3A_363 = vector.shape_cast %swap3A_362 : vector<1x16xi32> to vector<16xi32>
      %swap3A_364 = vector.shape_cast %select_n3A_359 : vector<16xi32> to vector<1x16xi32>
      tpu.vector_store %arg9[%swap3A_360, %swap3A_361], %swap3A_364 {strides = array<i32>} : memref<2x80xi32, #tpu.memory_space<vmem>>, vector<1x16xi32>,
      %get3A_365 = arith.index_cast %while3A_279 : i32 to index
      %get3A_366 = arith.constant 64 : index
      %get3A_367 = tpu.vector_load %arg8[%get3A_365, %get3A_366] {strides = array<i32>} : memref<125x80xi32, #tpu.memory_space<vmem>>, vector<1x16xi32>,
      %get3A_368 = vector.shape_cast %get3A_367 : vector<1x16xi32> to vector<16xi32>
      %ge3A_369 = arith.constant 7512 : i32
      %ge3A_370 = vector.broadcast %ge3A_369 : i32 to vector<16xi32>
      %ge3A_371 = arith.cmpi sge, %get3A_368, %ge3A_370 : vector<16xi32>
      %lt3A_372 = arith.constant 10000 : i32
      %lt3A_373 = vector.broadcast %lt3A_372 : i32 to vector<16xi32>
      %lt3A_374 = arith.cmpi slt, %get3A_368, %lt3A_373 : vector<16xi32>
      %and3A_375 = arith.andi %ge3A_371, %lt3A_374 : vector<16xi1>
      %sub3A_376 = arith.constant 7512 : i32
      %sub3A_377 = vector.broadcast %sub3A_376 : i32 to vector<16xi32>
      %sub3A_378 = arith.subi %get3A_368, %sub3A_377 : vector<16xi32>
      %jit3A_379 = arith.constant 2560 : i32
      %broadcast_in_dim3A_380 = vector.broadcast %jit3A_379 : i32 to vector<16xi32>
      %select_n3A_381 = arith.select %and3A_375, %sub3A_378, %broadcast_in_dim3A_380 : vector<16xi1>, vector<16xi32>
      %swap3A_382 = arith.index_cast %rem3A_280 : i32 to index
      %swap3A_383 = arith.constant 64 : index
      %swap3A_384 = tpu.vector_load %arg9[%swap3A_382, %swap3A_383] {strides = array<i32>} : memref<2x80xi32, #tpu.memory_space<vmem>>, vector<1x16xi32>,
      %swap3A_385 = vector.shape_cast %swap3A_384 : vector<1x16xi32> to vector<16xi32>
      %swap3A_386 = vector.shape_cast %select_n3A_381 : vector<16xi32> to vector<1x16xi32>
      tpu.vector_store %arg9[%swap3A_382, %swap3A_383], %swap3A_386 {strides = array<i32>} : memref<2x80xi32, #tpu.memory_space<vmem>>, vector<1x16xi32>,
      %gt3A_387 = arith.cmpi sgt, %while3A_279, %squeeze3A_218 : i32
      %convert_element_type3A_388 = arith.extui %gt3A_387 : i1 to i32
      %cond3A_389 = arith.constant 0 : i32
      %cond3A_390 = arith.cmpi ne, %convert_element_type3A_388, %cond3A_389 : i32
      scf.if %cond3A_390 {
        %dma_wait3A_432 = arith.constant 0 : i32
        %dma_wait3A_433 = arith.constant 0 : i32
        %dma_wait3A_434 = tpu.memref_slice %arg10[%sub3A_282, %dma_wait3A_432, %dma_wait3A_433] : memref<2x80x128xf32, #tpu.memory_space<vmem>> -> memref<1x80x128xf32, #tpu.memory_space<vmem>>
        %dma_wait3A_435 = tpu.memref_squeeze %dma_wait3A_434 : memref<1x80x128xf32, #tpu.memory_space<vmem>> -> memref<80x128xf32, #tpu.memory_space<vmem>>
        %dma_wait3A_436 = arith.constant 0 : i32
        %dma_wait3A_437 = tpu.memref_slice %arg9[%sub3A_282, %dma_wait3A_436] : memref<2x80xi32, #tpu.memory_space<vmem>> -> memref<1x80xi32, #tpu.memory_space<vmem>>
        %dma_wait3A_438 = tpu.memref_squeeze %dma_wait3A_437 : memref<1x80xi32, #tpu.memory_space<vmem>> -> memref<80xi32, #tpu.memory_space<vmem>>
        %dma_wait3A_439 = arith.constant 0 : i32
        %dma_wait3A_440 = arith.constant 0 : i32
        %dma_wait3A_441 = tpu.memref_slice %arg16[%dma_wait3A_439, %dma_wait3A_440] : memref<2568x128xf32, #tpu.memory_space<vmem_shared>> -> memref<2568x128xf32, #tpu.memory_space<vmem_shared>>
        %dma_wait3A_442 = tpu.memref_slice %arg14[%sub3A_282] : memref<2x!tpu.dma_semaphore, #tpu.memory_space<semaphore_mem>> -> memref<1x!tpu.dma_semaphore, #tpu.memory_space<semaphore_mem>>
        %dma_wait3A_443 = tpu.memref_squeeze %dma_wait3A_442 : memref<1x!tpu.dma_semaphore, #tpu.memory_space<semaphore_mem>> -> memref<!tpu.dma_semaphore, #tpu.memory_space<semaphore_mem>>
        tpu.wait_indirect_dma semaphore(%dma_wait3A_443 : memref<!tpu.dma_semaphore, #tpu.memory_space<semaphore_mem>>) src(%dma_wait3A_435 : memref<80x128xf32, #tpu.memory_space<vmem>>) dst(%dma_wait3A_441 : memref<2568x128xf32, #tpu.memory_space<vmem_shared>>)
        %dma_wait3A_444 = arith.constant 0 : i32
        %dma_wait3A_445 = tpu.memref_slice %arg9[%sub3A_282, %dma_wait3A_444] : memref<2x80xi32, #tpu.memory_space<vmem>> -> memref<1x80xi32, #tpu.memory_space<vmem>>
        %dma_wait3A_446 = tpu.memref_squeeze %dma_wait3A_445 : memref<1x80xi32, #tpu.memory_space<vmem>> -> memref<80xi32, #tpu.memory_space<vmem>>
        %dma_wait3A_447 = arith.constant 0 : i32
        %dma_wait3A_448 = arith.constant 0 : i32
        %dma_wait3A_449 = tpu.memref_slice %arg17[%dma_wait3A_447, %dma_wait3A_448] : memref<2568x128xf32, #tpu.memory_space<vmem_shared>> -> memref<2568x128xf32, #tpu.memory_space<vmem_shared>>
        %dma_wait3A_450 = tpu.memref_slice %arg15[%sub3A_282] : memref<2x!tpu.dma_semaphore, #tpu.memory_space<semaphore_mem>> -> memref<1x!tpu.dma_semaphore, #tpu.memory_space<semaphore_mem>>
        %dma_wait3A_451 = tpu.memref_squeeze %dma_wait3A_450 : memref<1x!tpu.dma_semaphore, #tpu.memory_space<semaphore_mem>> -> memref<!tpu.dma_semaphore, #tpu.memory_space<semaphore_mem>>
        tpu.wait_indirect_dma semaphore(%dma_wait3A_451 : memref<!tpu.dma_semaphore, #tpu.memory_space<semaphore_mem>>) src(%arg11 : memref<80x128xf32, #tpu.memory_space<vmem>>) dst(%dma_wait3A_449 : memref<2568x128xf32, #tpu.memory_space<vmem_shared>>)
      } else {
      }
      %add3A_391 = arith.constant 1 : i32
      %add3A_392 = arith.addi %while3A_279, %add3A_391 : i32
      %lt3A_393 = arith.cmpi slt, %add3A_392, %squeeze3A_220 : i32
      %convert_element_type3A_394 = arith.extui %lt3A_393 : i1 to i32
      %cond3A_395 = arith.constant 0 : i32
      %cond3A_396 = arith.cmpi ne, %convert_element_type3A_394, %cond3A_395 : i32
      scf.if %cond3A_396 {
        %add3A_432 = arith.constant 1 : i32
        %add3A_433 = arith.addi %while3A_279, %add3A_432 : i32
        %mul3A_434 = arith.constant 80 : i32
        %mul3A_435 = arith.muli %add3A_433, %mul3A_434 : i32
        %add3A_436 = arith.addi %mul3A_0, %mul3A_435 : i32
        %mul3A_437 = arith.constant 128 : i32
        %mul3A_438 = arith.muli %arg0, %mul3A_437 : i32
        %dma_start3A_439 = arith.constant 0 : i32
        %dma_start3A_440 = arith.constant 0 : i32
        %dma_start3A_441 = tpu.memref_slice %arg10[%sub3A_282, %dma_start3A_439, %dma_start3A_440] : memref<2x80x128xf32, #tpu.memory_space<vmem>> -> memref<1x80x128xf32, #tpu.memory_space<vmem>>
        %dma_start3A_442 = tpu.memref_squeeze %dma_start3A_441 : memref<1x80x128xf32, #tpu.memory_space<vmem>> -> memref<80x128xf32, #tpu.memory_space<vmem>>
        %dma_start3A_443 = tpu.memref_slice %arg2[%add3A_436, %mul3A_438] : memref<160000x256xf32, #tpu.memory_space<hbm>> -> memref<80x128xf32, #tpu.memory_space<hbm>>
        %dma_start3A_444 = tpu.memref_slice %arg13[%sub3A_282] : memref<2x!tpu.dma_semaphore, #tpu.memory_space<semaphore_mem>> -> memref<1x!tpu.dma_semaphore, #tpu.memory_space<semaphore_mem>>
        %dma_start3A_445 = tpu.memref_squeeze %dma_start3A_444 : memref<1x!tpu.dma_semaphore, #tpu.memory_space<semaphore_mem>> -> memref<!tpu.dma_semaphore, #tpu.memory_space<semaphore_mem>>
        %dma_start3A_446 = arith.constant 0 : i32
        %dma_start3A_447 = arith.constant 0 : i32
        %dma_start3A_448 = tpu.memref_slice %arg10[%sub3A_282, %dma_start3A_446, %dma_start3A_447] : memref<2x80x128xf32, #tpu.memory_space<vmem>> -> memref<1x80x128xf32, #tpu.memory_space<vmem>>
        %dma_start3A_449 = tpu.memref_squeeze %dma_start3A_448 : memref<1x80x128xf32, #tpu.memory_space<vmem>> -> memref<80x128xf32, #tpu.memory_space<vmem>>
        %dma_start3A_450 = tpu.memref_slice %arg2[%add3A_436, %mul3A_438] : memref<160000x256xf32, #tpu.memory_space<hbm>> -> memref<80x128xf32, #tpu.memory_space<hbm>>
        tpu.enqueue_dma source(%dma_start3A_450 : memref<80x128xf32, #tpu.memory_space<hbm>>) target(%dma_start3A_449 : memref<80x128xf32, #tpu.memory_space<vmem>>) target_semaphore(%dma_start3A_445 : memref<!tpu.dma_semaphore, #tpu.memory_space<semaphore_mem>>)
      } else {
      }
      %mul3A_397 = arith.constant 80 : i32
      %mul3A_398 = arith.muli %while3A_279, %mul3A_397 : i32
      %add3A_399 = arith.addi %mul3A_0, %mul3A_398 : i32
      %mul3A_400 = arith.constant 128 : i32
      %mul3A_401 = arith.muli %arg0, %mul3A_400 : i32
      %dma_wait3A = arith.constant 0 : i32
      %dma_wait3A_402 = arith.constant 0 : i32
      %dma_wait3A_403 = tpu.memref_slice %arg10[%rem3A_280, %dma_wait3A, %dma_wait3A_402] : memref<2x80x128xf32, #tpu.memory_space<vmem>> -> memref<1x80x128xf32, #tpu.memory_space<vmem>>
      %dma_wait3A_404 = tpu.memref_squeeze %dma_wait3A_403 : memref<1x80x128xf32, #tpu.memory_space<vmem>> -> memref<80x128xf32, #tpu.memory_space<vmem>>
      %dma_wait3A_405 = tpu.memref_slice %arg2[%add3A_399, %mul3A_401] : memref<160000x256xf32, #tpu.memory_space<hbm>> -> memref<80x128xf32, #tpu.memory_space<hbm>>
      %dma_wait3A_406 = tpu.memref_slice %arg13[%rem3A_280] : memref<2x!tpu.dma_semaphore, #tpu.memory_space<semaphore_mem>> -> memref<1x!tpu.dma_semaphore, #tpu.memory_space<semaphore_mem>>
      %dma_wait3A_407 = tpu.memref_squeeze %dma_wait3A_406 : memref<1x!tpu.dma_semaphore, #tpu.memory_space<semaphore_mem>> -> memref<!tpu.dma_semaphore, #tpu.memory_space<semaphore_mem>>
      %dma_wait3A_408 = arith.constant 0 : i32
      %dma_wait3A_409 = arith.constant 0 : i32
      %dma_wait3A_410 = tpu.memref_slice %arg10[%rem3A_280, %dma_wait3A_408, %dma_wait3A_409] : memref<2x80x128xf32, #tpu.memory_space<vmem>> -> memref<1x80x128xf32, #tpu.memory_space<vmem>>
      %dma_wait3A_411 = tpu.memref_squeeze %dma_wait3A_410 : memref<1x80x128xf32, #tpu.memory_space<vmem>> -> memref<80x128xf32, #tpu.memory_space<vmem>>
      %dma_wait3A_412 = tpu.memref_slice %arg2[%add3A_399, %mul3A_401] : memref<160000x256xf32, #tpu.memory_space<hbm>> -> memref<80x128xf32, #tpu.memory_space<hbm>>
      tpu.wait_dma2 semaphore(%dma_wait3A_407 : memref<!tpu.dma_semaphore, #tpu.memory_space<semaphore_mem>>) src(%dma_wait3A_412 : memref<80x128xf32, #tpu.memory_space<hbm>>) dst(%dma_wait3A_411 : memref<80x128xf32, #tpu.memory_space<vmem>>)
      %dma_start3A = arith.constant 0 : i32
      %dma_start3A_413 = arith.constant 0 : i32
      %dma_start3A_414 = tpu.memref_slice %arg10[%rem3A_280, %dma_start3A, %dma_start3A_413] : memref<2x80x128xf32, #tpu.memory_space<vmem>> -> memref<1x80x128xf32, #tpu.memory_space<vmem>>
      %dma_start3A_415 = tpu.memref_squeeze %dma_start3A_414 : memref<1x80x128xf32, #tpu.memory_space<vmem>> -> memref<80x128xf32, #tpu.memory_space<vmem>>
      %dma_start3A_416 = arith.constant 0 : i32
      %dma_start3A_417 = tpu.memref_slice %arg9[%rem3A_280, %dma_start3A_416] : memref<2x80xi32, #tpu.memory_space<vmem>> -> memref<1x80xi32, #tpu.memory_space<vmem>>
      %dma_start3A_418 = tpu.memref_squeeze %dma_start3A_417 : memref<1x80xi32, #tpu.memory_space<vmem>> -> memref<80xi32, #tpu.memory_space<vmem>>
      %dma_start3A_419 = arith.constant 0 : i32
      %dma_start3A_420 = arith.constant 0 : i32
      %dma_start3A_421 = tpu.memref_slice %arg16[%dma_start3A_419, %dma_start3A_420] : memref<2568x128xf32, #tpu.memory_space<vmem_shared>> -> memref<2568x128xf32, #tpu.memory_space<vmem_shared>>
      %dma_start3A_422 = tpu.memref_slice %arg14[%rem3A_280] : memref<2x!tpu.dma_semaphore, #tpu.memory_space<semaphore_mem>> -> memref<1x!tpu.dma_semaphore, #tpu.memory_space<semaphore_mem>>
      %dma_start3A_423 = tpu.memref_squeeze %dma_start3A_422 : memref<1x!tpu.dma_semaphore, #tpu.memory_space<semaphore_mem>> -> memref<!tpu.dma_semaphore, #tpu.memory_space<semaphore_mem>>
      tpu.enqueue_indirect_dma source(%dma_start3A_415 : memref<80x128xf32, #tpu.memory_space<vmem>>) target(%dma_start3A_421 : memref<2568x128xf32, #tpu.memory_space<vmem_shared>>) offsets(%dma_start3A_418 : memref<80xi32, #tpu.memory_space<vmem>>) semaphore(%dma_start3A_423 : memref<!tpu.dma_semaphore, #tpu.memory_space<semaphore_mem>>) {add = true}
      %dma_start3A_424 = arith.constant 0 : i32
      %dma_start3A_425 = tpu.memref_slice %arg9[%rem3A_280, %dma_start3A_424] : memref<2x80xi32, #tpu.memory_space<vmem>> -> memref<1x80xi32, #tpu.memory_space<vmem>>
      %dma_start3A_426 = tpu.memref_squeeze %dma_start3A_425 : memref<1x80xi32, #tpu.memory_space<vmem>> -> memref<80xi32, #tpu.memory_space<vmem>>
      %dma_start3A_427 = arith.constant 0 : i32
      %dma_start3A_428 = arith.constant 0 : i32
      %dma_start3A_429 = tpu.memref_slice %arg17[%dma_start3A_427, %dma_start3A_428] : memref<2568x128xf32, #tpu.memory_space<vmem_shared>> -> memref<2568x128xf32, #tpu.memory_space<vmem_shared>>
      %dma_start3A_430 = tpu.memref_slice %arg15[%rem3A_280] : memref<2x!tpu.dma_semaphore, #tpu.memory_space<semaphore_mem>> -> memref<1x!tpu.dma_semaphore, #tpu.memory_space<semaphore_mem>>
      %dma_start3A_431 = tpu.memref_squeeze %dma_start3A_430 : memref<1x!tpu.dma_semaphore, #tpu.memory_space<semaphore_mem>> -> memref<!tpu.dma_semaphore, #tpu.memory_space<semaphore_mem>>
      tpu.enqueue_indirect_dma source(%arg11 : memref<80x128xf32, #tpu.memory_space<vmem>>) target(%dma_start3A_429 : memref<2568x128xf32, #tpu.memory_space<vmem_shared>>) offsets(%dma_start3A_426 : memref<80xi32, #tpu.memory_space<vmem>>) semaphore(%dma_start3A_431 : memref<!tpu.dma_semaphore, #tpu.memory_space<semaphore_mem>>) {add = true}
    }
    %gt3A_234 = arith.cmpi sgt, %squeeze3A_220, %squeeze3A_218 : i32
    %convert_element_type3A_235 = arith.extui %gt3A_234 : i1 to i32
    %cond3A_236 = arith.constant 0 : i32
    %cond3A_237 = arith.cmpi ne, %convert_element_type3A_235, %cond3A_236 : i32
    scf.if %cond3A_237 {
      %sub3A = arith.constant 1 : i32
      %sub3A_279 = arith.subi %squeeze3A_220, %sub3A : i32
      %sub3A_280 = arith.subi %sub3A_279, %squeeze3A_218 : i32
      %rem3A = arith.constant 2 : i32
      %rem3A_281 = arith.remsi %sub3A_280, %rem3A : i32
      %dma_wait3A = arith.constant 0 : i32
      %dma_wait3A_282 = arith.constant 0 : i32
      %dma_wait3A_283 = tpu.memref_slice %arg10[%rem3A_281, %dma_wait3A, %dma_wait3A_282] : memref<2x80x128xf32, #tpu.memory_space<vmem>> -> memref<1x80x128xf32, #tpu.memory_space<vmem>>
      %dma_wait3A_284 = tpu.memref_squeeze %dma_wait3A_283 : memref<1x80x128xf32, #tpu.memory_space<vmem>> -> memref<80x128xf32, #tpu.memory_space<vmem>>
      %dma_wait3A_285 = arith.constant 0 : i32
      %dma_wait3A_286 = tpu.memref_slice %arg9[%rem3A_281, %dma_wait3A_285] : memref<2x80xi32, #tpu.memory_space<vmem>> -> memref<1x80xi32, #tpu.memory_space<vmem>>
      %dma_wait3A_287 = tpu.memref_squeeze %dma_wait3A_286 : memref<1x80xi32, #tpu.memory_space<vmem>> -> memref<80xi32, #tpu.memory_space<vmem>>
      %dma_wait3A_288 = arith.constant 0 : i32
      %dma_wait3A_289 = arith.constant 0 : i32
      %dma_wait3A_290 = tpu.memref_slice %arg16[%dma_wait3A_288, %dma_wait3A_289] : memref<2568x128xf32, #tpu.memory_space<vmem_shared>> -> memref<2568x128xf32, #tpu.memory_space<vmem_shared>>
      %dma_wait3A_291 = tpu.memref_slice %arg14[%rem3A_281] : memref<2x!tpu.dma_semaphore, #tpu.memory_space<semaphore_mem>> -> memref<1x!tpu.dma_semaphore, #tpu.memory_space<semaphore_mem>>
      %dma_wait3A_292 = tpu.memref_squeeze %dma_wait3A_291 : memref<1x!tpu.dma_semaphore, #tpu.memory_space<semaphore_mem>> -> memref<!tpu.dma_semaphore, #tpu.memory_space<semaphore_mem>>
      tpu.wait_indirect_dma semaphore(%dma_wait3A_292 : memref<!tpu.dma_semaphore, #tpu.memory_space<semaphore_mem>>) src(%dma_wait3A_284 : memref<80x128xf32, #tpu.memory_space<vmem>>) dst(%dma_wait3A_290 : memref<2568x128xf32, #tpu.memory_space<vmem_shared>>)
      %dma_wait3A_293 = arith.constant 0 : i32
      %dma_wait3A_294 = tpu.memref_slice %arg9[%rem3A_281, %dma_wait3A_293] : memref<2x80xi32, #tpu.memory_space<vmem>> -> memref<1x80xi32, #tpu.memory_space<vmem>>
      %dma_wait3A_295 = tpu.memref_squeeze %dma_wait3A_294 : memref<1x80xi32, #tpu.memory_space<vmem>> -> memref<80xi32, #tpu.memory_space<vmem>>
      %dma_wait3A_296 = arith.constant 0 : i32
      %dma_wait3A_297 = arith.constant 0 : i32
      %dma_wait3A_298 = tpu.memref_slice %arg17[%dma_wait3A_296, %dma_wait3A_297] : memref<2568x128xf32, #tpu.memory_space<vmem_shared>> -> memref<2568x128xf32, #tpu.memory_space<vmem_shared>>
      %dma_wait3A_299 = tpu.memref_slice %arg15[%rem3A_281] : memref<2x!tpu.dma_semaphore, #tpu.memory_space<semaphore_mem>> -> memref<1x!tpu.dma_semaphore, #tpu.memory_space<semaphore_mem>>
      %dma_wait3A_300 = tpu.memref_squeeze %dma_wait3A_299 : memref<1x!tpu.dma_semaphore, #tpu.memory_space<semaphore_mem>> -> memref<!tpu.dma_semaphore, #tpu.memory_space<semaphore_mem>>
      tpu.wait_indirect_dma semaphore(%dma_wait3A_300 : memref<!tpu.dma_semaphore, #tpu.memory_space<semaphore_mem>>) src(%arg11 : memref<80x128xf32, #tpu.memory_space<vmem>>) dst(%dma_wait3A_298 : memref<2568x128xf32, #tpu.memory_space<vmem_shared>>)
    } else {
    }
    %barrier3A_238 = arith.constant 0 : index
    tpu.barrier barrier_id(%barrier3A_238)
    %mul3A_239 = arith.constant 160 : i32
    %mul3A_240 = arith.muli %arg1, %mul3A_239 : i32
    %add3A_241 = arith.constant 0 : i32
    %add3A_242 = arith.addi %mul3A_240, %add3A_241 : i32
    %run_scoped3A_243 = arith.constant 0 : i32
    "tpu.region"() ({
      %run_scoped3A_279 = tpu.sem_alloc : memref<!tpu.dma_semaphore, #tpu.memory_space<semaphore_mem>>
      %dma_start3A = arith.constant 0 : i32
      %dma_start3A_280 = arith.constant 0 : i32
      %dma_start3A_281 = tpu.memref_slice %arg10[%run_scoped3A_243, %dma_start3A, %dma_start3A_280] : memref<2x80x128xf32, #tpu.memory_space<vmem>> -> memref<1x80x128xf32, #tpu.memory_space<vmem>>
      %dma_start3A_282 = tpu.memref_squeeze %dma_start3A_281 : memref<1x80x128xf32, #tpu.memory_space<vmem>> -> memref<80x128xf32, #tpu.memory_space<vmem>>
      %dma_start3A_283 = arith.constant 0 : i32
      %dma_start3A_284 = tpu.memref_slice %arg16[%add3A_242, %dma_start3A_283] : memref<2568x128xf32, #tpu.memory_space<vmem_shared>> -> memref<80x128xf32, #tpu.memory_space<vmem_shared>>
      %dma_start3A_285 = arith.constant 0 : i32
      %dma_start3A_286 = arith.constant 0 : i32
      %dma_start3A_287 = tpu.memref_slice %arg10[%run_scoped3A_243, %dma_start3A_285, %dma_start3A_286] : memref<2x80x128xf32, #tpu.memory_space<vmem>> -> memref<1x80x128xf32, #tpu.memory_space<vmem>>
      %dma_start3A_288 = tpu.memref_squeeze %dma_start3A_287 : memref<1x80x128xf32, #tpu.memory_space<vmem>> -> memref<80x128xf32, #tpu.memory_space<vmem>>
      %dma_start3A_289 = arith.constant 0 : i32
      %dma_start3A_290 = tpu.memref_slice %arg16[%add3A_242, %dma_start3A_289] : memref<2568x128xf32, #tpu.memory_space<vmem_shared>> -> memref<80x128xf32, #tpu.memory_space<vmem_shared>>
      tpu.enqueue_dma source(%dma_start3A_290 : memref<80x128xf32, #tpu.memory_space<vmem_shared>>) target(%dma_start3A_288 : memref<80x128xf32, #tpu.memory_space<vmem>>) target_semaphore(%run_scoped3A_279 : memref<!tpu.dma_semaphore, #tpu.memory_space<semaphore_mem>>)
      %dma_wait3A = arith.constant 0 : i32
      %dma_wait3A_291 = arith.constant 0 : i32
      %dma_wait3A_292 = tpu.memref_slice %arg10[%run_scoped3A_243, %dma_wait3A, %dma_wait3A_291] : memref<2x80x128xf32, #tpu.memory_space<vmem>> -> memref<1x80x128xf32, #tpu.memory_space<vmem>>
      %dma_wait3A_293 = tpu.memref_squeeze %dma_wait3A_292 : memref<1x80x128xf32, #tpu.memory_space<vmem>> -> memref<80x128xf32, #tpu.memory_space<vmem>>
      %dma_wait3A_294 = arith.constant 0 : i32
      %dma_wait3A_295 = tpu.memref_slice %arg16[%add3A_242, %dma_wait3A_294] : memref<2568x128xf32, #tpu.memory_space<vmem_shared>> -> memref<80x128xf32, #tpu.memory_space<vmem_shared>>
      %dma_wait3A_296 = arith.constant 0 : i32
      %dma_wait3A_297 = arith.constant 0 : i32
      %dma_wait3A_298 = tpu.memref_slice %arg10[%run_scoped3A_243, %dma_wait3A_296, %dma_wait3A_297] : memref<2x80x128xf32, #tpu.memory_space<vmem>> -> memref<1x80x128xf32, #tpu.memory_space<vmem>>
      %dma_wait3A_299 = tpu.memref_squeeze %dma_wait3A_298 : memref<1x80x128xf32, #tpu.memory_space<vmem>> -> memref<80x128xf32, #tpu.memory_space<vmem>>
      %dma_wait3A_300 = arith.constant 0 : i32
      %dma_wait3A_301 = tpu.memref_slice %arg16[%add3A_242, %dma_wait3A_300] : memref<2568x128xf32, #tpu.memory_space<vmem_shared>> -> memref<80x128xf32, #tpu.memory_space<vmem_shared>>
      tpu.wait_dma2 semaphore(%run_scoped3A_279 : memref<!tpu.dma_semaphore, #tpu.memory_space<semaphore_mem>>) src(%dma_wait3A_301 : memref<80x128xf32, #tpu.memory_space<vmem_shared>>) dst(%dma_wait3A_299 : memref<80x128xf32, #tpu.memory_space<vmem>>)
      tpu.yield
    }) : () -> ()
    %run_scoped3A_244 = arith.constant 1 : i32
    "tpu.region"() ({
      %run_scoped3A_279 = tpu.sem_alloc : memref<!tpu.dma_semaphore, #tpu.memory_space<semaphore_mem>>
      %dma_start3A = arith.constant 0 : i32
      %dma_start3A_280 = arith.constant 0 : i32
      %dma_start3A_281 = tpu.memref_slice %arg10[%run_scoped3A_244, %dma_start3A, %dma_start3A_280] : memref<2x80x128xf32, #tpu.memory_space<vmem>> -> memref<1x80x128xf32, #tpu.memory_space<vmem>>
      %dma_start3A_282 = tpu.memref_squeeze %dma_start3A_281 : memref<1x80x128xf32, #tpu.memory_space<vmem>> -> memref<80x128xf32, #tpu.memory_space<vmem>>
      %dma_start3A_283 = arith.constant 0 : i32
      %dma_start3A_284 = tpu.memref_slice %arg17[%add3A_242, %dma_start3A_283] : memref<2568x128xf32, #tpu.memory_space<vmem_shared>> -> memref<80x128xf32, #tpu.memory_space<vmem_shared>>
      %dma_start3A_285 = arith.constant 0 : i32
      %dma_start3A_286 = arith.constant 0 : i32
      %dma_start3A_287 = tpu.memref_slice %arg10[%run_scoped3A_244, %dma_start3A_285, %dma_start3A_286] : memref<2x80x128xf32, #tpu.memory_space<vmem>> -> memref<1x80x128xf32, #tpu.memory_space<vmem>>
      %dma_start3A_288 = tpu.memref_squeeze %dma_start3A_287 : memref<1x80x128xf32, #tpu.memory_space<vmem>> -> memref<80x128xf32, #tpu.memory_space<vmem>>
      %dma_start3A_289 = arith.constant 0 : i32
      %dma_start3A_290 = tpu.memref_slice %arg17[%add3A_242, %dma_start3A_289] : memref<2568x128xf32, #tpu.memory_space<vmem_shared>> -> memref<80x128xf32, #tpu.memory_space<vmem_shared>>
      tpu.enqueue_dma source(%dma_start3A_290 : memref<80x128xf32, #tpu.memory_space<vmem_shared>>) target(%dma_start3A_288 : memref<80x128xf32, #tpu.memory_space<vmem>>) target_semaphore(%run_scoped3A_279 : memref<!tpu.dma_semaphore, #tpu.memory_space<semaphore_mem>>)
      %dma_wait3A = arith.constant 0 : i32
      %dma_wait3A_291 = arith.constant 0 : i32
      %dma_wait3A_292 = tpu.memref_slice %arg10[%run_scoped3A_244, %dma_wait3A, %dma_wait3A_291] : memref<2x80x128xf32, #tpu.memory_space<vmem>> -> memref<1x80x128xf32, #tpu.memory_space<vmem>>
      %dma_wait3A_293 = tpu.memref_squeeze %dma_wait3A_292 : memref<1x80x128xf32, #tpu.memory_space<vmem>> -> memref<80x128xf32, #tpu.memory_space<vmem>>
      %dma_wait3A_294 = arith.constant 0 : i32
      %dma_wait3A_295 = tpu.memref_slice %arg17[%add3A_242, %dma_wait3A_294] : memref<2568x128xf32, #tpu.memory_space<vmem_shared>> -> memref<80x128xf32, #tpu.memory_space<vmem_shared>>
      %dma_wait3A_296 = arith.constant 0 : i32
      %dma_wait3A_297 = arith.constant 0 : i32
      %dma_wait3A_298 = tpu.memref_slice %arg10[%run_scoped3A_244, %dma_wait3A_296, %dma_wait3A_297] : memref<2x80x128xf32, #tpu.memory_space<vmem>> -> memref<1x80x128xf32, #tpu.memory_space<vmem>>
      %dma_wait3A_299 = tpu.memref_squeeze %dma_wait3A_298 : memref<1x80x128xf32, #tpu.memory_space<vmem>> -> memref<80x128xf32, #tpu.memory_space<vmem>>
      %dma_wait3A_300 = arith.constant 0 : i32
      %dma_wait3A_301 = tpu.memref_slice %arg17[%add3A_242, %dma_wait3A_300] : memref<2568x128xf32, #tpu.memory_space<vmem_shared>> -> memref<80x128xf32, #tpu.memory_space<vmem_shared>>
      tpu.wait_dma2 semaphore(%run_scoped3A_279 : memref<!tpu.dma_semaphore, #tpu.memory_space<semaphore_mem>>) src(%dma_wait3A_301 : memref<80x128xf32, #tpu.memory_space<vmem_shared>>) dst(%dma_wait3A_299 : memref<80x128xf32, #tpu.memory_space<vmem>>)
      tpu.yield
    }) : () -> ()
    %scan3A_245 = arith.constant 0 : i32
    %scan3A_246 = arith.constant 0 : i32
    %scan3A_247 = arith.constant 80 : i32
    %scan3A_248 = arith.addi %scan3A_246, %scan3A_247 : i32
    %scan3A_249 = arith.constant 1 : i32
    scf.for %scan3A_279 = %scan3A_246 to %scan3A_248 step %scan3A_249  : i32 {
      %get3A_280 = arith.constant 1 : i32
      %get3A_281 = arith.index_cast %get3A_280 : i32 to index
      %get3A_282 = arith.index_cast %scan3A_279 : i32 to index
      %get3A_283 = arith.constant 0 : index
      %get3A_284 = tpu.vector_load %arg10[%get3A_281, %get3A_282, %get3A_283] {strides = array<i32>} : memref<2x80x128xf32, #tpu.memory_space<vmem>>, vector<1x1x16xf32>,
      %get3A_285 = vector.shape_cast %get3A_284 : vector<1x1x16xf32> to vector<16xf32>
      %max3A = arith.constant 1.000000e+00 : f32
      %max3A_286 = vector.broadcast %max3A : f32 to vector<16xf32>
      %max3A_287 = arith.maximumf %get3A_285, %max3A_286 : vector<16xf32>
      %div3A = arith.constant 1.000000e+00 : f32
      %div3A_288 = vector.broadcast %div3A : f32 to vector<16xf32>
      %div3A_289 = arith.divf %div3A_288, %max3A_287 : vector<16xf32>
      %get3A_290 = arith.constant 0 : i32
      %get3A_291 = arith.index_cast %get3A_290 : i32 to index
      %get3A_292 = arith.index_cast %scan3A_279 : i32 to index
      %get3A_293 = arith.constant 0 : index
      %get3A_294 = tpu.vector_load %arg10[%get3A_291, %get3A_292, %get3A_293] {strides = array<i32>} : memref<2x80x128xf32, #tpu.memory_space<vmem>>, vector<1x1x16xf32>,
      %get3A_295 = vector.shape_cast %get3A_294 : vector<1x1x16xf32> to vector<16xf32>
      %mul3A_296 = arith.mulf %get3A_295, %div3A_289 : vector<16xf32>
      %swap3A = arith.constant 0 : i32
      %swap3A_297 = arith.index_cast %swap3A : i32 to index
      %swap3A_298 = arith.index_cast %scan3A_279 : i32 to index
      %swap3A_299 = arith.constant 0 : index
      %swap3A_300 = tpu.vector_load %arg10[%swap3A_297, %swap3A_298, %swap3A_299] {strides = array<i32>} : memref<2x80x128xf32, #tpu.memory_space<vmem>>, vector<1x1x16xf32>,
      %swap3A_301 = vector.shape_cast %swap3A_300 : vector<1x1x16xf32> to vector<16xf32>
      %swap3A_302 = vector.shape_cast %mul3A_296 : vector<16xf32> to vector<1x1x16xf32>
      tpu.vector_store %arg10[%swap3A_297, %swap3A_298, %swap3A_299], %swap3A_302 {strides = array<i32>} : memref<2x80x128xf32, #tpu.memory_space<vmem>>, vector<1x1x16xf32>,
      %get3A_303 = arith.constant 0 : i32
      %get3A_304 = arith.index_cast %get3A_303 : i32 to index
      %get3A_305 = arith.index_cast %scan3A_279 : i32 to index
      %get3A_306 = arith.constant 16 : index
      %get3A_307 = tpu.vector_load %arg10[%get3A_304, %get3A_305, %get3A_306] {strides = array<i32>} : memref<2x80x128xf32, #tpu.memory_space<vmem>>, vector<1x1x16xf32>,
      %get3A_308 = vector.shape_cast %get3A_307 : vector<1x1x16xf32> to vector<16xf32>
      %mul3A_309 = arith.mulf %get3A_308, %div3A_289 : vector<16xf32>
      %swap3A_310 = arith.constant 0 : i32
      %swap3A_311 = arith.index_cast %swap3A_310 : i32 to index
      %swap3A_312 = arith.index_cast %scan3A_279 : i32 to index
      %swap3A_313 = arith.constant 16 : index
      %swap3A_314 = tpu.vector_load %arg10[%swap3A_311, %swap3A_312, %swap3A_313] {strides = array<i32>} : memref<2x80x128xf32, #tpu.memory_space<vmem>>, vector<1x1x16xf32>,
      %swap3A_315 = vector.shape_cast %swap3A_314 : vector<1x1x16xf32> to vector<16xf32>
      %swap3A_316 = vector.shape_cast %mul3A_309 : vector<16xf32> to vector<1x1x16xf32>
      tpu.vector_store %arg10[%swap3A_311, %swap3A_312, %swap3A_313], %swap3A_316 {strides = array<i32>} : memref<2x80x128xf32, #tpu.memory_space<vmem>>, vector<1x1x16xf32>,
      %get3A_317 = arith.constant 0 : i32
      %get3A_318 = arith.index_cast %get3A_317 : i32 to index
      %get3A_319 = arith.index_cast %scan3A_279 : i32 to index
      %get3A_320 = arith.constant 32 : index
      %get3A_321 = tpu.vector_load %arg10[%get3A_318, %get3A_319, %get3A_320] {strides = array<i32>} : memref<2x80x128xf32, #tpu.memory_space<vmem>>, vector<1x1x16xf32>,
      %get3A_322 = vector.shape_cast %get3A_321 : vector<1x1x16xf32> to vector<16xf32>
      %mul3A_323 = arith.mulf %get3A_322, %div3A_289 : vector<16xf32>
      %swap3A_324 = arith.constant 0 : i32
      %swap3A_325 = arith.index_cast %swap3A_324 : i32 to index
      %swap3A_326 = arith.index_cast %scan3A_279 : i32 to index
      %swap3A_327 = arith.constant 32 : index
      %swap3A_328 = tpu.vector_load %arg10[%swap3A_325, %swap3A_326, %swap3A_327] {strides = array<i32>} : memref<2x80x128xf32, #tpu.memory_space<vmem>>, vector<1x1x16xf32>,
      %swap3A_329 = vector.shape_cast %swap3A_328 : vector<1x1x16xf32> to vector<16xf32>
      %swap3A_330 = vector.shape_cast %mul3A_323 : vector<16xf32> to vector<1x1x16xf32>
      tpu.vector_store %arg10[%swap3A_325, %swap3A_326, %swap3A_327], %swap3A_330 {strides = array<i32>} : memref<2x80x128xf32, #tpu.memory_space<vmem>>, vector<1x1x16xf32>,
      %get3A_331 = arith.constant 0 : i32
      %get3A_332 = arith.index_cast %get3A_331 : i32 to index
      %get3A_333 = arith.index_cast %scan3A_279 : i32 to index
      %get3A_334 = arith.constant 48 : index
      %get3A_335 = tpu.vector_load %arg10[%get3A_332, %get3A_333, %get3A_334] {strides = array<i32>} : memref<2x80x128xf32, #tpu.memory_space<vmem>>, vector<1x1x16xf32>,
      %get3A_336 = vector.shape_cast %get3A_335 : vector<1x1x16xf32> to vector<16xf32>
      %mul3A_337 = arith.mulf %get3A_336, %div3A_289 : vector<16xf32>
      %swap3A_338 = arith.constant 0 : i32
      %swap3A_339 = arith.index_cast %swap3A_338 : i32 to index
      %swap3A_340 = arith.index_cast %scan3A_279 : i32 to index
      %swap3A_341 = arith.constant 48 : index
      %swap3A_342 = tpu.vector_load %arg10[%swap3A_339, %swap3A_340, %swap3A_341] {strides = array<i32>} : memref<2x80x128xf32, #tpu.memory_space<vmem>>, vector<1x1x16xf32>,
      %swap3A_343 = vector.shape_cast %swap3A_342 : vector<1x1x16xf32> to vector<16xf32>
      %swap3A_344 = vector.shape_cast %mul3A_337 : vector<16xf32> to vector<1x1x16xf32>
      tpu.vector_store %arg10[%swap3A_339, %swap3A_340, %swap3A_341], %swap3A_344 {strides = array<i32>} : memref<2x80x128xf32, #tpu.memory_space<vmem>>, vector<1x1x16xf32>,
      %get3A_345 = arith.constant 0 : i32
      %get3A_346 = arith.index_cast %get3A_345 : i32 to index
      %get3A_347 = arith.index_cast %scan3A_279 : i32 to index
      %get3A_348 = arith.constant 64 : index
      %get3A_349 = tpu.vector_load %arg10[%get3A_346, %get3A_347, %get3A_348] {strides = array<i32>} : memref<2x80x128xf32, #tpu.memory_space<vmem>>, vector<1x1x16xf32>,
      %get3A_350 = vector.shape_cast %get3A_349 : vector<1x1x16xf32> to vector<16xf32>
      %mul3A_351 = arith.mulf %get3A_350, %div3A_289 : vector<16xf32>
      %swap3A_352 = arith.constant 0 : i32
      %swap3A_353 = arith.index_cast %swap3A_352 : i32 to index
      %swap3A_354 = arith.index_cast %scan3A_279 : i32 to index
      %swap3A_355 = arith.constant 64 : index
      %swap3A_356 = tpu.vector_load %arg10[%swap3A_353, %swap3A_354, %swap3A_355] {strides = array<i32>} : memref<2x80x128xf32, #tpu.memory_space<vmem>>, vector<1x1x16xf32>,
      %swap3A_357 = vector.shape_cast %swap3A_356 : vector<1x1x16xf32> to vector<16xf32>
      %swap3A_358 = vector.shape_cast %mul3A_351 : vector<16xf32> to vector<1x1x16xf32>
      tpu.vector_store %arg10[%swap3A_353, %swap3A_354, %swap3A_355], %swap3A_358 {strides = array<i32>} : memref<2x80x128xf32, #tpu.memory_space<vmem>>, vector<1x1x16xf32>,
      %get3A_359 = arith.constant 0 : i32
      %get3A_360 = arith.index_cast %get3A_359 : i32 to index
      %get3A_361 = arith.index_cast %scan3A_279 : i32 to index
      %get3A_362 = arith.constant 80 : index
      %get3A_363 = tpu.vector_load %arg10[%get3A_360, %get3A_361, %get3A_362] {strides = array<i32>} : memref<2x80x128xf32, #tpu.memory_space<vmem>>, vector<1x1x16xf32>,
      %get3A_364 = vector.shape_cast %get3A_363 : vector<1x1x16xf32> to vector<16xf32>
      %mul3A_365 = arith.mulf %get3A_364, %div3A_289 : vector<16xf32>
      %swap3A_366 = arith.constant 0 : i32
      %swap3A_367 = arith.index_cast %swap3A_366 : i32 to index
      %swap3A_368 = arith.index_cast %scan3A_279 : i32 to index
      %swap3A_369 = arith.constant 80 : index
      %swap3A_370 = tpu.vector_load %arg10[%swap3A_367, %swap3A_368, %swap3A_369] {strides = array<i32>} : memref<2x80x128xf32, #tpu.memory_space<vmem>>, vector<1x1x16xf32>,
      %swap3A_371 = vector.shape_cast %swap3A_370 : vector<1x1x16xf32> to vector<16xf32>
      %swap3A_372 = vector.shape_cast %mul3A_365 : vector<16xf32> to vector<1x1x16xf32>
      tpu.vector_store %arg10[%swap3A_367, %swap3A_368, %swap3A_369], %swap3A_372 {strides = array<i32>} : memref<2x80x128xf32, #tpu.memory_space<vmem>>, vector<1x1x16xf32>,
      %get3A_373 = arith.constant 0 : i32
      %get3A_374 = arith.index_cast %get3A_373 : i32 to index
      %get3A_375 = arith.index_cast %scan3A_279 : i32 to index
      %get3A_376 = arith.constant 96 : index
      %get3A_377 = tpu.vector_load %arg10[%get3A_374, %get3A_375, %get3A_376] {strides = array<i32>} : memref<2x80x128xf32, #tpu.memory_space<vmem>>, vector<1x1x16xf32>,
      %get3A_378 = vector.shape_cast %get3A_377 : vector<1x1x16xf32> to vector<16xf32>
      %mul3A_379 = arith.mulf %get3A_378, %div3A_289 : vector<16xf32>
      %swap3A_380 = arith.constant 0 : i32
      %swap3A_381 = arith.index_cast %swap3A_380 : i32 to index
      %swap3A_382 = arith.index_cast %scan3A_279 : i32 to index
      %swap3A_383 = arith.constant 96 : index
      %swap3A_384 = tpu.vector_load %arg10[%swap3A_381, %swap3A_382, %swap3A_383] {strides = array<i32>} : memref<2x80x128xf32, #tpu.memory_space<vmem>>, vector<1x1x16xf32>,
      %swap3A_385 = vector.shape_cast %swap3A_384 : vector<1x1x16xf32> to vector<16xf32>
      %swap3A_386 = vector.shape_cast %mul3A_379 : vector<16xf32> to vector<1x1x16xf32>
      tpu.vector_store %arg10[%swap3A_381, %swap3A_382, %swap3A_383], %swap3A_386 {strides = array<i32>} : memref<2x80x128xf32, #tpu.memory_space<vmem>>, vector<1x1x16xf32>,
      %get3A_387 = arith.constant 0 : i32
      %get3A_388 = arith.index_cast %get3A_387 : i32 to index
      %get3A_389 = arith.index_cast %scan3A_279 : i32 to index
      %get3A_390 = arith.constant 112 : index
      %get3A_391 = tpu.vector_load %arg10[%get3A_388, %get3A_389, %get3A_390] {strides = array<i32>} : memref<2x80x128xf32, #tpu.memory_space<vmem>>, vector<1x1x16xf32>,
      %get3A_392 = vector.shape_cast %get3A_391 : vector<1x1x16xf32> to vector<16xf32>
      %mul3A_393 = arith.mulf %get3A_392, %div3A_289 : vector<16xf32>
      %swap3A_394 = arith.constant 0 : i32
      %swap3A_395 = arith.index_cast %swap3A_394 : i32 to index
      %swap3A_396 = arith.index_cast %scan3A_279 : i32 to index
      %swap3A_397 = arith.constant 112 : index
      %swap3A_398 = tpu.vector_load %arg10[%swap3A_395, %swap3A_396, %swap3A_397] {strides = array<i32>} : memref<2x80x128xf32, #tpu.memory_space<vmem>>, vector<1x1x16xf32>,
      %swap3A_399 = vector.shape_cast %swap3A_398 : vector<1x1x16xf32> to vector<16xf32>
      %swap3A_400 = vector.shape_cast %mul3A_393 : vector<16xf32> to vector<1x1x16xf32>
      tpu.vector_store %arg10[%swap3A_395, %swap3A_396, %swap3A_397], %swap3A_400 {strides = array<i32>} : memref<2x80x128xf32, #tpu.memory_space<vmem>>, vector<1x1x16xf32>,
    }
    %scan3A_250 = arith.constant 80 : i32
    %add3A_251 = arith.constant 7512 : i32
    %add3A_252 = arith.addi %add3A_251, %add3A_242 : i32
    %mul3A_253 = arith.constant 128 : i32
    %mul3A_254 = arith.muli %arg0, %mul3A_253 : i32
    %run_scoped3A_255 = arith.constant 0 : i32
    "tpu.region"() ({
      %run_scoped3A_279 = tpu.sem_alloc : memref<!tpu.dma_semaphore, #tpu.memory_space<semaphore_mem>>
      %dma_start3A = arith.constant 0 : i32
      %dma_start3A_280 = arith.constant 0 : i32
      %dma_start3A_281 = tpu.memref_slice %arg10[%run_scoped3A_255, %dma_start3A, %dma_start3A_280] : memref<2x80x128xf32, #tpu.memory_space<vmem>> -> memref<1x80x128xf32, #tpu.memory_space<vmem>>
      %dma_start3A_282 = tpu.memref_squeeze %dma_start3A_281 : memref<1x80x128xf32, #tpu.memory_space<vmem>> -> memref<80x128xf32, #tpu.memory_space<vmem>>
      %dma_start3A_283 = tpu.memref_slice %arg7[%add3A_252, %mul3A_254] : memref<10000x256xf32, #tpu.memory_space<hbm>> -> memref<80x128xf32, #tpu.memory_space<hbm>>
      %dma_start3A_284 = tpu.memref_slice %arg7[%add3A_252, %mul3A_254] : memref<10000x256xf32, #tpu.memory_space<hbm>> -> memref<80x128xf32, #tpu.memory_space<hbm>>
      %dma_start3A_285 = arith.constant 0 : i32
      %dma_start3A_286 = arith.constant 0 : i32
      %dma_start3A_287 = tpu.memref_slice %arg10[%run_scoped3A_255, %dma_start3A_285, %dma_start3A_286] : memref<2x80x128xf32, #tpu.memory_space<vmem>> -> memref<1x80x128xf32, #tpu.memory_space<vmem>>
      %dma_start3A_288 = tpu.memref_squeeze %dma_start3A_287 : memref<1x80x128xf32, #tpu.memory_space<vmem>> -> memref<80x128xf32, #tpu.memory_space<vmem>>
      tpu.enqueue_dma source(%dma_start3A_288 : memref<80x128xf32, #tpu.memory_space<vmem>>) target(%dma_start3A_284 : memref<80x128xf32, #tpu.memory_space<hbm>>) target_semaphore(%run_scoped3A_279 : memref<!tpu.dma_semaphore, #tpu.memory_space<semaphore_mem>>)
      %dma_wait3A = arith.constant 0 : i32
      %dma_wait3A_289 = arith.constant 0 : i32
      %dma_wait3A_290 = tpu.memref_slice %arg10[%run_scoped3A_255, %dma_wait3A, %dma_wait3A_289] : memref<2x80x128xf32, #tpu.memory_space<vmem>> -> memref<1x80x128xf32, #tpu.memory_space<vmem>>
      %dma_wait3A_291 = tpu.memref_squeeze %dma_wait3A_290 : memref<1x80x128xf32, #tpu.memory_space<vmem>> -> memref<80x128xf32, #tpu.memory_space<vmem>>
      %dma_wait3A_292 = tpu.memref_slice %arg7[%add3A_252, %mul3A_254] : memref<10000x256xf32, #tpu.memory_space<hbm>> -> memref<80x128xf32, #tpu.memory_space<hbm>>
      %dma_wait3A_293 = tpu.memref_slice %arg7[%add3A_252, %mul3A_254] : memref<10000x256xf32, #tpu.memory_space<hbm>> -> memref<80x128xf32, #tpu.memory_space<hbm>>
      %dma_wait3A_294 = arith.constant 0 : i32
      %dma_wait3A_295 = arith.constant 0 : i32
      %dma_wait3A_296 = tpu.memref_slice %arg10[%run_scoped3A_255, %dma_wait3A_294, %dma_wait3A_295] : memref<2x80x128xf32, #tpu.memory_space<vmem>> -> memref<1x80x128xf32, #tpu.memory_space<vmem>>
      %dma_wait3A_297 = tpu.memref_squeeze %dma_wait3A_296 : memref<1x80x128xf32, #tpu.memory_space<vmem>> -> memref<80x128xf32, #tpu.memory_space<vmem>>
      tpu.wait_dma2 semaphore(%run_scoped3A_279 : memref<!tpu.dma_semaphore, #tpu.memory_space<semaphore_mem>>) src(%dma_wait3A_297 : memref<80x128xf32, #tpu.memory_space<vmem>>) dst(%dma_wait3A_293 : memref<80x128xf32, #tpu.memory_space<hbm>>)
      tpu.yield
    }) : () -> ()
    %add3A_256 = arith.constant 80 : i32
    %add3A_257 = arith.addi %mul3A_240, %add3A_256 : i32
    %run_scoped3A_258 = arith.constant 0 : i32
    "tpu.region"() ({
      %run_scoped3A_279 = tpu.sem_alloc : memref<!tpu.dma_semaphore, #tpu.memory_space<semaphore_mem>>
      %dma_start3A = arith.constant 0 : i32
      %dma_start3A_280 = arith.constant 0 : i32
      %dma_start3A_281 = tpu.memref_slice %arg10[%run_scoped3A_258, %dma_start3A, %dma_start3A_280] : memref<2x80x128xf32, #tpu.memory_space<vmem>> -> memref<1x80x128xf32, #tpu.memory_space<vmem>>
      %dma_start3A_282 = tpu.memref_squeeze %dma_start3A_281 : memref<1x80x128xf32, #tpu.memory_space<vmem>> -> memref<80x128xf32, #tpu.memory_space<vmem>>
      %dma_start3A_283 = arith.constant 0 : i32
      %dma_start3A_284 = tpu.memref_slice %arg16[%add3A_257, %dma_start3A_283] : memref<2568x128xf32, #tpu.memory_space<vmem_shared>> -> memref<80x128xf32, #tpu.memory_space<vmem_shared>>
      %dma_start3A_285 = arith.constant 0 : i32
      %dma_start3A_286 = arith.constant 0 : i32
      %dma_start3A_287 = tpu.memref_slice %arg10[%run_scoped3A_258, %dma_start3A_285, %dma_start3A_286] : memref<2x80x128xf32, #tpu.memory_space<vmem>> -> memref<1x80x128xf32, #tpu.memory_space<vmem>>
      %dma_start3A_288 = tpu.memref_squeeze %dma_start3A_287 : memref<1x80x128xf32, #tpu.memory_space<vmem>> -> memref<80x128xf32, #tpu.memory_space<vmem>>
      %dma_start3A_289 = arith.constant 0 : i32
      %dma_start3A_290 = tpu.memref_slice %arg16[%add3A_257, %dma_start3A_289] : memref<2568x128xf32, #tpu.memory_space<vmem_shared>> -> memref<80x128xf32, #tpu.memory_space<vmem_shared>>
      tpu.enqueue_dma source(%dma_start3A_290 : memref<80x128xf32, #tpu.memory_space<vmem_shared>>) target(%dma_start3A_288 : memref<80x128xf32, #tpu.memory_space<vmem>>) target_semaphore(%run_scoped3A_279 : memref<!tpu.dma_semaphore, #tpu.memory_space<semaphore_mem>>)
      %dma_wait3A = arith.constant 0 : i32
      %dma_wait3A_291 = arith.constant 0 : i32
      %dma_wait3A_292 = tpu.memref_slice %arg10[%run_scoped3A_258, %dma_wait3A, %dma_wait3A_291] : memref<2x80x128xf32, #tpu.memory_space<vmem>> -> memref<1x80x128xf32, #tpu.memory_space<vmem>>
      %dma_wait3A_293 = tpu.memref_squeeze %dma_wait3A_292 : memref<1x80x128xf32, #tpu.memory_space<vmem>> -> memref<80x128xf32, #tpu.memory_space<vmem>>
      %dma_wait3A_294 = arith.constant 0 : i32
      %dma_wait3A_295 = tpu.memref_slice %arg16[%add3A_257, %dma_wait3A_294] : memref<2568x128xf32, #tpu.memory_space<vmem_shared>> -> memref<80x128xf32, #tpu.memory_space<vmem_shared>>
      %dma_wait3A_296 = arith.constant 0 : i32
      %dma_wait3A_297 = arith.constant 0 : i32
      %dma_wait3A_298 = tpu.memref_slice %arg10[%run_scoped3A_258, %dma_wait3A_296, %dma_wait3A_297] : memref<2x80x128xf32, #tpu.memory_space<vmem>> -> memref<1x80x128xf32, #tpu.memory_space<vmem>>
      %dma_wait3A_299 = tpu.memref_squeeze %dma_wait3A_298 : memref<1x80x128xf32, #tpu.memory_space<vmem>> -> memref<80x128xf32, #tpu.memory_space<vmem>>
      %dma_wait3A_300 = arith.constant 0 : i32
      %dma_wait3A_301 = tpu.memref_slice %arg16[%add3A_257, %dma_wait3A_300] : memref<2568x128xf32, #tpu.memory_space<vmem_shared>> -> memref<80x128xf32, #tpu.memory_space<vmem_shared>>
      tpu.wait_dma2 semaphore(%run_scoped3A_279 : memref<!tpu.dma_semaphore, #tpu.memory_space<semaphore_mem>>) src(%dma_wait3A_301 : memref<80x128xf32, #tpu.memory_space<vmem_shared>>) dst(%dma_wait3A_299 : memref<80x128xf32, #tpu.memory_space<vmem>>)
      tpu.yield
    }) : () -> ()
    %run_scoped3A_259 = arith.constant 1 : i32
    "tpu.region"() ({
      %run_scoped3A_279 = tpu.sem_alloc : memref<!tpu.dma_semaphore, #tpu.memory_space<semaphore_mem>>
      %dma_start3A = arith.constant 0 : i32
      %dma_start3A_280 = arith.constant 0 : i32
      %dma_start3A_281 = tpu.memref_slice %arg10[%run_scoped3A_259, %dma_start3A, %dma_start3A_280] : memref<2x80x128xf32, #tpu.memory_space<vmem>> -> memref<1x80x128xf32, #tpu.memory_space<vmem>>
      %dma_start3A_282 = tpu.memref_squeeze %dma_start3A_281 : memref<1x80x128xf32, #tpu.memory_space<vmem>> -> memref<80x128xf32, #tpu.memory_space<vmem>>
      %dma_start3A_283 = arith.constant 0 : i32
      %dma_start3A_284 = tpu.memref_slice %arg17[%add3A_257, %dma_start3A_283] : memref<2568x128xf32, #tpu.memory_space<vmem_shared>> -> memref<80x128xf32, #tpu.memory_space<vmem_shared>>
      %dma_start3A_285 = arith.constant 0 : i32
      %dma_start3A_286 = arith.constant 0 : i32
      %dma_start3A_287 = tpu.memref_slice %arg10[%run_scoped3A_259, %dma_start3A_285, %dma_start3A_286] : memref<2x80x128xf32, #tpu.memory_space<vmem>> -> memref<1x80x128xf32, #tpu.memory_space<vmem>>
      %dma_start3A_288 = tpu.memref_squeeze %dma_start3A_287 : memref<1x80x128xf32, #tpu.memory_space<vmem>> -> memref<80x128xf32, #tpu.memory_space<vmem>>
      %dma_start3A_289 = arith.constant 0 : i32
      %dma_start3A_290 = tpu.memref_slice %arg17[%add3A_257, %dma_start3A_289] : memref<2568x128xf32, #tpu.memory_space<vmem_shared>> -> memref<80x128xf32, #tpu.memory_space<vmem_shared>>
      tpu.enqueue_dma source(%dma_start3A_290 : memref<80x128xf32, #tpu.memory_space<vmem_shared>>) target(%dma_start3A_288 : memref<80x128xf32, #tpu.memory_space<vmem>>) target_semaphore(%run_scoped3A_279 : memref<!tpu.dma_semaphore, #tpu.memory_space<semaphore_mem>>)
      %dma_wait3A = arith.constant 0 : i32
      %dma_wait3A_291 = arith.constant 0 : i32
      %dma_wait3A_292 = tpu.memref_slice %arg10[%run_scoped3A_259, %dma_wait3A, %dma_wait3A_291] : memref<2x80x128xf32, #tpu.memory_space<vmem>> -> memref<1x80x128xf32, #tpu.memory_space<vmem>>
      %dma_wait3A_293 = tpu.memref_squeeze %dma_wait3A_292 : memref<1x80x128xf32, #tpu.memory_space<vmem>> -> memref<80x128xf32, #tpu.memory_space<vmem>>
      %dma_wait3A_294 = arith.constant 0 : i32
      %dma_wait3A_295 = tpu.memref_slice %arg17[%add3A_257, %dma_wait3A_294] : memref<2568x128xf32, #tpu.memory_space<vmem_shared>> -> memref<80x128xf32, #tpu.memory_space<vmem_shared>>
      %dma_wait3A_296 = arith.constant 0 : i32
      %dma_wait3A_297 = arith.constant 0 : i32
      %dma_wait3A_298 = tpu.memref_slice %arg10[%run_scoped3A_259, %dma_wait3A_296, %dma_wait3A_297] : memref<2x80x128xf32, #tpu.memory_space<vmem>> -> memref<1x80x128xf32, #tpu.memory_space<vmem>>
      %dma_wait3A_299 = tpu.memref_squeeze %dma_wait3A_298 : memref<1x80x128xf32, #tpu.memory_space<vmem>> -> memref<80x128xf32, #tpu.memory_space<vmem>>
      %dma_wait3A_300 = arith.constant 0 : i32
      %dma_wait3A_301 = tpu.memref_slice %arg17[%add3A_257, %dma_wait3A_300] : memref<2568x128xf32, #tpu.memory_space<vmem_shared>> -> memref<80x128xf32, #tpu.memory_space<vmem_shared>>
      tpu.wait_dma2 semaphore(%run_scoped3A_279 : memref<!tpu.dma_semaphore, #tpu.memory_space<semaphore_mem>>) src(%dma_wait3A_301 : memref<80x128xf32, #tpu.memory_space<vmem_shared>>) dst(%dma_wait3A_299 : memref<80x128xf32, #tpu.memory_space<vmem>>)
      tpu.yield
    }) : () -> ()
    %scan3A_260 = arith.constant 0 : i32
    %scan3A_261 = arith.constant 0 : i32
    %scan3A_262 = arith.constant 80 : i32
    %scan3A_263 = arith.addi %scan3A_261, %scan3A_262 : i32
    %scan3A_264 = arith.constant 1 : i32
    scf.for %scan3A_279 = %scan3A_261 to %scan3A_263 step %scan3A_264  : i32 {
      %get3A_280 = arith.constant 1 : i32
      %get3A_281 = arith.index_cast %get3A_280 : i32 to index
      %get3A_282 = arith.index_cast %scan3A_279 : i32 to index
      %get3A_283 = arith.constant 0 : index
      %get3A_284 = tpu.vector_load %arg10[%get3A_281, %get3A_282, %get3A_283] {strides = array<i32>} : memref<2x80x128xf32, #tpu.memory_space<vmem>>, vector<1x1x16xf32>,
      %get3A_285 = vector.shape_cast %get3A_284 : vector<1x1x16xf32> to vector<16xf32>
      %max3A = arith.constant 1.000000e+00 : f32
      %max3A_286 = vector.broadcast %max3A : f32 to vector<16xf32>
      %max3A_287 = arith.maximumf %get3A_285, %max3A_286 : vector<16xf32>
      %div3A = arith.constant 1.000000e+00 : f32
      %div3A_288 = vector.broadcast %div3A : f32 to vector<16xf32>
      %div3A_289 = arith.divf %div3A_288, %max3A_287 : vector<16xf32>
      %get3A_290 = arith.constant 0 : i32
      %get3A_291 = arith.index_cast %get3A_290 : i32 to index
      %get3A_292 = arith.index_cast %scan3A_279 : i32 to index
      %get3A_293 = arith.constant 0 : index
      %get3A_294 = tpu.vector_load %arg10[%get3A_291, %get3A_292, %get3A_293] {strides = array<i32>} : memref<2x80x128xf32, #tpu.memory_space<vmem>>, vector<1x1x16xf32>,
      %get3A_295 = vector.shape_cast %get3A_294 : vector<1x1x16xf32> to vector<16xf32>
      %mul3A_296 = arith.mulf %get3A_295, %div3A_289 : vector<16xf32>
      %swap3A = arith.constant 0 : i32
      %swap3A_297 = arith.index_cast %swap3A : i32 to index
      %swap3A_298 = arith.index_cast %scan3A_279 : i32 to index
      %swap3A_299 = arith.constant 0 : index
      %swap3A_300 = tpu.vector_load %arg10[%swap3A_297, %swap3A_298, %swap3A_299] {strides = array<i32>} : memref<2x80x128xf32, #tpu.memory_space<vmem>>, vector<1x1x16xf32>,
      %swap3A_301 = vector.shape_cast %swap3A_300 : vector<1x1x16xf32> to vector<16xf32>
      %swap3A_302 = vector.shape_cast %mul3A_296 : vector<16xf32> to vector<1x1x16xf32>
      tpu.vector_store %arg10[%swap3A_297, %swap3A_298, %swap3A_299], %swap3A_302 {strides = array<i32>} : memref<2x80x128xf32, #tpu.memory_space<vmem>>, vector<1x1x16xf32>,
      %get3A_303 = arith.constant 0 : i32
      %get3A_304 = arith.index_cast %get3A_303 : i32 to index
      %get3A_305 = arith.index_cast %scan3A_279 : i32 to index
      %get3A_306 = arith.constant 16 : index
      %get3A_307 = tpu.vector_load %arg10[%get3A_304, %get3A_305, %get3A_306] {strides = array<i32>} : memref<2x80x128xf32, #tpu.memory_space<vmem>>, vector<1x1x16xf32>,
      %get3A_308 = vector.shape_cast %get3A_307 : vector<1x1x16xf32> to vector<16xf32>
      %mul3A_309 = arith.mulf %get3A_308, %div3A_289 : vector<16xf32>
      %swap3A_310 = arith.constant 0 : i32
      %swap3A_311 = arith.index_cast %swap3A_310 : i32 to index
      %swap3A_312 = arith.index_cast %scan3A_279 : i32 to index
      %swap3A_313 = arith.constant 16 : index
      %swap3A_314 = tpu.vector_load %arg10[%swap3A_311, %swap3A_312, %swap3A_313] {strides = array<i32>} : memref<2x80x128xf32, #tpu.memory_space<vmem>>, vector<1x1x16xf32>,
      %swap3A_315 = vector.shape_cast %swap3A_314 : vector<1x1x16xf32> to vector<16xf32>
      %swap3A_316 = vector.shape_cast %mul3A_309 : vector<16xf32> to vector<1x1x16xf32>
      tpu.vector_store %arg10[%swap3A_311, %swap3A_312, %swap3A_313], %swap3A_316 {strides = array<i32>} : memref<2x80x128xf32, #tpu.memory_space<vmem>>, vector<1x1x16xf32>,
      %get3A_317 = arith.constant 0 : i32
      %get3A_318 = arith.index_cast %get3A_317 : i32 to index
      %get3A_319 = arith.index_cast %scan3A_279 : i32 to index
      %get3A_320 = arith.constant 32 : index
      %get3A_321 = tpu.vector_load %arg10[%get3A_318, %get3A_319, %get3A_320] {strides = array<i32>} : memref<2x80x128xf32, #tpu.memory_space<vmem>>, vector<1x1x16xf32>,
      %get3A_322 = vector.shape_cast %get3A_321 : vector<1x1x16xf32> to vector<16xf32>
      %mul3A_323 = arith.mulf %get3A_322, %div3A_289 : vector<16xf32>
      %swap3A_324 = arith.constant 0 : i32
      %swap3A_325 = arith.index_cast %swap3A_324 : i32 to index
      %swap3A_326 = arith.index_cast %scan3A_279 : i32 to index
      %swap3A_327 = arith.constant 32 : index
      %swap3A_328 = tpu.vector_load %arg10[%swap3A_325, %swap3A_326, %swap3A_327] {strides = array<i32>} : memref<2x80x128xf32, #tpu.memory_space<vmem>>, vector<1x1x16xf32>,
      %swap3A_329 = vector.shape_cast %swap3A_328 : vector<1x1x16xf32> to vector<16xf32>
      %swap3A_330 = vector.shape_cast %mul3A_323 : vector<16xf32> to vector<1x1x16xf32>
      tpu.vector_store %arg10[%swap3A_325, %swap3A_326, %swap3A_327], %swap3A_330 {strides = array<i32>} : memref<2x80x128xf32, #tpu.memory_space<vmem>>, vector<1x1x16xf32>,
      %get3A_331 = arith.constant 0 : i32
      %get3A_332 = arith.index_cast %get3A_331 : i32 to index
      %get3A_333 = arith.index_cast %scan3A_279 : i32 to index
      %get3A_334 = arith.constant 48 : index
      %get3A_335 = tpu.vector_load %arg10[%get3A_332, %get3A_333, %get3A_334] {strides = array<i32>} : memref<2x80x128xf32, #tpu.memory_space<vmem>>, vector<1x1x16xf32>,
      %get3A_336 = vector.shape_cast %get3A_335 : vector<1x1x16xf32> to vector<16xf32>
      %mul3A_337 = arith.mulf %get3A_336, %div3A_289 : vector<16xf32>
      %swap3A_338 = arith.constant 0 : i32
      %swap3A_339 = arith.index_cast %swap3A_338 : i32 to index
      %swap3A_340 = arith.index_cast %scan3A_279 : i32 to index
      %swap3A_341 = arith.constant 48 : index
      %swap3A_342 = tpu.vector_load %arg10[%swap3A_339, %swap3A_340, %swap3A_341] {strides = array<i32>} : memref<2x80x128xf32, #tpu.memory_space<vmem>>, vector<1x1x16xf32>,
      %swap3A_343 = vector.shape_cast %swap3A_342 : vector<1x1x16xf32> to vector<16xf32>
      %swap3A_344 = vector.shape_cast %mul3A_337 : vector<16xf32> to vector<1x1x16xf32>
      tpu.vector_store %arg10[%swap3A_339, %swap3A_340, %swap3A_341], %swap3A_344 {strides = array<i32>} : memref<2x80x128xf32, #tpu.memory_space<vmem>>, vector<1x1x16xf32>,
      %get3A_345 = arith.constant 0 : i32
      %get3A_346 = arith.index_cast %get3A_345 : i32 to index
      %get3A_347 = arith.index_cast %scan3A_279 : i32 to index
      %get3A_348 = arith.constant 64 : index
      %get3A_349 = tpu.vector_load %arg10[%get3A_346, %get3A_347, %get3A_348] {strides = array<i32>} : memref<2x80x128xf32, #tpu.memory_space<vmem>>, vector<1x1x16xf32>,
      %get3A_350 = vector.shape_cast %get3A_349 : vector<1x1x16xf32> to vector<16xf32>
      %mul3A_351 = arith.mulf %get3A_350, %div3A_289 : vector<16xf32>
      %swap3A_352 = arith.constant 0 : i32
      %swap3A_353 = arith.index_cast %swap3A_352 : i32 to index
      %swap3A_354 = arith.index_cast %scan3A_279 : i32 to index
      %swap3A_355 = arith.constant 64 : index
      %swap3A_356 = tpu.vector_load %arg10[%swap3A_353, %swap3A_354, %swap3A_355] {strides = array<i32>} : memref<2x80x128xf32, #tpu.memory_space<vmem>>, vector<1x1x16xf32>,
      %swap3A_357 = vector.shape_cast %swap3A_356 : vector<1x1x16xf32> to vector<16xf32>
      %swap3A_358 = vector.shape_cast %mul3A_351 : vector<16xf32> to vector<1x1x16xf32>
      tpu.vector_store %arg10[%swap3A_353, %swap3A_354, %swap3A_355], %swap3A_358 {strides = array<i32>} : memref<2x80x128xf32, #tpu.memory_space<vmem>>, vector<1x1x16xf32>,
      %get3A_359 = arith.constant 0 : i32
      %get3A_360 = arith.index_cast %get3A_359 : i32 to index
      %get3A_361 = arith.index_cast %scan3A_279 : i32 to index
      %get3A_362 = arith.constant 80 : index
      %get3A_363 = tpu.vector_load %arg10[%get3A_360, %get3A_361, %get3A_362] {strides = array<i32>} : memref<2x80x128xf32, #tpu.memory_space<vmem>>, vector<1x1x16xf32>,
      %get3A_364 = vector.shape_cast %get3A_363 : vector<1x1x16xf32> to vector<16xf32>
      %mul3A_365 = arith.mulf %get3A_364, %div3A_289 : vector<16xf32>
      %swap3A_366 = arith.constant 0 : i32
      %swap3A_367 = arith.index_cast %swap3A_366 : i32 to index
      %swap3A_368 = arith.index_cast %scan3A_279 : i32 to index
      %swap3A_369 = arith.constant 80 : index
      %swap3A_370 = tpu.vector_load %arg10[%swap3A_367, %swap3A_368, %swap3A_369] {strides = array<i32>} : memref<2x80x128xf32, #tpu.memory_space<vmem>>, vector<1x1x16xf32>,
      %swap3A_371 = vector.shape_cast %swap3A_370 : vector<1x1x16xf32> to vector<16xf32>
      %swap3A_372 = vector.shape_cast %mul3A_365 : vector<16xf32> to vector<1x1x16xf32>
      tpu.vector_store %arg10[%swap3A_367, %swap3A_368, %swap3A_369], %swap3A_372 {strides = array<i32>} : memref<2x80x128xf32, #tpu.memory_space<vmem>>, vector<1x1x16xf32>,
      %get3A_373 = arith.constant 0 : i32
      %get3A_374 = arith.index_cast %get3A_373 : i32 to index
      %get3A_375 = arith.index_cast %scan3A_279 : i32 to index
      %get3A_376 = arith.constant 96 : index
      %get3A_377 = tpu.vector_load %arg10[%get3A_374, %get3A_375, %get3A_376] {strides = array<i32>} : memref<2x80x128xf32, #tpu.memory_space<vmem>>, vector<1x1x16xf32>,
      %get3A_378 = vector.shape_cast %get3A_377 : vector<1x1x16xf32> to vector<16xf32>
      %mul3A_379 = arith.mulf %get3A_378, %div3A_289 : vector<16xf32>
      %swap3A_380 = arith.constant 0 : i32
      %swap3A_381 = arith.index_cast %swap3A_380 : i32 to index
      %swap3A_382 = arith.index_cast %scan3A_279 : i32 to index
      %swap3A_383 = arith.constant 96 : index
      %swap3A_384 = tpu.vector_load %arg10[%swap3A_381, %swap3A_382, %swap3A_383] {strides = array<i32>} : memref<2x80x128xf32, #tpu.memory_space<vmem>>, vector<1x1x16xf32>,
      %swap3A_385 = vector.shape_cast %swap3A_384 : vector<1x1x16xf32> to vector<16xf32>
      %swap3A_386 = vector.shape_cast %mul3A_379 : vector<16xf32> to vector<1x1x16xf32>
      tpu.vector_store %arg10[%swap3A_381, %swap3A_382, %swap3A_383], %swap3A_386 {strides = array<i32>} : memref<2x80x128xf32, #tpu.memory_space<vmem>>, vector<1x1x16xf32>,
      %get3A_387 = arith.constant 0 : i32
      %get3A_388 = arith.index_cast %get3A_387 : i32 to index
      %get3A_389 = arith.index_cast %scan3A_279 : i32 to index
      %get3A_390 = arith.constant 112 : index
      %get3A_391 = tpu.vector_load %arg10[%get3A_388, %get3A_389, %get3A_390] {strides = array<i32>} : memref<2x80x128xf32, #tpu.memory_space<vmem>>, vector<1x1x16xf32>,
      %get3A_392 = vector.shape_cast %get3A_391 : vector<1x1x16xf32> to vector<16xf32>
      %mul3A_393 = arith.mulf %get3A_392, %div3A_289 : vector<16xf32>
      %swap3A_394 = arith.constant 0 : i32
      %swap3A_395 = arith.index_cast %swap3A_394 : i32 to index
      %swap3A_396 = arith.index_cast %scan3A_279 : i32 to index
      %swap3A_397 = arith.constant 112 : index
      %swap3A_398 = tpu.vector_load %arg10[%swap3A_395, %swap3A_396, %swap3A_397] {strides = array<i32>} : memref<2x80x128xf32, #tpu.memory_space<vmem>>, vector<1x1x16xf32>,
      %swap3A_399 = vector.shape_cast %swap3A_398 : vector<1x1x16xf32> to vector<16xf32>
      %swap3A_400 = vector.shape_cast %mul3A_393 : vector<16xf32> to vector<1x1x16xf32>
      tpu.vector_store %arg10[%swap3A_395, %swap3A_396, %swap3A_397], %swap3A_400 {strides = array<i32>} : memref<2x80x128xf32, #tpu.memory_space<vmem>>, vector<1x1x16xf32>,
    }
    %scan3A_265 = arith.constant 80 : i32
    %add3A_266 = arith.constant 7512 : i32
    %add3A_267 = arith.addi %add3A_266, %add3A_257 : i32
    %lt3A_268 = arith.constant 15 : i32
    %lt3A_269 = arith.cmpi slt, %arg1, %lt3A_268 : i32
    %convert_element_type3A_270 = arith.extui %lt3A_269 : i1 to i32
    %cond3A_271 = arith.constant 0 : i32
    %cond3A_272 = arith.cmpi ne, %convert_element_type3A_270, %cond3A_271 : i32
    scf.if %cond3A_272 {
      %mul3A_279 = arith.constant 128 : i32
      %mul3A_280 = arith.muli %arg0, %mul3A_279 : i32
      %run_scoped3A_281 = arith.constant 0 : i32
      "tpu.region"() ({
        %run_scoped3A_282 = tpu.sem_alloc : memref<!tpu.dma_semaphore, #tpu.memory_space<semaphore_mem>>
        %dma_start3A = arith.constant 0 : i32
        %dma_start3A_283 = arith.constant 0 : i32
        %dma_start3A_284 = tpu.memref_slice %arg10[%run_scoped3A_281, %dma_start3A, %dma_start3A_283] : memref<2x80x128xf32, #tpu.memory_space<vmem>> -> memref<1x80x128xf32, #tpu.memory_space<vmem>>
        %dma_start3A_285 = tpu.memref_squeeze %dma_start3A_284 : memref<1x80x128xf32, #tpu.memory_space<vmem>> -> memref<80x128xf32, #tpu.memory_space<vmem>>
        %dma_start3A_286 = tpu.memref_slice %arg7[%add3A_267, %mul3A_280] : memref<10000x256xf32, #tpu.memory_space<hbm>> -> memref<80x128xf32, #tpu.memory_space<hbm>>
        %dma_start3A_287 = tpu.memref_slice %arg7[%add3A_267, %mul3A_280] : memref<10000x256xf32, #tpu.memory_space<hbm>> -> memref<80x128xf32, #tpu.memory_space<hbm>>
        %dma_start3A_288 = arith.constant 0 : i32
        %dma_start3A_289 = arith.constant 0 : i32
        %dma_start3A_290 = tpu.memref_slice %arg10[%run_scoped3A_281, %dma_start3A_288, %dma_start3A_289] : memref<2x80x128xf32, #tpu.memory_space<vmem>> -> memref<1x80x128xf32, #tpu.memory_space<vmem>>
        %dma_start3A_291 = tpu.memref_squeeze %dma_start3A_290 : memref<1x80x128xf32, #tpu.memory_space<vmem>> -> memref<80x128xf32, #tpu.memory_space<vmem>>
        tpu.enqueue_dma source(%dma_start3A_291 : memref<80x128xf32, #tpu.memory_space<vmem>>) target(%dma_start3A_287 : memref<80x128xf32, #tpu.memory_space<hbm>>) target_semaphore(%run_scoped3A_282 : memref<!tpu.dma_semaphore, #tpu.memory_space<semaphore_mem>>)
        %dma_wait3A = arith.constant 0 : i32
        %dma_wait3A_292 = arith.constant 0 : i32
        %dma_wait3A_293 = tpu.memref_slice %arg10[%run_scoped3A_281, %dma_wait3A, %dma_wait3A_292] : memref<2x80x128xf32, #tpu.memory_space<vmem>> -> memref<1x80x128xf32, #tpu.memory_space<vmem>>
        %dma_wait3A_294 = tpu.memref_squeeze %dma_wait3A_293 : memref<1x80x128xf32, #tpu.memory_space<vmem>> -> memref<80x128xf32, #tpu.memory_space<vmem>>
        %dma_wait3A_295 = tpu.memref_slice %arg7[%add3A_267, %mul3A_280] : memref<10000x256xf32, #tpu.memory_space<hbm>> -> memref<80x128xf32, #tpu.memory_space<hbm>>
        %dma_wait3A_296 = tpu.memref_slice %arg7[%add3A_267, %mul3A_280] : memref<10000x256xf32, #tpu.memory_space<hbm>> -> memref<80x128xf32, #tpu.memory_space<hbm>>
        %dma_wait3A_297 = arith.constant 0 : i32
        %dma_wait3A_298 = arith.constant 0 : i32
        %dma_wait3A_299 = tpu.memref_slice %arg10[%run_scoped3A_281, %dma_wait3A_297, %dma_wait3A_298] : memref<2x80x128xf32, #tpu.memory_space<vmem>> -> memref<1x80x128xf32, #tpu.memory_space<vmem>>
        %dma_wait3A_300 = tpu.memref_squeeze %dma_wait3A_299 : memref<1x80x128xf32, #tpu.memory_space<vmem>> -> memref<80x128xf32, #tpu.memory_space<vmem>>
        tpu.wait_dma2 semaphore(%run_scoped3A_282 : memref<!tpu.dma_semaphore, #tpu.memory_space<semaphore_mem>>) src(%dma_wait3A_300 : memref<80x128xf32, #tpu.memory_space<vmem>>) dst(%dma_wait3A_296 : memref<80x128xf32, #tpu.memory_space<hbm>>)
        tpu.yield
      }) : () -> ()
    } else {
    }
    %eq3A_273 = arith.constant 15 : i32
    %eq3A_274 = arith.cmpi eq, %arg1, %eq3A_273 : i32
    %convert_element_type3A_275 = arith.extui %eq3A_274 : i1 to i32
    %cond3A_276 = arith.constant 0 : i32
    %cond3A_277 = arith.cmpi ne, %convert_element_type3A_275, %cond3A_276 : i32
    scf.if %cond3A_277 {
      %mul3A_279 = arith.constant 128 : i32
      %mul3A_280 = arith.muli %arg0, %mul3A_279 : i32
      %run_scoped3A_281 = arith.constant 0 : i32
      "tpu.region"() ({
        %run_scoped3A_282 = tpu.sem_alloc : memref<!tpu.dma_semaphore, #tpu.memory_space<semaphore_mem>>
        %dma_start3A = arith.constant 0 : i32
        %dma_start3A_283 = arith.constant 0 : i32
        %dma_start3A_284 = tpu.memref_slice %arg10[%run_scoped3A_281, %dma_start3A, %dma_start3A_283] : memref<2x80x128xf32, #tpu.memory_space<vmem>> -> memref<1x8x128xf32, #tpu.memory_space<vmem>>
        %dma_start3A_285 = tpu.memref_squeeze %dma_start3A_284 : memref<1x8x128xf32, #tpu.memory_space<vmem>> -> memref<8x128xf32, #tpu.memory_space<vmem>>
        %dma_start3A_286 = tpu.memref_slice %arg7[%add3A_267, %mul3A_280] : memref<10000x256xf32, #tpu.memory_space<hbm>> -> memref<8x128xf32, #tpu.memory_space<hbm>>
        %dma_start3A_287 = tpu.memref_slice %arg7[%add3A_267, %mul3A_280] : memref<10000x256xf32, #tpu.memory_space<hbm>> -> memref<8x128xf32, #tpu.memory_space<hbm>>
        %dma_start3A_288 = arith.constant 0 : i32
        %dma_start3A_289 = arith.constant 0 : i32
        %dma_start3A_290 = tpu.memref_slice %arg10[%run_scoped3A_281, %dma_start3A_288, %dma_start3A_289] : memref<2x80x128xf32, #tpu.memory_space<vmem>> -> memref<1x8x128xf32, #tpu.memory_space<vmem>>
        %dma_start3A_291 = tpu.memref_squeeze %dma_start3A_290 : memref<1x8x128xf32, #tpu.memory_space<vmem>> -> memref<8x128xf32, #tpu.memory_space<vmem>>
        tpu.enqueue_dma source(%dma_start3A_291 : memref<8x128xf32, #tpu.memory_space<vmem>>) target(%dma_start3A_287 : memref<8x128xf32, #tpu.memory_space<hbm>>) target_semaphore(%run_scoped3A_282 : memref<!tpu.dma_semaphore, #tpu.memory_space<semaphore_mem>>)
        %dma_wait3A = arith.constant 0 : i32
        %dma_wait3A_292 = arith.constant 0 : i32
        %dma_wait3A_293 = tpu.memref_slice %arg10[%run_scoped3A_281, %dma_wait3A, %dma_wait3A_292] : memref<2x80x128xf32, #tpu.memory_space<vmem>> -> memref<1x8x128xf32, #tpu.memory_space<vmem>>
        %dma_wait3A_294 = tpu.memref_squeeze %dma_wait3A_293 : memref<1x8x128xf32, #tpu.memory_space<vmem>> -> memref<8x128xf32, #tpu.memory_space<vmem>>
        %dma_wait3A_295 = tpu.memref_slice %arg7[%add3A_267, %mul3A_280] : memref<10000x256xf32, #tpu.memory_space<hbm>> -> memref<8x128xf32, #tpu.memory_space<hbm>>
        %dma_wait3A_296 = tpu.memref_slice %arg7[%add3A_267, %mul3A_280] : memref<10000x256xf32, #tpu.memory_space<hbm>> -> memref<8x128xf32, #tpu.memory_space<hbm>>
        %dma_wait3A_297 = arith.constant 0 : i32
        %dma_wait3A_298 = arith.constant 0 : i32
        %dma_wait3A_299 = tpu.memref_slice %arg10[%run_scoped3A_281, %dma_wait3A_297, %dma_wait3A_298] : memref<2x80x128xf32, #tpu.memory_space<vmem>> -> memref<1x8x128xf32, #tpu.memory_space<vmem>>
        %dma_wait3A_300 = tpu.memref_squeeze %dma_wait3A_299 : memref<1x8x128xf32, #tpu.memory_space<vmem>> -> memref<8x128xf32, #tpu.memory_space<vmem>>
        tpu.wait_dma2 semaphore(%run_scoped3A_282 : memref<!tpu.dma_semaphore, #tpu.memory_space<semaphore_mem>>) src(%dma_wait3A_300 : memref<8x128xf32, #tpu.memory_space<vmem>>) dst(%dma_wait3A_296 : memref<8x128xf32, #tpu.memory_space<hbm>>)
        tpu.yield
      }) : () -> ()
    } else {
    }
    %barrier3A_278 = arith.constant 0 : index
    tpu.barrier barrier_id(%barrier3A_278)
    return
  }
}

</mosaic_0001>

<sc_bundles>
// kernel: kernel.3.cloned.1.call-start
scs
__scs_entry_jumppad:
0x0: {  	(pc) =	sbr.rel $0x88, $3  }
0x1: {  	(tag) =	ssettag $0x0;
	lr =	simm.s32 $0x1  }
0x2: {  	[smem:$0x3F9F] =	sst lr;
	_ =	strace $0xD0000000  }
0x3: {  	_ = 	snop  }
0x4: {  	_ = 	snop  }
0x5: {  	_ = 	snop  }
0x6: {  	_ = 	snop  }
0x7: {  	_ = 	snop  }
__scs_overlays_trampoline_lowered:
0x8: {  	[smem:$0x3FAE] =	sst s0  }
0x9: {  	[smem:$0x3FAF] =	sst s1  }
0xa: {  	[smem:$0x3FB0] =	sst s2  }
0xb: {  	[smem:$0x3FB1] =	sst s3  }
0xc: {  	[smem:$0x3FB2] =	sst s4  }
0xd: {  	[smem:$0x3FB3] =	sst s5  }
0xe: {  	[smem:$0x3FB4] =	sst s6  }
0xf: {  	[smem:$0x3FB5] =	sst s7  }
0x10: {  	[smem:$0x3FB6] =	sst s8  }
0x11: {  	[smem:$0x3FB7] =	sst s9;
	s0 =	simm.s32 @!p0 $0x0  }
0x12: {  	s1 =	sld [smem:$0x3F9D];
	s0 =	simm.s32 @p0 $0x1  }
0x13: {  	[smem:$0x3FB8] =	sst s0;
	s0 =	simm.s32 @!p1 $0x0  }
0x14: {  	s2 =	sld [smem:$0x3F9C];
	s0 =	simm.s32 @p1 $0x1  }
0x15: {  	[smem:$0x3FB9] =	sst s0;
	s0 =	simm.s32 @!p2 $0x0  }
0x16: {  	s3 =	sld [smem:$0x3FDB];
	s0 =	simm.s32 @p2 $0x1  }
0x17: {  	s4 =	simm.s32 $0x1BF5;
	[smem:$0x3FBB] =	sst s0  }
0x18: {  	s0 =	sld [smem:$0x3F9E];
	_ =	swait.ge [sflag:s4], $0x0  }
0x19: {  	s7 =	sld [smem:$0x3F9F]  }
0x1a: {  	s8 =	sadd.s32 $0xFFFFE003, lr  }
0x1b: {  	s9 =	sadd.s32 $0xFFFFFEF7, lr;
	s5 =	simm.s32 $0xFFFFFFFF;
	p2 =	slt.u32 s8, $0xFFFFF086  }
0x1c: {  	p1 =	slt.u32 s9, $0xF7A;
	s5 =	simm.s32 @!p2 $0x0  }
0x1d: {  	s5 =	simm.s32 @p1 $0x1;
	p0 =	seq.s32 s7, s2  }
0x1e: {  	s7 =	smul.u32 @!p0 $0xF7A, s2;
	p2 =	seq.s32 @!p0 s5, $0x0  }
0x1f: {  	s9 =	smul.u32 $0xF7A, s1;
	s8 =	simm.s32 @!p0 $0x1BF5;
	p2 =	por !p2, p0  }
0x20: {  	[sflag:s8] =	ssyncset.s32 @!p0 $0xFFFFF086;
	s6 =	sadd.s32 @!p0 s3, s7;
	s7 =	simm.s32 @!p0 $0x108  }
0x21: {  	s3 =	sadd.s32 s3, s9;
	s6 =	sadd.s32 @!p0 $0x88, s6;
	s7 =	simm.s32 @p2 $0x1082  }
0x22: {  	[simem:s7], [sflag:s8] =	dma.local @!p0 [hbm:s6], $0xF7A  }
0x23: {  	s9 =	sor.u32 $0xD0000000, s2;
	s6 =	simm.s32 $0x108;
	_ =	swait.ge @!p0 [sflag:s8], $0x0  }
0x24: {  	s3 =	sadd.s32 $0x88, s3;
	s6 =	simm.s32 @!p1 $0x1082;
	[sflag:s4] =	ssyncset.s32 $0xFFFFF086  }
0x25: {  	[simem:s6], [sflag:s4] =	dma.local [hbm:s3], $0xF7A  }
0x26: {  	[smem:$0x3F9F] =	sst s1;
	(tag) =	ssettag s2;
	_ =	strace s9  }
0x27: {  	s1 =	sld [smem:$0x3FAF]  }
0x28: {  	s2 =	sld [smem:$0x3FB0]  }
0x29: {  	s4 =	sld [smem:$0x3FB2]  }
0x2a: {  	p0 =	seq.s32 s5, $0x0;
	s5 =	sld [smem:$0x3FB3]  }
0x2b: {  	s6 =	sld [smem:$0x3FB4]  }
0x2c: {  	s7 =	sld [smem:$0x3FB5]  }
0x2d: {  	s3 =	simm.s32 $0x108;
	s8 =	sld [smem:$0x3FB6]  }
0x2e: {  	s3 =	simm.s32 @!p0 $0x1082;
	s9 =	sld [smem:$0x3FB7]  }
0x2f: {  	lr =	sadd.s32 s0, s3;
	s0 =	sld [smem:$0x3FAE]  }
0x30: {  	s3 =	sld [smem:$0x3FB1]  }
0x31: {  	[smem:$0x3FBA] =	sst s10  }
0x32: {  	s10 =	sld [smem:$0x3FB8];
	_ =	sdelay $0x3  }
0x33: {  	p0 =	seq.s32 s10, $0x1;
	s10 =	sld [smem:$0x3FBA];
	_ =	sdelay $0x3  }
0x34: {  	[smem:$0x3FBA] =	sst s10  }
0x35: {  	s10 =	sld [smem:$0x3FB9];
	_ =	sdelay $0x3  }
0x36: {  	p1 =	seq.s32 s10, $0x1;
	s10 =	sld [smem:$0x3FBA];
	_ =	sdelay $0x3  }
0x37: {  	[smem:$0x3FBA] =	sst s10  }
0x38: {  	s10 =	sld [smem:$0x3FBB]  }
0x39: {  	_ = 	snop;
	(pc) =	sbr.ind lr, $3  }
0x3a: {  	_ = 	snop  }
0x3b: {  	_ = 	snop  }
0x3c: {  	p2 =	seq.s32 s10, $0x1;
	s10 =	sld [smem:$0x3FBA]  }
0x3d: {  	_ =	shalt  }
0x3e: {  	_ =	shalt  }
0x3f: {  	_ =	shalt  }
0x40: {  	_ =	shalt  }
0x41: {  	_ =	shalt  }
0x42: {  	_ =	shalt  }
0x43: {  	_ =	shalt  }
0x44: {  	_ =	shalt  }
0x45: {  	_ =	shalt  }
0x46: {  	_ =	shalt  }
0x47: {  	_ =	shalt  }
0x48: {  	_ =	shalt  }
0x49: {  	_ =	shalt  }
0x4a: {  	_ =	shalt  }
0x4b: {  	_ =	shalt  }
0x4c: {  	_ =	shalt  }
0x4d: {  	_ =	shalt  }
0x4e: {  	_ =	shalt  }
0x4f: {  	_ =	shalt  }
0x50: {  	_ =	shalt  }
0x51: {  	_ =	shalt  }
0x52: {  	_ =	shalt  }
0x53: {  	_ =	shalt  }
0x54: {  	_ =	shalt  }
0x55: {  	_ =	shalt  }
0x56: {  	_ =	shalt  }
0x57: {  	_ =	shalt  }
0x58: {  	_ =	shalt  }
0x59: {  	_ =	shalt  }
0x5a: {  	_ =	shalt  }
0x5b: {  	_ =	shalt  }
0x5c: {  	_ =	shalt  }
0x5d: {  	_ =	shalt  }
0x5e: {  	_ =	shalt  }
0x5f: {  	_ =	shalt  }
0x60: {  	_ =	shalt  }
0x61: {  	_ =	shalt  }
0x62: {  	_ =	shalt  }
0x63: {  	_ =	shalt  }
0x64: {  	_ =	shalt  }
0x65: {  	_ =	shalt  }
0x66: {  	_ =	shalt  }
0x67: {  	_ =	shalt  }
0x68: {  	_ =	shalt  }
0x69: {  	_ =	shalt  }
0x6a: {  	_ =	shalt  }
0x6b: {  	_ =	shalt  }
0x6c: {  	_ =	shalt  }
0x6d: {  	_ =	shalt  }
0x6e: {  	_ =	shalt  }
0x6f: {  	_ =	shalt  }
0x70: {  	_ =	shalt  }
0x71: {  	_ =	shalt  }
0x72: {  	_ =	shalt  }
0x73: {  	_ =	shalt  }
0x74: {  	_ =	shalt  }
0x75: {  	_ =	shalt  }
0x76: {  	_ =	shalt  }
0x77: {  	_ =	shalt  }
0x78: {  	_ =	shalt  }
0x79: {  	_ =	shalt  }
0x7a: {  	_ =	shalt  }
0x7b: {  	_ =	shalt  }
0x7c: {  	_ =	shalt  }
0x7d: {  	_ =	shalt  }
0x7e: {  	_ =	shalt  }
0x7f: {  	_ =	shalt  }
0x80: {  	_ =	shalt  }
0x81: {  	_ =	shalt  }
0x82: {  	_ =	shalt  }
0x83: {  	_ =	shalt  }
0x84: {  	_ =	shalt  }
0x85: {  	_ =	shalt  }
0x86: {  	_ =	shalt  }
0x87: {  	_ =	shalt  }
.Lfunc_end0:
.L_simem_size_0:
called_computation_lowered:
.L_overlay_start_0:
0x88: {  	s2 =	sld [smem:$0x3FD9]  }
0x89: {  	s3 =	sld [smem:$0x3FFE];
	_ =	sdelay $0x1  }
0x8a: {  	s1 =	srdreg.scid  }
0x8b: {  	s0 =	sand.u32 $0x1, s1  }
0x8c: {  	s17 =	sshll.u32 s0, $0xA;
	s2 =	sadd.s32 s3, s2  }
0x8d: {  	s2 =	sadd.s32 s2, s17  }
0x8e: {  	[smem:$0x3FC6] =	sst s2  }
0x8f: {  	_ = 	snop  }
0x90: {  	s2 =	sld [smem:$0x3FC9]  }
0x91: {  	s18 =	sld [smem:$0x3FD0];
	(tm) =	ssettm $0x1  }
0x92: {  	s4 =	sld [smem:$0x3FFB];
	_ =	sdelay $0x3  }
0x93: {  	_ =	strace s4  }
0x94: {  	s4 =	sld [smem:$0x3FFC];
	_ =	sdelay $0x3  }
0x95: {  	_ =	strace s4  }
0x96: {  	s4 =	sld [smem:$0x3FFD];
	_ =	sdelay $0x3  }
0x97: {  	_ =	strace s4  }
0x98: {  	_ =	strace $0x8FFFFFFF  }
0x99: {  	s19 =	sld [smem:$0x3FDB];
	_ =	sdelay $0x1  }
0x9a: {  	s5 =	simm.s32 $_scs_section_size  }
0x9b: {  	s6 =	simm.s32 $_size__tile_overlayer_lowered;
	s7 =	simm.s32 $_tile_overlayer_lowered  }
0x9c: {  	s22 =	simm.s32 $0x1BFF;
	s21 =	sshll.u32 s7, $0x1;
	s4 =	sadd.s32 s5, s19  }
0x9d: {  	s8 =	simm.s32 $0x0;
	s20 =	sshll.u32 s6, $0x1;
	s6 =	sadd.s32 s21, s4  }
0x9e: {  	[timem:s8], [sflag:s22] =	dma.local [hbm:s6], s20  }
0x9f: {  	_ =	swait.ge [sflag:s22], s20  }
0xa0: {  	s5 =	ssub.s32 $0x0, s20;
	[sflag:s22] =	ssyncset.done $0x0  }
0xa1: {  	[sflag:s22] =	ssyncadd.s32 s5;
	_ =	sdelay $0x1  }
0xa2: {  	s23 =	simm.s32 $0x1B8B  }
0xa3: {  	_ =	swait.ge [sflag:s23], $0x1  }
0xa4: {  	[sflag:s23] =	ssyncset.done $0x0  }
0xa5: {  	s25 =	simm.s32 $0x1B8E;
	s24 =	sld [smem:$0x3FFE];
	[sflag:s23] =	ssyncadd.s32 $0xFFFFFFFF  }
0xa6: {  	s26 =	simm.s32 $execute0_lowered;
	[smem:$0x3FD2] =	sst s25  }
0xa7: {  	s6 =	sshll.u32 s26, $0x1;
	_ =	strace $0x80000046;
	[dreg:$0x1] =	wrdreg $0xFFFFFFFF  }
0xa8: {  	s28 =	simm.s32 $_size_execute0_lowered;
	s4 =	sadd.s32 s4, s6;
	[dreg:$0x0] =	wrdreg $0x0  }
0xa9: {  	s6 =	sshll.u32 s28, $0x1;
	[dreg:$0x2] =	wrdreg s4  }
0xaa: {  	[dreg:$0x3] =	wrdreg s6  }
0xab: {  	[dreg:$0x4] =	wrdreg $0xC0  }
0xac: {  	_ =	task [dreg:s8], $0x5FFFF  }
0xad: {  	[dreg:$0x1] =	wrdreg $0xFFFFFFFF  }
0xae: {  	[dreg:$0x0] =	wrdreg $0x60  }
0xaf: {  	[dreg:$0x2] =	wrdreg s2  }
0xb0: {  	[dreg:$0x3] =	wrdreg s24  }
0xb1: {  	[dreg:$0x4] =	wrdreg s18  }
0xb2: {  	[dreg:$0x5] =	wrdreg $0xB9800  }
0xb3: {  	[dreg:$0x6] =	wrdreg $0x109C00  }
0xb4: {  	[dreg:$0x7] =	wrdreg $0x9  }
0xb5: {  	_ =	task.clear_ibuf [dreg:s8], $0x8FFFF;
	_ =	strace $0x90000046  }
0xb6: {  	s29 =	simm.s32 $0x9;
	_ =	strace $0x80000048  }
0xb7: {  	_ =	swait.ge [sflag:s29], $0x1  }
0xb8: {  	[sflag:s29] =	ssyncadd.s32 $0xFFFFFFFF  }
0xb9: {  	_ =	strace $0x90000048  }
0xba: {  	_ =	sfence  }
0xbb: {  	s30 =	sld [smem:$0x0];
	_ =	sdelay $0x2  }
0xbc: {  	s31 =	sshll.u32 s1, $0xD;
	s1 =	sshrl.u32 s1, $0x2  }
0xbd: {  	s3 =	sand.u32 $0x4000, s31;
	s1 =	sadd.s32 s1, s30  }
0xbe: {  	s0 =	sor.u32 s3, s0;
	s1 =	sshll.u32 s1, $0x11  }
0xbf: {  	s0 =	sor.u32 s1, s0  }
0xc0: {  	s0 =	sadd.s32 $0x8F2B, s0  }
0xc1: {  	[sflag:s0] =	ssyncadd.remote.s32 $0x1  }
0xc2: {  	_ =	sfence.sel $0xFFFF  }
0xc3: {  	[dreg:$0x0] =	wrdreg $0xFFFFFFFF;
	(pc) =	sbr.abs _section_cstart, $3  }
0xc4: {  	[dreg:$0x1] =	wrdreg $0xFFFFFFFF  }
0xc5: {  	_ =	task.clear_ibuf [dreg:s8], $0x2FFFF;
	_ =	strace $0x9FFFFFFF  }
0xc6: {  	(tm) =	ssettm $0x7FFFFFFF  }
0xc7: {  	_ =	shalt  }
tec
execute0_lowered:
.L_overlay_start_1:
0x0: {  	(tag) =	ssettag $0x1  }
0x1: {  	s1 =	rddreg [dreg:$0x0]  }
0x2: {  	s0 =	rddreg [dreg:$0x1]  }
0x3: {  	s4 =	rddreg [dreg:$0x2]  }
0x4: {  	s2 =	rddreg [dreg:$0x3]  }
0x5: {  	s3 =	rddreg [dreg:$0x4];
	s5 =	simm.s32 $0x0  }
0x6: {  	s13 =	stileid.u32;
	s7 =	srdreg.scid;
	s28 =	simm.s32 $0x400  }
0x7: {  	s29 =	simm.s32 $0x800;
	s30 =	simm.s32 $0x6900;
	[smem:$0x7FF] =	sst s5  }
0x8: {  	s16 =	sshll.u32 s13, $0x4;
	s6 =	sadd.s32 $0x8800, s0;
	s7 =	sand.u32 $0x1, s7  }
0x9: {  	s8 =	sadd.s32 $0x8200, s0;
	s9 =	smul.u32 $0xA0, s13;
	s11 =	sshll.u32 s13, $0xB  }
0xa: {  	s18 =	smul.u32 $0xA000, s13;
	_ =	strace $0x80000047;
	s5 =	sadd.s32 s16, s0  }
0xb: {  	[dreg:$0xa] =	wrdreg s8;
	s17 =	ssub.s32 $0x2, s7;
	s0 =	sadd.s32 s0, s11  }
0xc: {  	s14 =	sshll.u32 s7, $0xA;
	s10 =	sshrl.u32 s17, $0x1;
	[dreg:$0xb] =	wrdreg s0  }
0xd: {  	s5 =	sadd.s32 $0x8000, s5;
	s0 =	sor.u32 s14, s18;
	[dreg:$0xd] =	wrdreg s14  }
0xe: {  	s19 =	sadd.s32 $0x50, s9;
	s8 =	ssub.s32 s17, s10;
	[dreg:$0xc] =	wrdreg s5  }
0xf: {  	s20 =	sshrl.u32 s0, $0x3;
	s21 =	sshll.u32 s19, $0x7;
	s5 =	sshll.u32 s19, $0x8  }
0x10: {  	s22 =	sadd.s32 $0x9C800, s0;
	s23 =	sadd.s32 $0xA1800, s0;
	s24 =	sadd.s32 $0x139000, s0  }
0x11: {  	s11 =	sadd.s32 $0x13E000, s0;
	s15 =	sadd.s32 $0x1D5800, s0;
	s9 =	sadd.s32 s4, s20  }
0x12: {  	s25 =	sshrl.u32 s23, $0x3;
	s23 =	smax.u32 s8, $0x1;
	[dreg:$0xe] =	wrdreg s9  }
0x13: {  	s0 =	sadd.s32 $0x1DA800, s0;
	s17 =	sadd.s32 s21, s2;
	[dreg:$0x1c] =	wrdreg s23  }
0x14: {  	s26 =	sadd.s32 s21, s3;
	s31 =	sshrl.u32 s24, $0x3;
	[dreg:$0xf] =	wrdreg s17  }
0x15: {  	s0 =	sshrl.u32 s0, $0x3;
	s9 =	sadd.s32 s4, s31;
	[dreg:$0x10] =	wrdreg s26  }
0x16: {  	s24 =	smul.u32 $0x2710, s13;
	s0 =	sadd.s32 s4, s0;
	[dreg:$0x14] =	wrdreg s9  }
0x17: {  	s18 =	smul.u32 $0x271000, s13;
	s5 =	sor.u32 s14, s5;
	[dreg:$0x17] =	wrdreg s0  }
0x18: {  	s5 =	sshrl.u32 s5, $0x3;
	s31 =	sadd.s32 $0x50000, s3;
	[dreg:$0x1e] =	wrdreg s24  }
0x19: {  	s12 =	smul.u32 $0x5000, s13;
	s5 =	sadd.s32 s4, s5;
	[smem:$0x7FD] =	sst s31  }
0x1a: {  	s7 =	sshll.u32 s7, $0x7;
	s0 =	sor.u32 s14, s18;
	[dreg:$0x11] =	wrdreg s5  }
0x1b: {  	s5 =	sadd.s32 s7, s4;
	s7 =	sshrl.u32 s22, $0x3;
	s0 =	sadd.s32 $0x5000, s0  }
0x1c: {  	p0 =	sne.s32 s13, $0x0;
	s7 =	sadd.s32 s4, s7;
	[dreg:$0x1d] =	wrdreg s0  }
0x1d: {  	p1 =	seq.s32 s13, $0xF;
	s19 =	sadd.s32 $0x13600, s5;
	[dreg:$0x12] =	wrdreg s7  }
0x1e: {  	s10 =	sadd.s32 s12, s2;
	s20 =	sadd.s32 $0x26F00, s5;
	[dreg:$0x18] =	wrdreg s19  }
0x1f: {  	s12 =	sadd.s32 s12, s3;
	s21 =	sadd.s32 $0x3A800, s5;
	[dreg:$0x19] =	wrdreg s20  }
0x20: {  	s16 =	sshrl.u32 s15, $0x3;
	s22 =	sadd.s32 $0x4E100, s5;
	[dreg:$0x1a] =	wrdreg s21  }
0x21: {  	s13 =	simm.s32 $0x4100;
	s7 =	sadd.s32 s4, s25;
	[dreg:$0x1b] =	wrdreg s22  }
0x22: {  	s25 =	sadd.s32 $0x50000, s2;
	[dreg:$0x13] =	wrdreg s7;
	s7 =	sshrl.u32 s11, $0x3  }
0x23: {  	s18 =	simm.s32 $0x0;
	[dreg:$0x1f] =	wrdreg s25;
	s7 =	sadd.s32 s4, s7  }
0x24: {  	s5 =	simm.s32 $0x7;
	[dreg:$0x15] =	wrdreg s7;
	s7 =	sadd.s32 s4, s16  }
0x25: {  	s16 =	simm.s32 $0x50;
	[dreg:$0x16] =	wrdreg s7;
	s7 =	simm.s32 $0x9100  }
.LBB2_1:
0x26: {  	s0 =	simm.s32 $0x0;
	s4 =	rddreg [dreg:$0xb]  }
0x27: {  	[tilespmem:s0], [sflag:$0x7] =	stream.linear.gather [hbm4b:s4+s0], $0x3E80, $0x38;
	[tilespmem:$0x15A00] =	vst v63  }
0x28: {  	_ =	swait.ge [sflag:s5], $0x3E80  }
0x29: {  	[sflag:s5] =	ssyncset.done $0x0  }
0x2a: {  	s8 =	simm.s32 $0xB900;
	s24 =	rddreg [dreg:$0xc];
	[sflag:s5] =	ssyncadd.s32 $0xFFFFC180  }
0x2b: {  	[tilespmem:s8], [sflag:$0x7] =	stream.linear.gather [hbm4b:s24+s0], $0x80, $0x38;
	[tilespmem:$0x15A00] =	vst v63  }
0x2c: {  	_ =	swait.ge [sflag:s5], $0x80  }
0x2d: {  	[sflag:s5] =	ssyncset.done $0x0  }
0x2e: {  	s25 =	rddreg [dreg:$0xa];
	[sflag:s5] =	ssyncadd.s32 $0xFFFFFF80  }
0x2f: {  	[tilespmem:s7], [sflag:$0x7] =	stream.linear.gather [hbm4b:s25+s0], $0x2800, $0x38;
	[tilespmem:$0x15A00] =	vst v63  }
0x30: {  	s31 =	stileid.u32;
	_ =	swait.ge [sflag:s5], $0x2800  }
0x31: {  	s0 =	sshll.u32 s31, $0x6;
	[sflag:s5] =	ssyncset.done $0x0  }
0x32: {  	s20 =	sshrl.u32 s10, $0x3;
	s19 =	sor.u32 $0x1C07, s0;
	[sflag:s5] =	ssyncadd.s32 $0xFFFFD800  }
0x33: {  	v0 =	vld [tilespmem:$0xB900];
	[spmem:s20], [sflag:s19] =	dma.local [hbm:s6], $0xA00  }
0x34: {  	_ =	swait.ge [sflag:s5], $0xA00  }
0x35: {  	[sflag:s5] =	ssyncset.done $0x0  }
0x36: {  	s21 =	sshrl.u32 s12, $0x3;
	[sflag:s5] =	ssyncadd.s32 $0xFFFFF600  }
0x37: {  	[spmem:s21], [sflag:s19] =	dma.local [hbm:s6], $0xA00  }
0x38: {  	_ =	swait.ge [sflag:s5], $0xA00  }
0x39: {  	[sflag:s5] =	ssyncset.done $0x0;
	s0 =	rddreg [dreg:$0x1f]  }
0x3a: {  	[sflag:s5] =	ssyncadd.s32 $0xFFFFF600;
	s22 =	sshrl.u32 @!p0 s0, $0x3;
	s0 =	simm.s32 @!p0 $0x7  }
0x3b: {  	[spmem:s22], [sflag:s19] =	dma.local @!p0 [hbm:s6], $0x80  }
0x3c: {  	_ =	swait.ge @!p0 [sflag:s0], $0x80  }
0x3d: {  	s4 =	sld [smem:$0x7FD];
	_ =	sdelay $0x1  }
0x3e: {  	[sflag:s0] =	ssyncset.done @!p0 $0x0  }
0x3f: {  	[sflag:s0] =	ssyncadd.s32 @!p0 $0xFFFFFF80;
	s23 =	sshrl.u32 @!p0 s4, $0x3  }
0x40: {  	[spmem:s23], [sflag:s19] =	dma.local @!p0 [hbm:s6], $0x80  }
0x41: {  	_ =	swait.ge @!p0 [sflag:s0], $0x80  }
0x42: {  	[sflag:s0] =	ssyncset.done @!p0 $0x0  }
0x43: {  	[sflag:s0] =	ssyncadd.s32 @!p0 $0xFFFFFF80  }
0x44: {  	[bflag:$0x0] =	sbarrier.arrive $0xFFFF  }
0x45: {  	(v2sf) =	vpush v0, $0x0  }
0x46: {  	(v2sf) =	vpush v0, $0x1;
	_ =	sdelay $0xd  }
0x47: {  	s24 =	spop (v2sf)  }
0x48: {  	s25 =	spop (v2sf)  }
0x49: {  	p2 =	sle.s32 s25, s24  }
.Ltmp0:
0x4a: {  	_ = 	snop;
	(pc) =	sbr.rel @p2 .LBB2_5-.Ltmp0, $1  }
0x4b: {  	_ =	sdelay $0x3  }
0x4c: {  	s0 =	smul.u32 $0x50, s24  }
0x4d: {  	s4 =	rddreg [dreg:$0x1e]  }
0x4e: {  	s0 =	sadd.s32 s4, s0  }
0x4f: {  	s11 =	rddreg [dreg:$0xd];
	s0 =	sshll.u32 s0, $0x8  }
0x50: {  	s0 =	sor.u32 s11, s0  }
0x51: {  	s0 =	sshrl.u32 s0, $0x3  }
0x52: {  	s14 =	sshll.u32 s24, $0x9;
	s0 =	sadd.s32 s1, s0  }
0x53: {  	[tilespmem:s13], [sflag:$0x1] =	stream.strided.gather [hbm4b:s0+s28], $0x2800, s29, s28, $0x38;
	[tilespmem:$0x15A00] =	vst v63  }
0x54: {  	s0 =	sshra.s32 s14, $0x2  }
0x55: {  	s0 =	sor.u32 $0x20, s0  }
0x56: {  	v1 =	vld [tilespmem:s0+$0xFFFFFFE0];
	_ =	sdelay $0x1  }
0x57: {  	s15 =	simm.s32 $0x0  }
0x58: {  	s4 =	sand.u32 $0xFFFFFFFE, s15  }
0x59: {  	s8 =	ssub.s32 $0x0, s4  }
0x5a: {  	s4 =	sshll.u32 s8, $0x9;
	vm0 =	vlt.u32 v1, $0x9C8  }
0x5b: {  	s4 =	sshra.s32 s4, $0x2;
	v1 =	vnsel vm0, $0xA00, v1  }
0x5c: {  	[tilespmem:s4+$0x4000] =	vst v1  }
0x5d: {  	v1 =	vld [tilespmem:s0+$0xFFFFFFF0];
	_ =	sdelay $0x4  }
0x5e: {  	vm12 =	vlt.u32 v1, $0x9C8  }
0x5f: {  	v1 =	vnsel vm12, $0xA00, v1  }
0x60: {  	[tilespmem:s4+$0x4010] =	vst v1  }
0x61: {  	v1 =	vld [tilespmem:s0+$0x0];
	_ =	sdelay $0x4  }
0x62: {  	vm13 =	vlt.u32 v1, $0x9C8  }
0x63: {  	v1 =	vnsel vm13, $0xA00, v1  }
0x64: {  	[tilespmem:s4+$0x4020] =	vst v1  }
0x65: {  	v1 =	vld [tilespmem:s0+$0x10];
	_ =	sdelay $0x4  }
0x66: {  	vm14 =	vlt.u32 v1, $0x9C8  }
0x67: {  	v1 =	vnsel vm14, $0xA00, v1  }
0x68: {  	[tilespmem:s4+$0x4030] =	vst v1  }
0x69: {  	v1 =	vld [tilespmem:s0+$0x20];
	_ =	sdelay $0x3  }
0x6a: {  	s11 =	ssub.s32 s25, s24  }
0x6b: {  	s9 =	smul.u32 $0x5000, s24;
	[dreg:$0x6] =	wrdreg s11;
	s14 =	sadd.s32 $0x0, s24;
	vm15 =	vlt.u32 v1, $0x9C8  }
0x6c: {  	s28 =	ssub.s32 $0x1, s8;
	s26 =	sadd.s32 $0x1, s14;
	p3 =	sle.s32 s14, s24;
	v1 =	vnsel vm15, $0xA00, v1  }
0x6d: {  	p2 =	sge.s32 s26, s25;
	s11 =	sadd.s32 @!p3 $0x3, s28;
	s26 =	rddreg [dreg:$0x1d];
	[tilespmem:s4+$0x4040] =	vst v1  }
0x6e: {  	s31 =	sadd.s32 $0x1, s8;
	s9 =	sadd.s32 s9, s26;
	_ =	swait.ge @!p3 [sflag:s11], $0x2800  }
0x6f: {  	s14 =	smul.u32 @!p2 $0xA000, s28;
	s29 =	sadd.s32 @!p2 $0x1, s28;
	[sflag:s11] =	ssyncset.done @!p3 $0x0  }
0x70: {  	s26 =	sshrl.u32 @!p2 s9, $0x3;
	[sflag:s11] =	ssyncadd.s32 @!p3 $0xFFFFD800;
	s11 =	sadd.s32 @!p3 $0x5, s28  }
0x71: {  	s30 =	simm.s32 @!p2 $0x800;
	s26 =	sadd.s32 @!p2 s1, s26;
	_ =	swait.ge @!p3 [sflag:s11], $0x2800  }
0x72: {  	s14 =	sshra.s32 @!p2 s14, $0x2;
	s28 =	smul.u32 $0xA000, s8;
	[sflag:s11] =	ssyncset.done @!p3 $0x0  }
0x73: {  	[sflag:s11] =	ssyncadd.s32 @!p3 $0xFFFFD800;
	s11 =	sadd.s32 @!p2 $0x4100, s14;
	s14 =	simm.s32 @!p2 $0x400  }
0x74: {  	[tilespmem:s11], [sflag:s29] =	stream.strided.gather @!p2 [hbm4b:s26+s14], $0x2800, s30, s14, $0x38;
	[tilespmem:$0x15A00] =	vst v63  }
0x75: {  	_ =	swait.ge [sflag:s31], $0x2800  }
0x76: {  	s29 =	sshra.s32 s28, $0x2;
	s28 =	rddreg [dreg:$0x6]  }
0x77: {  	p2 =	sne.s32 s28, $0x1  }
.Ltmp1:
0x78: {  	_ = 	snop;
	(pc) =	sbr.rel @!p2 .LBB2_4-.Ltmp1, $4  }
0x79: {  	s4 =	sadd.s32 $0x4000, s4;
	s30 =	sadd.s32 $0x3, s8;
	[sflag:s31] =	ssyncset.done $0x0  }
0x7a: {  	s26 =	simm.s32 $0x1;
	s11 =	sadd.s32 $0x4100, s29;
	[sflag:s31] =	ssyncadd.s32 $0xFFFFD800  }
0x7b: {  	s28 =	sadd.s32 $0x80, s0;
	s0 =	sadd.s32 $0x5, s8;
	s31 =	sadd.s32 $0x5000, s9  }
0x7c: {  	[spmem:s2] =	stream.indirect.scatter.add.f32 [tilespmem:s11], [sflag:s30], $0x80, s4, s16, $0xb8;
	[tilespmem:$0x15A00] =	vst v63  }
.LBB2_3:
0x7d: {  	[spmem:s3] =	stream.indirect.scatter.add.f32 [tilespmem:s7], [sflag:s0], $0x80, s4, s16, $0xb8;
	[tilespmem:$0x15A00] =	vst v63  }
0x7e: {  	s9 =	smov.u32 s26;
	v1 =	vld [tilespmem:s28+$0xFFFFFFE0]  }
0x7f: {  	s11 =	sshrl.u32 s9, $0x1F  }
0x80: {  	s4 =	sadd.s32 s11, s9  }
0x81: {  	s4 =	sand.u32 $0xFFFFFFFE, s4  }
0x82: {  	s0 =	ssub.s32 s9, s4  }
0x83: {  	s8 =	sshll.u32 s0, $0x9;
	vm0 =	vlt.u32 v1, $0x9C8  }
0x84: {  	s4 =	sshra.s32 s8, $0x2;
	v1 =	vnsel vm0, $0xA00, v1  }
0x85: {  	[tilespmem:s4+$0x4000] =	vst v1  }
0x86: {  	v1 =	vld [tilespmem:s28+$0xFFFFFFF0];
	_ =	sdelay $0x4  }
0x87: {  	vm12 =	vlt.u32 v1, $0x9C8  }
0x88: {  	v1 =	vnsel vm12, $0xA00, v1  }
0x89: {  	[tilespmem:s4+$0x4010] =	vst v1  }
0x8a: {  	v1 =	vld [tilespmem:s28+$0x0];
	_ =	sdelay $0x4  }
0x8b: {  	vm13 =	vlt.u32 v1, $0x9C8  }
0x8c: {  	v1 =	vnsel vm13, $0xA00, v1  }
0x8d: {  	[tilespmem:s4+$0x4020] =	vst v1  }
0x8e: {  	v1 =	vld [tilespmem:s28+$0x10];
	_ =	sdelay $0x4  }
0x8f: {  	vm14 =	vlt.u32 v1, $0x9C8  }
0x90: {  	v1 =	vnsel vm14, $0xA00, v1  }
0x91: {  	[tilespmem:s4+$0x4030] =	vst v1  }
0x92: {  	v1 =	vld [tilespmem:s28+$0x20];
	_ =	sdelay $0x1  }
0x93: {  	s30 =	sadd.s32 s9, s24  }
0x94: {  	s14 =	sadd.s32 $0x1, s30  }
0x95: {  	p2 =	sge.s32 s14, s25;
	s9 =	ssub.s32 $0x1, s0;
	s15 =	smul.u32 $0xA000, s0  }
0x96: {  	s14 =	sshrl.u32 @!p2 s31, $0x3;
	s11 =	smul.u32 @!p2 $0xA000, s9;
	vm15 =	vlt.u32 v1, $0x9C8  }
0x97: {  	p3 =	sle.s32 s30, s24;
	s29 =	sadd.s32 @!p2 s1, s14;
	v1 =	vnsel vm15, $0xA00, v1  }
0x98: {  	s14 =	sshra.s32 @!p2 s11, $0x2;
	s11 =	sshra.s32 s15, $0x2;
	s15 =	sadd.s32 @!p3 $0x3, s9;
	[tilespmem:s4+$0x4040] =	vst v1  }
0x99: {  	_ =	swait.ge @!p3 [sflag:s15], $0x2800  }
0x9a: {  	[sflag:s15] =	ssyncset.done @!p3 $0x0  }
0x9b: {  	s8 =	sadd.s32 @!p2 $0x1, s9;
	s9 =	sadd.s32 @!p3 $0x5, s9;
	[sflag:s15] =	ssyncadd.s32 @!p3 $0xFFFFD800  }
0x9c: {  	_ =	swait.ge @!p3 [sflag:s9], $0x2800  }
0x9d: {  	s30 =	sadd.s32 $0x1, s0;
	s15 =	simm.s32 @!p2 $0x800;
	[sflag:s9] =	ssyncset.done @!p3 $0x0  }
0x9e: {  	[sflag:s9] =	ssyncadd.s32 @!p3 $0xFFFFD800;
	s9 =	sadd.s32 @!p2 $0x4100, s14;
	s14 =	simm.s32 @!p2 $0x400  }
0x9f: {  	[tilespmem:s9], [sflag:s8] =	stream.strided.gather @!p2 [hbm4b:s29+s14], $0x2800, s15, s14, $0x38;
	[tilespmem:$0x15A00] =	vst v63  }
0xa0: {  	_ =	swait.ge [sflag:s30], $0x2800  }
0xa1: {  	s26 =	sadd.s32 $0x1, s26;
	s29 =	rddreg [dreg:$0x6]  }
0xa2: {  	p2 =	sne.s32 s29, s26  }
.Ltmp2:
0xa3: {  	_ = 	snop;
	(pc) =	sbr.rel @p2 .LBB2_3-.Ltmp2, $4  }
0xa4: {  	s31 =	sadd.s32 $0x5000, s31;
	s11 =	sadd.s32 $0x4100, s11  }
0xa5: {  	s28 =	sadd.s32 $0x80, s28;
	s4 =	sadd.s32 $0x4000, s4;
	[sflag:s30] =	ssyncset.done $0x0  }
0xa6: {  	s15 =	sadd.s32 $0x3, s0;
	s0 =	sadd.s32 $0x5, s0;
	[sflag:s30] =	ssyncadd.s32 $0xFFFFD800  }
0xa7: {  	[spmem:s2] =	stream.indirect.scatter.add.f32 [tilespmem:s11], [sflag:s15], $0x80, s4, s16, $0xb8;
	[tilespmem:$0x15A00] =	vst v63  }
.LBB2_4:
0xa8: {  	[spmem:s3] =	stream.indirect.scatter.add.f32 [tilespmem:s7], [sflag:s0], $0x80, s4, s16, $0xb8;
	[tilespmem:$0x15A00] =	vst v63  }
0xa9: {  	s26 =	sxor.u32 $0xFFFFFFFF, s24  }
0xaa: {  	s0 =	sadd.s32 s26, s25  }
0xab: {  	s31 =	sshrl.u32 s0, $0x1F  }
0xac: {  	s4 =	sadd.s32 s31, s0  }
0xad: {  	s4 =	sand.u32 $0xFFFFFFFE, s4  }
0xae: {  	s0 =	ssub.s32 s0, s4  }
0xaf: {  	s4 =	sadd.s32 $0x3, s0  }
0xb0: {  	_ =	swait.ge [sflag:s4], $0x2800  }
0xb1: {  	[sflag:s4] =	ssyncset.done $0x0  }
0xb2: {  	s0 =	sadd.s32 $0x5, s0;
	[sflag:s4] =	ssyncadd.s32 $0xFFFFD800  }
0xb3: {  	_ =	swait.ge [sflag:s0], $0x2800  }
0xb4: {  	s28 =	simm.s32 $0x400;
	s29 =	simm.s32 $0x800;
	[sflag:s0] =	ssyncset.done $0x0  }
0xb5: {  	s30 =	simm.s32 $0x6900;
	s26 =	rddreg [dreg:$0x10];
	[sflag:s0] =	ssyncadd.s32 $0xFFFFD800  }
.LBB2_5:
0xb6: {  	[bflag:$0x0] =	sbarrier.arrive $0xFFFF  }
0xb7: {  	[tilespmem:s13], [sflag:$0x7] =	stream.linear.gather [spmem:s10], $0x2800, $0x38;
	[tilespmem:$0x15A00] =	vst v63  }
0xb8: {  	_ =	swait.ge [sflag:s5], $0x2800  }
0xb9: {  	[sflag:s5] =	ssyncset.done $0x0  }
0xba: {  	[sflag:s5] =	ssyncadd.s32 $0xFFFFD800  }
0xbb: {  	[tilespmem:s30], [sflag:$0x7] =	stream.linear.gather [spmem:s12], $0x2800, $0x38;
	[tilespmem:$0x15A00] =	vst v63  }
0xbc: {  	_ =	swait.ge [sflag:s5], $0x2800  }
0xbd: {  	[sflag:s5] =	ssyncset.done $0x0  }
0xbe: {  	s4 =	simm.s32 $0x0;
	[sflag:s5] =	ssyncadd.s32 $0xFFFFD800  }
0xbf: {  	v1 =	vld [tilespmem:s4+$0x6900];
	_ =	sdelay $0x4  }
0xc0: {  	v1 =	vmax.f32 v1, $1.000000000e+00  }
0xc1: {  	s0 =	simm.s32 $0x80;
	(erf) = vrcp.f32 v1  }
0xc2: {  	v1 =	vld [tilespmem:s0+$0x6900];
	_ =	sdelay $0x2  }
0xc3: {  	v6 =	vld [tilespmem:s4+$0x4100]  }
0xc4: {  	v7 =	vld [tilespmem:s4+$0x4110]  }
0xc5: {  	v5 =	vld [tilespmem:s4+$0x4120];
	v1 =	vmax.f32 v1, $1.000000000e+00  }
0xc6: {  	v3 =	vld [tilespmem:s4+$0x4130]  }
0xc7: {  	v4 =	vld [tilespmem:s4+$0x4140]  }
0xc8: {  	v2 =	vld [tilespmem:s4+$0x4150];
	(erf) = vrcp.f32 v1;
	v1 =	vpop (erf)  }
0xc9: {  	s8 =	simm.s32 $0x400;
	v8 =	vmul.f32 v1, v6;
	v7 =	vmul.f32 v7, v1;
	v6 =	vld [tilespmem:s4+$0x4160]  }
.LBB2_6:
0xca: {  	s9 =	sshra.s32 s8, $0x2;
	p2 =	sne.s32 s8, $0x9E00;
	s8 =	sadd.s32 $0x200, s8;
	v5 =	vmul.f32 v5, v1;
	v9 =	vld [tilespmem:s4+$0x4170]  }
0xcb: {  	v10 =	vld [tilespmem:s9+$0x6900];
	[tilespmem:s4+$0x4100] =	vst v8;
	v3 =	vmul.f32 v3, v1  }
0xcc: {  	v8 =	vld [tilespmem:s0+$0x4100];
	[tilespmem:s4+$0x4110] =	vst v7;
	v4 =	vmul.f32 v4, v1  }
0xcd: {  	v7 =	vld [tilespmem:s0+$0x4110];
	[tilespmem:s4+$0x4120] =	vst v5;
	v2 =	vmul.f32 v2, v1  }
.Ltmp3:
0xce: {  	v5 =	vld [tilespmem:s0+$0x4120];
	[tilespmem:s4+$0x4130] =	vst v3;
	v6 =	vmul.f32 v6, v1;
	(pc) =	sbr.rel @p2 .LBB2_6-.Ltmp3, $4  }
0xcf: {  	v3 =	vld [tilespmem:s0+$0x4130];
	[tilespmem:s4+$0x4140] =	vst v4;
	v9 =	vmul.f32 v9, v1  }
0xd0: {  	v10 =	vmax.f32 v10, $1.000000000e+00;
	v4 =	vld [tilespmem:s0+$0x4140];
	[tilespmem:s4+$0x4150] =	vst v2  }
0xd1: {  	(erf) = vrcp.f32 v10;
	v2 =	vld [tilespmem:s0+$0x4150];
	v1 =	vpop (erf);
	[tilespmem:s4+$0x4160] =	vst v6  }
0xd2: {  	v8 =	vmul.f32 v1, v8;
	v7 =	vmul.f32 v7, v1;
	v6 =	vld [tilespmem:s0+$0x4160];
	[tilespmem:s4+$0x4170] =	vst v9;
	s4 =	smov.u32 s0;
	s0 =	smov.u32 s9  }
0xd3: {  	_ =	sdelay $0x1  }
0xd4: {  	v9 =	vld [tilespmem:s4+$0x4170];
	v5 =	vmul.f32 v5, v1;
	[tilespmem:s4+$0x4100] =	vst v8  }
0xd5: {  	v3 =	vmul.f32 v3, v1;
	v8 =	vld [tilespmem:s0+$0x4100];
	[tilespmem:s4+$0x4110] =	vst v7  }
0xd6: {  	v4 =	vmul.f32 v4, v1;
	v7 =	vld [tilespmem:s0+$0x4110];
	[tilespmem:s4+$0x4120] =	vst v5;
	v6 =	vmul.f32 v6, v1  }
0xd7: {  	v2 =	vmul.f32 v2, v1;
	v5 =	vld [tilespmem:s0+$0x4120];
	[tilespmem:s4+$0x4130] =	vst v3  }
0xd8: {  	v3 =	vld [tilespmem:s0+$0x4130];
	[tilespmem:s4+$0x4140] =	vst v4  }
0xd9: {  	v4 =	vld [tilespmem:s0+$0x4140];
	[tilespmem:s4+$0x4150] =	vst v2  }
0xda: {  	v1 =	vmul.f32 v9, v1;
	v2 =	vld [tilespmem:s0+$0x4150];
	[tilespmem:s4+$0x4160] =	vst v6;
	v6 =	vpop (erf)  }
0xdb: {  	v8 =	vmul.f32 v6, v8  }
0xdc: {  	v9 =	vld [tilespmem:s0+$0x4160];
	[tilespmem:s4+$0x4170] =	vst v1;
	v1 =	vmul.f32 v7, v6  }
0xdd: {  	v7 =	vld [tilespmem:s0+$0x4170];
	v5 =	vmul.f32 v5, v6;
	[tilespmem:s0+$0x4100] =	vst v8  }
0xde: {  	v3 =	vmul.f32 v3, v6;
	[tilespmem:s0+$0x4110] =	vst v1  }
0xdf: {  	v1 =	vmul.f32 v4, v6;
	[tilespmem:s0+$0x4120] =	vst v5  }
0xe0: {  	v2 =	vmul.f32 v2, v6;
	[tilespmem:s0+$0x4130] =	vst v3  }
0xe1: {  	v3 =	vmul.f32 v9, v6;
	[tilespmem:s0+$0x4140] =	vst v1  }
0xe2: {  	v1 =	vmul.f32 v7, v6;
	[tilespmem:s0+$0x4150] =	vst v2  }
0xe3: {  	[tilespmem:s0+$0x4160] =	vst v3  }
0xe4: {  	s31 =	rddreg [dreg:$0xe];
	[tilespmem:s0+$0x4170] =	vst v1  }
0xe5: {  	[hbm4b:s31+s28] =	stream.strided.scatter [tilespmem:s13], [sflag:$0x7], $0x2800, s29, s28, $0x38;
	[tilespmem:$0x15A00] =	vst v63  }
0xe6: {  	_ =	swait.ge [sflag:s5], $0x2800  }
0xe7: {  	[sflag:s5] =	ssyncset.done $0x0  }
0xe8: {  	[sflag:s5] =	ssyncadd.s32 $0xFFFFD800  }
0xe9: {  	[tilespmem:s13], [sflag:$0x7] =	stream.linear.gather [spmem:s17], $0x2800, $0x38;
	[tilespmem:$0x15A00] =	vst v63  }
0xea: {  	_ =	swait.ge [sflag:s5], $0x2800  }
0xeb: {  	[sflag:s5] =	ssyncset.done $0x0  }
0xec: {  	[sflag:s5] =	ssyncadd.s32 $0xFFFFD800  }
0xed: {  	[tilespmem:s30], [sflag:$0x7] =	stream.linear.gather [spmem:s26], $0x2800, $0x38;
	[tilespmem:$0x15A00] =	vst v63  }
0xee: {  	_ =	swait.ge [sflag:s5], $0x2800  }
0xef: {  	[sflag:s5] =	ssyncset.done $0x0  }
0xf0: {  	s4 =	simm.s32 $0x0;
	[sflag:s5] =	ssyncadd.s32 $0xFFFFD800  }
0xf1: {  	v1 =	vld [tilespmem:s4+$0x6900];
	_ =	sdelay $0x4  }
0xf2: {  	v1 =	vmax.f32 v1, $1.000000000e+00  }
0xf3: {  	s0 =	simm.s32 $0x80;
	(erf) = vrcp.f32 v1  }
0xf4: {  	v1 =	vld [tilespmem:s0+$0x6900];
	_ =	sdelay $0x2  }
0xf5: {  	v6 =	vld [tilespmem:s4+$0x4100]  }
0xf6: {  	v7 =	vld [tilespmem:s4+$0x4110]  }
0xf7: {  	v5 =	vld [tilespmem:s4+$0x4120];
	v1 =	vmax.f32 v1, $1.000000000e+00  }
0xf8: {  	v3 =	vld [tilespmem:s4+$0x4130]  }
0xf9: {  	v4 =	vld [tilespmem:s4+$0x4140]  }
0xfa: {  	v2 =	vld [tilespmem:s4+$0x4150];
	(erf) = vrcp.f32 v1;
	v1 =	vpop (erf)  }
0xfb: {  	s8 =	simm.s32 $0x400;
	v8 =	vmul.f32 v1, v6;
	v7 =	vmul.f32 v7, v1;
	v6 =	vld [tilespmem:s4+$0x4160]  }
.LBB2_8:
0xfc: {  	s9 =	sshra.s32 s8, $0x2;
	p2 =	sne.s32 s8, $0x9E00;
	s8 =	sadd.s32 $0x200, s8;
	v5 =	vmul.f32 v5, v1;
	v9 =	vld [tilespmem:s4+$0x4170]  }
0xfd: {  	v10 =	vld [tilespmem:s9+$0x6900];
	[tilespmem:s4+$0x4100] =	vst v8;
	v3 =	vmul.f32 v3, v1  }
0xfe: {  	v8 =	vld [tilespmem:s0+$0x4100];
	[tilespmem:s4+$0x4110] =	vst v7;
	v4 =	vmul.f32 v4, v1  }
0xff: {  	v7 =	vld [tilespmem:s0+$0x4110];
	[tilespmem:s4+$0x4120] =	vst v5;
	v2 =	vmul.f32 v2, v1  }
.Ltmp4:
0x100: {  	v5 =	vld [tilespmem:s0+$0x4120];
	[tilespmem:s4+$0x4130] =	vst v3;
	v6 =	vmul.f32 v6, v1;
	(pc) =	sbr.rel @p2 .LBB2_8-.Ltmp4, $4  }
0x101: {  	v3 =	vld [tilespmem:s0+$0x4130];
	[tilespmem:s4+$0x4140] =	vst v4;
	v9 =	vmul.f32 v9, v1  }
0x102: {  	v10 =	vmax.f32 v10, $1.000000000e+00;
	v4 =	vld [tilespmem:s0+$0x4140];
	[tilespmem:s4+$0x4150] =	vst v2  }
0x103: {  	(erf) = vrcp.f32 v10;
	v2 =	vld [tilespmem:s0+$0x4150];
	v1 =	vpop (erf);
	[tilespmem:s4+$0x4160] =	vst v6  }
0x104: {  	v8 =	vmul.f32 v1, v8;
	v7 =	vmul.f32 v7, v1;
	v6 =	vld [tilespmem:s0+$0x4160];
	[tilespmem:s4+$0x4170] =	vst v9;
	s4 =	smov.u32 s0;
	s0 =	smov.u32 s9  }
0x105: {  	_ =	sdelay $0x1  }
0x106: {  	v9 =	vld [tilespmem:s4+$0x4170];
	v5 =	vmul.f32 v5, v1;
	[tilespmem:s4+$0x4100] =	vst v8  }
0x107: {  	v3 =	vmul.f32 v3, v1;
	v8 =	vld [tilespmem:s0+$0x4100];
	[tilespmem:s4+$0x4110] =	vst v7  }
0x108: {  	v4 =	vmul.f32 v4, v1;
	v7 =	vld [tilespmem:s0+$0x4110];
	[tilespmem:s4+$0x4120] =	vst v5  }
0x109: {  	v2 =	vmul.f32 v2, v1;
	v5 =	vld [tilespmem:s0+$0x4120];
	[tilespmem:s4+$0x4130] =	vst v3  }
0x10a: {  	v6 =	vmul.f32 v6, v1;
	v3 =	vld [tilespmem:s0+$0x4130];
	[tilespmem:s4+$0x4140] =	vst v4  }
0x10b: {  	v1 =	vmul.f32 v9, v1;
	v4 =	vld [tilespmem:s0+$0x4140];
	[tilespmem:s4+$0x4150] =	vst v2;
	v61 =	vpop (erf)  }
0x10c: {  	v2 =	vld [tilespmem:s0+$0x4150];
	[tilespmem:s4+$0x4160] =	vst v6;
	v8 =	vmul.f32 v61, v8  }
0x10d: {  	v62 =	vld [tilespmem:s0+$0x4160];
	[tilespmem:s4+$0x4170] =	vst v1;
	v1 =	vmul.f32 v7, v61  }
0x10e: {  	v63 =	vld [tilespmem:s0+$0x4170];
	v5 =	vmul.f32 v5, v61;
	[tilespmem:s0+$0x4100] =	vst v8  }
0x10f: {  	v3 =	vmul.f32 v3, v61;
	[tilespmem:s0+$0x4110] =	vst v1  }
0x110: {  	v1 =	vmul.f32 v4, v61;
	[tilespmem:s0+$0x4120] =	vst v5  }
0x111: {  	v2 =	vmul.f32 v2, v61;
	[tilespmem:s0+$0x4130] =	vst v3  }
0x112: {  	v3 =	vmul.f32 v62, v61;
	[tilespmem:s0+$0x4140] =	vst v1  }
0x113: {  	v1 =	vmul.f32 v63, v61;
	[tilespmem:s0+$0x4150] =	vst v2  }
0x114: {  	s8 =	simm.s32 @p1 $0x4100;
	[tilespmem:s0+$0x4160] =	vst v3  }
0x115: {  	s9 =	rddreg [dreg:$0x18];
	s4 =	simm.s32 @p1 $0x800;
	[tilespmem:s0+$0x4170] =	vst v1;
	s0 =	simm.s32 @p1 $0x400  }
0x116: {  	[hbm4b:s9+s0] =	stream.strided.scatter @p1 [tilespmem:s8], [sflag:$0x7], $0xC00, s4, s0, $0x38;
	[tilespmem:$0x15A00] =	vst v63  }
0x117: {  	s0 =	simm.s32 @p1 $0x7  }
0x118: {  	_ =	swait.ge @p1 [sflag:s0], $0xC00  }
0x119: {  	s4 =	simm.s32 @!p1 $0x800;
	s8 =	simm.s32 @!p1 $0x4100;
	[sflag:s0] =	ssyncset.done @p1 $0x0  }
0x11a: {  	s9 =	rddreg [dreg:$0x11];
	[sflag:s0] =	ssyncadd.s32 @p1 $0xFFFFF400;
	s0 =	simm.s32 @!p1 $0x400  }
0x11b: {  	[hbm4b:s9+s0] =	stream.strided.scatter @!p1 [tilespmem:s8], [sflag:$0x7], $0x2800, s4, s0, $0x38;
	[tilespmem:$0x15A00] =	vst v63  }
0x11c: {  	s0 =	simm.s32 @!p1 $0x7  }
0x11d: {  	_ =	swait.ge @!p1 [sflag:s0], $0x2800  }
0x11e: {  	[sflag:s0] =	ssyncset.done @!p1 $0x0  }
0x11f: {  	[sflag:s0] =	ssyncadd.s32 @!p1 $0xFFFFD800  }
0x120: {  	[bflag:$0x0] =	sbarrier.arrive $0xFFFF  }
0x121: {  	[spmem:s20], [sflag:s19] =	dma.local [hbm:s6], $0xA00  }
0x122: {  	_ =	swait.ge [sflag:s5], $0xA00  }
0x123: {  	[sflag:s5] =	ssyncset.done $0x0  }
0x124: {  	[sflag:s5] =	ssyncadd.s32 $0xFFFFF600  }
0x125: {  	[spmem:s21], [sflag:s19] =	dma.local [hbm:s6], $0xA00  }
0x126: {  	_ =	swait.ge [sflag:s5], $0xA00  }
0x127: {  	[sflag:s5] =	ssyncset.done $0x0  }
0x128: {  	s0 =	simm.s32 @!p0 $0x7;
	[sflag:s5] =	ssyncadd.s32 $0xFFFFF600  }
0x129: {  	[spmem:s22], [sflag:s19] =	dma.local @!p0 [hbm:s6], $0x80  }
0x12a: {  	_ =	swait.ge @!p0 [sflag:s0], $0x80  }
0x12b: {  	[sflag:s0] =	ssyncset.done @!p0 $0x0  }
0x12c: {  	[sflag:s0] =	ssyncadd.s32 @!p0 $0xFFFFFF80  }
0x12d: {  	[spmem:s23], [sflag:s19] =	dma.local @!p0 [hbm:s6], $0x80  }
0x12e: {  	_ =	swait.ge @!p0 [sflag:s0], $0x80  }
0x12f: {  	[sflag:s0] =	ssyncset.done @!p0 $0x0  }
0x130: {  	[sflag:s0] =	ssyncadd.s32 @!p0 $0xFFFFFF80  }
0x131: {  	[bflag:$0x0] =	sbarrier.arrive $0xFFFF  }
0x132: {  	(v2sf) =	vpush v0, $0x2  }
0x133: {  	(v2sf) =	vpush v0, $0x3;
	_ =	sdelay $0xd  }
0x134: {  	s24 =	spop (v2sf)  }
0x135: {  	s25 =	spop (v2sf)  }
0x136: {  	p2 =	sle.s32 s25, s24  }
.Ltmp5:
0x137: {  	_ = 	snop;
	(pc) =	sbr.rel @p2 .LBB2_13-.Ltmp5, $1  }
0x138: {  	_ =	sdelay $0x3  }
0x139: {  	s0 =	smul.u32 $0x50, s24  }
0x13a: {  	s4 =	rddreg [dreg:$0x1e]  }
0x13b: {  	s0 =	sadd.s32 s4, s0  }
0x13c: {  	s17 =	rddreg [dreg:$0xd];
	s0 =	sshll.u32 s0, $0x8  }
0x13d: {  	s0 =	sor.u32 s17, s0  }
0x13e: {  	s0 =	sshrl.u32 s0, $0x3  }
0x13f: {  	s26 =	sshll.u32 s24, $0x9;
	s0 =	sadd.s32 s1, s0  }
0x140: {  	[tilespmem:s13], [sflag:$0x1] =	stream.strided.gather [hbm4b:s0+s28], $0x2800, s29, s28, $0x38;
	[tilespmem:$0x15A00] =	vst v63  }
0x141: {  	s0 =	sshra.s32 s26, $0x2  }
0x142: {  	s0 =	sor.u32 $0x20, s0  }
0x143: {  	v1 =	vld [tilespmem:s0+$0xFFFFFFE0];
	_ =	sdelay $0x2  }
0x144: {  	s29 =	simm.s32 $0x0  }
0x145: {  	s4 =	sand.u32 $0xFFFFFFFE, s29  }
0x146: {  	s4 =	ssub.s32 $0x0, s4;
	v1 =	vadd.s32 $0xFFFFF638, v1  }
0x147: {  	s8 =	sshll.u32 s4, $0x9;
	vm0 =	vlt.u32 v1, $0x9C8  }
0x148: {  	s8 =	sshra.s32 s8, $0x2;
	v1 =	vnsel vm0, $0xA00, v1  }
0x149: {  	[tilespmem:s8+$0x4000] =	vst v1  }
0x14a: {  	v1 =	vld [tilespmem:s0+$0xFFFFFFF0];
	_ =	sdelay $0x4  }
0x14b: {  	v1 =	vadd.s32 $0xFFFFF638, v1  }
0x14c: {  	vm12 =	vlt.u32 v1, $0x9C8  }
0x14d: {  	v1 =	vnsel vm12, $0xA00, v1  }
0x14e: {  	[tilespmem:s8+$0x4010] =	vst v1  }
0x14f: {  	v1 =	vld [tilespmem:s0+$0x0];
	_ =	sdelay $0x4  }
0x150: {  	v1 =	vadd.s32 $0xFFFFF638, v1  }
0x151: {  	vm13 =	vlt.u32 v1, $0x9C8  }
0x152: {  	v1 =	vnsel vm13, $0xA00, v1  }
0x153: {  	[tilespmem:s8+$0x4020] =	vst v1  }
0x154: {  	v1 =	vld [tilespmem:s0+$0x10];
	_ =	sdelay $0x4  }
0x155: {  	v1 =	vadd.s32 $0xFFFFF638, v1  }
0x156: {  	vm14 =	vlt.u32 v1, $0x9C8  }
0x157: {  	v1 =	vnsel vm14, $0xA00, v1  }
0x158: {  	[tilespmem:s8+$0x4030] =	vst v1  }
0x159: {  	v1 =	vld [tilespmem:s0+$0x20];
	_ =	sdelay $0x4  }
0x15a: {  	s9 =	smul.u32 $0x5000, s24;
	v1 =	vadd.s32 $0xFFFFF638, v1  }
0x15b: {  	s11 =	rddreg [dreg:$0x1d];
	s30 =	ssub.s32 s25, s24;
	s14 =	sadd.s32 $0x0, s24;
	vm15 =	vlt.u32 v1, $0x9C8  }
0x15c: {  	s15 =	sadd.s32 $0x1, s14;
	p3 =	sle.s32 s14, s24;
	s26 =	ssub.s32 $0x1, s4;
	v1 =	vnsel vm15, $0xA00, v1  }
0x15d: {  	[dreg:$0x7] =	wrdreg s30;
	s9 =	sadd.s32 s9, s11;
	s11 =	sadd.s32 @!p3 $0x3, s26;
	[tilespmem:s8+$0x4040] =	vst v1  }
0x15e: {  	p2 =	sge.s32 s15, s25;
	_ =	swait.ge @!p3 [sflag:s11], $0x2800  }
0x15f: {  	s14 =	sshrl.u32 @!p2 s9, $0x3;
	s30 =	simm.s32 @!p2 $0x400;
	[sflag:s11] =	ssyncset.done @!p3 $0x0  }
0x160: {  	s15 =	smul.u32 @!p2 $0xA000, s26;
	[sflag:s11] =	ssyncadd.s32 @!p3 $0xFFFFD800;
	s11 =	sadd.s32 @!p3 $0x5, s26  }
0x161: {  	s31 =	simm.s32 @!p2 $0x800;
	s14 =	sadd.s32 @!p2 s1, s14;
	_ =	swait.ge @!p3 [sflag:s11], $0x2800  }
0x162: {  	s29 =	sadd.s32 $0x1, s4;
	s15 =	sshra.s32 @!p2 s15, $0x2;
	[sflag:s11] =	ssyncset.done @!p3 $0x0  }
0x163: {  	[sflag:s11] =	ssyncadd.s32 @!p3 $0xFFFFD800;
	s11 =	sadd.s32 @!p2 $0x4100, s15;
	s15 =	sadd.s32 @!p2 $0x1, s26  }
0x164: {  	[tilespmem:s11], [sflag:s15] =	stream.strided.gather @!p2 [hbm4b:s14+s30], $0x2800, s31, s30, $0x38;
	[tilespmem:$0x15A00] =	vst v63  }
0x165: {  	_ =	swait.ge [sflag:s29], $0x2800  }
0x166: {  	s28 =	smul.u32 $0xA000, s4;
	s30 =	rddreg [dreg:$0x7]  }
0x167: {  	p2 =	sne.s32 s30, $0x1  }
.Ltmp6:
0x168: {  	s17 =	sshra.s32 s28, $0x2;
	(pc) =	sbr.rel @!p2 .LBB2_12-.Ltmp6, $4  }
0x169: {  	s28 =	sadd.s32 $0x80, s0;
	s8 =	sadd.s32 $0x4000, s8;
	[sflag:s29] =	ssyncset.done $0x0  }
0x16a: {  	s26 =	sadd.s32 $0x3, s4;
	s11 =	sadd.s32 $0x4100, s17;
	[sflag:s29] =	ssyncadd.s32 $0xFFFFD800  }
0x16b: {  	[spmem:s2] =	stream.indirect.scatter.add.f32 [tilespmem:s11], [sflag:s26], $0x80, s8, s16, $0xb8;
	[tilespmem:$0x15A00] =	vst v63  }
0x16c: {  	s0 =	sadd.s32 $0x5, s4;
	s31 =	sadd.s32 $0x5000, s9;
	s26 =	simm.s32 $0x1  }
.LBB2_11:
0x16d: {  	[spmem:s3] =	stream.indirect.scatter.add.f32 [tilespmem:s7], [sflag:s0], $0x80, s8, s16, $0xb8;
	[tilespmem:$0x15A00] =	vst v63  }
0x16e: {  	v1 =	vld [tilespmem:s28+$0xFFFFFFE0]  }
0x16f: {  	s15 =	smov.u32 s26  }
0x170: {  	s4 =	sshrl.u32 s15, $0x1F  }
0x171: {  	s4 =	sadd.s32 s4, s15  }
0x172: {  	s4 =	sand.u32 $0xFFFFFFFE, s4  }
0x173: {  	s0 =	ssub.s32 s15, s4;
	v1 =	vadd.s32 $0xFFFFF638, v1  }
0x174: {  	s9 =	sshll.u32 s0, $0x9;
	vm0 =	vlt.u32 v1, $0x9C8  }
0x175: {  	s4 =	sshra.s32 s9, $0x2;
	v1 =	vnsel vm0, $0xA00, v1  }
0x176: {  	[tilespmem:s4+$0x4000] =	vst v1  }
0x177: {  	v1 =	vld [tilespmem:s28+$0xFFFFFFF0];
	_ =	sdelay $0x4  }
0x178: {  	v1 =	vadd.s32 $0xFFFFF638, v1  }
0x179: {  	vm12 =	vlt.u32 v1, $0x9C8  }
0x17a: {  	v1 =	vnsel vm12, $0xA00, v1  }
0x17b: {  	[tilespmem:s4+$0x4010] =	vst v1  }
0x17c: {  	v1 =	vld [tilespmem:s28+$0x0];
	_ =	sdelay $0x4  }
0x17d: {  	v1 =	vadd.s32 $0xFFFFF638, v1  }
0x17e: {  	vm13 =	vlt.u32 v1, $0x9C8  }
0x17f: {  	v1 =	vnsel vm13, $0xA00, v1  }
0x180: {  	[tilespmem:s4+$0x4020] =	vst v1  }
0x181: {  	v1 =	vld [tilespmem:s28+$0x10];
	_ =	sdelay $0x4  }
0x182: {  	v1 =	vadd.s32 $0xFFFFF638, v1  }
0x183: {  	vm14 =	vlt.u32 v1, $0x9C8  }
0x184: {  	v1 =	vnsel vm14, $0xA00, v1  }
0x185: {  	[tilespmem:s4+$0x4030] =	vst v1  }
0x186: {  	v1 =	vld [tilespmem:s28+$0x20];
	_ =	sdelay $0x4  }
0x187: {  	v1 =	vadd.s32 $0xFFFFF638, v1  }
0x188: {  	s17 =	sadd.s32 s15, s24;
	vm15 =	vlt.u32 v1, $0x9C8  }
0x189: {  	p3 =	sle.s32 s17, s24;
	s15 =	sadd.s32 $0x1, s17;
	s29 =	ssub.s32 $0x1, s0;
	v1 =	vnsel vm15, $0xA00, v1  }
0x18a: {  	p2 =	sge.s32 s15, s25;
	s14 =	smul.u32 $0xA000, s0;
	s8 =	sadd.s32 @!p3 $0x3, s29;
	[tilespmem:s4+$0x4040] =	vst v1  }
0x18b: {  	s9 =	smul.u32 @!p2 $0xA000, s29;
	_ =	swait.ge @!p3 [sflag:s8], $0x2800  }
0x18c: {  	s11 =	sshrl.u32 @!p2 s31, $0x3;
	s15 =	simm.s32 @!p2 $0x400;
	[sflag:s8] =	ssyncset.done @!p3 $0x0  }
0x18d: {  	s17 =	simm.s32 @!p2 $0x800;
	[sflag:s8] =	ssyncadd.s32 @!p3 $0xFFFFD800;
	s8 =	sadd.s32 @!p3 $0x5, s29  }
0x18e: {  	s11 =	sadd.s32 @!p2 s1, s11;
	s30 =	sshra.s32 s14, $0x2;
	_ =	swait.ge @!p3 [sflag:s8], $0x2800  }
0x18f: {  	s14 =	sadd.s32 $0x1, s0;
	s9 =	sshra.s32 @!p2 s9, $0x2;
	[sflag:s8] =	ssyncset.done @!p3 $0x0  }
0x190: {  	[sflag:s8] =	ssyncadd.s32 @!p3 $0xFFFFD800;
	s8 =	sadd.s32 @!p2 $0x4100, s9;
	s9 =	sadd.s32 @!p2 $0x1, s29  }
0x191: {  	[tilespmem:s8], [sflag:s9] =	stream.strided.gather @!p2 [hbm4b:s11+s15], $0x2800, s17, s15, $0x38;
	[tilespmem:$0x15A00] =	vst v63  }
0x192: {  	_ =	swait.ge [sflag:s14], $0x2800  }
0x193: {  	s26 =	sadd.s32 $0x1, s26;
	s29 =	rddreg [dreg:$0x7]  }
0x194: {  	p2 =	sne.s32 s29, s26  }
.Ltmp7:
0x195: {  	_ = 	snop;
	(pc) =	sbr.rel @p2 .LBB2_11-.Ltmp7, $4  }
0x196: {  	s31 =	sadd.s32 $0x5000, s31;
	s30 =	sadd.s32 $0x4100, s30  }
0x197: {  	s28 =	sadd.s32 $0x80, s28;
	s17 =	sadd.s32 $0x3, s0;
	[sflag:s14] =	ssyncset.done $0x0  }
0x198: {  	s8 =	sadd.s32 $0x4000, s4;
	s0 =	sadd.s32 $0x5, s0;
	[sflag:s14] =	ssyncadd.s32 $0xFFFFD800  }
0x199: {  	[spmem:s2] =	stream.indirect.scatter.add.f32 [tilespmem:s30], [sflag:s17], $0x80, s8, s16, $0xb8;
	[tilespmem:$0x15A00] =	vst v63  }
.LBB2_12:
0x19a: {  	[spmem:s3] =	stream.indirect.scatter.add.f32 [tilespmem:s7], [sflag:s0], $0x80, s8, s16, $0xb8;
	[tilespmem:$0x15A00] =	vst v63  }
0x19b: {  	s31 =	sxor.u32 $0xFFFFFFFF, s24  }
0x19c: {  	s0 =	sadd.s32 s31, s25  }
0x19d: {  	s4 =	sshrl.u32 s0, $0x1F  }
0x19e: {  	s4 =	sadd.s32 s4, s0  }
0x19f: {  	s4 =	sand.u32 $0xFFFFFFFE, s4  }
0x1a0: {  	s0 =	ssub.s32 s0, s4  }
0x1a1: {  	s4 =	sadd.s32 $0x3, s0  }
0x1a2: {  	_ =	swait.ge [sflag:s4], $0x2800  }
0x1a3: {  	[sflag:s4] =	ssyncset.done $0x0  }
0x1a4: {  	s0 =	sadd.s32 $0x5, s0;
	[sflag:s4] =	ssyncadd.s32 $0xFFFFD800  }
0x1a5: {  	s28 =	simm.s32 $0x400;
	_ =	swait.ge [sflag:s0], $0x2800  }
0x1a6: {  	s29 =	simm.s32 $0x800;
	[sflag:s0] =	ssyncset.done $0x0;
	s17 =	rddreg [dreg:$0xf]  }
0x1a7: {  	s30 =	simm.s32 $0x6900;
	s26 =	rddreg [dreg:$0x10];
	[sflag:s0] =	ssyncadd.s32 $0xFFFFD800  }
.LBB2_13:
0x1a8: {  	[bflag:$0x0] =	sbarrier.arrive $0xFFFF  }
0x1a9: {  	[tilespmem:s13], [sflag:$0x7] =	stream.linear.gather [spmem:s10], $0x2800, $0x38;
	[tilespmem:$0x15A00] =	vst v63  }
0x1aa: {  	_ =	swait.ge [sflag:s5], $0x2800  }
0x1ab: {  	[sflag:s5] =	ssyncset.done $0x0  }
0x1ac: {  	[sflag:s5] =	ssyncadd.s32 $0xFFFFD800  }
0x1ad: {  	[tilespmem:s30], [sflag:$0x7] =	stream.linear.gather [spmem:s12], $0x2800, $0x38;
	[tilespmem:$0x15A00] =	vst v63  }
0x1ae: {  	_ =	swait.ge [sflag:s5], $0x2800  }
0x1af: {  	[sflag:s5] =	ssyncset.done $0x0  }
0x1b0: {  	s4 =	simm.s32 $0x0;
	[sflag:s5] =	ssyncadd.s32 $0xFFFFD800  }
0x1b1: {  	v1 =	vld [tilespmem:s4+$0x6900];
	_ =	sdelay $0x4  }
0x1b2: {  	v1 =	vmax.f32 v1, $1.000000000e+00  }
0x1b3: {  	s0 =	simm.s32 $0x80;
	(erf) = vrcp.f32 v1  }
0x1b4: {  	v1 =	vld [tilespmem:s0+$0x6900];
	_ =	sdelay $0x2  }
0x1b5: {  	v6 =	vld [tilespmem:s4+$0x4100]  }
0x1b6: {  	v7 =	vld [tilespmem:s4+$0x4110]  }
0x1b7: {  	v5 =	vld [tilespmem:s4+$0x4120];
	v1 =	vmax.f32 v1, $1.000000000e+00  }
0x1b8: {  	v3 =	vld [tilespmem:s4+$0x4130]  }
0x1b9: {  	v4 =	vld [tilespmem:s4+$0x4140]  }
0x1ba: {  	v2 =	vld [tilespmem:s4+$0x4150];
	(erf) = vrcp.f32 v1;
	v1 =	vpop (erf)  }
0x1bb: {  	s8 =	simm.s32 $0x400;
	v8 =	vmul.f32 v1, v6;
	v7 =	vmul.f32 v7, v1;
	v6 =	vld [tilespmem:s4+$0x4160]  }
.LBB2_14:
0x1bc: {  	s9 =	sshra.s32 s8, $0x2;
	p2 =	sne.s32 s8, $0x9E00;
	s8 =	sadd.s32 $0x200, s8;
	v5 =	vmul.f32 v5, v1;
	v9 =	vld [tilespmem:s4+$0x4170]  }
0x1bd: {  	v10 =	vld [tilespmem:s9+$0x6900];
	[tilespmem:s4+$0x4100] =	vst v8;
	v3 =	vmul.f32 v3, v1  }
0x1be: {  	v8 =	vld [tilespmem:s0+$0x4100];
	[tilespmem:s4+$0x4110] =	vst v7;
	v4 =	vmul.f32 v4, v1  }
0x1bf: {  	v7 =	vld [tilespmem:s0+$0x4110];
	[tilespmem:s4+$0x4120] =	vst v5;
	v2 =	vmul.f32 v2, v1  }
.Ltmp8:
0x1c0: {  	v5 =	vld [tilespmem:s0+$0x4120];
	[tilespmem:s4+$0x4130] =	vst v3;
	v6 =	vmul.f32 v6, v1;
	(pc) =	sbr.rel @p2 .LBB2_14-.Ltmp8, $4  }
0x1c1: {  	v3 =	vld [tilespmem:s0+$0x4130];
	[tilespmem:s4+$0x4140] =	vst v4;
	v9 =	vmul.f32 v9, v1  }
0x1c2: {  	v10 =	vmax.f32 v10, $1.000000000e+00;
	v4 =	vld [tilespmem:s0+$0x4140];
	[tilespmem:s4+$0x4150] =	vst v2  }
0x1c3: {  	(erf) = vrcp.f32 v10;
	v2 =	vld [tilespmem:s0+$0x4150];
	v1 =	vpop (erf);
	[tilespmem:s4+$0x4160] =	vst v6  }
0x1c4: {  	v8 =	vmul.f32 v1, v8;
	v7 =	vmul.f32 v7, v1;
	v6 =	vld [tilespmem:s0+$0x4160];
	[tilespmem:s4+$0x4170] =	vst v9;
	s4 =	smov.u32 s0;
	s0 =	smov.u32 s9  }
0x1c5: {  	_ =	sdelay $0x1  }
0x1c6: {  	v9 =	vld [tilespmem:s4+$0x4170];
	v5 =	vmul.f32 v5, v1;
	[tilespmem:s4+$0x4100] =	vst v8  }
0x1c7: {  	v3 =	vmul.f32 v3, v1;
	v8 =	vld [tilespmem:s0+$0x4100];
	[tilespmem:s4+$0x4110] =	vst v7  }
0x1c8: {  	v4 =	vmul.f32 v4, v1;
	v7 =	vld [tilespmem:s0+$0x4110];
	[tilespmem:s4+$0x4120] =	vst v5;
	v6 =	vmul.f32 v6, v1  }
0x1c9: {  	v2 =	vmul.f32 v2, v1;
	v5 =	vld [tilespmem:s0+$0x4120];
	[tilespmem:s4+$0x4130] =	vst v3  }
0x1ca: {  	v3 =	vld [tilespmem:s0+$0x4130];
	[tilespmem:s4+$0x4140] =	vst v4  }
0x1cb: {  	v4 =	vld [tilespmem:s0+$0x4140];
	[tilespmem:s4+$0x4150] =	vst v2  }
0x1cc: {  	v1 =	vmul.f32 v9, v1;
	v2 =	vld [tilespmem:s0+$0x4150];
	[tilespmem:s4+$0x4160] =	vst v6;
	v6 =	vpop (erf)  }
0x1cd: {  	v8 =	vmul.f32 v6, v8  }
0x1ce: {  	v9 =	vld [tilespmem:s0+$0x4160];
	[tilespmem:s4+$0x4170] =	vst v1;
	v1 =	vmul.f32 v7, v6  }
0x1cf: {  	v7 =	vld [tilespmem:s0+$0x4170];
	v5 =	vmul.f32 v5, v6;
	[tilespmem:s0+$0x4100] =	vst v8  }
0x1d0: {  	v3 =	vmul.f32 v3, v6;
	[tilespmem:s0+$0x4110] =	vst v1  }
0x1d1: {  	v1 =	vmul.f32 v4, v6;
	[tilespmem:s0+$0x4120] =	vst v5  }
0x1d2: {  	v2 =	vmul.f32 v2, v6;
	[tilespmem:s0+$0x4130] =	vst v3  }
0x1d3: {  	v3 =	vmul.f32 v9, v6;
	[tilespmem:s0+$0x4140] =	vst v1  }
0x1d4: {  	v1 =	vmul.f32 v7, v6;
	[tilespmem:s0+$0x4150] =	vst v2  }
0x1d5: {  	[tilespmem:s0+$0x4160] =	vst v3  }
0x1d6: {  	s31 =	rddreg [dreg:$0x12];
	[tilespmem:s0+$0x4170] =	vst v1  }
0x1d7: {  	[hbm4b:s31+s28] =	stream.strided.scatter [tilespmem:s13], [sflag:$0x7], $0x2800, s29, s28, $0x38;
	[tilespmem:$0x15A00] =	vst v63  }
0x1d8: {  	_ =	swait.ge [sflag:s5], $0x2800  }
0x1d9: {  	[sflag:s5] =	ssyncset.done $0x0  }
0x1da: {  	[sflag:s5] =	ssyncadd.s32 $0xFFFFD800  }
0x1db: {  	[tilespmem:s13], [sflag:$0x7] =	stream.linear.gather [spmem:s17], $0x2800, $0x38;
	[tilespmem:$0x15A00] =	vst v63  }
0x1dc: {  	_ =	swait.ge [sflag:s5], $0x2800  }
0x1dd: {  	[sflag:s5] =	ssyncset.done $0x0  }
0x1de: {  	[sflag:s5] =	ssyncadd.s32 $0xFFFFD800  }
0x1df: {  	[tilespmem:s30], [sflag:$0x7] =	stream.linear.gather [spmem:s26], $0x2800, $0x38;
	[tilespmem:$0x15A00] =	vst v63  }
0x1e0: {  	_ =	swait.ge [sflag:s5], $0x2800  }
0x1e1: {  	[sflag:s5] =	ssyncset.done $0x0  }
0x1e2: {  	s4 =	simm.s32 $0x0;
	[sflag:s5] =	ssyncadd.s32 $0xFFFFD800  }
0x1e3: {  	v1 =	vld [tilespmem:s4+$0x6900];
	_ =	sdelay $0x4  }
0x1e4: {  	v1 =	vmax.f32 v1, $1.000000000e+00  }
0x1e5: {  	s0 =	simm.s32 $0x80;
	(erf) = vrcp.f32 v1  }
0x1e6: {  	v1 =	vld [tilespmem:s0+$0x6900];
	_ =	sdelay $0x2  }
0x1e7: {  	v6 =	vld [tilespmem:s4+$0x4100]  }
0x1e8: {  	v7 =	vld [tilespmem:s4+$0x4110]  }
0x1e9: {  	v5 =	vld [tilespmem:s4+$0x4120];
	v1 =	vmax.f32 v1, $1.000000000e+00  }
0x1ea: {  	v3 =	vld [tilespmem:s4+$0x4130]  }
0x1eb: {  	v4 =	vld [tilespmem:s4+$0x4140]  }
0x1ec: {  	v2 =	vld [tilespmem:s4+$0x4150];
	(erf) = vrcp.f32 v1;
	v1 =	vpop (erf)  }
0x1ed: {  	s8 =	simm.s32 $0x400;
	v8 =	vmul.f32 v1, v6;
	v7 =	vmul.f32 v7, v1;
	v6 =	vld [tilespmem:s4+$0x4160]  }
.LBB2_16:
0x1ee: {  	s9 =	sshra.s32 s8, $0x2;
	p2 =	sne.s32 s8, $0x9E00;
	s8 =	sadd.s32 $0x200, s8;
	v5 =	vmul.f32 v5, v1;
	v9 =	vld [tilespmem:s4+$0x4170]  }
0x1ef: {  	v10 =	vld [tilespmem:s9+$0x6900];
	[tilespmem:s4+$0x4100] =	vst v8;
	v3 =	vmul.f32 v3, v1  }
0x1f0: {  	v8 =	vld [tilespmem:s0+$0x4100];
	[tilespmem:s4+$0x4110] =	vst v7;
	v4 =	vmul.f32 v4, v1  }
0x1f1: {  	v7 =	vld [tilespmem:s0+$0x4110];
	[tilespmem:s4+$0x4120] =	vst v5;
	v2 =	vmul.f32 v2, v1  }
.Ltmp9:
0x1f2: {  	v5 =	vld [tilespmem:s0+$0x4120];
	[tilespmem:s4+$0x4130] =	vst v3;
	v6 =	vmul.f32 v6, v1;
	(pc) =	sbr.rel @p2 .LBB2_16-.Ltmp9, $4  }
0x1f3: {  	v3 =	vld [tilespmem:s0+$0x4130];
	[tilespmem:s4+$0x4140] =	vst v4;
	v9 =	vmul.f32 v9, v1  }
0x1f4: {  	v10 =	vmax.f32 v10, $1.000000000e+00;
	v4 =	vld [tilespmem:s0+$0x4140];
	[tilespmem:s4+$0x4150] =	vst v2  }
0x1f5: {  	(erf) = vrcp.f32 v10;
	v2 =	vld [tilespmem:s0+$0x4150];
	v1 =	vpop (erf);
	[tilespmem:s4+$0x4160] =	vst v6  }
0x1f6: {  	v8 =	vmul.f32 v1, v8;
	v7 =	vmul.f32 v7, v1;
	v6 =	vld [tilespmem:s0+$0x4160];
	[tilespmem:s4+$0x4170] =	vst v9;
	s4 =	smov.u32 s0;
	s0 =	smov.u32 s9  }
0x1f7: {  	_ =	sdelay $0x1  }
0x1f8: {  	v9 =	vld [tilespmem:s4+$0x4170];
	v5 =	vmul.f32 v5, v1;
	[tilespmem:s4+$0x4100] =	vst v8  }
0x1f9: {  	v3 =	vmul.f32 v3, v1;
	v8 =	vld [tilespmem:s0+$0x4100];
	[tilespmem:s4+$0x4110] =	vst v7  }
0x1fa: {  	v4 =	vmul.f32 v4, v1;
	v7 =	vld [tilespmem:s0+$0x4110];
	[tilespmem:s4+$0x4120] =	vst v5  }
0x1fb: {  	v2 =	vmul.f32 v2, v1;
	v5 =	vld [tilespmem:s0+$0x4120];
	[tilespmem:s4+$0x4130] =	vst v3  }
0x1fc: {  	v6 =	vmul.f32 v6, v1;
	v3 =	vld [tilespmem:s0+$0x4130];
	[tilespmem:s4+$0x4140] =	vst v4  }
0x1fd: {  	v1 =	vmul.f32 v9, v1;
	v4 =	vld [tilespmem:s0+$0x4140];
	[tilespmem:s4+$0x4150] =	vst v2;
	v61 =	vpop (erf)  }
0x1fe: {  	v2 =	vld [tilespmem:s0+$0x4150];
	[tilespmem:s4+$0x4160] =	vst v6;
	v8 =	vmul.f32 v61, v8  }
0x1ff: {  	v62 =	vld [tilespmem:s0+$0x4160];
	[tilespmem:s4+$0x4170] =	vst v1;
	v1 =	vmul.f32 v7, v61  }
0x200: {  	v63 =	vld [tilespmem:s0+$0x4170];
	v5 =	vmul.f32 v5, v61;
	[tilespmem:s0+$0x4100] =	vst v8  }
0x201: {  	v3 =	vmul.f32 v3, v61;
	[tilespmem:s0+$0x4110] =	vst v1  }
0x202: {  	v1 =	vmul.f32 v4, v61;
	[tilespmem:s0+$0x4120] =	vst v5  }
0x203: {  	v2 =	vmul.f32 v2, v61;
	[tilespmem:s0+$0x4130] =	vst v3  }
0x204: {  	v3 =	vmul.f32 v62, v61;
	[tilespmem:s0+$0x4140] =	vst v1  }
0x205: {  	v1 =	vmul.f32 v63, v61;
	[tilespmem:s0+$0x4150] =	vst v2  }
0x206: {  	s8 =	simm.s32 @p1 $0x4100;
	[tilespmem:s0+$0x4160] =	vst v3  }
0x207: {  	s9 =	rddreg [dreg:$0x19];
	s4 =	simm.s32 @p1 $0x800;
	[tilespmem:s0+$0x4170] =	vst v1;
	s0 =	simm.s32 @p1 $0x400  }
0x208: {  	[hbm4b:s9+s0] =	stream.strided.scatter @p1 [tilespmem:s8], [sflag:$0x7], $0xC00, s4, s0, $0x38;
	[tilespmem:$0x15A00] =	vst v63  }
0x209: {  	s0 =	simm.s32 @p1 $0x7  }
0x20a: {  	_ =	swait.ge @p1 [sflag:s0], $0xC00  }
0x20b: {  	s4 =	simm.s32 @!p1 $0x800;
	s8 =	simm.s32 @!p1 $0x4100;
	[sflag:s0] =	ssyncset.done @p1 $0x0  }
0x20c: {  	s9 =	rddreg [dreg:$0x13];
	[sflag:s0] =	ssyncadd.s32 @p1 $0xFFFFF400;
	s0 =	simm.s32 @!p1 $0x400  }
0x20d: {  	[hbm4b:s9+s0] =	stream.strided.scatter @!p1 [tilespmem:s8], [sflag:$0x7], $0x2800, s4, s0, $0x38;
	[tilespmem:$0x15A00] =	vst v63  }
0x20e: {  	s0 =	simm.s32 @!p1 $0x7  }
0x20f: {  	_ =	swait.ge @!p1 [sflag:s0], $0x2800  }
0x210: {  	[sflag:s0] =	ssyncset.done @!p1 $0x0  }
0x211: {  	[sflag:s0] =	ssyncadd.s32 @!p1 $0xFFFFD800  }
0x212: {  	[bflag:$0x0] =	sbarrier.arrive $0xFFFF  }
0x213: {  	[spmem:s20], [sflag:s19] =	dma.local [hbm:s6], $0xA00  }
0x214: {  	_ =	swait.ge [sflag:s5], $0xA00  }
0x215: {  	[sflag:s5] =	ssyncset.done $0x0  }
0x216: {  	[sflag:s5] =	ssyncadd.s32 $0xFFFFF600  }
0x217: {  	[spmem:s21], [sflag:s19] =	dma.local [hbm:s6], $0xA00  }
0x218: {  	_ =	swait.ge [sflag:s5], $0xA00  }
0x219: {  	[sflag:s5] =	ssyncset.done $0x0  }
0x21a: {  	s0 =	simm.s32 @!p0 $0x7;
	[sflag:s5] =	ssyncadd.s32 $0xFFFFF600  }
0x21b: {  	[spmem:s22], [sflag:s19] =	dma.local @!p0 [hbm:s6], $0x80  }
0x21c: {  	_ =	swait.ge @!p0 [sflag:s0], $0x80  }
0x21d: {  	[sflag:s0] =	ssyncset.done @!p0 $0x0  }
0x21e: {  	[sflag:s0] =	ssyncadd.s32 @!p0 $0xFFFFFF80  }
0x21f: {  	[spmem:s23], [sflag:s19] =	dma.local @!p0 [hbm:s6], $0x80  }
0x220: {  	_ =	swait.ge @!p0 [sflag:s0], $0x80  }
0x221: {  	[sflag:s0] =	ssyncset.done @!p0 $0x0  }
0x222: {  	[sflag:s0] =	ssyncadd.s32 @!p0 $0xFFFFFF80  }
0x223: {  	[bflag:$0x0] =	sbarrier.arrive $0xFFFF  }
0x224: {  	(v2sf) =	vpush v0, $0x4  }
0x225: {  	(v2sf) =	vpush v0, $0x5;
	_ =	sdelay $0xd  }
0x226: {  	s24 =	spop (v2sf)  }
0x227: {  	s25 =	spop (v2sf)  }
0x228: {  	p2 =	sle.s32 s25, s24  }
.Ltmp10:
0x229: {  	_ = 	snop;
	(pc) =	sbr.rel @p2 .LBB2_21-.Ltmp10, $1  }
0x22a: {  	_ =	sdelay $0x3  }
0x22b: {  	s0 =	smul.u32 $0x50, s24  }
0x22c: {  	s4 =	rddreg [dreg:$0x1e]  }
0x22d: {  	s0 =	sadd.s32 s4, s0  }
0x22e: {  	s17 =	rddreg [dreg:$0xd];
	s0 =	sshll.u32 s0, $0x8  }
0x22f: {  	s0 =	sor.u32 s17, s0  }
0x230: {  	s0 =	sshrl.u32 s0, $0x3  }
0x231: {  	s26 =	sshll.u32 s24, $0x9;
	s0 =	sadd.s32 s1, s0  }
0x232: {  	[tilespmem:s13], [sflag:$0x1] =	stream.strided.gather [hbm4b:s0+s28], $0x2800, s29, s28, $0x38;
	[tilespmem:$0x15A00] =	vst v63  }
0x233: {  	s0 =	sshra.s32 s26, $0x2  }
0x234: {  	s0 =	sor.u32 $0x20, s0  }
0x235: {  	v1 =	vld [tilespmem:s0+$0xFFFFFFE0];
	_ =	sdelay $0x2  }
0x236: {  	s29 =	simm.s32 $0x0  }
0x237: {  	s4 =	sand.u32 $0xFFFFFFFE, s29  }
0x238: {  	s4 =	ssub.s32 $0x0, s4;
	v1 =	vadd.s32 $0xFFFFEC70, v1  }
0x239: {  	s8 =	sshll.u32 s4, $0x9;
	vm0 =	vlt.u32 v1, $0x9C8  }
0x23a: {  	s8 =	sshra.s32 s8, $0x2;
	v1 =	vnsel vm0, $0xA00, v1  }
0x23b: {  	[tilespmem:s8+$0x4000] =	vst v1  }
0x23c: {  	v1 =	vld [tilespmem:s0+$0xFFFFFFF0];
	_ =	sdelay $0x4  }
0x23d: {  	v1 =	vadd.s32 $0xFFFFEC70, v1  }
0x23e: {  	vm12 =	vlt.u32 v1, $0x9C8  }
0x23f: {  	v1 =	vnsel vm12, $0xA00, v1  }
0x240: {  	[tilespmem:s8+$0x4010] =	vst v1  }
0x241: {  	v1 =	vld [tilespmem:s0+$0x0];
	_ =	sdelay $0x4  }
0x242: {  	v1 =	vadd.s32 $0xFFFFEC70, v1  }
0x243: {  	vm13 =	vlt.u32 v1, $0x9C8  }
0x244: {  	v1 =	vnsel vm13, $0xA00, v1  }
0x245: {  	[tilespmem:s8+$0x4020] =	vst v1  }
0x246: {  	v1 =	vld [tilespmem:s0+$0x10];
	_ =	sdelay $0x4  }
0x247: {  	v1 =	vadd.s32 $0xFFFFEC70, v1  }
0x248: {  	vm14 =	vlt.u32 v1, $0x9C8  }
0x249: {  	v1 =	vnsel vm14, $0xA00, v1  }
0x24a: {  	[tilespmem:s8+$0x4030] =	vst v1  }
0x24b: {  	v1 =	vld [tilespmem:s0+$0x20];
	_ =	sdelay $0x4  }
0x24c: {  	s9 =	smul.u32 $0x5000, s24;
	v1 =	vadd.s32 $0xFFFFEC70, v1  }
0x24d: {  	s11 =	rddreg [dreg:$0x1d];
	s30 =	ssub.s32 s25, s24;
	s14 =	sadd.s32 $0x0, s24;
	vm15 =	vlt.u32 v1, $0x9C8  }
0x24e: {  	s15 =	sadd.s32 $0x1, s14;
	p3 =	sle.s32 s14, s24;
	s17 =	ssub.s32 $0x1, s4;
	v1 =	vnsel vm15, $0xA00, v1  }
0x24f: {  	[dreg:$0x8] =	wrdreg s30;
	s9 =	sadd.s32 s9, s11;
	s11 =	sadd.s32 @!p3 $0x3, s17;
	[tilespmem:s8+$0x4040] =	vst v1  }
0x250: {  	p2 =	sge.s32 s15, s25;
	_ =	swait.ge @!p3 [sflag:s11], $0x2800  }
0x251: {  	s14 =	sshrl.u32 @!p2 s9, $0x3;
	s30 =	simm.s32 @!p2 $0x800;
	[sflag:s11] =	ssyncset.done @!p3 $0x0  }
0x252: {  	s15 =	smul.u32 @!p2 $0xA000, s17;
	[sflag:s11] =	ssyncadd.s32 @!p3 $0xFFFFD800;
	s11 =	sadd.s32 @!p3 $0x5, s17  }
0x253: {  	s14 =	sadd.s32 @!p2 s1, s14;
	s29 =	simm.s32 @!p2 $0x400;
	_ =	swait.ge @!p3 [sflag:s11], $0x2800  }
0x254: {  	s28 =	sadd.s32 $0x1, s4;
	s15 =	sshra.s32 @!p2 s15, $0x2;
	[sflag:s11] =	ssyncset.done @!p3 $0x0  }
0x255: {  	[sflag:s11] =	ssyncadd.s32 @!p3 $0xFFFFD800;
	s11 =	sadd.s32 @!p2 $0x4100, s15;
	s15 =	sadd.s32 @!p2 $0x1, s17  }
0x256: {  	[tilespmem:s11], [sflag:s15] =	stream.strided.gather @!p2 [hbm4b:s14+s29], $0x2800, s30, s29, $0x38;
	[tilespmem:$0x15A00] =	vst v63  }
0x257: {  	_ =	swait.ge [sflag:s28], $0x2800  }
0x258: {  	s30 =	rddreg [dreg:$0x8]  }
0x259: {  	s26 =	smul.u32 $0xA000, s4;
	p2 =	sne.s32 s30, $0x1  }
.Ltmp11:
0x25a: {  	s31 =	sadd.s32 $0x5000, s9;
	(pc) =	sbr.rel @!p2 .LBB2_20-.Ltmp11, $4  }
0x25b: {  	s26 =	sshra.s32 s26, $0x2;
	s8 =	sadd.s32 $0x4000, s8;
	s29 =	sadd.s32 $0x3, s4  }
0x25c: {  	s11 =	sadd.s32 $0x4100, s26;
	s26 =	simm.s32 $0x1;
	[sflag:s28] =	ssyncset.done $0x0  }
0x25d: {  	[sflag:s28] =	ssyncadd.s32 $0xFFFFD800;
	s28 =	sadd.s32 $0x80, s0;
	s0 =	sadd.s32 $0x5, s4  }
0x25e: {  	[spmem:s2] =	stream.indirect.scatter.add.f32 [tilespmem:s11], [sflag:s29], $0x80, s8, s16, $0xb8;
	[tilespmem:$0x15A00] =	vst v63  }
.LBB2_19:
0x25f: {  	[spmem:s3] =	stream.indirect.scatter.add.f32 [tilespmem:s7], [sflag:s0], $0x80, s8, s16, $0xb8;
	[tilespmem:$0x15A00] =	vst v63  }
0x260: {  	v1 =	vld [tilespmem:s28+$0xFFFFFFE0]  }
0x261: {  	s15 =	smov.u32 s26  }
0x262: {  	s4 =	sshrl.u32 s15, $0x1F  }
0x263: {  	s4 =	sadd.s32 s4, s15  }
0x264: {  	s4 =	sand.u32 $0xFFFFFFFE, s4  }
0x265: {  	s0 =	ssub.s32 s15, s4;
	v1 =	vadd.s32 $0xFFFFEC70, v1  }
0x266: {  	s9 =	sshll.u32 s0, $0x9;
	vm0 =	vlt.u32 v1, $0x9C8  }
0x267: {  	s4 =	sshra.s32 s9, $0x2;
	v1 =	vnsel vm0, $0xA00, v1  }
0x268: {  	[tilespmem:s4+$0x4000] =	vst v1  }
0x269: {  	v1 =	vld [tilespmem:s28+$0xFFFFFFF0];
	_ =	sdelay $0x4  }
0x26a: {  	v1 =	vadd.s32 $0xFFFFEC70, v1  }
0x26b: {  	vm12 =	vlt.u32 v1, $0x9C8  }
0x26c: {  	v1 =	vnsel vm12, $0xA00, v1  }
0x26d: {  	[tilespmem:s4+$0x4010] =	vst v1  }
0x26e: {  	v1 =	vld [tilespmem:s28+$0x0];
	_ =	sdelay $0x4  }
0x26f: {  	v1 =	vadd.s32 $0xFFFFEC70, v1  }
0x270: {  	vm13 =	vlt.u32 v1, $0x9C8  }
0x271: {  	v1 =	vnsel vm13, $0xA00, v1  }
0x272: {  	[tilespmem:s4+$0x4020] =	vst v1  }
0x273: {  	v1 =	vld [tilespmem:s28+$0x10];
	_ =	sdelay $0x4  }
0x274: {  	v1 =	vadd.s32 $0xFFFFEC70, v1  }
0x275: {  	vm14 =	vlt.u32 v1, $0x9C8  }
0x276: {  	v1 =	vnsel vm14, $0xA00, v1  }
0x277: {  	[tilespmem:s4+$0x4030] =	vst v1  }
0x278: {  	v1 =	vld [tilespmem:s28+$0x20];
	_ =	sdelay $0x4  }
0x279: {  	v1 =	vadd.s32 $0xFFFFEC70, v1  }
0x27a: {  	s17 =	sadd.s32 s15, s24;
	vm15 =	vlt.u32 v1, $0x9C8  }
0x27b: {  	p3 =	sle.s32 s17, s24;
	s15 =	sadd.s32 $0x1, s17;
	s29 =	ssub.s32 $0x1, s0;
	v1 =	vnsel vm15, $0xA00, v1  }
0x27c: {  	p2 =	sge.s32 s15, s25;
	s14 =	smul.u32 $0xA000, s0;
	s8 =	sadd.s32 @!p3 $0x3, s29;
	[tilespmem:s4+$0x4040] =	vst v1  }
0x27d: {  	s9 =	smul.u32 @!p2 $0xA000, s29;
	_ =	swait.ge @!p3 [sflag:s8], $0x2800  }
0x27e: {  	s11 =	sshrl.u32 @!p2 s31, $0x3;
	s15 =	simm.s32 @!p2 $0x400;
	[sflag:s8] =	ssyncset.done @!p3 $0x0  }
0x27f: {  	s17 =	simm.s32 @!p2 $0x800;
	[sflag:s8] =	ssyncadd.s32 @!p3 $0xFFFFD800;
	s8 =	sadd.s32 @!p3 $0x5, s29  }
0x280: {  	s11 =	sadd.s32 @!p2 s1, s11;
	s30 =	sshra.s32 s14, $0x2;
	_ =	swait.ge @!p3 [sflag:s8], $0x2800  }
0x281: {  	s14 =	sadd.s32 $0x1, s0;
	s9 =	sshra.s32 @!p2 s9, $0x2;
	[sflag:s8] =	ssyncset.done @!p3 $0x0  }
0x282: {  	[sflag:s8] =	ssyncadd.s32 @!p3 $0xFFFFD800;
	s8 =	sadd.s32 @!p2 $0x4100, s9;
	s9 =	sadd.s32 @!p2 $0x1, s29  }
0x283: {  	[tilespmem:s8], [sflag:s9] =	stream.strided.gather @!p2 [hbm4b:s11+s15], $0x2800, s17, s15, $0x38;
	[tilespmem:$0x15A00] =	vst v63  }
0x284: {  	_ =	swait.ge [sflag:s14], $0x2800  }
0x285: {  	s26 =	sadd.s32 $0x1, s26;
	s29 =	rddreg [dreg:$0x8]  }
0x286: {  	p2 =	sne.s32 s29, s26  }
.Ltmp12:
0x287: {  	_ = 	snop;
	(pc) =	sbr.rel @p2 .LBB2_19-.Ltmp12, $4  }
0x288: {  	s31 =	sadd.s32 $0x5000, s31;
	s30 =	sadd.s32 $0x4100, s30  }
0x289: {  	s28 =	sadd.s32 $0x80, s28;
	s17 =	sadd.s32 $0x3, s0;
	[sflag:s14] =	ssyncset.done $0x0  }
0x28a: {  	s8 =	sadd.s32 $0x4000, s4;
	s0 =	sadd.s32 $0x5, s0;
	[sflag:s14] =	ssyncadd.s32 $0xFFFFD800  }
0x28b: {  	[spmem:s2] =	stream.indirect.scatter.add.f32 [tilespmem:s30], [sflag:s17], $0x80, s8, s16, $0xb8;
	[tilespmem:$0x15A00] =	vst v63  }
.LBB2_20:
0x28c: {  	[spmem:s3] =	stream.indirect.scatter.add.f32 [tilespmem:s7], [sflag:s0], $0x80, s8, s16, $0xb8;
	[tilespmem:$0x15A00] =	vst v63  }
0x28d: {  	s31 =	sxor.u32 $0xFFFFFFFF, s24  }
0x28e: {  	s0 =	sadd.s32 s31, s25  }
0x28f: {  	s4 =	sshrl.u32 s0, $0x1F  }
0x290: {  	s4 =	sadd.s32 s4, s0  }
0x291: {  	s4 =	sand.u32 $0xFFFFFFFE, s4  }
0x292: {  	s0 =	ssub.s32 s0, s4  }
0x293: {  	s4 =	sadd.s32 $0x3, s0  }
0x294: {  	_ =	swait.ge [sflag:s4], $0x2800  }
0x295: {  	[sflag:s4] =	ssyncset.done $0x0  }
0x296: {  	s0 =	sadd.s32 $0x5, s0;
	[sflag:s4] =	ssyncadd.s32 $0xFFFFD800  }
0x297: {  	s28 =	simm.s32 $0x400;
	_ =	swait.ge [sflag:s0], $0x2800  }
0x298: {  	s29 =	simm.s32 $0x800;
	[sflag:s0] =	ssyncset.done $0x0;
	s17 =	rddreg [dreg:$0xf]  }
0x299: {  	s30 =	simm.s32 $0x6900;
	s26 =	rddreg [dreg:$0x10];
	[sflag:s0] =	ssyncadd.s32 $0xFFFFD800  }
.LBB2_21:
0x29a: {  	[bflag:$0x0] =	sbarrier.arrive $0xFFFF  }
0x29b: {  	[tilespmem:s13], [sflag:$0x7] =	stream.linear.gather [spmem:s10], $0x2800, $0x38;
	[tilespmem:$0x15A00] =	vst v63  }
0x29c: {  	_ =	swait.ge [sflag:s5], $0x2800  }
0x29d: {  	[sflag:s5] =	ssyncset.done $0x0  }
0x29e: {  	[sflag:s5] =	ssyncadd.s32 $0xFFFFD800  }
0x29f: {  	[tilespmem:s30], [sflag:$0x7] =	stream.linear.gather [spmem:s12], $0x2800, $0x38;
	[tilespmem:$0x15A00] =	vst v63  }
0x2a0: {  	_ =	swait.ge [sflag:s5], $0x2800  }
0x2a1: {  	[sflag:s5] =	ssyncset.done $0x0  }
0x2a2: {  	s4 =	simm.s32 $0x0;
	[sflag:s5] =	ssyncadd.s32 $0xFFFFD800  }
0x2a3: {  	v1 =	vld [tilespmem:s4+$0x6900];
	_ =	sdelay $0x4  }
0x2a4: {  	v1 =	vmax.f32 v1, $1.000000000e+00  }
0x2a5: {  	s0 =	simm.s32 $0x80;
	(erf) = vrcp.f32 v1  }
0x2a6: {  	v1 =	vld [tilespmem:s0+$0x6900];
	_ =	sdelay $0x2  }
0x2a7: {  	v6 =	vld [tilespmem:s4+$0x4100]  }
0x2a8: {  	v7 =	vld [tilespmem:s4+$0x4110]  }
0x2a9: {  	v5 =	vld [tilespmem:s4+$0x4120];
	v1 =	vmax.f32 v1, $1.000000000e+00  }
0x2aa: {  	v3 =	vld [tilespmem:s4+$0x4130]  }
0x2ab: {  	v4 =	vld [tilespmem:s4+$0x4140]  }
0x2ac: {  	v2 =	vld [tilespmem:s4+$0x4150];
	(erf) = vrcp.f32 v1;
	v1 =	vpop (erf)  }
0x2ad: {  	s8 =	simm.s32 $0x400;
	v8 =	vmul.f32 v1, v6;
	v7 =	vmul.f32 v7, v1;
	v6 =	vld [tilespmem:s4+$0x4160]  }
.LBB2_22:
0x2ae: {  	s9 =	sshra.s32 s8, $0x2;
	p2 =	sne.s32 s8, $0x9E00;
	s8 =	sadd.s32 $0x200, s8;
	v5 =	vmul.f32 v5, v1;
	v9 =	vld [tilespmem:s4+$0x4170]  }
0x2af: {  	v10 =	vld [tilespmem:s9+$0x6900];
	[tilespmem:s4+$0x4100] =	vst v8;
	v3 =	vmul.f32 v3, v1  }
0x2b0: {  	v8 =	vld [tilespmem:s0+$0x4100];
	[tilespmem:s4+$0x4110] =	vst v7;
	v4 =	vmul.f32 v4, v1  }
0x2b1: {  	v7 =	vld [tilespmem:s0+$0x4110];
	[tilespmem:s4+$0x4120] =	vst v5;
	v2 =	vmul.f32 v2, v1  }
.Ltmp13:
0x2b2: {  	v5 =	vld [tilespmem:s0+$0x4120];
	[tilespmem:s4+$0x4130] =	vst v3;
	v6 =	vmul.f32 v6, v1;
	(pc) =	sbr.rel @p2 .LBB2_22-.Ltmp13, $4  }
0x2b3: {  	v3 =	vld [tilespmem:s0+$0x4130];
	[tilespmem:s4+$0x4140] =	vst v4;
	v9 =	vmul.f32 v9, v1  }
0x2b4: {  	v10 =	vmax.f32 v10, $1.000000000e+00;
	v4 =	vld [tilespmem:s0+$0x4140];
	[tilespmem:s4+$0x4150] =	vst v2  }
0x2b5: {  	(erf) = vrcp.f32 v10;
	v2 =	vld [tilespmem:s0+$0x4150];
	v1 =	vpop (erf);
	[tilespmem:s4+$0x4160] =	vst v6  }
0x2b6: {  	v8 =	vmul.f32 v1, v8;
	v7 =	vmul.f32 v7, v1;
	v6 =	vld [tilespmem:s0+$0x4160];
	[tilespmem:s4+$0x4170] =	vst v9;
	s4 =	smov.u32 s0;
	s0 =	smov.u32 s9  }
0x2b7: {  	_ =	sdelay $0x1  }
0x2b8: {  	v9 =	vld [tilespmem:s4+$0x4170];
	v5 =	vmul.f32 v5, v1;
	[tilespmem:s4+$0x4100] =	vst v8  }
0x2b9: {  	v3 =	vmul.f32 v3, v1;
	v8 =	vld [tilespmem:s0+$0x4100];
	[tilespmem:s4+$0x4110] =	vst v7  }
0x2ba: {  	v4 =	vmul.f32 v4, v1;
	v7 =	vld [tilespmem:s0+$0x4110];
	[tilespmem:s4+$0x4120] =	vst v5;
	v6 =	vmul.f32 v6, v1  }
0x2bb: {  	v2 =	vmul.f32 v2, v1;
	v5 =	vld [tilespmem:s0+$0x4120];
	[tilespmem:s4+$0x4130] =	vst v3  }
0x2bc: {  	v3 =	vld [tilespmem:s0+$0x4130];
	[tilespmem:s4+$0x4140] =	vst v4  }
0x2bd: {  	v4 =	vld [tilespmem:s0+$0x4140];
	[tilespmem:s4+$0x4150] =	vst v2  }
0x2be: {  	v1 =	vmul.f32 v9, v1;
	v2 =	vld [tilespmem:s0+$0x4150];
	[tilespmem:s4+$0x4160] =	vst v6;
	v6 =	vpop (erf)  }
0x2bf: {  	v8 =	vmul.f32 v6, v8  }
0x2c0: {  	v9 =	vld [tilespmem:s0+$0x4160];
	[tilespmem:s4+$0x4170] =	vst v1;
	v1 =	vmul.f32 v7, v6  }
0x2c1: {  	v7 =	vld [tilespmem:s0+$0x4170];
	v5 =	vmul.f32 v5, v6;
	[tilespmem:s0+$0x4100] =	vst v8  }
0x2c2: {  	v3 =	vmul.f32 v3, v6;
	[tilespmem:s0+$0x4110] =	vst v1  }
0x2c3: {  	v1 =	vmul.f32 v4, v6;
	[tilespmem:s0+$0x4120] =	vst v5  }
0x2c4: {  	v2 =	vmul.f32 v2, v6;
	[tilespmem:s0+$0x4130] =	vst v3  }
0x2c5: {  	v3 =	vmul.f32 v9, v6;
	[tilespmem:s0+$0x4140] =	vst v1  }
0x2c6: {  	v1 =	vmul.f32 v7, v6;
	[tilespmem:s0+$0x4150] =	vst v2  }
0x2c7: {  	[tilespmem:s0+$0x4160] =	vst v3  }
0x2c8: {  	s31 =	rddreg [dreg:$0x14];
	[tilespmem:s0+$0x4170] =	vst v1  }
0x2c9: {  	[hbm4b:s31+s28] =	stream.strided.scatter [tilespmem:s13], [sflag:$0x7], $0x2800, s29, s28, $0x38;
	[tilespmem:$0x15A00] =	vst v63  }
0x2ca: {  	_ =	swait.ge [sflag:s5], $0x2800  }
0x2cb: {  	[sflag:s5] =	ssyncset.done $0x0  }
0x2cc: {  	[sflag:s5] =	ssyncadd.s32 $0xFFFFD800  }
0x2cd: {  	[tilespmem:s13], [sflag:$0x7] =	stream.linear.gather [spmem:s17], $0x2800, $0x38;
	[tilespmem:$0x15A00] =	vst v63  }
0x2ce: {  	_ =	swait.ge [sflag:s5], $0x2800  }
0x2cf: {  	[sflag:s5] =	ssyncset.done $0x0  }
0x2d0: {  	[sflag:s5] =	ssyncadd.s32 $0xFFFFD800  }
0x2d1: {  	[tilespmem:s30], [sflag:$0x7] =	stream.linear.gather [spmem:s26], $0x2800, $0x38;
	[tilespmem:$0x15A00] =	vst v63  }
0x2d2: {  	_ =	swait.ge [sflag:s5], $0x2800  }
0x2d3: {  	[sflag:s5] =	ssyncset.done $0x0  }
0x2d4: {  	s4 =	simm.s32 $0x0;
	[sflag:s5] =	ssyncadd.s32 $0xFFFFD800  }
0x2d5: {  	v1 =	vld [tilespmem:s4+$0x6900];
	_ =	sdelay $0x4  }
0x2d6: {  	v1 =	vmax.f32 v1, $1.000000000e+00  }
0x2d7: {  	s0 =	simm.s32 $0x80;
	(erf) = vrcp.f32 v1  }
0x2d8: {  	v1 =	vld [tilespmem:s0+$0x6900];
	_ =	sdelay $0x2  }
0x2d9: {  	v6 =	vld [tilespmem:s4+$0x4100]  }
0x2da: {  	v7 =	vld [tilespmem:s4+$0x4110]  }
0x2db: {  	v5 =	vld [tilespmem:s4+$0x4120];
	v1 =	vmax.f32 v1, $1.000000000e+00  }
0x2dc: {  	v3 =	vld [tilespmem:s4+$0x4130]  }
0x2dd: {  	v4 =	vld [tilespmem:s4+$0x4140]  }
0x2de: {  	v2 =	vld [tilespmem:s4+$0x4150];
	(erf) = vrcp.f32 v1;
	v1 =	vpop (erf)  }
0x2df: {  	s8 =	simm.s32 $0x400;
	v8 =	vmul.f32 v1, v6;
	v7 =	vmul.f32 v7, v1;
	v6 =	vld [tilespmem:s4+$0x4160]  }
.LBB2_24:
0x2e0: {  	s9 =	sshra.s32 s8, $0x2;
	p2 =	sne.s32 s8, $0x9E00;
	s8 =	sadd.s32 $0x200, s8;
	v5 =	vmul.f32 v5, v1;
	v9 =	vld [tilespmem:s4+$0x4170]  }
0x2e1: {  	v10 =	vld [tilespmem:s9+$0x6900];
	[tilespmem:s4+$0x4100] =	vst v8;
	v3 =	vmul.f32 v3, v1  }
0x2e2: {  	v8 =	vld [tilespmem:s0+$0x4100];
	[tilespmem:s4+$0x4110] =	vst v7;
	v4 =	vmul.f32 v4, v1  }
0x2e3: {  	v7 =	vld [tilespmem:s0+$0x4110];
	[tilespmem:s4+$0x4120] =	vst v5;
	v2 =	vmul.f32 v2, v1  }
.Ltmp14:
0x2e4: {  	v5 =	vld [tilespmem:s0+$0x4120];
	[tilespmem:s4+$0x4130] =	vst v3;
	v6 =	vmul.f32 v6, v1;
	(pc) =	sbr.rel @p2 .LBB2_24-.Ltmp14, $4  }
0x2e5: {  	v3 =	vld [tilespmem:s0+$0x4130];
	[tilespmem:s4+$0x4140] =	vst v4;
	v9 =	vmul.f32 v9, v1  }
0x2e6: {  	v10 =	vmax.f32 v10, $1.000000000e+00;
	v4 =	vld [tilespmem:s0+$0x4140];
	[tilespmem:s4+$0x4150] =	vst v2  }
0x2e7: {  	(erf) = vrcp.f32 v10;
	v2 =	vld [tilespmem:s0+$0x4150];
	v1 =	vpop (erf);
	[tilespmem:s4+$0x4160] =	vst v6  }
0x2e8: {  	v8 =	vmul.f32 v1, v8;
	v7 =	vmul.f32 v7, v1;
	v6 =	vld [tilespmem:s0+$0x4160];
	[tilespmem:s4+$0x4170] =	vst v9;
	s4 =	smov.u32 s0;
	s0 =	smov.u32 s9  }
0x2e9: {  	_ =	sdelay $0x1  }
0x2ea: {  	v9 =	vld [tilespmem:s4+$0x4170];
	v5 =	vmul.f32 v5, v1;
	[tilespmem:s4+$0x4100] =	vst v8  }
0x2eb: {  	v3 =	vmul.f32 v3, v1;
	v8 =	vld [tilespmem:s0+$0x4100];
	[tilespmem:s4+$0x4110] =	vst v7  }
0x2ec: {  	v4 =	vmul.f32 v4, v1;
	v7 =	vld [tilespmem:s0+$0x4110];
	[tilespmem:s4+$0x4120] =	vst v5  }
0x2ed: {  	v2 =	vmul.f32 v2, v1;
	v5 =	vld [tilespmem:s0+$0x4120];
	[tilespmem:s4+$0x4130] =	vst v3  }
0x2ee: {  	v6 =	vmul.f32 v6, v1;
	v3 =	vld [tilespmem:s0+$0x4130];
	[tilespmem:s4+$0x4140] =	vst v4  }
0x2ef: {  	v56 =	vmul.f32 v9, v1;
	v4 =	vld [tilespmem:s0+$0x4140];
	[tilespmem:s4+$0x4150] =	vst v2;
	v57 =	vpop (erf)  }
0x2f0: {  	v2 =	vld [tilespmem:s0+$0x4150];
	[tilespmem:s4+$0x4160] =	vst v6;
	v8 =	vmul.f32 v57, v8  }
0x2f1: {  	v58 =	vld [tilespmem:s0+$0x4160];
	[tilespmem:s4+$0x4170] =	vst v56;
	v59 =	vmul.f32 v7, v57  }
0x2f2: {  	v60 =	vld [tilespmem:s0+$0x4170];
	v5 =	vmul.f32 v5, v57;
	[tilespmem:s0+$0x4100] =	vst v8  }
0x2f3: {  	v3 =	vmul.f32 v3, v57;
	[tilespmem:s0+$0x4110] =	vst v59  }
0x2f4: {  	v61 =	vmul.f32 v4, v57;
	[tilespmem:s0+$0x4120] =	vst v5  }
0x2f5: {  	v2 =	vmul.f32 v2, v57;
	[tilespmem:s0+$0x4130] =	vst v3  }
0x2f6: {  	v62 =	vmul.f32 v58, v57;
	[tilespmem:s0+$0x4140] =	vst v61  }
0x2f7: {  	v63 =	vmul.f32 v60, v57;
	[tilespmem:s0+$0x4150] =	vst v2  }
0x2f8: {  	s8 =	simm.s32 @p1 $0x4100;
	[tilespmem:s0+$0x4160] =	vst v62  }
0x2f9: {  	s9 =	rddreg [dreg:$0x1a];
	s4 =	simm.s32 @p1 $0x800;
	[tilespmem:s0+$0x4170] =	vst v63;
	s0 =	simm.s32 @p1 $0x400  }
0x2fa: {  	[hbm4b:s9+s0] =	stream.strided.scatter @p1 [tilespmem:s8], [sflag:$0x7], $0xC00, s4, s0, $0x38;
	[tilespmem:$0x15A00] =	vst v63  }
0x2fb: {  	s0 =	simm.s32 @p1 $0x7  }
0x2fc: {  	_ =	swait.ge @p1 [sflag:s0], $0xC00  }
0x2fd: {  	s4 =	simm.s32 @!p1 $0x800;
	s8 =	simm.s32 @!p1 $0x4100;
	[sflag:s0] =	ssyncset.done @p1 $0x0  }
0x2fe: {  	s9 =	rddreg [dreg:$0x15];
	[sflag:s0] =	ssyncadd.s32 @p1 $0xFFFFF400;
	s0 =	simm.s32 @!p1 $0x400  }
0x2ff: {  	[hbm4b:s9+s0] =	stream.strided.scatter @!p1 [tilespmem:s8], [sflag:$0x7], $0x2800, s4, s0, $0x38;
	[tilespmem:$0x15A00] =	vst v63  }
0x300: {  	s0 =	simm.s32 @!p1 $0x7  }
0x301: {  	_ =	swait.ge @!p1 [sflag:s0], $0x2800  }
0x302: {  	[sflag:s0] =	ssyncset.done @!p1 $0x0  }
0x303: {  	[sflag:s0] =	ssyncadd.s32 @!p1 $0xFFFFD800  }
0x304: {  	[bflag:$0x0] =	sbarrier.arrive $0xFFFF  }
0x305: {  	[spmem:s20], [sflag:s19] =	dma.local [hbm:s6], $0xA00  }
0x306: {  	_ =	swait.ge [sflag:s5], $0xA00  }
0x307: {  	[sflag:s5] =	ssyncset.done $0x0  }
0x308: {  	[sflag:s5] =	ssyncadd.s32 $0xFFFFF600  }
0x309: {  	[spmem:s21], [sflag:s19] =	dma.local [hbm:s6], $0xA00  }
0x30a: {  	_ =	swait.ge [sflag:s5], $0xA00  }
0x30b: {  	[sflag:s5] =	ssyncset.done $0x0  }
0x30c: {  	s0 =	simm.s32 @!p0 $0x7;
	[sflag:s5] =	ssyncadd.s32 $0xFFFFF600  }
0x30d: {  	[spmem:s22], [sflag:s19] =	dma.local @!p0 [hbm:s6], $0x80  }
0x30e: {  	_ =	swait.ge @!p0 [sflag:s0], $0x80  }
0x30f: {  	[sflag:s0] =	ssyncset.done @!p0 $0x0  }
0x310: {  	[sflag:s0] =	ssyncadd.s32 @!p0 $0xFFFFFF80  }
0x311: {  	[spmem:s23], [sflag:s19] =	dma.local @!p0 [hbm:s6], $0x80  }
0x312: {  	_ =	swait.ge @!p0 [sflag:s0], $0x80  }
0x313: {  	[sflag:s0] =	ssyncset.done @!p0 $0x0  }
0x314: {  	[sflag:s0] =	ssyncadd.s32 @!p0 $0xFFFFFF80  }
0x315: {  	[bflag:$0x0] =	sbarrier.arrive $0xFFFF  }
0x316: {  	(v2sf) =	vpush v0, $0x6  }
0x317: {  	(v2sf) =	vpush v0, $0x7;
	_ =	sdelay $0xd  }
0x318: {  	s19 =	spop (v2sf)  }
0x319: {  	s20 =	spop (v2sf)  }
0x31a: {  	p2 =	sle.s32 s20, s19  }
.Ltmp15:
0x31b: {  	_ = 	snop;
	(pc) =	sbr.rel @p2 .LBB2_29-.Ltmp15, $1  }
0x31c: {  	_ =	sdelay $0x3  }
0x31d: {  	s0 =	smul.u32 $0x50, s19  }
0x31e: {  	s4 =	rddreg [dreg:$0x1e]  }
0x31f: {  	s0 =	sadd.s32 s4, s0  }
0x320: {  	s17 =	rddreg [dreg:$0xd];
	s0 =	sshll.u32 s0, $0x8  }
0x321: {  	s0 =	sor.u32 s17, s0  }
0x322: {  	s0 =	sshrl.u32 s0, $0x3  }
0x323: {  	s21 =	sshll.u32 s19, $0x9;
	s0 =	sadd.s32 s1, s0  }
0x324: {  	[tilespmem:s13], [sflag:$0x1] =	stream.strided.gather [hbm4b:s0+s28], $0x2800, s29, s28, $0x38;
	[tilespmem:$0x15A00] =	vst v63  }
0x325: {  	s0 =	sshra.s32 s21, $0x2  }
0x326: {  	s0 =	sor.u32 $0x20, s0  }
0x327: {  	v0 =	vld [tilespmem:s0+$0xFFFFFFE0];
	_ =	sdelay $0x2  }
0x328: {  	s22 =	simm.s32 $0x0  }
0x329: {  	s4 =	sand.u32 $0xFFFFFFFE, s22  }
0x32a: {  	s4 =	ssub.s32 $0x0, s4;
	v0 =	vadd.s32 $0xFFFFE2A8, v0  }
0x32b: {  	s8 =	sshll.u32 s4, $0x9;
	vm0 =	vlt.u32 v0, $0x9B8  }
0x32c: {  	s8 =	sshra.s32 s8, $0x2;
	v0 =	vnsel vm0, $0xA00, v0  }
0x32d: {  	[tilespmem:s8+$0x4000] =	vst v0  }
0x32e: {  	v0 =	vld [tilespmem:s0+$0xFFFFFFF0];
	_ =	sdelay $0x4  }
0x32f: {  	v0 =	vadd.s32 $0xFFFFE2A8, v0  }
0x330: {  	vm12 =	vlt.u32 v0, $0x9B8  }
0x331: {  	v0 =	vnsel vm12, $0xA00, v0  }
0x332: {  	[tilespmem:s8+$0x4010] =	vst v0  }
0x333: {  	v0 =	vld [tilespmem:s0+$0x0];
	_ =	sdelay $0x4  }
0x334: {  	v0 =	vadd.s32 $0xFFFFE2A8, v0  }
0x335: {  	vm13 =	vlt.u32 v0, $0x9B8  }
0x336: {  	v0 =	vnsel vm13, $0xA00, v0  }
0x337: {  	[tilespmem:s8+$0x4020] =	vst v0  }
0x338: {  	v0 =	vld [tilespmem:s0+$0x10];
	_ =	sdelay $0x4  }
0x339: {  	v0 =	vadd.s32 $0xFFFFE2A8, v0  }
0x33a: {  	vm14 =	vlt.u32 v0, $0x9B8  }
0x33b: {  	v0 =	vnsel vm14, $0xA00, v0  }
0x33c: {  	[tilespmem:s8+$0x4030] =	vst v0  }
0x33d: {  	v0 =	vld [tilespmem:s0+$0x20];
	_ =	sdelay $0x4  }
0x33e: {  	s9 =	smul.u32 $0x5000, s19;
	v0 =	vadd.s32 $0xFFFFE2A8, v0  }
0x33f: {  	s11 =	rddreg [dreg:$0x1d];
	s23 =	ssub.s32 s20, s19;
	s14 =	sadd.s32 $0x0, s19;
	vm15 =	vlt.u32 v0, $0x9B8  }
0x340: {  	s15 =	sadd.s32 $0x1, s14;
	p3 =	sle.s32 s14, s19;
	s17 =	ssub.s32 $0x1, s4;
	v0 =	vnsel vm15, $0xA00, v0  }
0x341: {  	[dreg:$0x9] =	wrdreg s23;
	s9 =	sadd.s32 s9, s11;
	s11 =	sadd.s32 @!p3 $0x3, s17;
	[tilespmem:s8+$0x4040] =	vst v0  }
0x342: {  	p2 =	sge.s32 s15, s20;
	_ =	swait.ge @!p3 [sflag:s11], $0x2800  }
0x343: {  	s14 =	sshrl.u32 @!p2 s9, $0x3;
	s23 =	simm.s32 @!p2 $0x400;
	[sflag:s11] =	ssyncset.done @!p3 $0x0  }
0x344: {  	s15 =	smul.u32 @!p2 $0xA000, s17;
	[sflag:s11] =	ssyncadd.s32 @!p3 $0xFFFFD800;
	s11 =	sadd.s32 @!p3 $0x5, s17  }
0x345: {  	s24 =	simm.s32 @!p2 $0x800;
	s14 =	sadd.s32 @!p2 s1, s14;
	_ =	swait.ge @!p3 [sflag:s11], $0x2800  }
0x346: {  	s22 =	sadd.s32 $0x1, s4;
	s15 =	sshra.s32 @!p2 s15, $0x2;
	[sflag:s11] =	ssyncset.done @!p3 $0x0  }
0x347: {  	[sflag:s11] =	ssyncadd.s32 @!p3 $0xFFFFD800;
	s11 =	sadd.s32 @!p2 $0x4100, s15;
	s15 =	sadd.s32 @!p2 $0x1, s17  }
0x348: {  	[tilespmem:s11], [sflag:s15] =	stream.strided.gather @!p2 [hbm4b:s14+s23], $0x2800, s24, s23, $0x38;
	[tilespmem:$0x15A00] =	vst v63  }
0x349: {  	_ =	swait.ge [sflag:s22], $0x2800  }
0x34a: {  	s31 =	rddreg [dreg:$0x9]  }
0x34b: {  	s21 =	smul.u32 $0xA000, s4;
	p2 =	sne.s32 s31, $0x1  }
.Ltmp16:
0x34c: {  	s25 =	sadd.s32 $0x3, s4;
	(pc) =	sbr.rel @!p2 .LBB2_28-.Ltmp16, $4  }
0x34d: {  	s8 =	sadd.s32 $0x4000, s8;
	s24 =	sshra.s32 s21, $0x2;
	s21 =	simm.s32 $0x1  }
0x34e: {  	s23 =	sadd.s32 $0x5000, s9;
	s11 =	sadd.s32 $0x4100, s24;
	[sflag:s22] =	ssyncset.done $0x0  }
0x34f: {  	[sflag:s22] =	ssyncadd.s32 $0xFFFFD800;
	s22 =	sadd.s32 $0x80, s0;
	s0 =	sadd.s32 $0x5, s4  }
0x350: {  	[spmem:s2] =	stream.indirect.scatter.add.f32 [tilespmem:s11], [sflag:s25], $0x80, s8, s16, $0xb8;
	[tilespmem:$0x15A00] =	vst v63  }
.LBB2_27:
0x351: {  	[spmem:s3] =	stream.indirect.scatter.add.f32 [tilespmem:s7], [sflag:s0], $0x80, s8, s16, $0xb8;
	[tilespmem:$0x15A00] =	vst v63  }
0x352: {  	v0 =	vld [tilespmem:s22+$0xFFFFFFE0]  }
0x353: {  	s15 =	smov.u32 s21  }
0x354: {  	s4 =	sshrl.u32 s15, $0x1F  }
0x355: {  	s4 =	sadd.s32 s4, s15  }
0x356: {  	s4 =	sand.u32 $0xFFFFFFFE, s4  }
0x357: {  	s0 =	ssub.s32 s15, s4;
	v0 =	vadd.s32 $0xFFFFE2A8, v0  }
0x358: {  	s9 =	sshll.u32 s0, $0x9;
	vm0 =	vlt.u32 v0, $0x9B8  }
0x359: {  	s31 =	sshra.s32 s9, $0x2;
	v0 =	vnsel vm0, $0xA00, v0  }
0x35a: {  	[tilespmem:s31+$0x4000] =	vst v0  }
0x35b: {  	v0 =	vld [tilespmem:s22+$0xFFFFFFF0];
	_ =	sdelay $0x4  }
0x35c: {  	v0 =	vadd.s32 $0xFFFFE2A8, v0  }
0x35d: {  	vm12 =	vlt.u32 v0, $0x9B8  }
0x35e: {  	v0 =	vnsel vm12, $0xA00, v0  }
0x35f: {  	[tilespmem:s31+$0x4010] =	vst v0  }
0x360: {  	v0 =	vld [tilespmem:s22+$0x0];
	_ =	sdelay $0x4  }
0x361: {  	v0 =	vadd.s32 $0xFFFFE2A8, v0  }
0x362: {  	vm13 =	vlt.u32 v0, $0x9B8  }
0x363: {  	v0 =	vnsel vm13, $0xA00, v0  }
0x364: {  	[tilespmem:s31+$0x4020] =	vst v0  }
0x365: {  	v0 =	vld [tilespmem:s22+$0x10];
	_ =	sdelay $0x4  }
0x366: {  	v0 =	vadd.s32 $0xFFFFE2A8, v0  }
0x367: {  	vm14 =	vlt.u32 v0, $0x9B8  }
0x368: {  	v0 =	vnsel vm14, $0xA00, v0  }
0x369: {  	[tilespmem:s31+$0x4030] =	vst v0  }
0x36a: {  	v0 =	vld [tilespmem:s22+$0x20];
	_ =	sdelay $0x4  }
0x36b: {  	v0 =	vadd.s32 $0xFFFFE2A8, v0  }
0x36c: {  	s17 =	sadd.s32 s15, s19;
	vm15 =	vlt.u32 v0, $0x9B8  }
0x36d: {  	s25 =	sadd.s32 $0x1, s17;
	p3 =	sle.s32 s17, s19;
	s24 =	ssub.s32 $0x1, s0;
	v0 =	vnsel vm15, $0xA00, v0  }
0x36e: {  	p2 =	sge.s32 s25, s20;
	s8 =	sadd.s32 @!p3 $0x3, s24;
	[tilespmem:s31+$0x4040] =	vst v0  }
0x36f: {  	s11 =	sshrl.u32 @!p2 s23, $0x3;
	s15 =	simm.s32 @!p2 $0x400;
	_ =	swait.ge @!p3 [sflag:s8], $0x2800  }
0x370: {  	s17 =	simm.s32 @!p2 $0x800;
	s14 =	smul.u32 $0xA000, s0;
	[sflag:s8] =	ssyncset.done @!p3 $0x0  }
0x371: {  	s9 =	smul.u32 @!p2 $0xA000, s24;
	[sflag:s8] =	ssyncadd.s32 @!p3 $0xFFFFD800;
	s8 =	sadd.s32 @!p3 $0x5, s24  }
0x372: {  	s11 =	sadd.s32 @!p2 s1, s11;
	s25 =	sshra.s32 s14, $0x2;
	_ =	swait.ge @!p3 [sflag:s8], $0x2800  }
0x373: {  	s14 =	sadd.s32 $0x1, s0;
	s9 =	sshra.s32 @!p2 s9, $0x2;
	[sflag:s8] =	ssyncset.done @!p3 $0x0  }
0x374: {  	[sflag:s8] =	ssyncadd.s32 @!p3 $0xFFFFD800;
	s8 =	sadd.s32 @!p2 $0x4100, s9;
	s9 =	sadd.s32 @!p2 $0x1, s24  }
0x375: {  	[tilespmem:s8], [sflag:s9] =	stream.strided.gather @!p2 [hbm4b:s11+s15], $0x2800, s17, s15, $0x38;
	[tilespmem:$0x15A00] =	vst v63  }
0x376: {  	_ =	swait.ge [sflag:s14], $0x2800  }
0x377: {  	s21 =	sadd.s32 $0x1, s21;
	s24 =	rddreg [dreg:$0x9]  }
0x378: {  	p2 =	sne.s32 s24, s21  }
.Ltmp17:
0x379: {  	_ = 	snop;
	(pc) =	sbr.rel @p2 .LBB2_27-.Ltmp17, $4  }
0x37a: {  	s23 =	sadd.s32 $0x5000, s23;
	s22 =	sadd.s32 $0x80, s22  }
0x37b: {  	s17 =	sadd.s32 $0x3, s0;
	s8 =	sadd.s32 $0x4000, s31;
	[sflag:s14] =	ssyncset.done $0x0  }
0x37c: {  	s31 =	sadd.s32 $0x4100, s25;
	s0 =	sadd.s32 $0x5, s0;
	[sflag:s14] =	ssyncadd.s32 $0xFFFFD800  }
0x37d: {  	[spmem:s2] =	stream.indirect.scatter.add.f32 [tilespmem:s31], [sflag:s17], $0x80, s8, s16, $0xb8;
	[tilespmem:$0x15A00] =	vst v63  }
.LBB2_28:
0x37e: {  	[spmem:s3] =	stream.indirect.scatter.add.f32 [tilespmem:s7], [sflag:s0], $0x80, s8, s16, $0xb8;
	[tilespmem:$0x15A00] =	vst v63  }
0x37f: {  	s31 =	sxor.u32 $0xFFFFFFFF, s19  }
0x380: {  	s0 =	sadd.s32 s31, s20  }
0x381: {  	s4 =	sshrl.u32 s0, $0x1F  }
0x382: {  	s4 =	sadd.s32 s4, s0  }
0x383: {  	s4 =	sand.u32 $0xFFFFFFFE, s4  }
0x384: {  	s0 =	ssub.s32 s0, s4  }
0x385: {  	s4 =	sadd.s32 $0x3, s0  }
0x386: {  	_ =	swait.ge [sflag:s4], $0x2800  }
0x387: {  	[sflag:s4] =	ssyncset.done $0x0  }
0x388: {  	s0 =	sadd.s32 $0x5, s0;
	[sflag:s4] =	ssyncadd.s32 $0xFFFFD800  }
0x389: {  	_ =	swait.ge [sflag:s0], $0x2800  }
0x38a: {  	[sflag:s0] =	ssyncset.done $0x0  }
0x38b: {  	s17 =	rddreg [dreg:$0xf];
	[sflag:s0] =	ssyncadd.s32 $0xFFFFD800  }
.LBB2_29:
0x38c: {  	[bflag:$0x0] =	sbarrier.arrive $0xFFFF  }
0x38d: {  	[tilespmem:s13], [sflag:$0x7] =	stream.linear.gather [spmem:s10], $0x2800, $0x38;
	[tilespmem:$0x15A00] =	vst v63  }
0x38e: {  	_ =	swait.ge [sflag:s5], $0x2800  }
0x38f: {  	[sflag:s5] =	ssyncset.done $0x0  }
0x390: {  	[sflag:s5] =	ssyncadd.s32 $0xFFFFD800  }
0x391: {  	[tilespmem:s30], [sflag:$0x7] =	stream.linear.gather [spmem:s12], $0x2800, $0x38;
	[tilespmem:$0x15A00] =	vst v63  }
0x392: {  	_ =	swait.ge [sflag:s5], $0x2800  }
0x393: {  	[sflag:s5] =	ssyncset.done $0x0  }
0x394: {  	s4 =	simm.s32 $0x0;
	[sflag:s5] =	ssyncadd.s32 $0xFFFFD800  }
0x395: {  	v0 =	vld [tilespmem:s4+$0x6900];
	_ =	sdelay $0x4  }
0x396: {  	v0 =	vmax.f32 v0, $1.000000000e+00  }
0x397: {  	s0 =	simm.s32 $0x80;
	(erf) = vrcp.f32 v0  }
0x398: {  	v0 =	vld [tilespmem:s0+$0x6900];
	_ =	sdelay $0x2  }
0x399: {  	v5 =	vld [tilespmem:s4+$0x4100]  }
0x39a: {  	v6 =	vld [tilespmem:s4+$0x4110]  }
0x39b: {  	v4 =	vld [tilespmem:s4+$0x4120];
	v0 =	vmax.f32 v0, $1.000000000e+00  }
0x39c: {  	v2 =	vld [tilespmem:s4+$0x4130]  }
0x39d: {  	v3 =	vld [tilespmem:s4+$0x4140]  }
0x39e: {  	v1 =	vld [tilespmem:s4+$0x4150];
	(erf) = vrcp.f32 v0;
	v0 =	vpop (erf)  }
0x39f: {  	s8 =	simm.s32 $0x400;
	v7 =	vmul.f32 v0, v5;
	v6 =	vmul.f32 v6, v0;
	v5 =	vld [tilespmem:s4+$0x4160]  }
.LBB2_30:
0x3a0: {  	s9 =	sshra.s32 s8, $0x2;
	p2 =	sne.s32 s8, $0x9E00;
	s8 =	sadd.s32 $0x200, s8;
	v4 =	vmul.f32 v4, v0;
	v8 =	vld [tilespmem:s4+$0x4170]  }
0x3a1: {  	v9 =	vld [tilespmem:s9+$0x6900];
	[tilespmem:s4+$0x4100] =	vst v7;
	v2 =	vmul.f32 v2, v0  }
0x3a2: {  	v7 =	vld [tilespmem:s0+$0x4100];
	[tilespmem:s4+$0x4110] =	vst v6;
	v3 =	vmul.f32 v3, v0  }
0x3a3: {  	v6 =	vld [tilespmem:s0+$0x4110];
	[tilespmem:s4+$0x4120] =	vst v4;
	v1 =	vmul.f32 v1, v0  }
.Ltmp18:
0x3a4: {  	v4 =	vld [tilespmem:s0+$0x4120];
	[tilespmem:s4+$0x4130] =	vst v2;
	v5 =	vmul.f32 v5, v0;
	(pc) =	sbr.rel @p2 .LBB2_30-.Ltmp18, $4  }
0x3a5: {  	v2 =	vld [tilespmem:s0+$0x4130];
	[tilespmem:s4+$0x4140] =	vst v3;
	v8 =	vmul.f32 v8, v0  }
0x3a6: {  	v9 =	vmax.f32 v9, $1.000000000e+00;
	v3 =	vld [tilespmem:s0+$0x4140];
	[tilespmem:s4+$0x4150] =	vst v1  }
0x3a7: {  	(erf) = vrcp.f32 v9;
	v1 =	vld [tilespmem:s0+$0x4150];
	v0 =	vpop (erf);
	[tilespmem:s4+$0x4160] =	vst v5  }
0x3a8: {  	v7 =	vmul.f32 v0, v7;
	v6 =	vmul.f32 v6, v0;
	v5 =	vld [tilespmem:s0+$0x4160];
	[tilespmem:s4+$0x4170] =	vst v8;
	s4 =	smov.u32 s0;
	s0 =	smov.u32 s9  }
0x3a9: {  	_ =	sdelay $0x1  }
0x3aa: {  	v8 =	vld [tilespmem:s4+$0x4170];
	v4 =	vmul.f32 v4, v0;
	[tilespmem:s4+$0x4100] =	vst v7  }
0x3ab: {  	v2 =	vmul.f32 v2, v0;
	v7 =	vld [tilespmem:s0+$0x4100];
	[tilespmem:s4+$0x4110] =	vst v6  }
0x3ac: {  	v3 =	vmul.f32 v3, v0;
	v6 =	vld [tilespmem:s0+$0x4110];
	[tilespmem:s4+$0x4120] =	vst v4;
	v5 =	vmul.f32 v5, v0  }
0x3ad: {  	v1 =	vmul.f32 v1, v0;
	v4 =	vld [tilespmem:s0+$0x4120];
	[tilespmem:s4+$0x4130] =	vst v2  }
0x3ae: {  	v2 =	vld [tilespmem:s0+$0x4130];
	[tilespmem:s4+$0x4140] =	vst v3  }
0x3af: {  	v3 =	vld [tilespmem:s0+$0x4140];
	[tilespmem:s4+$0x4150] =	vst v1  }
0x3b0: {  	v0 =	vmul.f32 v8, v0;
	v1 =	vld [tilespmem:s0+$0x4150];
	[tilespmem:s4+$0x4160] =	vst v5;
	v5 =	vpop (erf)  }
0x3b1: {  	v7 =	vmul.f32 v5, v7  }
0x3b2: {  	v8 =	vld [tilespmem:s0+$0x4160];
	[tilespmem:s4+$0x4170] =	vst v0;
	v0 =	vmul.f32 v6, v5  }
0x3b3: {  	v6 =	vld [tilespmem:s0+$0x4170];
	v4 =	vmul.f32 v4, v5;
	[tilespmem:s0+$0x4100] =	vst v7  }
0x3b4: {  	v2 =	vmul.f32 v2, v5;
	[tilespmem:s0+$0x4110] =	vst v0  }
0x3b5: {  	v0 =	vmul.f32 v3, v5;
	[tilespmem:s0+$0x4120] =	vst v4  }
0x3b6: {  	v1 =	vmul.f32 v1, v5;
	[tilespmem:s0+$0x4130] =	vst v2  }
0x3b7: {  	v2 =	vmul.f32 v8, v5;
	[tilespmem:s0+$0x4140] =	vst v0  }
0x3b8: {  	v0 =	vmul.f32 v6, v5;
	[tilespmem:s0+$0x4150] =	vst v1  }
0x3b9: {  	[tilespmem:s0+$0x4160] =	vst v2  }
0x3ba: {  	s31 =	rddreg [dreg:$0x16];
	[tilespmem:s0+$0x4170] =	vst v0  }
0x3bb: {  	[hbm4b:s31+s28] =	stream.strided.scatter [tilespmem:s13], [sflag:$0x7], $0x2800, s29, s28, $0x38;
	[tilespmem:$0x15A00] =	vst v63  }
0x3bc: {  	_ =	swait.ge [sflag:s5], $0x2800  }
0x3bd: {  	[sflag:s5] =	ssyncset.done $0x0  }
0x3be: {  	[sflag:s5] =	ssyncadd.s32 $0xFFFFD800  }
0x3bf: {  	[tilespmem:s13], [sflag:$0x7] =	stream.linear.gather [spmem:s17], $0x2800, $0x38;
	[tilespmem:$0x15A00] =	vst v63  }
0x3c0: {  	_ =	swait.ge [sflag:s5], $0x2800  }
0x3c1: {  	[sflag:s5] =	ssyncset.done $0x0  }
0x3c2: {  	[sflag:s5] =	ssyncadd.s32 $0xFFFFD800  }
0x3c3: {  	[tilespmem:s30], [sflag:$0x7] =	stream.linear.gather [spmem:s26], $0x2800, $0x38;
	[tilespmem:$0x15A00] =	vst v63  }
0x3c4: {  	_ =	swait.ge [sflag:s5], $0x2800  }
0x3c5: {  	[sflag:s5] =	ssyncset.done $0x0  }
0x3c6: {  	s4 =	simm.s32 $0x0;
	[sflag:s5] =	ssyncadd.s32 $0xFFFFD800  }
0x3c7: {  	v0 =	vld [tilespmem:s4+$0x6900];
	_ =	sdelay $0x4  }
0x3c8: {  	v0 =	vmax.f32 v0, $1.000000000e+00  }
0x3c9: {  	s0 =	simm.s32 $0x80;
	(erf) = vrcp.f32 v0  }
0x3ca: {  	v0 =	vld [tilespmem:s0+$0x6900];
	_ =	sdelay $0x2  }
0x3cb: {  	v5 =	vld [tilespmem:s4+$0x4100]  }
0x3cc: {  	v6 =	vld [tilespmem:s4+$0x4110]  }
0x3cd: {  	v4 =	vld [tilespmem:s4+$0x4120];
	v0 =	vmax.f32 v0, $1.000000000e+00  }
0x3ce: {  	v2 =	vld [tilespmem:s4+$0x4130]  }
0x3cf: {  	v3 =	vld [tilespmem:s4+$0x4140]  }
0x3d0: {  	v1 =	vld [tilespmem:s4+$0x4150];
	(erf) = vrcp.f32 v0;
	v0 =	vpop (erf)  }
0x3d1: {  	s8 =	simm.s32 $0x400;
	v7 =	vmul.f32 v0, v5;
	v6 =	vmul.f32 v6, v0;
	v5 =	vld [tilespmem:s4+$0x4160]  }
.LBB2_32:
0x3d2: {  	s9 =	sshra.s32 s8, $0x2;
	p2 =	sne.s32 s8, $0x9E00;
	s8 =	sadd.s32 $0x200, s8;
	v4 =	vmul.f32 v4, v0;
	v8 =	vld [tilespmem:s4+$0x4170]  }
0x3d3: {  	v9 =	vld [tilespmem:s9+$0x6900];
	[tilespmem:s4+$0x4100] =	vst v7;
	v2 =	vmul.f32 v2, v0  }
0x3d4: {  	v7 =	vld [tilespmem:s0+$0x4100];
	[tilespmem:s4+$0x4110] =	vst v6;
	v3 =	vmul.f32 v3, v0  }
0x3d5: {  	v6 =	vld [tilespmem:s0+$0x4110];
	[tilespmem:s4+$0x4120] =	vst v4;
	v1 =	vmul.f32 v1, v0  }
.Ltmp19:
0x3d6: {  	v4 =	vld [tilespmem:s0+$0x4120];
	[tilespmem:s4+$0x4130] =	vst v2;
	v5 =	vmul.f32 v5, v0;
	(pc) =	sbr.rel @p2 .LBB2_32-.Ltmp19, $4  }
0x3d7: {  	v2 =	vld [tilespmem:s0+$0x4130];
	[tilespmem:s4+$0x4140] =	vst v3;
	v8 =	vmul.f32 v8, v0  }
0x3d8: {  	v9 =	vmax.f32 v9, $1.000000000e+00;
	v3 =	vld [tilespmem:s0+$0x4140];
	[tilespmem:s4+$0x4150] =	vst v1  }
0x3d9: {  	(erf) = vrcp.f32 v9;
	v1 =	vld [tilespmem:s0+$0x4150];
	v0 =	vpop (erf);
	[tilespmem:s4+$0x4160] =	vst v5  }
0x3da: {  	v7 =	vmul.f32 v0, v7;
	v6 =	vmul.f32 v6, v0;
	v5 =	vld [tilespmem:s0+$0x4160];
	[tilespmem:s4+$0x4170] =	vst v8;
	s4 =	smov.u32 s0;
	s0 =	smov.u32 s9  }
0x3db: {  	_ =	sdelay $0x1  }
0x3dc: {  	v8 =	vld [tilespmem:s4+$0x4170];
	v4 =	vmul.f32 v4, v0;
	[tilespmem:s4+$0x4100] =	vst v7  }
0x3dd: {  	v2 =	vmul.f32 v2, v0;
	v7 =	vld [tilespmem:s0+$0x4100];
	[tilespmem:s4+$0x4110] =	vst v6  }
0x3de: {  	v3 =	vmul.f32 v3, v0;
	v6 =	vld [tilespmem:s0+$0x4110];
	[tilespmem:s4+$0x4120] =	vst v4  }
0x3df: {  	v1 =	vmul.f32 v1, v0;
	v4 =	vld [tilespmem:s0+$0x4120];
	[tilespmem:s4+$0x4130] =	vst v2  }
0x3e0: {  	v5 =	vmul.f32 v5, v0;
	v2 =	vld [tilespmem:s0+$0x4130];
	[tilespmem:s4+$0x4140] =	vst v3  }
0x3e1: {  	v56 =	vmul.f32 v8, v0;
	v3 =	vld [tilespmem:s0+$0x4140];
	[tilespmem:s4+$0x4150] =	vst v1;
	v57 =	vpop (erf)  }
0x3e2: {  	v1 =	vld [tilespmem:s0+$0x4150];
	[tilespmem:s4+$0x4160] =	vst v5;
	v7 =	vmul.f32 v57, v7  }
0x3e3: {  	v58 =	vld [tilespmem:s0+$0x4160];
	[tilespmem:s4+$0x4170] =	vst v56;
	v59 =	vmul.f32 v6, v57  }
0x3e4: {  	v60 =	vld [tilespmem:s0+$0x4170];
	v4 =	vmul.f32 v4, v57;
	[tilespmem:s0+$0x4100] =	vst v7  }
0x3e5: {  	v2 =	vmul.f32 v2, v57;
	[tilespmem:s0+$0x4110] =	vst v59  }
0x3e6: {  	v61 =	vmul.f32 v3, v57;
	[tilespmem:s0+$0x4120] =	vst v4  }
0x3e7: {  	v1 =	vmul.f32 v1, v57;
	[tilespmem:s0+$0x4130] =	vst v2  }
0x3e8: {  	v62 =	vmul.f32 v58, v57;
	[tilespmem:s0+$0x4140] =	vst v61  }
0x3e9: {  	v63 =	vmul.f32 v60, v57;
	[tilespmem:s0+$0x4150] =	vst v1  }
0x3ea: {  	[tilespmem:s0+$0x4160] =	vst v62  }
0x3eb: {  	s8 =	rddreg [dreg:$0x1b];
	s4 =	simm.s32 @p1 $0x4100;
	[tilespmem:s0+$0x4170] =	vst v63;
	s0 =	simm.s32 @p1 $0x0  }
0x3ec: {  	[hbm4b:s8+s0] =	stream.linear.scatter @p1 [tilespmem:s4], [sflag:$0x7], $0x400, $0x38;
	[tilespmem:$0x15A00] =	vst v63  }
0x3ed: {  	s0 =	simm.s32 @p1 $0x7  }
0x3ee: {  	_ =	swait.ge @p1 [sflag:s0], $0x400  }
0x3ef: {  	s4 =	simm.s32 @!p1 $0x800;
	s8 =	simm.s32 @!p1 $0x4100;
	[sflag:s0] =	ssyncset.done @p1 $0x0  }
0x3f0: {  	s9 =	rddreg [dreg:$0x17];
	[sflag:s0] =	ssyncadd.s32 @p1 $0xFFFFFC00;
	s0 =	simm.s32 @!p1 $0x400  }
0x3f1: {  	[hbm4b:s9+s0] =	stream.strided.scatter @!p1 [tilespmem:s8], [sflag:$0x7], $0x2800, s4, s0, $0x38;
	[tilespmem:$0x15A00] =	vst v63  }
0x3f2: {  	s0 =	simm.s32 @!p1 $0x7  }
0x3f3: {  	_ =	swait.ge @!p1 [sflag:s0], $0x2800  }
0x3f4: {  	s18 =	sadd.s32 $0x1, s18;
	s31 =	rddreg [dreg:$0x1c]  }
0x3f5: {  	p2 =	sne.s32 s18, s31  }
.Ltmp20:
0x3f6: {  	_ = 	snop;
	(pc) =	sbr.rel @p2 .LBB2_1-.Ltmp20, $3  }
0x3f7: {  	[sflag:s0] =	ssyncset.done @!p1 $0x0  }
0x3f8: {  	[sflag:s0] =	ssyncadd.s32 @!p1 $0xFFFFD800  }
0x3f9: {  	[bflag:$0x0] =	sbarrier.arrive $0xFFFF;
	_ =	sdelay $0x1  }
0x3fa: {  	_ =	sfence.sel $0x180000  }
0x3fb: {  	[bflag:$0x0] =	sbarrier.arrive $0xFFFF  }
0x3fc: {  	_ =	strace $0x90000047  }
0x3fd: {  	[bflag:$0x2] =	sbarrier.arrive $0xFFFF  }
0x3fe: {  	s0 =	rddreg [dreg:$0x5]  }
0x3ff: {  	s0 =	sadd.s32 @!p0 $0x100000, s0  }
0x400: {  	[sflag:s0] =	ssyncadd.tile.s32 @!p0 $0x1;
	_ =	shalt  }
.Lfunc_end2:
_tile_overlayer_lowered:
.L_overlay_start_2:
0x401: {  	(tag) =	ssettag $0x2  }
0x402: {  	s0 =	rddreg [dreg:$0x0];
	s2 =	stileid.u32  }
0x403: {  	s1 =	rddreg [dreg:$0x1];
	p0 =	sne.s32 s2, $0x0  }
0x404: {  	s3 =	rddreg [dreg:$0x2];
	[bflag:$0x3] =	sbarrier.arrive $0xFFFF;
	s2 =	simm.s32 @!p0 $0x1C07  }
0x405: {  	[timem:s3], [sflag:s2] =	dma.local @!p0 [hbm:s0], s1  }
0x406: {  	s0 =	simm.s32 @!p0 $0x7  }
0x407: {  	_ =	swait.ge @!p0 [sflag:s0], s1  }
0x408: {  	s1 =	ssub.s32 @!p0 $0x0, s1;
	[sflag:s0] =	ssyncset.done @!p0 $0x0  }
0x409: {  	[sflag:s0] =	ssyncadd.s32 @!p0 s1  }
0x40a: {  	[bflag:$0x3] =	sbarrier.arrive $0xFFFF  }
0x40b: {  	_ =	shalt  }

</sc_bundles>
